<compile_context>
chip_gen: v7x
topology: tpu7x:2x2x1
jax: 0.10.2.dev20260603
libtpu: 0.0.44.dev20260713+nightly
codegen_flags: <defaults>
</compile_context>

<pallas_src>
import functools

import jax
import jax.numpy as jnp
from jax import lax
from jax.experimental import pallas as pl
from jax.experimental.pallas import tpu as pltpu
from jax.experimental.pallas import tpu_sc as plsc

B = 1024
D = 32
CAP = 100000
K = 5
BLK = 2048
CAP_PAD = 100352
NBLK = CAP_PAD // BLK
BIGI = 2**30


def _topk_body_fast(q_ref, k_ref, oi_ref, om_ref, rv_ref, ri_ref, m3_ref):
    i = pl.program_id(0)

    @pl.when(i == 0)
    def _init():
        rv_ref[...] = jnp.full((B, 128), -jnp.inf, jnp.float32)
        ri_ref[...] = jnp.full((B, 128), BIGI, jnp.int32)
        m3_ref[...] = jnp.full((B, 128), -jnp.inf, jnp.float32)

    q = q_ref[...]
    qn = q / jnp.maximum(jnp.sqrt(jnp.sum(q * q, axis=1, keepdims=True)), 1e-12)
    kb = k_ref[...]
    kn = kb / jnp.maximum(jnp.sqrt(jnp.sum(kb * kb, axis=1, keepdims=True)), 1e-12)
    s = lax.dot_general(qn, kn, (((1,), (1,)), ((), ())),
                        preferred_element_type=jnp.float32)

    liota = lax.broadcasted_iota(jnp.int32, (B, 128), 1)
    v1 = i1 = v2 = i2 = v3 = None
    for k in range(BLK // 128):
        base = i * BLK + k * 128
        ix = liota + base
        x = jnp.where(ix < CAP, s[:, k * 128:(k + 1) * 128], -jnp.inf)
        if k == 0:
            v1, i1 = x, ix
            v2 = jnp.full((B, 128), -jnp.inf, jnp.float32)
            i2 = jnp.full((B, 128), BIGI, jnp.int32)
            v3 = jnp.full((B, 128), -jnp.inf, jnp.float32)
        else:
            gt1 = x > v1
            gt2 = x > v2
            gt3 = x > v3
            v3 = jnp.where(gt2, v2, jnp.where(gt3, x, v3))
            v2 = jnp.where(gt1, v1, jnp.where(gt2, x, v2))
            i2 = jnp.where(gt1, i1, jnp.where(gt2, ix, i2))
            v1 = jnp.where(gt1, x, v1)
            i1 = jnp.where(gt1, ix, i1)
    m3_ref[...] = jnp.maximum(
        m3_ref[...], jnp.max(v3, axis=1, keepdims=True))

    c = jnp.concatenate([v1, v2, rv_ref[...]], axis=1)
    ci = jnp.concatenate([i1, i2, ri_ref[...]], axis=1)
    newv = []
    newi = []
    for _ in range(K):
        m = jnp.max(c, axis=1, keepdims=True)
        idx = jnp.min(jnp.where(c == m, ci, BIGI), axis=1, keepdims=True)
        newv.append(m)
        newi.append(idx)
        c = jnp.where(ci == idx, -jnp.inf, c)
    nv = jnp.concatenate(newv + [jnp.full((B, 128 - K), -jnp.inf, jnp.float32)], axis=1)
    ni = jnp.concatenate(newi + [jnp.full((B, 128 - K), BIGI, jnp.int32)], axis=1)
    rv_ref[...] = nv
    ri_ref[...] = ni
    oi_ref[...] = ni
    om_ref[...] = jnp.concatenate(
        [newv[K - 1], m3_ref[:, :1], jnp.zeros((B, 126), jnp.float32)], axis=1)


def _topk_fast(query, keys):
    oi, om = pl.pallas_call(
        _topk_body_fast,
        grid=(NBLK,),
        in_specs=[
            pl.BlockSpec((B, D), lambda i: (0, 0)),
            pl.BlockSpec((BLK, D), lambda i: (i, 0)),
        ],
        out_specs=[
            pl.BlockSpec((B, 128), lambda i: (0, 0)),
            pl.BlockSpec((B, 128), lambda i: (0, 0)),
        ],
        out_shape=[
            jax.ShapeDtypeStruct((B, 128), jnp.int32),
            jax.ShapeDtypeStruct((B, 128), jnp.float32),
        ],
        scratch_shapes=[
            pltpu.VMEM((B, 128), jnp.float32),
            pltpu.VMEM((B, 128), jnp.int32),
            pltpu.VMEM((B, 128), jnp.float32),
        ],
    )(query, keys)
    t5 = om[:, 0]
    m3 = om[:, 1]
    ok = jnp.all(m3 < t5)
    return oi[:, :K], ok


def _topk_body(q_ref, k_ref, oi_ref, rv_ref, ri_ref):
    i = pl.program_id(0)

    @pl.when(i == 0)
    def _init():
        rv_ref[...] = jnp.full((B, 128), -jnp.inf, jnp.float32)
        ri_ref[...] = jnp.full((B, 128), BIGI, jnp.int32)

    q = q_ref[...]
    qn = q / jnp.maximum(jnp.sqrt(jnp.sum(q * q, axis=1, keepdims=True)), 1e-12)
    kb = k_ref[...]
    kn = kb / jnp.maximum(jnp.sqrt(jnp.sum(kb * kb, axis=1, keepdims=True)), 1e-12)
    s = lax.dot_general(qn, kn, (((1,), (1,)), ((), ())),
                        preferred_element_type=jnp.float32)
    giota = lax.broadcasted_iota(jnp.int32, (B, BLK), 1) + i * BLK
    s = jnp.where(giota < CAP, s, -jnp.inf)

    rv = rv_ref[...]
    ri = ri_ref[...]
    newv = []
    newi = []
    for _ in range(K):
        ms = jnp.max(s, axis=1, keepdims=True)
        mr = jnp.max(rv, axis=1, keepdims=True)
        m = jnp.maximum(ms, mr)
        is_ = jnp.min(jnp.where(s == m, giota, BIGI), axis=1, keepdims=True)
        ir_ = jnp.min(jnp.where(rv == m, ri, BIGI), axis=1, keepdims=True)
        idx = jnp.minimum(is_, ir_)
        newv.append(m)
        newi.append(idx)
        s = jnp.where(giota == idx, -jnp.inf, s)
        rv = jnp.where(ri == idx, -jnp.inf, rv)
    nv = jnp.concatenate(newv + [jnp.full((B, 128 - K), -jnp.inf, jnp.float32)], axis=1)
    ni = jnp.concatenate(newi + [jnp.full((B, 128 - K), BIGI, jnp.int32)], axis=1)
    rv_ref[...] = nv
    ri_ref[...] = ni
    oi_ref[...] = ni


def _topk_indices(query, keys):
    keys_p = jnp.pad(keys, ((0, CAP_PAD - CAP), (0, 0)))
    out = pl.pallas_call(
        _topk_body,
        grid=(NBLK,),
        in_specs=[
            pl.BlockSpec((B, D), lambda i: (0, 0)),
            pl.BlockSpec((BLK, D), lambda i: (i, 0)),
        ],
        out_specs=pl.BlockSpec((B, 128), lambda i: (0, 0)),
        out_shape=jax.ShapeDtypeStruct((B, 128), jnp.int32),
        scratch_shapes=[
            pltpu.VMEM((B, 128), jnp.float32),
            pltpu.VMEM((B, 128), jnp.int32),
        ],
    )(query, keys_p)
    return out[:, :K]


_NC = 2
_NS = 16
_NW = _NC * _NS
_QPW = B // _NW
_RPW = _QPW * K


def _gather_mean_body(table_hbm, idx_hbm, out_hbm, idx_v, rows_v, mean_v, sem):
    wid = lax.axis_index("s") * _NC + lax.axis_index("c")
    base = wid * _RPW
    pltpu.sync_copy(idx_hbm.at[pl.ds(base, _RPW)], idx_v)
    pltpu.async_copy(table_hbm.at[idx_v], rows_v, sem).wait()
    for q in range(_QPW):
        for h in range(D // 16):
            acc = rows_v[q * K + 0, pl.ds(h * 16, 16)]
            for j in range(1, K):
                acc = acc + rows_v[q * K + j, pl.ds(h * 16, 16)]
            mean_v[q, pl.ds(h * 16, 16)] = acc * jnp.float32(1.0 / K)
    pltpu.sync_copy(mean_v, out_hbm.at[pl.ds(wid * _QPW, _QPW)])


@functools.cache
def _gather_mean():
    return pl.kernel(
        _gather_mean_body,
        mesh=plsc.VectorSubcoreMesh(core_axis_name="c", subcore_axis_name="s"),
        out_type=jax.ShapeDtypeStruct((B, D), jnp.float32),
        scratch_types=[
            pltpu.VMEM((_RPW,), jnp.int32),
            pltpu.VMEM((_RPW, D), jnp.float32),
            pltpu.VMEM((_QPW, D), jnp.float32),
            pltpu.SemaphoreType.DMA,
        ],
        compiler_params=pltpu.CompilerParams(use_tc_tiling_on_sc=False),
    )


def kernel(query, memory_keys, memory_values):
    if query.ndim == 3:
        query = query.mean(axis=1)
    fast_idx, ok = _topk_fast(query, memory_keys)
    top_idx = lax.cond(ok,
                       lambda: fast_idx,
                       lambda: _topk_indices(query, memory_keys))
    flat_idx = top_idx.reshape(B * K)
    return _gather_mean()(memory_values, flat_idx)

# --- scband reference (transcript-rebuilt; emitter-appended) ---
"""Pipeline reference for scband-titans-memory-58351425683676 (READ-ONLY COPY).

The authoritative reference and input builder live on the scoring server;
editing this copy changes nothing except your own understanding.
"""

import jax, jax.numpy as jnp
import numpy as np

BATCH = 1024
DIM = 32
CAPACITY = 100000
TOP_K = 5


def _normalize(x):
    # F.normalize with default eps=1e-12
    n = jnp.linalg.norm(x, axis=-1, keepdims=True)
    return x / jnp.maximum(n, 1e-12)


def setup_inputs(seed: int = 0) -> dict:
    key = jax.random.key(seed)
    k1, k2, k3 = jax.random.split(key, 3)
    query = jax.random.normal(k1, (BATCH, DIM), dtype=jnp.float32)
    # buffers registered in __init__ via torch.randn
    memory_keys = jax.random.normal(k2, (CAPACITY, DIM), dtype=jnp.float32)
    memory_values = jax.random.normal(k3, (CAPACITY, DIM), dtype=jnp.float32)
    return {"query": query, "memory_keys": memory_keys, "memory_values": memory_values}


def reference(query, memory_keys, memory_values):
    # forward() of TitansMemory (access_counts side-effect is no_grad bookkeeping, not an output)
    if query.ndim == 3:
        query = query.mean(axis=1)
    query_norm = _normalize(query)
    keys_norm = _normalize(memory_keys)
    similarities = query_norm @ keys_norm.T  # [B, capacity]
    top_k = min(TOP_K, memory_keys.shape[0])
    _, top_indices = jax.lax.top_k(similarities, top_k)  # [B, top_k]
    # per-batch gather of values then mean over the top_k retrieved slots
    retrieved = jnp.take(memory_values, top_indices, axis=0).mean(axis=1)  # [B, dim]
    return retrieved

if __name__ == "__main__":
    import jax
    _d = setup_inputs()
    print(jax.jit(kernel)(*tuple(_d.values())))

</pallas_src>

<mosaic_0001>
#map = affine_map<(d0, d1) -> (0, 0)>
#map1 = affine_map<(d0, d1) -> (0)>
module attributes {stable_mosaic.version = 14 : i64} {
  func.func @_gather_mean_body(%arg0: i32, %arg1: i32, %arg2: memref<100000x32xf32, #tpu.memory_space<hbm>>, %arg3: memref<5120xi32, #tpu.memory_space<hbm>>, %arg4: memref<1024x32xf32, #tpu.memory_space<hbm>>, %arg5: memref<160xi32, #tpu.memory_space<vmem>>, %arg6: memref<160x32xf32, #tpu.memory_space<vmem>>, %arg7: memref<32x32xf32, #tpu.memory_space<vmem>>, %arg8: memref<!tpu.dma_semaphore, #tpu.memory_space<semaphore_mem>>) attributes {dimension_semantics = [#tpu.dimension_semantics<core_parallel>, #tpu.dimension_semantics<subcore_parallel>], iteration_bounds = array<i64: 2, 16>, scalar_prefetch = 0 : i64, scratch_operands = 4 : i64, tpu.core_type = #tpu.core_type<sc_vector_subcore>, window_params = [{transform_indices = #map}, {transform_indices = #map1}, {transform_indices = #map}]} {
    %mul3A = arith.constant 2 : i32
    %mul3A_0 = arith.muli %arg1, %mul3A : i32
    %add3A = arith.addi %mul3A_0, %arg0 : i32
    %mul3A_1 = arith.constant 160 : i32
    %mul3A_2 = arith.muli %add3A, %mul3A_1 : i32
    "tpu.region"() ({
      %run_scoped3A = tpu.sem_alloc : memref<!tpu.dma_semaphore, #tpu.memory_space<semaphore_mem>>
      %dma_start3A_2439 = tpu.memref_slice %arg3[%mul3A_2] : memref<5120xi32, #tpu.memory_space<hbm>> -> memref<160xi32, #tpu.memory_space<hbm>>
      %dma_start3A_2440 = tpu.memref_slice %arg3[%mul3A_2] : memref<5120xi32, #tpu.memory_space<hbm>> -> memref<160xi32, #tpu.memory_space<hbm>>
      tpu.enqueue_dma source(%dma_start3A_2440 : memref<160xi32, #tpu.memory_space<hbm>>) target(%arg5 : memref<160xi32, #tpu.memory_space<vmem>>) target_semaphore(%run_scoped3A : memref<!tpu.dma_semaphore, #tpu.memory_space<semaphore_mem>>)
      %dma_wait3A_2441 = tpu.memref_slice %arg3[%mul3A_2] : memref<5120xi32, #tpu.memory_space<hbm>> -> memref<160xi32, #tpu.memory_space<hbm>>
      %dma_wait3A_2442 = tpu.memref_slice %arg3[%mul3A_2] : memref<5120xi32, #tpu.memory_space<hbm>> -> memref<160xi32, #tpu.memory_space<hbm>>
      tpu.wait_dma2 semaphore(%run_scoped3A : memref<!tpu.dma_semaphore, #tpu.memory_space<semaphore_mem>>) src(%dma_wait3A_2442 : memref<160xi32, #tpu.memory_space<hbm>>) dst(%arg5 : memref<160xi32, #tpu.memory_space<vmem>>)
      tpu.yield
    }) : () -> ()
    %dma_start3A = arith.constant 0 : i32
    %dma_start3A_3 = arith.constant 0 : i32
    %dma_start3A_4 = tpu.memref_slice %arg2[%dma_start3A, %dma_start3A_3] : memref<100000x32xf32, #tpu.memory_space<hbm>> -> memref<100000x32xf32, #tpu.memory_space<hbm>>
    tpu.enqueue_indirect_dma source(%dma_start3A_4 : memref<100000x32xf32, #tpu.memory_space<hbm>>) target(%arg6 : memref<160x32xf32, #tpu.memory_space<vmem>>) offsets(%arg5 : memref<160xi32, #tpu.memory_space<vmem>>) semaphore(%arg8 : memref<!tpu.dma_semaphore, #tpu.memory_space<semaphore_mem>>)
    %dma_wait3A = arith.constant 0 : i32
    %dma_wait3A_5 = arith.constant 0 : i32
    %dma_wait3A_6 = tpu.memref_slice %arg2[%dma_wait3A, %dma_wait3A_5] : memref<100000x32xf32, #tpu.memory_space<hbm>> -> memref<100000x32xf32, #tpu.memory_space<hbm>>
    tpu.wait_indirect_dma semaphore(%arg8 : memref<!tpu.dma_semaphore, #tpu.memory_space<semaphore_mem>>) src(%dma_wait3A_6 : memref<100000x32xf32, #tpu.memory_space<hbm>>) dst(%arg6 : memref<160x32xf32, #tpu.memory_space<vmem>>)
    %get3A = arith.constant 0 : i32
    %get3A_7 = arith.index_cast %get3A : i32 to index
    %get3A_8 = arith.constant 0 : index
    %get3A_9 = tpu.vector_load %arg6[%get3A_7, %get3A_8] {strides = array<i32>} : memref<160x32xf32, #tpu.memory_space<vmem>>, vector<1x16xf32>,
    %get3A_10 = vector.shape_cast %get3A_9 : vector<1x16xf32> to vector<16xf32>
    %get3A_11 = arith.constant 1 : i32
    %get3A_12 = arith.index_cast %get3A_11 : i32 to index
    %get3A_13 = arith.constant 0 : index
    %get3A_14 = tpu.vector_load %arg6[%get3A_12, %get3A_13] {strides = array<i32>} : memref<160x32xf32, #tpu.memory_space<vmem>>, vector<1x16xf32>,
    %get3A_15 = vector.shape_cast %get3A_14 : vector<1x16xf32> to vector<16xf32>
    %add3A_16 = arith.addf %get3A_10, %get3A_15 : vector<16xf32>
    %get3A_17 = arith.constant 2 : i32
    %get3A_18 = arith.index_cast %get3A_17 : i32 to index
    %get3A_19 = arith.constant 0 : index
    %get3A_20 = tpu.vector_load %arg6[%get3A_18, %get3A_19] {strides = array<i32>} : memref<160x32xf32, #tpu.memory_space<vmem>>, vector<1x16xf32>,
    %get3A_21 = vector.shape_cast %get3A_20 : vector<1x16xf32> to vector<16xf32>
    %add3A_22 = arith.addf %add3A_16, %get3A_21 : vector<16xf32>
    %get3A_23 = arith.constant 3 : i32
    %get3A_24 = arith.index_cast %get3A_23 : i32 to index
    %get3A_25 = arith.constant 0 : index
    %get3A_26 = tpu.vector_load %arg6[%get3A_24, %get3A_25] {strides = array<i32>} : memref<160x32xf32, #tpu.memory_space<vmem>>, vector<1x16xf32>,
    %get3A_27 = vector.shape_cast %get3A_26 : vector<1x16xf32> to vector<16xf32>
    %add3A_28 = arith.addf %add3A_22, %get3A_27 : vector<16xf32>
    %get3A_29 = arith.constant 4 : i32
    %get3A_30 = arith.index_cast %get3A_29 : i32 to index
    %get3A_31 = arith.constant 0 : index
    %get3A_32 = tpu.vector_load %arg6[%get3A_30, %get3A_31] {strides = array<i32>} : memref<160x32xf32, #tpu.memory_space<vmem>>, vector<1x16xf32>,
    %get3A_33 = vector.shape_cast %get3A_32 : vector<1x16xf32> to vector<16xf32>
    %add3A_34 = arith.addf %add3A_28, %get3A_33 : vector<16xf32>
    %mul3A_35 = arith.constant 2.000000e-01 : f32
    %mul3A_36 = vector.broadcast %mul3A_35 : f32 to vector<16xf32>
    %mul3A_37 = arith.mulf %add3A_34, %mul3A_36 : vector<16xf32>
    %swap3A = arith.constant 0 : i32
    %swap3A_38 = arith.index_cast %swap3A : i32 to index
    %swap3A_39 = arith.constant 0 : index
    %swap3A_40 = tpu.vector_load %arg7[%swap3A_38, %swap3A_39] {strides = array<i32>} : memref<32x32xf32, #tpu.memory_space<vmem>>, vector<1x16xf32>,
    %swap3A_41 = vector.shape_cast %swap3A_40 : vector<1x16xf32> to vector<16xf32>
    %swap3A_42 = vector.shape_cast %mul3A_37 : vector<16xf32> to vector<1x16xf32>
    tpu.vector_store %arg7[%swap3A_38, %swap3A_39], %swap3A_42 {strides = array<i32>} : memref<32x32xf32, #tpu.memory_space<vmem>>, vector<1x16xf32>,
    %get3A_43 = arith.constant 0 : i32
    %get3A_44 = arith.index_cast %get3A_43 : i32 to index
    %get3A_45 = arith.constant 16 : index
    %get3A_46 = tpu.vector_load %arg6[%get3A_44, %get3A_45] {strides = array<i32>} : memref<160x32xf32, #tpu.memory_space<vmem>>, vector<1x16xf32>,
    %get3A_47 = vector.shape_cast %get3A_46 : vector<1x16xf32> to vector<16xf32>
    %get3A_48 = arith.constant 1 : i32
    %get3A_49 = arith.index_cast %get3A_48 : i32 to index
    %get3A_50 = arith.constant 16 : index
    %get3A_51 = tpu.vector_load %arg6[%get3A_49, %get3A_50] {strides = array<i32>} : memref<160x32xf32, #tpu.memory_space<vmem>>, vector<1x16xf32>,
    %get3A_52 = vector.shape_cast %get3A_51 : vector<1x16xf32> to vector<16xf32>
    %add3A_53 = arith.addf %get3A_47, %get3A_52 : vector<16xf32>
    %get3A_54 = arith.constant 2 : i32
    %get3A_55 = arith.index_cast %get3A_54 : i32 to index
    %get3A_56 = arith.constant 16 : index
    %get3A_57 = tpu.vector_load %arg6[%get3A_55, %get3A_56] {strides = array<i32>} : memref<160x32xf32, #tpu.memory_space<vmem>>, vector<1x16xf32>,
    %get3A_58 = vector.shape_cast %get3A_57 : vector<1x16xf32> to vector<16xf32>
    %add3A_59 = arith.addf %add3A_53, %get3A_58 : vector<16xf32>
    %get3A_60 = arith.constant 3 : i32
    %get3A_61 = arith.index_cast %get3A_60 : i32 to index
    %get3A_62 = arith.constant 16 : index
    %get3A_63 = tpu.vector_load %arg6[%get3A_61, %get3A_62] {strides = array<i32>} : memref<160x32xf32, #tpu.memory_space<vmem>>, vector<1x16xf32>,
    %get3A_64 = vector.shape_cast %get3A_63 : vector<1x16xf32> to vector<16xf32>
    %add3A_65 = arith.addf %add3A_59, %get3A_64 : vector<16xf32>
    %get3A_66 = arith.constant 4 : i32
    %get3A_67 = arith.index_cast %get3A_66 : i32 to index
    %get3A_68 = arith.constant 16 : index
    %get3A_69 = tpu.vector_load %arg6[%get3A_67, %get3A_68] {strides = array<i32>} : memref<160x32xf32, #tpu.memory_space<vmem>>, vector<1x16xf32>,
    %get3A_70 = vector.shape_cast %get3A_69 : vector<1x16xf32> to vector<16xf32>
    %add3A_71 = arith.addf %add3A_65, %get3A_70 : vector<16xf32>
    %mul3A_72 = arith.constant 2.000000e-01 : f32
    %mul3A_73 = vector.broadcast %mul3A_72 : f32 to vector<16xf32>
    %mul3A_74 = arith.mulf %add3A_71, %mul3A_73 : vector<16xf32>
    %swap3A_75 = arith.constant 0 : i32
    %swap3A_76 = arith.index_cast %swap3A_75 : i32 to index
    %swap3A_77 = arith.constant 16 : index
    %swap3A_78 = tpu.vector_load %arg7[%swap3A_76, %swap3A_77] {strides = array<i32>} : memref<32x32xf32, #tpu.memory_space<vmem>>, vector<1x16xf32>,
    %swap3A_79 = vector.shape_cast %swap3A_78 : vector<1x16xf32> to vector<16xf32>
    %swap3A_80 = vector.shape_cast %mul3A_74 : vector<16xf32> to vector<1x16xf32>
    tpu.vector_store %arg7[%swap3A_76, %swap3A_77], %swap3A_80 {strides = array<i32>} : memref<32x32xf32, #tpu.memory_space<vmem>>, vector<1x16xf32>,
    %get3A_81 = arith.constant 5 : i32
    %get3A_82 = arith.index_cast %get3A_81 : i32 to index
    %get3A_83 = arith.constant 0 : index
    %get3A_84 = tpu.vector_load %arg6[%get3A_82, %get3A_83] {strides = array<i32>} : memref<160x32xf32, #tpu.memory_space<vmem>>, vector<1x16xf32>,
    %get3A_85 = vector.shape_cast %get3A_84 : vector<1x16xf32> to vector<16xf32>
    %get3A_86 = arith.constant 6 : i32
    %get3A_87 = arith.index_cast %get3A_86 : i32 to index
    %get3A_88 = arith.constant 0 : index
    %get3A_89 = tpu.vector_load %arg6[%get3A_87, %get3A_88] {strides = array<i32>} : memref<160x32xf32, #tpu.memory_space<vmem>>, vector<1x16xf32>,
    %get3A_90 = vector.shape_cast %get3A_89 : vector<1x16xf32> to vector<16xf32>
    %add3A_91 = arith.addf %get3A_85, %get3A_90 : vector<16xf32>
    %get3A_92 = arith.constant 7 : i32
    %get3A_93 = arith.index_cast %get3A_92 : i32 to index
    %get3A_94 = arith.constant 0 : index
    %get3A_95 = tpu.vector_load %arg6[%get3A_93, %get3A_94] {strides = array<i32>} : memref<160x32xf32, #tpu.memory_space<vmem>>, vector<1x16xf32>,
    %get3A_96 = vector.shape_cast %get3A_95 : vector<1x16xf32> to vector<16xf32>
    %add3A_97 = arith.addf %add3A_91, %get3A_96 : vector<16xf32>
    %get3A_98 = arith.constant 8 : i32
    %get3A_99 = arith.index_cast %get3A_98 : i32 to index
    %get3A_100 = arith.constant 0 : index
    %get3A_101 = tpu.vector_load %arg6[%get3A_99, %get3A_100] {strides = array<i32>} : memref<160x32xf32, #tpu.memory_space<vmem>>, vector<1x16xf32>,
    %get3A_102 = vector.shape_cast %get3A_101 : vector<1x16xf32> to vector<16xf32>
    %add3A_103 = arith.addf %add3A_97, %get3A_102 : vector<16xf32>
    %get3A_104 = arith.constant 9 : i32
    %get3A_105 = arith.index_cast %get3A_104 : i32 to index
    %get3A_106 = arith.constant 0 : index
    %get3A_107 = tpu.vector_load %arg6[%get3A_105, %get3A_106] {strides = array<i32>} : memref<160x32xf32, #tpu.memory_space<vmem>>, vector<1x16xf32>,
    %get3A_108 = vector.shape_cast %get3A_107 : vector<1x16xf32> to vector<16xf32>
    %add3A_109 = arith.addf %add3A_103, %get3A_108 : vector<16xf32>
    %mul3A_110 = arith.constant 2.000000e-01 : f32
    %mul3A_111 = vector.broadcast %mul3A_110 : f32 to vector<16xf32>
    %mul3A_112 = arith.mulf %add3A_109, %mul3A_111 : vector<16xf32>
    %swap3A_113 = arith.constant 1 : i32
    %swap3A_114 = arith.index_cast %swap3A_113 : i32 to index
    %swap3A_115 = arith.constant 0 : index
    %swap3A_116 = tpu.vector_load %arg7[%swap3A_114, %swap3A_115] {strides = array<i32>} : memref<32x32xf32, #tpu.memory_space<vmem>>, vector<1x16xf32>,
    %swap3A_117 = vector.shape_cast %swap3A_116 : vector<1x16xf32> to vector<16xf32>
    %swap3A_118 = vector.shape_cast %mul3A_112 : vector<16xf32> to vector<1x16xf32>
    tpu.vector_store %arg7[%swap3A_114, %swap3A_115], %swap3A_118 {strides = array<i32>} : memref<32x32xf32, #tpu.memory_space<vmem>>, vector<1x16xf32>,
    %get3A_119 = arith.constant 5 : i32
    %get3A_120 = arith.index_cast %get3A_119 : i32 to index
    %get3A_121 = arith.constant 16 : index
    %get3A_122 = tpu.vector_load %arg6[%get3A_120, %get3A_121] {strides = array<i32>} : memref<160x32xf32, #tpu.memory_space<vmem>>, vector<1x16xf32>,
    %get3A_123 = vector.shape_cast %get3A_122 : vector<1x16xf32> to vector<16xf32>
    %get3A_124 = arith.constant 6 : i32
    %get3A_125 = arith.index_cast %get3A_124 : i32 to index
    %get3A_126 = arith.constant 16 : index
    %get3A_127 = tpu.vector_load %arg6[%get3A_125, %get3A_126] {strides = array<i32>} : memref<160x32xf32, #tpu.memory_space<vmem>>, vector<1x16xf32>,
    %get3A_128 = vector.shape_cast %get3A_127 : vector<1x16xf32> to vector<16xf32>
    %add3A_129 = arith.addf %get3A_123, %get3A_128 : vector<16xf32>
    %get3A_130 = arith.constant 7 : i32
    %get3A_131 = arith.index_cast %get3A_130 : i32 to index
    %get3A_132 = arith.constant 16 : index
    %get3A_133 = tpu.vector_load %arg6[%get3A_131, %get3A_132] {strides = array<i32>} : memref<160x32xf32, #tpu.memory_space<vmem>>, vector<1x16xf32>,
    %get3A_134 = vector.shape_cast %get3A_133 : vector<1x16xf32> to vector<16xf32>
    %add3A_135 = arith.addf %add3A_129, %get3A_134 : vector<16xf32>
    %get3A_136 = arith.constant 8 : i32
    %get3A_137 = arith.index_cast %get3A_136 : i32 to index
    %get3A_138 = arith.constant 16 : index
    %get3A_139 = tpu.vector_load %arg6[%get3A_137, %get3A_138] {strides = array<i32>} : memref<160x32xf32, #tpu.memory_space<vmem>>, vector<1x16xf32>,
    %get3A_140 = vector.shape_cast %get3A_139 : vector<1x16xf32> to vector<16xf32>
    %add3A_141 = arith.addf %add3A_135, %get3A_140 : vector<16xf32>
    %get3A_142 = arith.constant 9 : i32
    %get3A_143 = arith.index_cast %get3A_142 : i32 to index
    %get3A_144 = arith.constant 16 : index
    %get3A_145 = tpu.vector_load %arg6[%get3A_143, %get3A_144] {strides = array<i32>} : memref<160x32xf32, #tpu.memory_space<vmem>>, vector<1x16xf32>,
    %get3A_146 = vector.shape_cast %get3A_145 : vector<1x16xf32> to vector<16xf32>
    %add3A_147 = arith.addf %add3A_141, %get3A_146 : vector<16xf32>
    %mul3A_148 = arith.constant 2.000000e-01 : f32
    %mul3A_149 = vector.broadcast %mul3A_148 : f32 to vector<16xf32>
    %mul3A_150 = arith.mulf %add3A_147, %mul3A_149 : vector<16xf32>
    %swap3A_151 = arith.constant 1 : i32
    %swap3A_152 = arith.index_cast %swap3A_151 : i32 to index
    %swap3A_153 = arith.constant 16 : index
    %swap3A_154 = tpu.vector_load %arg7[%swap3A_152, %swap3A_153] {strides = array<i32>} : memref<32x32xf32, #tpu.memory_space<vmem>>, vector<1x16xf32>,
    %swap3A_155 = vector.shape_cast %swap3A_154 : vector<1x16xf32> to vector<16xf32>
    %swap3A_156 = vector.shape_cast %mul3A_150 : vector<16xf32> to vector<1x16xf32>
    tpu.vector_store %arg7[%swap3A_152, %swap3A_153], %swap3A_156 {strides = array<i32>} : memref<32x32xf32, #tpu.memory_space<vmem>>, vector<1x16xf32>,
    %get3A_157 = arith.constant 10 : i32
    %get3A_158 = arith.index_cast %get3A_157 : i32 to index
    %get3A_159 = arith.constant 0 : index
    %get3A_160 = tpu.vector_load %arg6[%get3A_158, %get3A_159] {strides = array<i32>} : memref<160x32xf32, #tpu.memory_space<vmem>>, vector<1x16xf32>,
    %get3A_161 = vector.shape_cast %get3A_160 : vector<1x16xf32> to vector<16xf32>
    %get3A_162 = arith.constant 11 : i32
    %get3A_163 = arith.index_cast %get3A_162 : i32 to index
    %get3A_164 = arith.constant 0 : index
    %get3A_165 = tpu.vector_load %arg6[%get3A_163, %get3A_164] {strides = array<i32>} : memref<160x32xf32, #tpu.memory_space<vmem>>, vector<1x16xf32>,
    %get3A_166 = vector.shape_cast %get3A_165 : vector<1x16xf32> to vector<16xf32>
    %add3A_167 = arith.addf %get3A_161, %get3A_166 : vector<16xf32>
    %get3A_168 = arith.constant 12 : i32
    %get3A_169 = arith.index_cast %get3A_168 : i32 to index
    %get3A_170 = arith.constant 0 : index
    %get3A_171 = tpu.vector_load %arg6[%get3A_169, %get3A_170] {strides = array<i32>} : memref<160x32xf32, #tpu.memory_space<vmem>>, vector<1x16xf32>,
    %get3A_172 = vector.shape_cast %get3A_171 : vector<1x16xf32> to vector<16xf32>
    %add3A_173 = arith.addf %add3A_167, %get3A_172 : vector<16xf32>
    %get3A_174 = arith.constant 13 : i32
    %get3A_175 = arith.index_cast %get3A_174 : i32 to index
    %get3A_176 = arith.constant 0 : index
    %get3A_177 = tpu.vector_load %arg6[%get3A_175, %get3A_176] {strides = array<i32>} : memref<160x32xf32, #tpu.memory_space<vmem>>, vector<1x16xf32>,
    %get3A_178 = vector.shape_cast %get3A_177 : vector<1x16xf32> to vector<16xf32>
    %add3A_179 = arith.addf %add3A_173, %get3A_178 : vector<16xf32>
    %get3A_180 = arith.constant 14 : i32
    %get3A_181 = arith.index_cast %get3A_180 : i32 to index
    %get3A_182 = arith.constant 0 : index
    %get3A_183 = tpu.vector_load %arg6[%get3A_181, %get3A_182] {strides = array<i32>} : memref<160x32xf32, #tpu.memory_space<vmem>>, vector<1x16xf32>,
    %get3A_184 = vector.shape_cast %get3A_183 : vector<1x16xf32> to vector<16xf32>
    %add3A_185 = arith.addf %add3A_179, %get3A_184 : vector<16xf32>
    %mul3A_186 = arith.constant 2.000000e-01 : f32
    %mul3A_187 = vector.broadcast %mul3A_186 : f32 to vector<16xf32>
    %mul3A_188 = arith.mulf %add3A_185, %mul3A_187 : vector<16xf32>
    %swap3A_189 = arith.constant 2 : i32
    %swap3A_190 = arith.index_cast %swap3A_189 : i32 to index
    %swap3A_191 = arith.constant 0 : index
    %swap3A_192 = tpu.vector_load %arg7[%swap3A_190, %swap3A_191] {strides = array<i32>} : memref<32x32xf32, #tpu.memory_space<vmem>>, vector<1x16xf32>,
    %swap3A_193 = vector.shape_cast %swap3A_192 : vector<1x16xf32> to vector<16xf32>
    %swap3A_194 = vector.shape_cast %mul3A_188 : vector<16xf32> to vector<1x16xf32>
    tpu.vector_store %arg7[%swap3A_190, %swap3A_191], %swap3A_194 {strides = array<i32>} : memref<32x32xf32, #tpu.memory_space<vmem>>, vector<1x16xf32>,
    %get3A_195 = arith.constant 10 : i32
    %get3A_196 = arith.index_cast %get3A_195 : i32 to index
    %get3A_197 = arith.constant 16 : index
    %get3A_198 = tpu.vector_load %arg6[%get3A_196, %get3A_197] {strides = array<i32>} : memref<160x32xf32, #tpu.memory_space<vmem>>, vector<1x16xf32>,
    %get3A_199 = vector.shape_cast %get3A_198 : vector<1x16xf32> to vector<16xf32>
    %get3A_200 = arith.constant 11 : i32
    %get3A_201 = arith.index_cast %get3A_200 : i32 to index
    %get3A_202 = arith.constant 16 : index
    %get3A_203 = tpu.vector_load %arg6[%get3A_201, %get3A_202] {strides = array<i32>} : memref<160x32xf32, #tpu.memory_space<vmem>>, vector<1x16xf32>,
    %get3A_204 = vector.shape_cast %get3A_203 : vector<1x16xf32> to vector<16xf32>
    %add3A_205 = arith.addf %get3A_199, %get3A_204 : vector<16xf32>
    %get3A_206 = arith.constant 12 : i32
    %get3A_207 = arith.index_cast %get3A_206 : i32 to index
    %get3A_208 = arith.constant 16 : index
    %get3A_209 = tpu.vector_load %arg6[%get3A_207, %get3A_208] {strides = array<i32>} : memref<160x32xf32, #tpu.memory_space<vmem>>, vector<1x16xf32>,
    %get3A_210 = vector.shape_cast %get3A_209 : vector<1x16xf32> to vector<16xf32>
    %add3A_211 = arith.addf %add3A_205, %get3A_210 : vector<16xf32>
    %get3A_212 = arith.constant 13 : i32
    %get3A_213 = arith.index_cast %get3A_212 : i32 to index
    %get3A_214 = arith.constant 16 : index
    %get3A_215 = tpu.vector_load %arg6[%get3A_213, %get3A_214] {strides = array<i32>} : memref<160x32xf32, #tpu.memory_space<vmem>>, vector<1x16xf32>,
    %get3A_216 = vector.shape_cast %get3A_215 : vector<1x16xf32> to vector<16xf32>
    %add3A_217 = arith.addf %add3A_211, %get3A_216 : vector<16xf32>
    %get3A_218 = arith.constant 14 : i32
    %get3A_219 = arith.index_cast %get3A_218 : i32 to index
    %get3A_220 = arith.constant 16 : index
    %get3A_221 = tpu.vector_load %arg6[%get3A_219, %get3A_220] {strides = array<i32>} : memref<160x32xf32, #tpu.memory_space<vmem>>, vector<1x16xf32>,
    %get3A_222 = vector.shape_cast %get3A_221 : vector<1x16xf32> to vector<16xf32>
    %add3A_223 = arith.addf %add3A_217, %get3A_222 : vector<16xf32>
    %mul3A_224 = arith.constant 2.000000e-01 : f32
    %mul3A_225 = vector.broadcast %mul3A_224 : f32 to vector<16xf32>
    %mul3A_226 = arith.mulf %add3A_223, %mul3A_225 : vector<16xf32>
    %swap3A_227 = arith.constant 2 : i32
    %swap3A_228 = arith.index_cast %swap3A_227 : i32 to index
    %swap3A_229 = arith.constant 16 : index
    %swap3A_230 = tpu.vector_load %arg7[%swap3A_228, %swap3A_229] {strides = array<i32>} : memref<32x32xf32, #tpu.memory_space<vmem>>, vector<1x16xf32>,
    %swap3A_231 = vector.shape_cast %swap3A_230 : vector<1x16xf32> to vector<16xf32>
    %swap3A_232 = vector.shape_cast %mul3A_226 : vector<16xf32> to vector<1x16xf32>
    tpu.vector_store %arg7[%swap3A_228, %swap3A_229], %swap3A_232 {strides = array<i32>} : memref<32x32xf32, #tpu.memory_space<vmem>>, vector<1x16xf32>,
    %get3A_233 = arith.constant 15 : i32
    %get3A_234 = arith.index_cast %get3A_233 : i32 to index
    %get3A_235 = arith.constant 0 : index
    %get3A_236 = tpu.vector_load %arg6[%get3A_234, %get3A_235] {strides = array<i32>} : memref<160x32xf32, #tpu.memory_space<vmem>>, vector<1x16xf32>,
    %get3A_237 = vector.shape_cast %get3A_236 : vector<1x16xf32> to vector<16xf32>
    %get3A_238 = arith.constant 16 : i32
    %get3A_239 = arith.index_cast %get3A_238 : i32 to index
    %get3A_240 = arith.constant 0 : index
    %get3A_241 = tpu.vector_load %arg6[%get3A_239, %get3A_240] {strides = array<i32>} : memref<160x32xf32, #tpu.memory_space<vmem>>, vector<1x16xf32>,
    %get3A_242 = vector.shape_cast %get3A_241 : vector<1x16xf32> to vector<16xf32>
    %add3A_243 = arith.addf %get3A_237, %get3A_242 : vector<16xf32>
    %get3A_244 = arith.constant 17 : i32
    %get3A_245 = arith.index_cast %get3A_244 : i32 to index
    %get3A_246 = arith.constant 0 : index
    %get3A_247 = tpu.vector_load %arg6[%get3A_245, %get3A_246] {strides = array<i32>} : memref<160x32xf32, #tpu.memory_space<vmem>>, vector<1x16xf32>,
    %get3A_248 = vector.shape_cast %get3A_247 : vector<1x16xf32> to vector<16xf32>
    %add3A_249 = arith.addf %add3A_243, %get3A_248 : vector<16xf32>
    %get3A_250 = arith.constant 18 : i32
    %get3A_251 = arith.index_cast %get3A_250 : i32 to index
    %get3A_252 = arith.constant 0 : index
    %get3A_253 = tpu.vector_load %arg6[%get3A_251, %get3A_252] {strides = array<i32>} : memref<160x32xf32, #tpu.memory_space<vmem>>, vector<1x16xf32>,
    %get3A_254 = vector.shape_cast %get3A_253 : vector<1x16xf32> to vector<16xf32>
    %add3A_255 = arith.addf %add3A_249, %get3A_254 : vector<16xf32>
    %get3A_256 = arith.constant 19 : i32
    %get3A_257 = arith.index_cast %get3A_256 : i32 to index
    %get3A_258 = arith.constant 0 : index
    %get3A_259 = tpu.vector_load %arg6[%get3A_257, %get3A_258] {strides = array<i32>} : memref<160x32xf32, #tpu.memory_space<vmem>>, vector<1x16xf32>,
    %get3A_260 = vector.shape_cast %get3A_259 : vector<1x16xf32> to vector<16xf32>
    %add3A_261 = arith.addf %add3A_255, %get3A_260 : vector<16xf32>
    %mul3A_262 = arith.constant 2.000000e-01 : f32
    %mul3A_263 = vector.broadcast %mul3A_262 : f32 to vector<16xf32>
    %mul3A_264 = arith.mulf %add3A_261, %mul3A_263 : vector<16xf32>
    %swap3A_265 = arith.constant 3 : i32
    %swap3A_266 = arith.index_cast %swap3A_265 : i32 to index
    %swap3A_267 = arith.constant 0 : index
    %swap3A_268 = tpu.vector_load %arg7[%swap3A_266, %swap3A_267] {strides = array<i32>} : memref<32x32xf32, #tpu.memory_space<vmem>>, vector<1x16xf32>,
    %swap3A_269 = vector.shape_cast %swap3A_268 : vector<1x16xf32> to vector<16xf32>
    %swap3A_270 = vector.shape_cast %mul3A_264 : vector<16xf32> to vector<1x16xf32>
    tpu.vector_store %arg7[%swap3A_266, %swap3A_267], %swap3A_270 {strides = array<i32>} : memref<32x32xf32, #tpu.memory_space<vmem>>, vector<1x16xf32>,
    %get3A_271 = arith.constant 15 : i32
    %get3A_272 = arith.index_cast %get3A_271 : i32 to index
    %get3A_273 = arith.constant 16 : index
    %get3A_274 = tpu.vector_load %arg6[%get3A_272, %get3A_273] {strides = array<i32>} : memref<160x32xf32, #tpu.memory_space<vmem>>, vector<1x16xf32>,
    %get3A_275 = vector.shape_cast %get3A_274 : vector<1x16xf32> to vector<16xf32>
    %get3A_276 = arith.constant 16 : i32
    %get3A_277 = arith.index_cast %get3A_276 : i32 to index
    %get3A_278 = arith.constant 16 : index
    %get3A_279 = tpu.vector_load %arg6[%get3A_277, %get3A_278] {strides = array<i32>} : memref<160x32xf32, #tpu.memory_space<vmem>>, vector<1x16xf32>,
    %get3A_280 = vector.shape_cast %get3A_279 : vector<1x16xf32> to vector<16xf32>
    %add3A_281 = arith.addf %get3A_275, %get3A_280 : vector<16xf32>
    %get3A_282 = arith.constant 17 : i32
    %get3A_283 = arith.index_cast %get3A_282 : i32 to index
    %get3A_284 = arith.constant 16 : index
    %get3A_285 = tpu.vector_load %arg6[%get3A_283, %get3A_284] {strides = array<i32>} : memref<160x32xf32, #tpu.memory_space<vmem>>, vector<1x16xf32>,
    %get3A_286 = vector.shape_cast %get3A_285 : vector<1x16xf32> to vector<16xf32>
    %add3A_287 = arith.addf %add3A_281, %get3A_286 : vector<16xf32>
    %get3A_288 = arith.constant 18 : i32
    %get3A_289 = arith.index_cast %get3A_288 : i32 to index
    %get3A_290 = arith.constant 16 : index
    %get3A_291 = tpu.vector_load %arg6[%get3A_289, %get3A_290] {strides = array<i32>} : memref<160x32xf32, #tpu.memory_space<vmem>>, vector<1x16xf32>,
    %get3A_292 = vector.shape_cast %get3A_291 : vector<1x16xf32> to vector<16xf32>
    %add3A_293 = arith.addf %add3A_287, %get3A_292 : vector<16xf32>
    %get3A_294 = arith.constant 19 : i32
    %get3A_295 = arith.index_cast %get3A_294 : i32 to index
    %get3A_296 = arith.constant 16 : index
    %get3A_297 = tpu.vector_load %arg6[%get3A_295, %get3A_296] {strides = array<i32>} : memref<160x32xf32, #tpu.memory_space<vmem>>, vector<1x16xf32>,
    %get3A_298 = vector.shape_cast %get3A_297 : vector<1x16xf32> to vector<16xf32>
    %add3A_299 = arith.addf %add3A_293, %get3A_298 : vector<16xf32>
    %mul3A_300 = arith.constant 2.000000e-01 : f32
    %mul3A_301 = vector.broadcast %mul3A_300 : f32 to vector<16xf32>
    %mul3A_302 = arith.mulf %add3A_299, %mul3A_301 : vector<16xf32>
    %swap3A_303 = arith.constant 3 : i32
    %swap3A_304 = arith.index_cast %swap3A_303 : i32 to index
    %swap3A_305 = arith.constant 16 : index
    %swap3A_306 = tpu.vector_load %arg7[%swap3A_304, %swap3A_305] {strides = array<i32>} : memref<32x32xf32, #tpu.memory_space<vmem>>, vector<1x16xf32>,
    %swap3A_307 = vector.shape_cast %swap3A_306 : vector<1x16xf32> to vector<16xf32>
    %swap3A_308 = vector.shape_cast %mul3A_302 : vector<16xf32> to vector<1x16xf32>
    tpu.vector_store %arg7[%swap3A_304, %swap3A_305], %swap3A_308 {strides = array<i32>} : memref<32x32xf32, #tpu.memory_space<vmem>>, vector<1x16xf32>,
    %get3A_309 = arith.constant 20 : i32
    %get3A_310 = arith.index_cast %get3A_309 : i32 to index
    %get3A_311 = arith.constant 0 : index
    %get3A_312 = tpu.vector_load %arg6[%get3A_310, %get3A_311] {strides = array<i32>} : memref<160x32xf32, #tpu.memory_space<vmem>>, vector<1x16xf32>,
    %get3A_313 = vector.shape_cast %get3A_312 : vector<1x16xf32> to vector<16xf32>
    %get3A_314 = arith.constant 21 : i32
    %get3A_315 = arith.index_cast %get3A_314 : i32 to index
    %get3A_316 = arith.constant 0 : index
    %get3A_317 = tpu.vector_load %arg6[%get3A_315, %get3A_316] {strides = array<i32>} : memref<160x32xf32, #tpu.memory_space<vmem>>, vector<1x16xf32>,
    %get3A_318 = vector.shape_cast %get3A_317 : vector<1x16xf32> to vector<16xf32>
    %add3A_319 = arith.addf %get3A_313, %get3A_318 : vector<16xf32>
    %get3A_320 = arith.constant 22 : i32
    %get3A_321 = arith.index_cast %get3A_320 : i32 to index
    %get3A_322 = arith.constant 0 : index
    %get3A_323 = tpu.vector_load %arg6[%get3A_321, %get3A_322] {strides = array<i32>} : memref<160x32xf32, #tpu.memory_space<vmem>>, vector<1x16xf32>,
    %get3A_324 = vector.shape_cast %get3A_323 : vector<1x16xf32> to vector<16xf32>
    %add3A_325 = arith.addf %add3A_319, %get3A_324 : vector<16xf32>
    %get3A_326 = arith.constant 23 : i32
    %get3A_327 = arith.index_cast %get3A_326 : i32 to index
    %get3A_328 = arith.constant 0 : index
    %get3A_329 = tpu.vector_load %arg6[%get3A_327, %get3A_328] {strides = array<i32>} : memref<160x32xf32, #tpu.memory_space<vmem>>, vector<1x16xf32>,
    %get3A_330 = vector.shape_cast %get3A_329 : vector<1x16xf32> to vector<16xf32>
    %add3A_331 = arith.addf %add3A_325, %get3A_330 : vector<16xf32>
    %get3A_332 = arith.constant 24 : i32
    %get3A_333 = arith.index_cast %get3A_332 : i32 to index
    %get3A_334 = arith.constant 0 : index
    %get3A_335 = tpu.vector_load %arg6[%get3A_333, %get3A_334] {strides = array<i32>} : memref<160x32xf32, #tpu.memory_space<vmem>>, vector<1x16xf32>,
    %get3A_336 = vector.shape_cast %get3A_335 : vector<1x16xf32> to vector<16xf32>
    %add3A_337 = arith.addf %add3A_331, %get3A_336 : vector<16xf32>
    %mul3A_338 = arith.constant 2.000000e-01 : f32
    %mul3A_339 = vector.broadcast %mul3A_338 : f32 to vector<16xf32>
    %mul3A_340 = arith.mulf %add3A_337, %mul3A_339 : vector<16xf32>
    %swap3A_341 = arith.constant 4 : i32
    %swap3A_342 = arith.index_cast %swap3A_341 : i32 to index
    %swap3A_343 = arith.constant 0 : index
    %swap3A_344 = tpu.vector_load %arg7[%swap3A_342, %swap3A_343] {strides = array<i32>} : memref<32x32xf32, #tpu.memory_space<vmem>>, vector<1x16xf32>,
    %swap3A_345 = vector.shape_cast %swap3A_344 : vector<1x16xf32> to vector<16xf32>
    %swap3A_346 = vector.shape_cast %mul3A_340 : vector<16xf32> to vector<1x16xf32>
    tpu.vector_store %arg7[%swap3A_342, %swap3A_343], %swap3A_346 {strides = array<i32>} : memref<32x32xf32, #tpu.memory_space<vmem>>, vector<1x16xf32>,
    %get3A_347 = arith.constant 20 : i32
    %get3A_348 = arith.index_cast %get3A_347 : i32 to index
    %get3A_349 = arith.constant 16 : index
    %get3A_350 = tpu.vector_load %arg6[%get3A_348, %get3A_349] {strides = array<i32>} : memref<160x32xf32, #tpu.memory_space<vmem>>, vector<1x16xf32>,
    %get3A_351 = vector.shape_cast %get3A_350 : vector<1x16xf32> to vector<16xf32>
    %get3A_352 = arith.constant 21 : i32
    %get3A_353 = arith.index_cast %get3A_352 : i32 to index
    %get3A_354 = arith.constant 16 : index
    %get3A_355 = tpu.vector_load %arg6[%get3A_353, %get3A_354] {strides = array<i32>} : memref<160x32xf32, #tpu.memory_space<vmem>>, vector<1x16xf32>,
    %get3A_356 = vector.shape_cast %get3A_355 : vector<1x16xf32> to vector<16xf32>
    %add3A_357 = arith.addf %get3A_351, %get3A_356 : vector<16xf32>
    %get3A_358 = arith.constant 22 : i32
    %get3A_359 = arith.index_cast %get3A_358 : i32 to index
    %get3A_360 = arith.constant 16 : index
    %get3A_361 = tpu.vector_load %arg6[%get3A_359, %get3A_360] {strides = array<i32>} : memref<160x32xf32, #tpu.memory_space<vmem>>, vector<1x16xf32>,
    %get3A_362 = vector.shape_cast %get3A_361 : vector<1x16xf32> to vector<16xf32>
    %add3A_363 = arith.addf %add3A_357, %get3A_362 : vector<16xf32>
    %get3A_364 = arith.constant 23 : i32
    %get3A_365 = arith.index_cast %get3A_364 : i32 to index
    %get3A_366 = arith.constant 16 : index
    %get3A_367 = tpu.vector_load %arg6[%get3A_365, %get3A_366] {strides = array<i32>} : memref<160x32xf32, #tpu.memory_space<vmem>>, vector<1x16xf32>,
    %get3A_368 = vector.shape_cast %get3A_367 : vector<1x16xf32> to vector<16xf32>
    %add3A_369 = arith.addf %add3A_363, %get3A_368 : vector<16xf32>
    %get3A_370 = arith.constant 24 : i32
    %get3A_371 = arith.index_cast %get3A_370 : i32 to index
    %get3A_372 = arith.constant 16 : index
    %get3A_373 = tpu.vector_load %arg6[%get3A_371, %get3A_372] {strides = array<i32>} : memref<160x32xf32, #tpu.memory_space<vmem>>, vector<1x16xf32>,
    %get3A_374 = vector.shape_cast %get3A_373 : vector<1x16xf32> to vector<16xf32>
    %add3A_375 = arith.addf %add3A_369, %get3A_374 : vector<16xf32>
    %mul3A_376 = arith.constant 2.000000e-01 : f32
    %mul3A_377 = vector.broadcast %mul3A_376 : f32 to vector<16xf32>
    %mul3A_378 = arith.mulf %add3A_375, %mul3A_377 : vector<16xf32>
    %swap3A_379 = arith.constant 4 : i32
    %swap3A_380 = arith.index_cast %swap3A_379 : i32 to index
    %swap3A_381 = arith.constant 16 : index
    %swap3A_382 = tpu.vector_load %arg7[%swap3A_380, %swap3A_381] {strides = array<i32>} : memref<32x32xf32, #tpu.memory_space<vmem>>, vector<1x16xf32>,
    %swap3A_383 = vector.shape_cast %swap3A_382 : vector<1x16xf32> to vector<16xf32>
    %swap3A_384 = vector.shape_cast %mul3A_378 : vector<16xf32> to vector<1x16xf32>
    tpu.vector_store %arg7[%swap3A_380, %swap3A_381], %swap3A_384 {strides = array<i32>} : memref<32x32xf32, #tpu.memory_space<vmem>>, vector<1x16xf32>,
    %get3A_385 = arith.constant 25 : i32
    %get3A_386 = arith.index_cast %get3A_385 : i32 to index
    %get3A_387 = arith.constant 0 : index
    %get3A_388 = tpu.vector_load %arg6[%get3A_386, %get3A_387] {strides = array<i32>} : memref<160x32xf32, #tpu.memory_space<vmem>>, vector<1x16xf32>,
    %get3A_389 = vector.shape_cast %get3A_388 : vector<1x16xf32> to vector<16xf32>
    %get3A_390 = arith.constant 26 : i32
    %get3A_391 = arith.index_cast %get3A_390 : i32 to index
    %get3A_392 = arith.constant 0 : index
    %get3A_393 = tpu.vector_load %arg6[%get3A_391, %get3A_392] {strides = array<i32>} : memref<160x32xf32, #tpu.memory_space<vmem>>, vector<1x16xf32>,
    %get3A_394 = vector.shape_cast %get3A_393 : vector<1x16xf32> to vector<16xf32>
    %add3A_395 = arith.addf %get3A_389, %get3A_394 : vector<16xf32>
    %get3A_396 = arith.constant 27 : i32
    %get3A_397 = arith.index_cast %get3A_396 : i32 to index
    %get3A_398 = arith.constant 0 : index
    %get3A_399 = tpu.vector_load %arg6[%get3A_397, %get3A_398] {strides = array<i32>} : memref<160x32xf32, #tpu.memory_space<vmem>>, vector<1x16xf32>,
    %get3A_400 = vector.shape_cast %get3A_399 : vector<1x16xf32> to vector<16xf32>
    %add3A_401 = arith.addf %add3A_395, %get3A_400 : vector<16xf32>
    %get3A_402 = arith.constant 28 : i32
    %get3A_403 = arith.index_cast %get3A_402 : i32 to index
    %get3A_404 = arith.constant 0 : index
    %get3A_405 = tpu.vector_load %arg6[%get3A_403, %get3A_404] {strides = array<i32>} : memref<160x32xf32, #tpu.memory_space<vmem>>, vector<1x16xf32>,
    %get3A_406 = vector.shape_cast %get3A_405 : vector<1x16xf32> to vector<16xf32>
    %add3A_407 = arith.addf %add3A_401, %get3A_406 : vector<16xf32>
    %get3A_408 = arith.constant 29 : i32
    %get3A_409 = arith.index_cast %get3A_408 : i32 to index
    %get3A_410 = arith.constant 0 : index
    %get3A_411 = tpu.vector_load %arg6[%get3A_409, %get3A_410] {strides = array<i32>} : memref<160x32xf32, #tpu.memory_space<vmem>>, vector<1x16xf32>,
    %get3A_412 = vector.shape_cast %get3A_411 : vector<1x16xf32> to vector<16xf32>
    %add3A_413 = arith.addf %add3A_407, %get3A_412 : vector<16xf32>
    %mul3A_414 = arith.constant 2.000000e-01 : f32
    %mul3A_415 = vector.broadcast %mul3A_414 : f32 to vector<16xf32>
    %mul3A_416 = arith.mulf %add3A_413, %mul3A_415 : vector<16xf32>
    %swap3A_417 = arith.constant 5 : i32
    %swap3A_418 = arith.index_cast %swap3A_417 : i32 to index
    %swap3A_419 = arith.constant 0 : index
    %swap3A_420 = tpu.vector_load %arg7[%swap3A_418, %swap3A_419] {strides = array<i32>} : memref<32x32xf32, #tpu.memory_space<vmem>>, vector<1x16xf32>,
    %swap3A_421 = vector.shape_cast %swap3A_420 : vector<1x16xf32> to vector<16xf32>
    %swap3A_422 = vector.shape_cast %mul3A_416 : vector<16xf32> to vector<1x16xf32>
    tpu.vector_store %arg7[%swap3A_418, %swap3A_419], %swap3A_422 {strides = array<i32>} : memref<32x32xf32, #tpu.memory_space<vmem>>, vector<1x16xf32>,
    %get3A_423 = arith.constant 25 : i32
    %get3A_424 = arith.index_cast %get3A_423 : i32 to index
    %get3A_425 = arith.constant 16 : index
    %get3A_426 = tpu.vector_load %arg6[%get3A_424, %get3A_425] {strides = array<i32>} : memref<160x32xf32, #tpu.memory_space<vmem>>, vector<1x16xf32>,
    %get3A_427 = vector.shape_cast %get3A_426 : vector<1x16xf32> to vector<16xf32>
    %get3A_428 = arith.constant 26 : i32
    %get3A_429 = arith.index_cast %get3A_428 : i32 to index
    %get3A_430 = arith.constant 16 : index
    %get3A_431 = tpu.vector_load %arg6[%get3A_429, %get3A_430] {strides = array<i32>} : memref<160x32xf32, #tpu.memory_space<vmem>>, vector<1x16xf32>,
    %get3A_432 = vector.shape_cast %get3A_431 : vector<1x16xf32> to vector<16xf32>
    %add3A_433 = arith.addf %get3A_427, %get3A_432 : vector<16xf32>
    %get3A_434 = arith.constant 27 : i32
    %get3A_435 = arith.index_cast %get3A_434 : i32 to index
    %get3A_436 = arith.constant 16 : index
    %get3A_437 = tpu.vector_load %arg6[%get3A_435, %get3A_436] {strides = array<i32>} : memref<160x32xf32, #tpu.memory_space<vmem>>, vector<1x16xf32>,
    %get3A_438 = vector.shape_cast %get3A_437 : vector<1x16xf32> to vector<16xf32>
    %add3A_439 = arith.addf %add3A_433, %get3A_438 : vector<16xf32>
    %get3A_440 = arith.constant 28 : i32
    %get3A_441 = arith.index_cast %get3A_440 : i32 to index
    %get3A_442 = arith.constant 16 : index
    %get3A_443 = tpu.vector_load %arg6[%get3A_441, %get3A_442] {strides = array<i32>} : memref<160x32xf32, #tpu.memory_space<vmem>>, vector<1x16xf32>,
    %get3A_444 = vector.shape_cast %get3A_443 : vector<1x16xf32> to vector<16xf32>
    %add3A_445 = arith.addf %add3A_439, %get3A_444 : vector<16xf32>
    %get3A_446 = arith.constant 29 : i32
    %get3A_447 = arith.index_cast %get3A_446 : i32 to index
    %get3A_448 = arith.constant 16 : index
    %get3A_449 = tpu.vector_load %arg6[%get3A_447, %get3A_448] {strides = array<i32>} : memref<160x32xf32, #tpu.memory_space<vmem>>, vector<1x16xf32>,
    %get3A_450 = vector.shape_cast %get3A_449 : vector<1x16xf32> to vector<16xf32>
    %add3A_451 = arith.addf %add3A_445, %get3A_450 : vector<16xf32>
    %mul3A_452 = arith.constant 2.000000e-01 : f32
    %mul3A_453 = vector.broadcast %mul3A_452 : f32 to vector<16xf32>
    %mul3A_454 = arith.mulf %add3A_451, %mul3A_453 : vector<16xf32>
    %swap3A_455 = arith.constant 5 : i32
    %swap3A_456 = arith.index_cast %swap3A_455 : i32 to index
    %swap3A_457 = arith.constant 16 : index
    %swap3A_458 = tpu.vector_load %arg7[%swap3A_456, %swap3A_457] {strides = array<i32>} : memref<32x32xf32, #tpu.memory_space<vmem>>, vector<1x16xf32>,
    %swap3A_459 = vector.shape_cast %swap3A_458 : vector<1x16xf32> to vector<16xf32>
    %swap3A_460 = vector.shape_cast %mul3A_454 : vector<16xf32> to vector<1x16xf32>
    tpu.vector_store %arg7[%swap3A_456, %swap3A_457], %swap3A_460 {strides = array<i32>} : memref<32x32xf32, #tpu.memory_space<vmem>>, vector<1x16xf32>,
    %get3A_461 = arith.constant 30 : i32
    %get3A_462 = arith.index_cast %get3A_461 : i32 to index
    %get3A_463 = arith.constant 0 : index
    %get3A_464 = tpu.vector_load %arg6[%get3A_462, %get3A_463] {strides = array<i32>} : memref<160x32xf32, #tpu.memory_space<vmem>>, vector<1x16xf32>,
    %get3A_465 = vector.shape_cast %get3A_464 : vector<1x16xf32> to vector<16xf32>
    %get3A_466 = arith.constant 31 : i32
    %get3A_467 = arith.index_cast %get3A_466 : i32 to index
    %get3A_468 = arith.constant 0 : index
    %get3A_469 = tpu.vector_load %arg6[%get3A_467, %get3A_468] {strides = array<i32>} : memref<160x32xf32, #tpu.memory_space<vmem>>, vector<1x16xf32>,
    %get3A_470 = vector.shape_cast %get3A_469 : vector<1x16xf32> to vector<16xf32>
    %add3A_471 = arith.addf %get3A_465, %get3A_470 : vector<16xf32>
    %get3A_472 = arith.constant 32 : i32
    %get3A_473 = arith.index_cast %get3A_472 : i32 to index
    %get3A_474 = arith.constant 0 : index
    %get3A_475 = tpu.vector_load %arg6[%get3A_473, %get3A_474] {strides = array<i32>} : memref<160x32xf32, #tpu.memory_space<vmem>>, vector<1x16xf32>,
    %get3A_476 = vector.shape_cast %get3A_475 : vector<1x16xf32> to vector<16xf32>
    %add3A_477 = arith.addf %add3A_471, %get3A_476 : vector<16xf32>
    %get3A_478 = arith.constant 33 : i32
    %get3A_479 = arith.index_cast %get3A_478 : i32 to index
    %get3A_480 = arith.constant 0 : index
    %get3A_481 = tpu.vector_load %arg6[%get3A_479, %get3A_480] {strides = array<i32>} : memref<160x32xf32, #tpu.memory_space<vmem>>, vector<1x16xf32>,
    %get3A_482 = vector.shape_cast %get3A_481 : vector<1x16xf32> to vector<16xf32>
    %add3A_483 = arith.addf %add3A_477, %get3A_482 : vector<16xf32>
    %get3A_484 = arith.constant 34 : i32
    %get3A_485 = arith.index_cast %get3A_484 : i32 to index
    %get3A_486 = arith.constant 0 : index
    %get3A_487 = tpu.vector_load %arg6[%get3A_485, %get3A_486] {strides = array<i32>} : memref<160x32xf32, #tpu.memory_space<vmem>>, vector<1x16xf32>,
    %get3A_488 = vector.shape_cast %get3A_487 : vector<1x16xf32> to vector<16xf32>
    %add3A_489 = arith.addf %add3A_483, %get3A_488 : vector<16xf32>
    %mul3A_490 = arith.constant 2.000000e-01 : f32
    %mul3A_491 = vector.broadcast %mul3A_490 : f32 to vector<16xf32>
    %mul3A_492 = arith.mulf %add3A_489, %mul3A_491 : vector<16xf32>
    %swap3A_493 = arith.constant 6 : i32
    %swap3A_494 = arith.index_cast %swap3A_493 : i32 to index
    %swap3A_495 = arith.constant 0 : index
    %swap3A_496 = tpu.vector_load %arg7[%swap3A_494, %swap3A_495] {strides = array<i32>} : memref<32x32xf32, #tpu.memory_space<vmem>>, vector<1x16xf32>,
    %swap3A_497 = vector.shape_cast %swap3A_496 : vector<1x16xf32> to vector<16xf32>
    %swap3A_498 = vector.shape_cast %mul3A_492 : vector<16xf32> to vector<1x16xf32>
    tpu.vector_store %arg7[%swap3A_494, %swap3A_495], %swap3A_498 {strides = array<i32>} : memref<32x32xf32, #tpu.memory_space<vmem>>, vector<1x16xf32>,
    %get3A_499 = arith.constant 30 : i32
    %get3A_500 = arith.index_cast %get3A_499 : i32 to index
    %get3A_501 = arith.constant 16 : index
    %get3A_502 = tpu.vector_load %arg6[%get3A_500, %get3A_501] {strides = array<i32>} : memref<160x32xf32, #tpu.memory_space<vmem>>, vector<1x16xf32>,
    %get3A_503 = vector.shape_cast %get3A_502 : vector<1x16xf32> to vector<16xf32>
    %get3A_504 = arith.constant 31 : i32
    %get3A_505 = arith.index_cast %get3A_504 : i32 to index
    %get3A_506 = arith.constant 16 : index
    %get3A_507 = tpu.vector_load %arg6[%get3A_505, %get3A_506] {strides = array<i32>} : memref<160x32xf32, #tpu.memory_space<vmem>>, vector<1x16xf32>,
    %get3A_508 = vector.shape_cast %get3A_507 : vector<1x16xf32> to vector<16xf32>
    %add3A_509 = arith.addf %get3A_503, %get3A_508 : vector<16xf32>
    %get3A_510 = arith.constant 32 : i32
    %get3A_511 = arith.index_cast %get3A_510 : i32 to index
    %get3A_512 = arith.constant 16 : index
    %get3A_513 = tpu.vector_load %arg6[%get3A_511, %get3A_512] {strides = array<i32>} : memref<160x32xf32, #tpu.memory_space<vmem>>, vector<1x16xf32>,
    %get3A_514 = vector.shape_cast %get3A_513 : vector<1x16xf32> to vector<16xf32>
    %add3A_515 = arith.addf %add3A_509, %get3A_514 : vector<16xf32>
    %get3A_516 = arith.constant 33 : i32
    %get3A_517 = arith.index_cast %get3A_516 : i32 to index
    %get3A_518 = arith.constant 16 : index
    %get3A_519 = tpu.vector_load %arg6[%get3A_517, %get3A_518] {strides = array<i32>} : memref<160x32xf32, #tpu.memory_space<vmem>>, vector<1x16xf32>,
    %get3A_520 = vector.shape_cast %get3A_519 : vector<1x16xf32> to vector<16xf32>
    %add3A_521 = arith.addf %add3A_515, %get3A_520 : vector<16xf32>
    %get3A_522 = arith.constant 34 : i32
    %get3A_523 = arith.index_cast %get3A_522 : i32 to index
    %get3A_524 = arith.constant 16 : index
    %get3A_525 = tpu.vector_load %arg6[%get3A_523, %get3A_524] {strides = array<i32>} : memref<160x32xf32, #tpu.memory_space<vmem>>, vector<1x16xf32>,
    %get3A_526 = vector.shape_cast %get3A_525 : vector<1x16xf32> to vector<16xf32>
    %add3A_527 = arith.addf %add3A_521, %get3A_526 : vector<16xf32>
    %mul3A_528 = arith.constant 2.000000e-01 : f32
    %mul3A_529 = vector.broadcast %mul3A_528 : f32 to vector<16xf32>
    %mul3A_530 = arith.mulf %add3A_527, %mul3A_529 : vector<16xf32>
    %swap3A_531 = arith.constant 6 : i32
    %swap3A_532 = arith.index_cast %swap3A_531 : i32 to index
    %swap3A_533 = arith.constant 16 : index
    %swap3A_534 = tpu.vector_load %arg7[%swap3A_532, %swap3A_533] {strides = array<i32>} : memref<32x32xf32, #tpu.memory_space<vmem>>, vector<1x16xf32>,
    %swap3A_535 = vector.shape_cast %swap3A_534 : vector<1x16xf32> to vector<16xf32>
    %swap3A_536 = vector.shape_cast %mul3A_530 : vector<16xf32> to vector<1x16xf32>
    tpu.vector_store %arg7[%swap3A_532, %swap3A_533], %swap3A_536 {strides = array<i32>} : memref<32x32xf32, #tpu.memory_space<vmem>>, vector<1x16xf32>,
    %get3A_537 = arith.constant 35 : i32
    %get3A_538 = arith.index_cast %get3A_537 : i32 to index
    %get3A_539 = arith.constant 0 : index
    %get3A_540 = tpu.vector_load %arg6[%get3A_538, %get3A_539] {strides = array<i32>} : memref<160x32xf32, #tpu.memory_space<vmem>>, vector<1x16xf32>,
    %get3A_541 = vector.shape_cast %get3A_540 : vector<1x16xf32> to vector<16xf32>
    %get3A_542 = arith.constant 36 : i32
    %get3A_543 = arith.index_cast %get3A_542 : i32 to index
    %get3A_544 = arith.constant 0 : index
    %get3A_545 = tpu.vector_load %arg6[%get3A_543, %get3A_544] {strides = array<i32>} : memref<160x32xf32, #tpu.memory_space<vmem>>, vector<1x16xf32>,
    %get3A_546 = vector.shape_cast %get3A_545 : vector<1x16xf32> to vector<16xf32>
    %add3A_547 = arith.addf %get3A_541, %get3A_546 : vector<16xf32>
    %get3A_548 = arith.constant 37 : i32
    %get3A_549 = arith.index_cast %get3A_548 : i32 to index
    %get3A_550 = arith.constant 0 : index
    %get3A_551 = tpu.vector_load %arg6[%get3A_549, %get3A_550] {strides = array<i32>} : memref<160x32xf32, #tpu.memory_space<vmem>>, vector<1x16xf32>,
    %get3A_552 = vector.shape_cast %get3A_551 : vector<1x16xf32> to vector<16xf32>
    %add3A_553 = arith.addf %add3A_547, %get3A_552 : vector<16xf32>
    %get3A_554 = arith.constant 38 : i32
    %get3A_555 = arith.index_cast %get3A_554 : i32 to index
    %get3A_556 = arith.constant 0 : index
    %get3A_557 = tpu.vector_load %arg6[%get3A_555, %get3A_556] {strides = array<i32>} : memref<160x32xf32, #tpu.memory_space<vmem>>, vector<1x16xf32>,
    %get3A_558 = vector.shape_cast %get3A_557 : vector<1x16xf32> to vector<16xf32>
    %add3A_559 = arith.addf %add3A_553, %get3A_558 : vector<16xf32>
    %get3A_560 = arith.constant 39 : i32
    %get3A_561 = arith.index_cast %get3A_560 : i32 to index
    %get3A_562 = arith.constant 0 : index
    %get3A_563 = tpu.vector_load %arg6[%get3A_561, %get3A_562] {strides = array<i32>} : memref<160x32xf32, #tpu.memory_space<vmem>>, vector<1x16xf32>,
    %get3A_564 = vector.shape_cast %get3A_563 : vector<1x16xf32> to vector<16xf32>
    %add3A_565 = arith.addf %add3A_559, %get3A_564 : vector<16xf32>
    %mul3A_566 = arith.constant 2.000000e-01 : f32
    %mul3A_567 = vector.broadcast %mul3A_566 : f32 to vector<16xf32>
    %mul3A_568 = arith.mulf %add3A_565, %mul3A_567 : vector<16xf32>
    %swap3A_569 = arith.constant 7 : i32
    %swap3A_570 = arith.index_cast %swap3A_569 : i32 to index
    %swap3A_571 = arith.constant 0 : index
    %swap3A_572 = tpu.vector_load %arg7[%swap3A_570, %swap3A_571] {strides = array<i32>} : memref<32x32xf32, #tpu.memory_space<vmem>>, vector<1x16xf32>,
    %swap3A_573 = vector.shape_cast %swap3A_572 : vector<1x16xf32> to vector<16xf32>
    %swap3A_574 = vector.shape_cast %mul3A_568 : vector<16xf32> to vector<1x16xf32>
    tpu.vector_store %arg7[%swap3A_570, %swap3A_571], %swap3A_574 {strides = array<i32>} : memref<32x32xf32, #tpu.memory_space<vmem>>, vector<1x16xf32>,
    %get3A_575 = arith.constant 35 : i32
    %get3A_576 = arith.index_cast %get3A_575 : i32 to index
    %get3A_577 = arith.constant 16 : index
    %get3A_578 = tpu.vector_load %arg6[%get3A_576, %get3A_577] {strides = array<i32>} : memref<160x32xf32, #tpu.memory_space<vmem>>, vector<1x16xf32>,
    %get3A_579 = vector.shape_cast %get3A_578 : vector<1x16xf32> to vector<16xf32>
    %get3A_580 = arith.constant 36 : i32
    %get3A_581 = arith.index_cast %get3A_580 : i32 to index
    %get3A_582 = arith.constant 16 : index
    %get3A_583 = tpu.vector_load %arg6[%get3A_581, %get3A_582] {strides = array<i32>} : memref<160x32xf32, #tpu.memory_space<vmem>>, vector<1x16xf32>,
    %get3A_584 = vector.shape_cast %get3A_583 : vector<1x16xf32> to vector<16xf32>
    %add3A_585 = arith.addf %get3A_579, %get3A_584 : vector<16xf32>
    %get3A_586 = arith.constant 37 : i32
    %get3A_587 = arith.index_cast %get3A_586 : i32 to index
    %get3A_588 = arith.constant 16 : index
    %get3A_589 = tpu.vector_load %arg6[%get3A_587, %get3A_588] {strides = array<i32>} : memref<160x32xf32, #tpu.memory_space<vmem>>, vector<1x16xf32>,
    %get3A_590 = vector.shape_cast %get3A_589 : vector<1x16xf32> to vector<16xf32>
    %add3A_591 = arith.addf %add3A_585, %get3A_590 : vector<16xf32>
    %get3A_592 = arith.constant 38 : i32
    %get3A_593 = arith.index_cast %get3A_592 : i32 to index
    %get3A_594 = arith.constant 16 : index
    %get3A_595 = tpu.vector_load %arg6[%get3A_593, %get3A_594] {strides = array<i32>} : memref<160x32xf32, #tpu.memory_space<vmem>>, vector<1x16xf32>,
    %get3A_596 = vector.shape_cast %get3A_595 : vector<1x16xf32> to vector<16xf32>
    %add3A_597 = arith.addf %add3A_591, %get3A_596 : vector<16xf32>
    %get3A_598 = arith.constant 39 : i32
    %get3A_599 = arith.index_cast %get3A_598 : i32 to index
    %get3A_600 = arith.constant 16 : index
    %get3A_601 = tpu.vector_load %arg6[%get3A_599, %get3A_600] {strides = array<i32>} : memref<160x32xf32, #tpu.memory_space<vmem>>, vector<1x16xf32>,
    %get3A_602 = vector.shape_cast %get3A_601 : vector<1x16xf32> to vector<16xf32>
    %add3A_603 = arith.addf %add3A_597, %get3A_602 : vector<16xf32>
    %mul3A_604 = arith.constant 2.000000e-01 : f32
    %mul3A_605 = vector.broadcast %mul3A_604 : f32 to vector<16xf32>
    %mul3A_606 = arith.mulf %add3A_603, %mul3A_605 : vector<16xf32>
    %swap3A_607 = arith.constant 7 : i32
    %swap3A_608 = arith.index_cast %swap3A_607 : i32 to index
    %swap3A_609 = arith.constant 16 : index
    %swap3A_610 = tpu.vector_load %arg7[%swap3A_608, %swap3A_609] {strides = array<i32>} : memref<32x32xf32, #tpu.memory_space<vmem>>, vector<1x16xf32>,
    %swap3A_611 = vector.shape_cast %swap3A_610 : vector<1x16xf32> to vector<16xf32>
    %swap3A_612 = vector.shape_cast %mul3A_606 : vector<16xf32> to vector<1x16xf32>
    tpu.vector_store %arg7[%swap3A_608, %swap3A_609], %swap3A_612 {strides = array<i32>} : memref<32x32xf32, #tpu.memory_space<vmem>>, vector<1x16xf32>,
    %get3A_613 = arith.constant 40 : i32
    %get3A_614 = arith.index_cast %get3A_613 : i32 to index
    %get3A_615 = arith.constant 0 : index
    %get3A_616 = tpu.vector_load %arg6[%get3A_614, %get3A_615] {strides = array<i32>} : memref<160x32xf32, #tpu.memory_space<vmem>>, vector<1x16xf32>,
    %get3A_617 = vector.shape_cast %get3A_616 : vector<1x16xf32> to vector<16xf32>
    %get3A_618 = arith.constant 41 : i32
    %get3A_619 = arith.index_cast %get3A_618 : i32 to index
    %get3A_620 = arith.constant 0 : index
    %get3A_621 = tpu.vector_load %arg6[%get3A_619, %get3A_620] {strides = array<i32>} : memref<160x32xf32, #tpu.memory_space<vmem>>, vector<1x16xf32>,
    %get3A_622 = vector.shape_cast %get3A_621 : vector<1x16xf32> to vector<16xf32>
    %add3A_623 = arith.addf %get3A_617, %get3A_622 : vector<16xf32>
    %get3A_624 = arith.constant 42 : i32
    %get3A_625 = arith.index_cast %get3A_624 : i32 to index
    %get3A_626 = arith.constant 0 : index
    %get3A_627 = tpu.vector_load %arg6[%get3A_625, %get3A_626] {strides = array<i32>} : memref<160x32xf32, #tpu.memory_space<vmem>>, vector<1x16xf32>,
    %get3A_628 = vector.shape_cast %get3A_627 : vector<1x16xf32> to vector<16xf32>
    %add3A_629 = arith.addf %add3A_623, %get3A_628 : vector<16xf32>
    %get3A_630 = arith.constant 43 : i32
    %get3A_631 = arith.index_cast %get3A_630 : i32 to index
    %get3A_632 = arith.constant 0 : index
    %get3A_633 = tpu.vector_load %arg6[%get3A_631, %get3A_632] {strides = array<i32>} : memref<160x32xf32, #tpu.memory_space<vmem>>, vector<1x16xf32>,
    %get3A_634 = vector.shape_cast %get3A_633 : vector<1x16xf32> to vector<16xf32>
    %add3A_635 = arith.addf %add3A_629, %get3A_634 : vector<16xf32>
    %get3A_636 = arith.constant 44 : i32
    %get3A_637 = arith.index_cast %get3A_636 : i32 to index
    %get3A_638 = arith.constant 0 : index
    %get3A_639 = tpu.vector_load %arg6[%get3A_637, %get3A_638] {strides = array<i32>} : memref<160x32xf32, #tpu.memory_space<vmem>>, vector<1x16xf32>,
    %get3A_640 = vector.shape_cast %get3A_639 : vector<1x16xf32> to vector<16xf32>
    %add3A_641 = arith.addf %add3A_635, %get3A_640 : vector<16xf32>
    %mul3A_642 = arith.constant 2.000000e-01 : f32
    %mul3A_643 = vector.broadcast %mul3A_642 : f32 to vector<16xf32>
    %mul3A_644 = arith.mulf %add3A_641, %mul3A_643 : vector<16xf32>
    %swap3A_645 = arith.constant 8 : i32
    %swap3A_646 = arith.index_cast %swap3A_645 : i32 to index
    %swap3A_647 = arith.constant 0 : index
    %swap3A_648 = tpu.vector_load %arg7[%swap3A_646, %swap3A_647] {strides = array<i32>} : memref<32x32xf32, #tpu.memory_space<vmem>>, vector<1x16xf32>,
    %swap3A_649 = vector.shape_cast %swap3A_648 : vector<1x16xf32> to vector<16xf32>
    %swap3A_650 = vector.shape_cast %mul3A_644 : vector<16xf32> to vector<1x16xf32>
    tpu.vector_store %arg7[%swap3A_646, %swap3A_647], %swap3A_650 {strides = array<i32>} : memref<32x32xf32, #tpu.memory_space<vmem>>, vector<1x16xf32>,
    %get3A_651 = arith.constant 40 : i32
    %get3A_652 = arith.index_cast %get3A_651 : i32 to index
    %get3A_653 = arith.constant 16 : index
    %get3A_654 = tpu.vector_load %arg6[%get3A_652, %get3A_653] {strides = array<i32>} : memref<160x32xf32, #tpu.memory_space<vmem>>, vector<1x16xf32>,
    %get3A_655 = vector.shape_cast %get3A_654 : vector<1x16xf32> to vector<16xf32>
    %get3A_656 = arith.constant 41 : i32
    %get3A_657 = arith.index_cast %get3A_656 : i32 to index
    %get3A_658 = arith.constant 16 : index
    %get3A_659 = tpu.vector_load %arg6[%get3A_657, %get3A_658] {strides = array<i32>} : memref<160x32xf32, #tpu.memory_space<vmem>>, vector<1x16xf32>,
    %get3A_660 = vector.shape_cast %get3A_659 : vector<1x16xf32> to vector<16xf32>
    %add3A_661 = arith.addf %get3A_655, %get3A_660 : vector<16xf32>
    %get3A_662 = arith.constant 42 : i32
    %get3A_663 = arith.index_cast %get3A_662 : i32 to index
    %get3A_664 = arith.constant 16 : index
    %get3A_665 = tpu.vector_load %arg6[%get3A_663, %get3A_664] {strides = array<i32>} : memref<160x32xf32, #tpu.memory_space<vmem>>, vector<1x16xf32>,
    %get3A_666 = vector.shape_cast %get3A_665 : vector<1x16xf32> to vector<16xf32>
    %add3A_667 = arith.addf %add3A_661, %get3A_666 : vector<16xf32>
    %get3A_668 = arith.constant 43 : i32
    %get3A_669 = arith.index_cast %get3A_668 : i32 to index
    %get3A_670 = arith.constant 16 : index
    %get3A_671 = tpu.vector_load %arg6[%get3A_669, %get3A_670] {strides = array<i32>} : memref<160x32xf32, #tpu.memory_space<vmem>>, vector<1x16xf32>,
    %get3A_672 = vector.shape_cast %get3A_671 : vector<1x16xf32> to vector<16xf32>
    %add3A_673 = arith.addf %add3A_667, %get3A_672 : vector<16xf32>
    %get3A_674 = arith.constant 44 : i32
    %get3A_675 = arith.index_cast %get3A_674 : i32 to index
    %get3A_676 = arith.constant 16 : index
    %get3A_677 = tpu.vector_load %arg6[%get3A_675, %get3A_676] {strides = array<i32>} : memref<160x32xf32, #tpu.memory_space<vmem>>, vector<1x16xf32>,
    %get3A_678 = vector.shape_cast %get3A_677 : vector<1x16xf32> to vector<16xf32>
    %add3A_679 = arith.addf %add3A_673, %get3A_678 : vector<16xf32>
    %mul3A_680 = arith.constant 2.000000e-01 : f32
    %mul3A_681 = vector.broadcast %mul3A_680 : f32 to vector<16xf32>
    %mul3A_682 = arith.mulf %add3A_679, %mul3A_681 : vector<16xf32>
    %swap3A_683 = arith.constant 8 : i32
    %swap3A_684 = arith.index_cast %swap3A_683 : i32 to index
    %swap3A_685 = arith.constant 16 : index
    %swap3A_686 = tpu.vector_load %arg7[%swap3A_684, %swap3A_685] {strides = array<i32>} : memref<32x32xf32, #tpu.memory_space<vmem>>, vector<1x16xf32>,
    %swap3A_687 = vector.shape_cast %swap3A_686 : vector<1x16xf32> to vector<16xf32>
    %swap3A_688 = vector.shape_cast %mul3A_682 : vector<16xf32> to vector<1x16xf32>
    tpu.vector_store %arg7[%swap3A_684, %swap3A_685], %swap3A_688 {strides = array<i32>} : memref<32x32xf32, #tpu.memory_space<vmem>>, vector<1x16xf32>,
    %get3A_689 = arith.constant 45 : i32
    %get3A_690 = arith.index_cast %get3A_689 : i32 to index
    %get3A_691 = arith.constant 0 : index
    %get3A_692 = tpu.vector_load %arg6[%get3A_690, %get3A_691] {strides = array<i32>} : memref<160x32xf32, #tpu.memory_space<vmem>>, vector<1x16xf32>,
    %get3A_693 = vector.shape_cast %get3A_692 : vector<1x16xf32> to vector<16xf32>
    %get3A_694 = arith.constant 46 : i32
    %get3A_695 = arith.index_cast %get3A_694 : i32 to index
    %get3A_696 = arith.constant 0 : index
    %get3A_697 = tpu.vector_load %arg6[%get3A_695, %get3A_696] {strides = array<i32>} : memref<160x32xf32, #tpu.memory_space<vmem>>, vector<1x16xf32>,
    %get3A_698 = vector.shape_cast %get3A_697 : vector<1x16xf32> to vector<16xf32>
    %add3A_699 = arith.addf %get3A_693, %get3A_698 : vector<16xf32>
    %get3A_700 = arith.constant 47 : i32
    %get3A_701 = arith.index_cast %get3A_700 : i32 to index
    %get3A_702 = arith.constant 0 : index
    %get3A_703 = tpu.vector_load %arg6[%get3A_701, %get3A_702] {strides = array<i32>} : memref<160x32xf32, #tpu.memory_space<vmem>>, vector<1x16xf32>,
    %get3A_704 = vector.shape_cast %get3A_703 : vector<1x16xf32> to vector<16xf32>
    %add3A_705 = arith.addf %add3A_699, %get3A_704 : vector<16xf32>
    %get3A_706 = arith.constant 48 : i32
    %get3A_707 = arith.index_cast %get3A_706 : i32 to index
    %get3A_708 = arith.constant 0 : index
    %get3A_709 = tpu.vector_load %arg6[%get3A_707, %get3A_708] {strides = array<i32>} : memref<160x32xf32, #tpu.memory_space<vmem>>, vector<1x16xf32>,
    %get3A_710 = vector.shape_cast %get3A_709 : vector<1x16xf32> to vector<16xf32>
    %add3A_711 = arith.addf %add3A_705, %get3A_710 : vector<16xf32>
    %get3A_712 = arith.constant 49 : i32
    %get3A_713 = arith.index_cast %get3A_712 : i32 to index
    %get3A_714 = arith.constant 0 : index
    %get3A_715 = tpu.vector_load %arg6[%get3A_713, %get3A_714] {strides = array<i32>} : memref<160x32xf32, #tpu.memory_space<vmem>>, vector<1x16xf32>,
    %get3A_716 = vector.shape_cast %get3A_715 : vector<1x16xf32> to vector<16xf32>
    %add3A_717 = arith.addf %add3A_711, %get3A_716 : vector<16xf32>
    %mul3A_718 = arith.constant 2.000000e-01 : f32
    %mul3A_719 = vector.broadcast %mul3A_718 : f32 to vector<16xf32>
    %mul3A_720 = arith.mulf %add3A_717, %mul3A_719 : vector<16xf32>
    %swap3A_721 = arith.constant 9 : i32
    %swap3A_722 = arith.index_cast %swap3A_721 : i32 to index
    %swap3A_723 = arith.constant 0 : index
    %swap3A_724 = tpu.vector_load %arg7[%swap3A_722, %swap3A_723] {strides = array<i32>} : memref<32x32xf32, #tpu.memory_space<vmem>>, vector<1x16xf32>,
    %swap3A_725 = vector.shape_cast %swap3A_724 : vector<1x16xf32> to vector<16xf32>
    %swap3A_726 = vector.shape_cast %mul3A_720 : vector<16xf32> to vector<1x16xf32>
    tpu.vector_store %arg7[%swap3A_722, %swap3A_723], %swap3A_726 {strides = array<i32>} : memref<32x32xf32, #tpu.memory_space<vmem>>, vector<1x16xf32>,
    %get3A_727 = arith.constant 45 : i32
    %get3A_728 = arith.index_cast %get3A_727 : i32 to index
    %get3A_729 = arith.constant 16 : index
    %get3A_730 = tpu.vector_load %arg6[%get3A_728, %get3A_729] {strides = array<i32>} : memref<160x32xf32, #tpu.memory_space<vmem>>, vector<1x16xf32>,
    %get3A_731 = vector.shape_cast %get3A_730 : vector<1x16xf32> to vector<16xf32>
    %get3A_732 = arith.constant 46 : i32
    %get3A_733 = arith.index_cast %get3A_732 : i32 to index
    %get3A_734 = arith.constant 16 : index
    %get3A_735 = tpu.vector_load %arg6[%get3A_733, %get3A_734] {strides = array<i32>} : memref<160x32xf32, #tpu.memory_space<vmem>>, vector<1x16xf32>,
    %get3A_736 = vector.shape_cast %get3A_735 : vector<1x16xf32> to vector<16xf32>
    %add3A_737 = arith.addf %get3A_731, %get3A_736 : vector<16xf32>
    %get3A_738 = arith.constant 47 : i32
    %get3A_739 = arith.index_cast %get3A_738 : i32 to index
    %get3A_740 = arith.constant 16 : index
    %get3A_741 = tpu.vector_load %arg6[%get3A_739, %get3A_740] {strides = array<i32>} : memref<160x32xf32, #tpu.memory_space<vmem>>, vector<1x16xf32>,
    %get3A_742 = vector.shape_cast %get3A_741 : vector<1x16xf32> to vector<16xf32>
    %add3A_743 = arith.addf %add3A_737, %get3A_742 : vector<16xf32>
    %get3A_744 = arith.constant 48 : i32
    %get3A_745 = arith.index_cast %get3A_744 : i32 to index
    %get3A_746 = arith.constant 16 : index
    %get3A_747 = tpu.vector_load %arg6[%get3A_745, %get3A_746] {strides = array<i32>} : memref<160x32xf32, #tpu.memory_space<vmem>>, vector<1x16xf32>,
    %get3A_748 = vector.shape_cast %get3A_747 : vector<1x16xf32> to vector<16xf32>
    %add3A_749 = arith.addf %add3A_743, %get3A_748 : vector<16xf32>
    %get3A_750 = arith.constant 49 : i32
    %get3A_751 = arith.index_cast %get3A_750 : i32 to index
    %get3A_752 = arith.constant 16 : index
    %get3A_753 = tpu.vector_load %arg6[%get3A_751, %get3A_752] {strides = array<i32>} : memref<160x32xf32, #tpu.memory_space<vmem>>, vector<1x16xf32>,
    %get3A_754 = vector.shape_cast %get3A_753 : vector<1x16xf32> to vector<16xf32>
    %add3A_755 = arith.addf %add3A_749, %get3A_754 : vector<16xf32>
    %mul3A_756 = arith.constant 2.000000e-01 : f32
    %mul3A_757 = vector.broadcast %mul3A_756 : f32 to vector<16xf32>
    %mul3A_758 = arith.mulf %add3A_755, %mul3A_757 : vector<16xf32>
    %swap3A_759 = arith.constant 9 : i32
    %swap3A_760 = arith.index_cast %swap3A_759 : i32 to index
    %swap3A_761 = arith.constant 16 : index
    %swap3A_762 = tpu.vector_load %arg7[%swap3A_760, %swap3A_761] {strides = array<i32>} : memref<32x32xf32, #tpu.memory_space<vmem>>, vector<1x16xf32>,
    %swap3A_763 = vector.shape_cast %swap3A_762 : vector<1x16xf32> to vector<16xf32>
    %swap3A_764 = vector.shape_cast %mul3A_758 : vector<16xf32> to vector<1x16xf32>
    tpu.vector_store %arg7[%swap3A_760, %swap3A_761], %swap3A_764 {strides = array<i32>} : memref<32x32xf32, #tpu.memory_space<vmem>>, vector<1x16xf32>,
    %get3A_765 = arith.constant 50 : i32
    %get3A_766 = arith.index_cast %get3A_765 : i32 to index
    %get3A_767 = arith.constant 0 : index
    %get3A_768 = tpu.vector_load %arg6[%get3A_766, %get3A_767] {strides = array<i32>} : memref<160x32xf32, #tpu.memory_space<vmem>>, vector<1x16xf32>,
    %get3A_769 = vector.shape_cast %get3A_768 : vector<1x16xf32> to vector<16xf32>
    %get3A_770 = arith.constant 51 : i32
    %get3A_771 = arith.index_cast %get3A_770 : i32 to index
    %get3A_772 = arith.constant 0 : index
    %get3A_773 = tpu.vector_load %arg6[%get3A_771, %get3A_772] {strides = array<i32>} : memref<160x32xf32, #tpu.memory_space<vmem>>, vector<1x16xf32>,
    %get3A_774 = vector.shape_cast %get3A_773 : vector<1x16xf32> to vector<16xf32>
    %add3A_775 = arith.addf %get3A_769, %get3A_774 : vector<16xf32>
    %get3A_776 = arith.constant 52 : i32
    %get3A_777 = arith.index_cast %get3A_776 : i32 to index
    %get3A_778 = arith.constant 0 : index
    %get3A_779 = tpu.vector_load %arg6[%get3A_777, %get3A_778] {strides = array<i32>} : memref<160x32xf32, #tpu.memory_space<vmem>>, vector<1x16xf32>,
    %get3A_780 = vector.shape_cast %get3A_779 : vector<1x16xf32> to vector<16xf32>
    %add3A_781 = arith.addf %add3A_775, %get3A_780 : vector<16xf32>
    %get3A_782 = arith.constant 53 : i32
    %get3A_783 = arith.index_cast %get3A_782 : i32 to index
    %get3A_784 = arith.constant 0 : index
    %get3A_785 = tpu.vector_load %arg6[%get3A_783, %get3A_784] {strides = array<i32>} : memref<160x32xf32, #tpu.memory_space<vmem>>, vector<1x16xf32>,
    %get3A_786 = vector.shape_cast %get3A_785 : vector<1x16xf32> to vector<16xf32>
    %add3A_787 = arith.addf %add3A_781, %get3A_786 : vector<16xf32>
    %get3A_788 = arith.constant 54 : i32
    %get3A_789 = arith.index_cast %get3A_788 : i32 to index
    %get3A_790 = arith.constant 0 : index
    %get3A_791 = tpu.vector_load %arg6[%get3A_789, %get3A_790] {strides = array<i32>} : memref<160x32xf32, #tpu.memory_space<vmem>>, vector<1x16xf32>,
    %get3A_792 = vector.shape_cast %get3A_791 : vector<1x16xf32> to vector<16xf32>
    %add3A_793 = arith.addf %add3A_787, %get3A_792 : vector<16xf32>
    %mul3A_794 = arith.constant 2.000000e-01 : f32
    %mul3A_795 = vector.broadcast %mul3A_794 : f32 to vector<16xf32>
    %mul3A_796 = arith.mulf %add3A_793, %mul3A_795 : vector<16xf32>
    %swap3A_797 = arith.constant 10 : i32
    %swap3A_798 = arith.index_cast %swap3A_797 : i32 to index
    %swap3A_799 = arith.constant 0 : index
    %swap3A_800 = tpu.vector_load %arg7[%swap3A_798, %swap3A_799] {strides = array<i32>} : memref<32x32xf32, #tpu.memory_space<vmem>>, vector<1x16xf32>,
    %swap3A_801 = vector.shape_cast %swap3A_800 : vector<1x16xf32> to vector<16xf32>
    %swap3A_802 = vector.shape_cast %mul3A_796 : vector<16xf32> to vector<1x16xf32>
    tpu.vector_store %arg7[%swap3A_798, %swap3A_799], %swap3A_802 {strides = array<i32>} : memref<32x32xf32, #tpu.memory_space<vmem>>, vector<1x16xf32>,
    %get3A_803 = arith.constant 50 : i32
    %get3A_804 = arith.index_cast %get3A_803 : i32 to index
    %get3A_805 = arith.constant 16 : index
    %get3A_806 = tpu.vector_load %arg6[%get3A_804, %get3A_805] {strides = array<i32>} : memref<160x32xf32, #tpu.memory_space<vmem>>, vector<1x16xf32>,
    %get3A_807 = vector.shape_cast %get3A_806 : vector<1x16xf32> to vector<16xf32>
    %get3A_808 = arith.constant 51 : i32
    %get3A_809 = arith.index_cast %get3A_808 : i32 to index
    %get3A_810 = arith.constant 16 : index
    %get3A_811 = tpu.vector_load %arg6[%get3A_809, %get3A_810] {strides = array<i32>} : memref<160x32xf32, #tpu.memory_space<vmem>>, vector<1x16xf32>,
    %get3A_812 = vector.shape_cast %get3A_811 : vector<1x16xf32> to vector<16xf32>
    %add3A_813 = arith.addf %get3A_807, %get3A_812 : vector<16xf32>
    %get3A_814 = arith.constant 52 : i32
    %get3A_815 = arith.index_cast %get3A_814 : i32 to index
    %get3A_816 = arith.constant 16 : index
    %get3A_817 = tpu.vector_load %arg6[%get3A_815, %get3A_816] {strides = array<i32>} : memref<160x32xf32, #tpu.memory_space<vmem>>, vector<1x16xf32>,
    %get3A_818 = vector.shape_cast %get3A_817 : vector<1x16xf32> to vector<16xf32>
    %add3A_819 = arith.addf %add3A_813, %get3A_818 : vector<16xf32>
    %get3A_820 = arith.constant 53 : i32
    %get3A_821 = arith.index_cast %get3A_820 : i32 to index
    %get3A_822 = arith.constant 16 : index
    %get3A_823 = tpu.vector_load %arg6[%get3A_821, %get3A_822] {strides = array<i32>} : memref<160x32xf32, #tpu.memory_space<vmem>>, vector<1x16xf32>,
    %get3A_824 = vector.shape_cast %get3A_823 : vector<1x16xf32> to vector<16xf32>
    %add3A_825 = arith.addf %add3A_819, %get3A_824 : vector<16xf32>
    %get3A_826 = arith.constant 54 : i32
    %get3A_827 = arith.index_cast %get3A_826 : i32 to index
    %get3A_828 = arith.constant 16 : index
    %get3A_829 = tpu.vector_load %arg6[%get3A_827, %get3A_828] {strides = array<i32>} : memref<160x32xf32, #tpu.memory_space<vmem>>, vector<1x16xf32>,
    %get3A_830 = vector.shape_cast %get3A_829 : vector<1x16xf32> to vector<16xf32>
    %add3A_831 = arith.addf %add3A_825, %get3A_830 : vector<16xf32>
    %mul3A_832 = arith.constant 2.000000e-01 : f32
    %mul3A_833 = vector.broadcast %mul3A_832 : f32 to vector<16xf32>
    %mul3A_834 = arith.mulf %add3A_831, %mul3A_833 : vector<16xf32>
    %swap3A_835 = arith.constant 10 : i32
    %swap3A_836 = arith.index_cast %swap3A_835 : i32 to index
    %swap3A_837 = arith.constant 16 : index
    %swap3A_838 = tpu.vector_load %arg7[%swap3A_836, %swap3A_837] {strides = array<i32>} : memref<32x32xf32, #tpu.memory_space<vmem>>, vector<1x16xf32>,
    %swap3A_839 = vector.shape_cast %swap3A_838 : vector<1x16xf32> to vector<16xf32>
    %swap3A_840 = vector.shape_cast %mul3A_834 : vector<16xf32> to vector<1x16xf32>
    tpu.vector_store %arg7[%swap3A_836, %swap3A_837], %swap3A_840 {strides = array<i32>} : memref<32x32xf32, #tpu.memory_space<vmem>>, vector<1x16xf32>,
    %get3A_841 = arith.constant 55 : i32
    %get3A_842 = arith.index_cast %get3A_841 : i32 to index
    %get3A_843 = arith.constant 0 : index
    %get3A_844 = tpu.vector_load %arg6[%get3A_842, %get3A_843] {strides = array<i32>} : memref<160x32xf32, #tpu.memory_space<vmem>>, vector<1x16xf32>,
    %get3A_845 = vector.shape_cast %get3A_844 : vector<1x16xf32> to vector<16xf32>
    %get3A_846 = arith.constant 56 : i32
    %get3A_847 = arith.index_cast %get3A_846 : i32 to index
    %get3A_848 = arith.constant 0 : index
    %get3A_849 = tpu.vector_load %arg6[%get3A_847, %get3A_848] {strides = array<i32>} : memref<160x32xf32, #tpu.memory_space<vmem>>, vector<1x16xf32>,
    %get3A_850 = vector.shape_cast %get3A_849 : vector<1x16xf32> to vector<16xf32>
    %add3A_851 = arith.addf %get3A_845, %get3A_850 : vector<16xf32>
    %get3A_852 = arith.constant 57 : i32
    %get3A_853 = arith.index_cast %get3A_852 : i32 to index
    %get3A_854 = arith.constant 0 : index
    %get3A_855 = tpu.vector_load %arg6[%get3A_853, %get3A_854] {strides = array<i32>} : memref<160x32xf32, #tpu.memory_space<vmem>>, vector<1x16xf32>,
    %get3A_856 = vector.shape_cast %get3A_855 : vector<1x16xf32> to vector<16xf32>
    %add3A_857 = arith.addf %add3A_851, %get3A_856 : vector<16xf32>
    %get3A_858 = arith.constant 58 : i32
    %get3A_859 = arith.index_cast %get3A_858 : i32 to index
    %get3A_860 = arith.constant 0 : index
    %get3A_861 = tpu.vector_load %arg6[%get3A_859, %get3A_860] {strides = array<i32>} : memref<160x32xf32, #tpu.memory_space<vmem>>, vector<1x16xf32>,
    %get3A_862 = vector.shape_cast %get3A_861 : vector<1x16xf32> to vector<16xf32>
    %add3A_863 = arith.addf %add3A_857, %get3A_862 : vector<16xf32>
    %get3A_864 = arith.constant 59 : i32
    %get3A_865 = arith.index_cast %get3A_864 : i32 to index
    %get3A_866 = arith.constant 0 : index
    %get3A_867 = tpu.vector_load %arg6[%get3A_865, %get3A_866] {strides = array<i32>} : memref<160x32xf32, #tpu.memory_space<vmem>>, vector<1x16xf32>,
    %get3A_868 = vector.shape_cast %get3A_867 : vector<1x16xf32> to vector<16xf32>
    %add3A_869 = arith.addf %add3A_863, %get3A_868 : vector<16xf32>
    %mul3A_870 = arith.constant 2.000000e-01 : f32
    %mul3A_871 = vector.broadcast %mul3A_870 : f32 to vector<16xf32>
    %mul3A_872 = arith.mulf %add3A_869, %mul3A_871 : vector<16xf32>
    %swap3A_873 = arith.constant 11 : i32
    %swap3A_874 = arith.index_cast %swap3A_873 : i32 to index
    %swap3A_875 = arith.constant 0 : index
    %swap3A_876 = tpu.vector_load %arg7[%swap3A_874, %swap3A_875] {strides = array<i32>} : memref<32x32xf32, #tpu.memory_space<vmem>>, vector<1x16xf32>,
    %swap3A_877 = vector.shape_cast %swap3A_876 : vector<1x16xf32> to vector<16xf32>
    %swap3A_878 = vector.shape_cast %mul3A_872 : vector<16xf32> to vector<1x16xf32>
    tpu.vector_store %arg7[%swap3A_874, %swap3A_875], %swap3A_878 {strides = array<i32>} : memref<32x32xf32, #tpu.memory_space<vmem>>, vector<1x16xf32>,
    %get3A_879 = arith.constant 55 : i32
    %get3A_880 = arith.index_cast %get3A_879 : i32 to index
    %get3A_881 = arith.constant 16 : index
    %get3A_882 = tpu.vector_load %arg6[%get3A_880, %get3A_881] {strides = array<i32>} : memref<160x32xf32, #tpu.memory_space<vmem>>, vector<1x16xf32>,
    %get3A_883 = vector.shape_cast %get3A_882 : vector<1x16xf32> to vector<16xf32>
    %get3A_884 = arith.constant 56 : i32
    %get3A_885 = arith.index_cast %get3A_884 : i32 to index
    %get3A_886 = arith.constant 16 : index
    %get3A_887 = tpu.vector_load %arg6[%get3A_885, %get3A_886] {strides = array<i32>} : memref<160x32xf32, #tpu.memory_space<vmem>>, vector<1x16xf32>,
    %get3A_888 = vector.shape_cast %get3A_887 : vector<1x16xf32> to vector<16xf32>
    %add3A_889 = arith.addf %get3A_883, %get3A_888 : vector<16xf32>
    %get3A_890 = arith.constant 57 : i32
    %get3A_891 = arith.index_cast %get3A_890 : i32 to index
    %get3A_892 = arith.constant 16 : index
    %get3A_893 = tpu.vector_load %arg6[%get3A_891, %get3A_892] {strides = array<i32>} : memref<160x32xf32, #tpu.memory_space<vmem>>, vector<1x16xf32>,
    %get3A_894 = vector.shape_cast %get3A_893 : vector<1x16xf32> to vector<16xf32>
    %add3A_895 = arith.addf %add3A_889, %get3A_894 : vector<16xf32>
    %get3A_896 = arith.constant 58 : i32
    %get3A_897 = arith.index_cast %get3A_896 : i32 to index
    %get3A_898 = arith.constant 16 : index
    %get3A_899 = tpu.vector_load %arg6[%get3A_897, %get3A_898] {strides = array<i32>} : memref<160x32xf32, #tpu.memory_space<vmem>>, vector<1x16xf32>,
    %get3A_900 = vector.shape_cast %get3A_899 : vector<1x16xf32> to vector<16xf32>
    %add3A_901 = arith.addf %add3A_895, %get3A_900 : vector<16xf32>
    %get3A_902 = arith.constant 59 : i32
    %get3A_903 = arith.index_cast %get3A_902 : i32 to index
    %get3A_904 = arith.constant 16 : index
    %get3A_905 = tpu.vector_load %arg6[%get3A_903, %get3A_904] {strides = array<i32>} : memref<160x32xf32, #tpu.memory_space<vmem>>, vector<1x16xf32>,
    %get3A_906 = vector.shape_cast %get3A_905 : vector<1x16xf32> to vector<16xf32>
    %add3A_907 = arith.addf %add3A_901, %get3A_906 : vector<16xf32>
    %mul3A_908 = arith.constant 2.000000e-01 : f32
    %mul3A_909 = vector.broadcast %mul3A_908 : f32 to vector<16xf32>
    %mul3A_910 = arith.mulf %add3A_907, %mul3A_909 : vector<16xf32>
    %swap3A_911 = arith.constant 11 : i32
    %swap3A_912 = arith.index_cast %swap3A_911 : i32 to index
    %swap3A_913 = arith.constant 16 : index
    %swap3A_914 = tpu.vector_load %arg7[%swap3A_912, %swap3A_913] {strides = array<i32>} : memref<32x32xf32, #tpu.memory_space<vmem>>, vector<1x16xf32>,
    %swap3A_915 = vector.shape_cast %swap3A_914 : vector<1x16xf32> to vector<16xf32>
    %swap3A_916 = vector.shape_cast %mul3A_910 : vector<16xf32> to vector<1x16xf32>
    tpu.vector_store %arg7[%swap3A_912, %swap3A_913], %swap3A_916 {strides = array<i32>} : memref<32x32xf32, #tpu.memory_space<vmem>>, vector<1x16xf32>,
    %get3A_917 = arith.constant 60 : i32
    %get3A_918 = arith.index_cast %get3A_917 : i32 to index
    %get3A_919 = arith.constant 0 : index
    %get3A_920 = tpu.vector_load %arg6[%get3A_918, %get3A_919] {strides = array<i32>} : memref<160x32xf32, #tpu.memory_space<vmem>>, vector<1x16xf32>,
    %get3A_921 = vector.shape_cast %get3A_920 : vector<1x16xf32> to vector<16xf32>
    %get3A_922 = arith.constant 61 : i32
    %get3A_923 = arith.index_cast %get3A_922 : i32 to index
    %get3A_924 = arith.constant 0 : index
    %get3A_925 = tpu.vector_load %arg6[%get3A_923, %get3A_924] {strides = array<i32>} : memref<160x32xf32, #tpu.memory_space<vmem>>, vector<1x16xf32>,
    %get3A_926 = vector.shape_cast %get3A_925 : vector<1x16xf32> to vector<16xf32>
    %add3A_927 = arith.addf %get3A_921, %get3A_926 : vector<16xf32>
    %get3A_928 = arith.constant 62 : i32
    %get3A_929 = arith.index_cast %get3A_928 : i32 to index
    %get3A_930 = arith.constant 0 : index
    %get3A_931 = tpu.vector_load %arg6[%get3A_929, %get3A_930] {strides = array<i32>} : memref<160x32xf32, #tpu.memory_space<vmem>>, vector<1x16xf32>,
    %get3A_932 = vector.shape_cast %get3A_931 : vector<1x16xf32> to vector<16xf32>
    %add3A_933 = arith.addf %add3A_927, %get3A_932 : vector<16xf32>
    %get3A_934 = arith.constant 63 : i32
    %get3A_935 = arith.index_cast %get3A_934 : i32 to index
    %get3A_936 = arith.constant 0 : index
    %get3A_937 = tpu.vector_load %arg6[%get3A_935, %get3A_936] {strides = array<i32>} : memref<160x32xf32, #tpu.memory_space<vmem>>, vector<1x16xf32>,
    %get3A_938 = vector.shape_cast %get3A_937 : vector<1x16xf32> to vector<16xf32>
    %add3A_939 = arith.addf %add3A_933, %get3A_938 : vector<16xf32>
    %get3A_940 = arith.constant 64 : i32
    %get3A_941 = arith.index_cast %get3A_940 : i32 to index
    %get3A_942 = arith.constant 0 : index
    %get3A_943 = tpu.vector_load %arg6[%get3A_941, %get3A_942] {strides = array<i32>} : memref<160x32xf32, #tpu.memory_space<vmem>>, vector<1x16xf32>,
    %get3A_944 = vector.shape_cast %get3A_943 : vector<1x16xf32> to vector<16xf32>
    %add3A_945 = arith.addf %add3A_939, %get3A_944 : vector<16xf32>
    %mul3A_946 = arith.constant 2.000000e-01 : f32
    %mul3A_947 = vector.broadcast %mul3A_946 : f32 to vector<16xf32>
    %mul3A_948 = arith.mulf %add3A_945, %mul3A_947 : vector<16xf32>
    %swap3A_949 = arith.constant 12 : i32
    %swap3A_950 = arith.index_cast %swap3A_949 : i32 to index
    %swap3A_951 = arith.constant 0 : index
    %swap3A_952 = tpu.vector_load %arg7[%swap3A_950, %swap3A_951] {strides = array<i32>} : memref<32x32xf32, #tpu.memory_space<vmem>>, vector<1x16xf32>,
    %swap3A_953 = vector.shape_cast %swap3A_952 : vector<1x16xf32> to vector<16xf32>
    %swap3A_954 = vector.shape_cast %mul3A_948 : vector<16xf32> to vector<1x16xf32>
    tpu.vector_store %arg7[%swap3A_950, %swap3A_951], %swap3A_954 {strides = array<i32>} : memref<32x32xf32, #tpu.memory_space<vmem>>, vector<1x16xf32>,
    %get3A_955 = arith.constant 60 : i32
    %get3A_956 = arith.index_cast %get3A_955 : i32 to index
    %get3A_957 = arith.constant 16 : index
    %get3A_958 = tpu.vector_load %arg6[%get3A_956, %get3A_957] {strides = array<i32>} : memref<160x32xf32, #tpu.memory_space<vmem>>, vector<1x16xf32>,
    %get3A_959 = vector.shape_cast %get3A_958 : vector<1x16xf32> to vector<16xf32>
    %get3A_960 = arith.constant 61 : i32
    %get3A_961 = arith.index_cast %get3A_960 : i32 to index
    %get3A_962 = arith.constant 16 : index
    %get3A_963 = tpu.vector_load %arg6[%get3A_961, %get3A_962] {strides = array<i32>} : memref<160x32xf32, #tpu.memory_space<vmem>>, vector<1x16xf32>,
    %get3A_964 = vector.shape_cast %get3A_963 : vector<1x16xf32> to vector<16xf32>
    %add3A_965 = arith.addf %get3A_959, %get3A_964 : vector<16xf32>
    %get3A_966 = arith.constant 62 : i32
    %get3A_967 = arith.index_cast %get3A_966 : i32 to index
    %get3A_968 = arith.constant 16 : index
    %get3A_969 = tpu.vector_load %arg6[%get3A_967, %get3A_968] {strides = array<i32>} : memref<160x32xf32, #tpu.memory_space<vmem>>, vector<1x16xf32>,
    %get3A_970 = vector.shape_cast %get3A_969 : vector<1x16xf32> to vector<16xf32>
    %add3A_971 = arith.addf %add3A_965, %get3A_970 : vector<16xf32>
    %get3A_972 = arith.constant 63 : i32
    %get3A_973 = arith.index_cast %get3A_972 : i32 to index
    %get3A_974 = arith.constant 16 : index
    %get3A_975 = tpu.vector_load %arg6[%get3A_973, %get3A_974] {strides = array<i32>} : memref<160x32xf32, #tpu.memory_space<vmem>>, vector<1x16xf32>,
    %get3A_976 = vector.shape_cast %get3A_975 : vector<1x16xf32> to vector<16xf32>
    %add3A_977 = arith.addf %add3A_971, %get3A_976 : vector<16xf32>
    %get3A_978 = arith.constant 64 : i32
    %get3A_979 = arith.index_cast %get3A_978 : i32 to index
    %get3A_980 = arith.constant 16 : index
    %get3A_981 = tpu.vector_load %arg6[%get3A_979, %get3A_980] {strides = array<i32>} : memref<160x32xf32, #tpu.memory_space<vmem>>, vector<1x16xf32>,
    %get3A_982 = vector.shape_cast %get3A_981 : vector<1x16xf32> to vector<16xf32>
    %add3A_983 = arith.addf %add3A_977, %get3A_982 : vector<16xf32>
    %mul3A_984 = arith.constant 2.000000e-01 : f32
    %mul3A_985 = vector.broadcast %mul3A_984 : f32 to vector<16xf32>
    %mul3A_986 = arith.mulf %add3A_983, %mul3A_985 : vector<16xf32>
    %swap3A_987 = arith.constant 12 : i32
    %swap3A_988 = arith.index_cast %swap3A_987 : i32 to index
    %swap3A_989 = arith.constant 16 : index
    %swap3A_990 = tpu.vector_load %arg7[%swap3A_988, %swap3A_989] {strides = array<i32>} : memref<32x32xf32, #tpu.memory_space<vmem>>, vector<1x16xf32>,
    %swap3A_991 = vector.shape_cast %swap3A_990 : vector<1x16xf32> to vector<16xf32>
    %swap3A_992 = vector.shape_cast %mul3A_986 : vector<16xf32> to vector<1x16xf32>
    tpu.vector_store %arg7[%swap3A_988, %swap3A_989], %swap3A_992 {strides = array<i32>} : memref<32x32xf32, #tpu.memory_space<vmem>>, vector<1x16xf32>,
    %get3A_993 = arith.constant 65 : i32
    %get3A_994 = arith.index_cast %get3A_993 : i32 to index
    %get3A_995 = arith.constant 0 : index
    %get3A_996 = tpu.vector_load %arg6[%get3A_994, %get3A_995] {strides = array<i32>} : memref<160x32xf32, #tpu.memory_space<vmem>>, vector<1x16xf32>,
    %get3A_997 = vector.shape_cast %get3A_996 : vector<1x16xf32> to vector<16xf32>
    %get3A_998 = arith.constant 66 : i32
    %get3A_999 = arith.index_cast %get3A_998 : i32 to index
    %get3A_1000 = arith.constant 0 : index
    %get3A_1001 = tpu.vector_load %arg6[%get3A_999, %get3A_1000] {strides = array<i32>} : memref<160x32xf32, #tpu.memory_space<vmem>>, vector<1x16xf32>,
    %get3A_1002 = vector.shape_cast %get3A_1001 : vector<1x16xf32> to vector<16xf32>
    %add3A_1003 = arith.addf %get3A_997, %get3A_1002 : vector<16xf32>
    %get3A_1004 = arith.constant 67 : i32
    %get3A_1005 = arith.index_cast %get3A_1004 : i32 to index
    %get3A_1006 = arith.constant 0 : index
    %get3A_1007 = tpu.vector_load %arg6[%get3A_1005, %get3A_1006] {strides = array<i32>} : memref<160x32xf32, #tpu.memory_space<vmem>>, vector<1x16xf32>,
    %get3A_1008 = vector.shape_cast %get3A_1007 : vector<1x16xf32> to vector<16xf32>
    %add3A_1009 = arith.addf %add3A_1003, %get3A_1008 : vector<16xf32>
    %get3A_1010 = arith.constant 68 : i32
    %get3A_1011 = arith.index_cast %get3A_1010 : i32 to index
    %get3A_1012 = arith.constant 0 : index
    %get3A_1013 = tpu.vector_load %arg6[%get3A_1011, %get3A_1012] {strides = array<i32>} : memref<160x32xf32, #tpu.memory_space<vmem>>, vector<1x16xf32>,
    %get3A_1014 = vector.shape_cast %get3A_1013 : vector<1x16xf32> to vector<16xf32>
    %add3A_1015 = arith.addf %add3A_1009, %get3A_1014 : vector<16xf32>
    %get3A_1016 = arith.constant 69 : i32
    %get3A_1017 = arith.index_cast %get3A_1016 : i32 to index
    %get3A_1018 = arith.constant 0 : index
    %get3A_1019 = tpu.vector_load %arg6[%get3A_1017, %get3A_1018] {strides = array<i32>} : memref<160x32xf32, #tpu.memory_space<vmem>>, vector<1x16xf32>,
    %get3A_1020 = vector.shape_cast %get3A_1019 : vector<1x16xf32> to vector<16xf32>
    %add3A_1021 = arith.addf %add3A_1015, %get3A_1020 : vector<16xf32>
    %mul3A_1022 = arith.constant 2.000000e-01 : f32
    %mul3A_1023 = vector.broadcast %mul3A_1022 : f32 to vector<16xf32>
    %mul3A_1024 = arith.mulf %add3A_1021, %mul3A_1023 : vector<16xf32>
    %swap3A_1025 = arith.constant 13 : i32
    %swap3A_1026 = arith.index_cast %swap3A_1025 : i32 to index
    %swap3A_1027 = arith.constant 0 : index
    %swap3A_1028 = tpu.vector_load %arg7[%swap3A_1026, %swap3A_1027] {strides = array<i32>} : memref<32x32xf32, #tpu.memory_space<vmem>>, vector<1x16xf32>,
    %swap3A_1029 = vector.shape_cast %swap3A_1028 : vector<1x16xf32> to vector<16xf32>
    %swap3A_1030 = vector.shape_cast %mul3A_1024 : vector<16xf32> to vector<1x16xf32>
    tpu.vector_store %arg7[%swap3A_1026, %swap3A_1027], %swap3A_1030 {strides = array<i32>} : memref<32x32xf32, #tpu.memory_space<vmem>>, vector<1x16xf32>,
    %get3A_1031 = arith.constant 65 : i32
    %get3A_1032 = arith.index_cast %get3A_1031 : i32 to index
    %get3A_1033 = arith.constant 16 : index
    %get3A_1034 = tpu.vector_load %arg6[%get3A_1032, %get3A_1033] {strides = array<i32>} : memref<160x32xf32, #tpu.memory_space<vmem>>, vector<1x16xf32>,
    %get3A_1035 = vector.shape_cast %get3A_1034 : vector<1x16xf32> to vector<16xf32>
    %get3A_1036 = arith.constant 66 : i32
    %get3A_1037 = arith.index_cast %get3A_1036 : i32 to index
    %get3A_1038 = arith.constant 16 : index
    %get3A_1039 = tpu.vector_load %arg6[%get3A_1037, %get3A_1038] {strides = array<i32>} : memref<160x32xf32, #tpu.memory_space<vmem>>, vector<1x16xf32>,
    %get3A_1040 = vector.shape_cast %get3A_1039 : vector<1x16xf32> to vector<16xf32>
    %add3A_1041 = arith.addf %get3A_1035, %get3A_1040 : vector<16xf32>
    %get3A_1042 = arith.constant 67 : i32
    %get3A_1043 = arith.index_cast %get3A_1042 : i32 to index
    %get3A_1044 = arith.constant 16 : index
    %get3A_1045 = tpu.vector_load %arg6[%get3A_1043, %get3A_1044] {strides = array<i32>} : memref<160x32xf32, #tpu.memory_space<vmem>>, vector<1x16xf32>,
    %get3A_1046 = vector.shape_cast %get3A_1045 : vector<1x16xf32> to vector<16xf32>
    %add3A_1047 = arith.addf %add3A_1041, %get3A_1046 : vector<16xf32>
    %get3A_1048 = arith.constant 68 : i32
    %get3A_1049 = arith.index_cast %get3A_1048 : i32 to index
    %get3A_1050 = arith.constant 16 : index
    %get3A_1051 = tpu.vector_load %arg6[%get3A_1049, %get3A_1050] {strides = array<i32>} : memref<160x32xf32, #tpu.memory_space<vmem>>, vector<1x16xf32>,
    %get3A_1052 = vector.shape_cast %get3A_1051 : vector<1x16xf32> to vector<16xf32>
    %add3A_1053 = arith.addf %add3A_1047, %get3A_1052 : vector<16xf32>
    %get3A_1054 = arith.constant 69 : i32
    %get3A_1055 = arith.index_cast %get3A_1054 : i32 to index
    %get3A_1056 = arith.constant 16 : index
    %get3A_1057 = tpu.vector_load %arg6[%get3A_1055, %get3A_1056] {strides = array<i32>} : memref<160x32xf32, #tpu.memory_space<vmem>>, vector<1x16xf32>,
    %get3A_1058 = vector.shape_cast %get3A_1057 : vector<1x16xf32> to vector<16xf32>
    %add3A_1059 = arith.addf %add3A_1053, %get3A_1058 : vector<16xf32>
    %mul3A_1060 = arith.constant 2.000000e-01 : f32
    %mul3A_1061 = vector.broadcast %mul3A_1060 : f32 to vector<16xf32>
    %mul3A_1062 = arith.mulf %add3A_1059, %mul3A_1061 : vector<16xf32>
    %swap3A_1063 = arith.constant 13 : i32
    %swap3A_1064 = arith.index_cast %swap3A_1063 : i32 to index
    %swap3A_1065 = arith.constant 16 : index
    %swap3A_1066 = tpu.vector_load %arg7[%swap3A_1064, %swap3A_1065] {strides = array<i32>} : memref<32x32xf32, #tpu.memory_space<vmem>>, vector<1x16xf32>,
    %swap3A_1067 = vector.shape_cast %swap3A_1066 : vector<1x16xf32> to vector<16xf32>
    %swap3A_1068 = vector.shape_cast %mul3A_1062 : vector<16xf32> to vector<1x16xf32>
    tpu.vector_store %arg7[%swap3A_1064, %swap3A_1065], %swap3A_1068 {strides = array<i32>} : memref<32x32xf32, #tpu.memory_space<vmem>>, vector<1x16xf32>,
    %get3A_1069 = arith.constant 70 : i32
    %get3A_1070 = arith.index_cast %get3A_1069 : i32 to index
    %get3A_1071 = arith.constant 0 : index
    %get3A_1072 = tpu.vector_load %arg6[%get3A_1070, %get3A_1071] {strides = array<i32>} : memref<160x32xf32, #tpu.memory_space<vmem>>, vector<1x16xf32>,
    %get3A_1073 = vector.shape_cast %get3A_1072 : vector<1x16xf32> to vector<16xf32>
    %get3A_1074 = arith.constant 71 : i32
    %get3A_1075 = arith.index_cast %get3A_1074 : i32 to index
    %get3A_1076 = arith.constant 0 : index
    %get3A_1077 = tpu.vector_load %arg6[%get3A_1075, %get3A_1076] {strides = array<i32>} : memref<160x32xf32, #tpu.memory_space<vmem>>, vector<1x16xf32>,
    %get3A_1078 = vector.shape_cast %get3A_1077 : vector<1x16xf32> to vector<16xf32>
    %add3A_1079 = arith.addf %get3A_1073, %get3A_1078 : vector<16xf32>
    %get3A_1080 = arith.constant 72 : i32
    %get3A_1081 = arith.index_cast %get3A_1080 : i32 to index
    %get3A_1082 = arith.constant 0 : index
    %get3A_1083 = tpu.vector_load %arg6[%get3A_1081, %get3A_1082] {strides = array<i32>} : memref<160x32xf32, #tpu.memory_space<vmem>>, vector<1x16xf32>,
    %get3A_1084 = vector.shape_cast %get3A_1083 : vector<1x16xf32> to vector<16xf32>
    %add3A_1085 = arith.addf %add3A_1079, %get3A_1084 : vector<16xf32>
    %get3A_1086 = arith.constant 73 : i32
    %get3A_1087 = arith.index_cast %get3A_1086 : i32 to index
    %get3A_1088 = arith.constant 0 : index
    %get3A_1089 = tpu.vector_load %arg6[%get3A_1087, %get3A_1088] {strides = array<i32>} : memref<160x32xf32, #tpu.memory_space<vmem>>, vector<1x16xf32>,
    %get3A_1090 = vector.shape_cast %get3A_1089 : vector<1x16xf32> to vector<16xf32>
    %add3A_1091 = arith.addf %add3A_1085, %get3A_1090 : vector<16xf32>
    %get3A_1092 = arith.constant 74 : i32
    %get3A_1093 = arith.index_cast %get3A_1092 : i32 to index
    %get3A_1094 = arith.constant 0 : index
    %get3A_1095 = tpu.vector_load %arg6[%get3A_1093, %get3A_1094] {strides = array<i32>} : memref<160x32xf32, #tpu.memory_space<vmem>>, vector<1x16xf32>,
    %get3A_1096 = vector.shape_cast %get3A_1095 : vector<1x16xf32> to vector<16xf32>
    %add3A_1097 = arith.addf %add3A_1091, %get3A_1096 : vector<16xf32>
    %mul3A_1098 = arith.constant 2.000000e-01 : f32
    %mul3A_1099 = vector.broadcast %mul3A_1098 : f32 to vector<16xf32>
    %mul3A_1100 = arith.mulf %add3A_1097, %mul3A_1099 : vector<16xf32>
    %swap3A_1101 = arith.constant 14 : i32
    %swap3A_1102 = arith.index_cast %swap3A_1101 : i32 to index
    %swap3A_1103 = arith.constant 0 : index
    %swap3A_1104 = tpu.vector_load %arg7[%swap3A_1102, %swap3A_1103] {strides = array<i32>} : memref<32x32xf32, #tpu.memory_space<vmem>>, vector<1x16xf32>,
    %swap3A_1105 = vector.shape_cast %swap3A_1104 : vector<1x16xf32> to vector<16xf32>
    %swap3A_1106 = vector.shape_cast %mul3A_1100 : vector<16xf32> to vector<1x16xf32>
    tpu.vector_store %arg7[%swap3A_1102, %swap3A_1103], %swap3A_1106 {strides = array<i32>} : memref<32x32xf32, #tpu.memory_space<vmem>>, vector<1x16xf32>,
    %get3A_1107 = arith.constant 70 : i32
    %get3A_1108 = arith.index_cast %get3A_1107 : i32 to index
    %get3A_1109 = arith.constant 16 : index
    %get3A_1110 = tpu.vector_load %arg6[%get3A_1108, %get3A_1109] {strides = array<i32>} : memref<160x32xf32, #tpu.memory_space<vmem>>, vector<1x16xf32>,
    %get3A_1111 = vector.shape_cast %get3A_1110 : vector<1x16xf32> to vector<16xf32>
    %get3A_1112 = arith.constant 71 : i32
    %get3A_1113 = arith.index_cast %get3A_1112 : i32 to index
    %get3A_1114 = arith.constant 16 : index
    %get3A_1115 = tpu.vector_load %arg6[%get3A_1113, %get3A_1114] {strides = array<i32>} : memref<160x32xf32, #tpu.memory_space<vmem>>, vector<1x16xf32>,
    %get3A_1116 = vector.shape_cast %get3A_1115 : vector<1x16xf32> to vector<16xf32>
    %add3A_1117 = arith.addf %get3A_1111, %get3A_1116 : vector<16xf32>
    %get3A_1118 = arith.constant 72 : i32
    %get3A_1119 = arith.index_cast %get3A_1118 : i32 to index
    %get3A_1120 = arith.constant 16 : index
    %get3A_1121 = tpu.vector_load %arg6[%get3A_1119, %get3A_1120] {strides = array<i32>} : memref<160x32xf32, #tpu.memory_space<vmem>>, vector<1x16xf32>,
    %get3A_1122 = vector.shape_cast %get3A_1121 : vector<1x16xf32> to vector<16xf32>
    %add3A_1123 = arith.addf %add3A_1117, %get3A_1122 : vector<16xf32>
    %get3A_1124 = arith.constant 73 : i32
    %get3A_1125 = arith.index_cast %get3A_1124 : i32 to index
    %get3A_1126 = arith.constant 16 : index
    %get3A_1127 = tpu.vector_load %arg6[%get3A_1125, %get3A_1126] {strides = array<i32>} : memref<160x32xf32, #tpu.memory_space<vmem>>, vector<1x16xf32>,
    %get3A_1128 = vector.shape_cast %get3A_1127 : vector<1x16xf32> to vector<16xf32>
    %add3A_1129 = arith.addf %add3A_1123, %get3A_1128 : vector<16xf32>
    %get3A_1130 = arith.constant 74 : i32
    %get3A_1131 = arith.index_cast %get3A_1130 : i32 to index
    %get3A_1132 = arith.constant 16 : index
    %get3A_1133 = tpu.vector_load %arg6[%get3A_1131, %get3A_1132] {strides = array<i32>} : memref<160x32xf32, #tpu.memory_space<vmem>>, vector<1x16xf32>,
    %get3A_1134 = vector.shape_cast %get3A_1133 : vector<1x16xf32> to vector<16xf32>
    %add3A_1135 = arith.addf %add3A_1129, %get3A_1134 : vector<16xf32>
    %mul3A_1136 = arith.constant 2.000000e-01 : f32
    %mul3A_1137 = vector.broadcast %mul3A_1136 : f32 to vector<16xf32>
    %mul3A_1138 = arith.mulf %add3A_1135, %mul3A_1137 : vector<16xf32>
    %swap3A_1139 = arith.constant 14 : i32
    %swap3A_1140 = arith.index_cast %swap3A_1139 : i32 to index
    %swap3A_1141 = arith.constant 16 : index
    %swap3A_1142 = tpu.vector_load %arg7[%swap3A_1140, %swap3A_1141] {strides = array<i32>} : memref<32x32xf32, #tpu.memory_space<vmem>>, vector<1x16xf32>,
    %swap3A_1143 = vector.shape_cast %swap3A_1142 : vector<1x16xf32> to vector<16xf32>
    %swap3A_1144 = vector.shape_cast %mul3A_1138 : vector<16xf32> to vector<1x16xf32>
    tpu.vector_store %arg7[%swap3A_1140, %swap3A_1141], %swap3A_1144 {strides = array<i32>} : memref<32x32xf32, #tpu.memory_space<vmem>>, vector<1x16xf32>,
    %get3A_1145 = arith.constant 75 : i32
    %get3A_1146 = arith.index_cast %get3A_1145 : i32 to index
    %get3A_1147 = arith.constant 0 : index
    %get3A_1148 = tpu.vector_load %arg6[%get3A_1146, %get3A_1147] {strides = array<i32>} : memref<160x32xf32, #tpu.memory_space<vmem>>, vector<1x16xf32>,
    %get3A_1149 = vector.shape_cast %get3A_1148 : vector<1x16xf32> to vector<16xf32>
    %get3A_1150 = arith.constant 76 : i32
    %get3A_1151 = arith.index_cast %get3A_1150 : i32 to index
    %get3A_1152 = arith.constant 0 : index
    %get3A_1153 = tpu.vector_load %arg6[%get3A_1151, %get3A_1152] {strides = array<i32>} : memref<160x32xf32, #tpu.memory_space<vmem>>, vector<1x16xf32>,
    %get3A_1154 = vector.shape_cast %get3A_1153 : vector<1x16xf32> to vector<16xf32>
    %add3A_1155 = arith.addf %get3A_1149, %get3A_1154 : vector<16xf32>
    %get3A_1156 = arith.constant 77 : i32
    %get3A_1157 = arith.index_cast %get3A_1156 : i32 to index
    %get3A_1158 = arith.constant 0 : index
    %get3A_1159 = tpu.vector_load %arg6[%get3A_1157, %get3A_1158] {strides = array<i32>} : memref<160x32xf32, #tpu.memory_space<vmem>>, vector<1x16xf32>,
    %get3A_1160 = vector.shape_cast %get3A_1159 : vector<1x16xf32> to vector<16xf32>
    %add3A_1161 = arith.addf %add3A_1155, %get3A_1160 : vector<16xf32>
    %get3A_1162 = arith.constant 78 : i32
    %get3A_1163 = arith.index_cast %get3A_1162 : i32 to index
    %get3A_1164 = arith.constant 0 : index
    %get3A_1165 = tpu.vector_load %arg6[%get3A_1163, %get3A_1164] {strides = array<i32>} : memref<160x32xf32, #tpu.memory_space<vmem>>, vector<1x16xf32>,
    %get3A_1166 = vector.shape_cast %get3A_1165 : vector<1x16xf32> to vector<16xf32>
    %add3A_1167 = arith.addf %add3A_1161, %get3A_1166 : vector<16xf32>
    %get3A_1168 = arith.constant 79 : i32
    %get3A_1169 = arith.index_cast %get3A_1168 : i32 to index
    %get3A_1170 = arith.constant 0 : index
    %get3A_1171 = tpu.vector_load %arg6[%get3A_1169, %get3A_1170] {strides = array<i32>} : memref<160x32xf32, #tpu.memory_space<vmem>>, vector<1x16xf32>,
    %get3A_1172 = vector.shape_cast %get3A_1171 : vector<1x16xf32> to vector<16xf32>
    %add3A_1173 = arith.addf %add3A_1167, %get3A_1172 : vector<16xf32>
    %mul3A_1174 = arith.constant 2.000000e-01 : f32
    %mul3A_1175 = vector.broadcast %mul3A_1174 : f32 to vector<16xf32>
    %mul3A_1176 = arith.mulf %add3A_1173, %mul3A_1175 : vector<16xf32>
    %swap3A_1177 = arith.constant 15 : i32
    %swap3A_1178 = arith.index_cast %swap3A_1177 : i32 to index
    %swap3A_1179 = arith.constant 0 : index
    %swap3A_1180 = tpu.vector_load %arg7[%swap3A_1178, %swap3A_1179] {strides = array<i32>} : memref<32x32xf32, #tpu.memory_space<vmem>>, vector<1x16xf32>,
    %swap3A_1181 = vector.shape_cast %swap3A_1180 : vector<1x16xf32> to vector<16xf32>
    %swap3A_1182 = vector.shape_cast %mul3A_1176 : vector<16xf32> to vector<1x16xf32>
    tpu.vector_store %arg7[%swap3A_1178, %swap3A_1179], %swap3A_1182 {strides = array<i32>} : memref<32x32xf32, #tpu.memory_space<vmem>>, vector<1x16xf32>,
    %get3A_1183 = arith.constant 75 : i32
    %get3A_1184 = arith.index_cast %get3A_1183 : i32 to index
    %get3A_1185 = arith.constant 16 : index
    %get3A_1186 = tpu.vector_load %arg6[%get3A_1184, %get3A_1185] {strides = array<i32>} : memref<160x32xf32, #tpu.memory_space<vmem>>, vector<1x16xf32>,
    %get3A_1187 = vector.shape_cast %get3A_1186 : vector<1x16xf32> to vector<16xf32>
    %get3A_1188 = arith.constant 76 : i32
    %get3A_1189 = arith.index_cast %get3A_1188 : i32 to index
    %get3A_1190 = arith.constant 16 : index
    %get3A_1191 = tpu.vector_load %arg6[%get3A_1189, %get3A_1190] {strides = array<i32>} : memref<160x32xf32, #tpu.memory_space<vmem>>, vector<1x16xf32>,
    %get3A_1192 = vector.shape_cast %get3A_1191 : vector<1x16xf32> to vector<16xf32>
    %add3A_1193 = arith.addf %get3A_1187, %get3A_1192 : vector<16xf32>
    %get3A_1194 = arith.constant 77 : i32
    %get3A_1195 = arith.index_cast %get3A_1194 : i32 to index
    %get3A_1196 = arith.constant 16 : index
    %get3A_1197 = tpu.vector_load %arg6[%get3A_1195, %get3A_1196] {strides = array<i32>} : memref<160x32xf32, #tpu.memory_space<vmem>>, vector<1x16xf32>,
    %get3A_1198 = vector.shape_cast %get3A_1197 : vector<1x16xf32> to vector<16xf32>
    %add3A_1199 = arith.addf %add3A_1193, %get3A_1198 : vector<16xf32>
    %get3A_1200 = arith.constant 78 : i32
    %get3A_1201 = arith.index_cast %get3A_1200 : i32 to index
    %get3A_1202 = arith.constant 16 : index
    %get3A_1203 = tpu.vector_load %arg6[%get3A_1201, %get3A_1202] {strides = array<i32>} : memref<160x32xf32, #tpu.memory_space<vmem>>, vector<1x16xf32>,
    %get3A_1204 = vector.shape_cast %get3A_1203 : vector<1x16xf32> to vector<16xf32>
    %add3A_1205 = arith.addf %add3A_1199, %get3A_1204 : vector<16xf32>
    %get3A_1206 = arith.constant 79 : i32
    %get3A_1207 = arith.index_cast %get3A_1206 : i32 to index
    %get3A_1208 = arith.constant 16 : index
    %get3A_1209 = tpu.vector_load %arg6[%get3A_1207, %get3A_1208] {strides = array<i32>} : memref<160x32xf32, #tpu.memory_space<vmem>>, vector<1x16xf32>,
    %get3A_1210 = vector.shape_cast %get3A_1209 : vector<1x16xf32> to vector<16xf32>
    %add3A_1211 = arith.addf %add3A_1205, %get3A_1210 : vector<16xf32>
    %mul3A_1212 = arith.constant 2.000000e-01 : f32
    %mul3A_1213 = vector.broadcast %mul3A_1212 : f32 to vector<16xf32>
    %mul3A_1214 = arith.mulf %add3A_1211, %mul3A_1213 : vector<16xf32>
    %swap3A_1215 = arith.constant 15 : i32
    %swap3A_1216 = arith.index_cast %swap3A_1215 : i32 to index
    %swap3A_1217 = arith.constant 16 : index
    %swap3A_1218 = tpu.vector_load %arg7[%swap3A_1216, %swap3A_1217] {strides = array<i32>} : memref<32x32xf32, #tpu.memory_space<vmem>>, vector<1x16xf32>,
    %swap3A_1219 = vector.shape_cast %swap3A_1218 : vector<1x16xf32> to vector<16xf32>
    %swap3A_1220 = vector.shape_cast %mul3A_1214 : vector<16xf32> to vector<1x16xf32>
    tpu.vector_store %arg7[%swap3A_1216, %swap3A_1217], %swap3A_1220 {strides = array<i32>} : memref<32x32xf32, #tpu.memory_space<vmem>>, vector<1x16xf32>,
    %get3A_1221 = arith.constant 80 : i32
    %get3A_1222 = arith.index_cast %get3A_1221 : i32 to index
    %get3A_1223 = arith.constant 0 : index
    %get3A_1224 = tpu.vector_load %arg6[%get3A_1222, %get3A_1223] {strides = array<i32>} : memref<160x32xf32, #tpu.memory_space<vmem>>, vector<1x16xf32>,
    %get3A_1225 = vector.shape_cast %get3A_1224 : vector<1x16xf32> to vector<16xf32>
    %get3A_1226 = arith.constant 81 : i32
    %get3A_1227 = arith.index_cast %get3A_1226 : i32 to index
    %get3A_1228 = arith.constant 0 : index
    %get3A_1229 = tpu.vector_load %arg6[%get3A_1227, %get3A_1228] {strides = array<i32>} : memref<160x32xf32, #tpu.memory_space<vmem>>, vector<1x16xf32>,
    %get3A_1230 = vector.shape_cast %get3A_1229 : vector<1x16xf32> to vector<16xf32>
    %add3A_1231 = arith.addf %get3A_1225, %get3A_1230 : vector<16xf32>
    %get3A_1232 = arith.constant 82 : i32
    %get3A_1233 = arith.index_cast %get3A_1232 : i32 to index
    %get3A_1234 = arith.constant 0 : index
    %get3A_1235 = tpu.vector_load %arg6[%get3A_1233, %get3A_1234] {strides = array<i32>} : memref<160x32xf32, #tpu.memory_space<vmem>>, vector<1x16xf32>,
    %get3A_1236 = vector.shape_cast %get3A_1235 : vector<1x16xf32> to vector<16xf32>
    %add3A_1237 = arith.addf %add3A_1231, %get3A_1236 : vector<16xf32>
    %get3A_1238 = arith.constant 83 : i32
    %get3A_1239 = arith.index_cast %get3A_1238 : i32 to index
    %get3A_1240 = arith.constant 0 : index
    %get3A_1241 = tpu.vector_load %arg6[%get3A_1239, %get3A_1240] {strides = array<i32>} : memref<160x32xf32, #tpu.memory_space<vmem>>, vector<1x16xf32>,
    %get3A_1242 = vector.shape_cast %get3A_1241 : vector<1x16xf32> to vector<16xf32>
    %add3A_1243 = arith.addf %add3A_1237, %get3A_1242 : vector<16xf32>
    %get3A_1244 = arith.constant 84 : i32
    %get3A_1245 = arith.index_cast %get3A_1244 : i32 to index
    %get3A_1246 = arith.constant 0 : index
    %get3A_1247 = tpu.vector_load %arg6[%get3A_1245, %get3A_1246] {strides = array<i32>} : memref<160x32xf32, #tpu.memory_space<vmem>>, vector<1x16xf32>,
    %get3A_1248 = vector.shape_cast %get3A_1247 : vector<1x16xf32> to vector<16xf32>
    %add3A_1249 = arith.addf %add3A_1243, %get3A_1248 : vector<16xf32>
    %mul3A_1250 = arith.constant 2.000000e-01 : f32
    %mul3A_1251 = vector.broadcast %mul3A_1250 : f32 to vector<16xf32>
    %mul3A_1252 = arith.mulf %add3A_1249, %mul3A_1251 : vector<16xf32>
    %swap3A_1253 = arith.constant 16 : i32
    %swap3A_1254 = arith.index_cast %swap3A_1253 : i32 to index
    %swap3A_1255 = arith.constant 0 : index
    %swap3A_1256 = tpu.vector_load %arg7[%swap3A_1254, %swap3A_1255] {strides = array<i32>} : memref<32x32xf32, #tpu.memory_space<vmem>>, vector<1x16xf32>,
    %swap3A_1257 = vector.shape_cast %swap3A_1256 : vector<1x16xf32> to vector<16xf32>
    %swap3A_1258 = vector.shape_cast %mul3A_1252 : vector<16xf32> to vector<1x16xf32>
    tpu.vector_store %arg7[%swap3A_1254, %swap3A_1255], %swap3A_1258 {strides = array<i32>} : memref<32x32xf32, #tpu.memory_space<vmem>>, vector<1x16xf32>,
    %get3A_1259 = arith.constant 80 : i32
    %get3A_1260 = arith.index_cast %get3A_1259 : i32 to index
    %get3A_1261 = arith.constant 16 : index
    %get3A_1262 = tpu.vector_load %arg6[%get3A_1260, %get3A_1261] {strides = array<i32>} : memref<160x32xf32, #tpu.memory_space<vmem>>, vector<1x16xf32>,
    %get3A_1263 = vector.shape_cast %get3A_1262 : vector<1x16xf32> to vector<16xf32>
    %get3A_1264 = arith.constant 81 : i32
    %get3A_1265 = arith.index_cast %get3A_1264 : i32 to index
    %get3A_1266 = arith.constant 16 : index
    %get3A_1267 = tpu.vector_load %arg6[%get3A_1265, %get3A_1266] {strides = array<i32>} : memref<160x32xf32, #tpu.memory_space<vmem>>, vector<1x16xf32>,
    %get3A_1268 = vector.shape_cast %get3A_1267 : vector<1x16xf32> to vector<16xf32>
    %add3A_1269 = arith.addf %get3A_1263, %get3A_1268 : vector<16xf32>
    %get3A_1270 = arith.constant 82 : i32
    %get3A_1271 = arith.index_cast %get3A_1270 : i32 to index
    %get3A_1272 = arith.constant 16 : index
    %get3A_1273 = tpu.vector_load %arg6[%get3A_1271, %get3A_1272] {strides = array<i32>} : memref<160x32xf32, #tpu.memory_space<vmem>>, vector<1x16xf32>,
    %get3A_1274 = vector.shape_cast %get3A_1273 : vector<1x16xf32> to vector<16xf32>
    %add3A_1275 = arith.addf %add3A_1269, %get3A_1274 : vector<16xf32>
    %get3A_1276 = arith.constant 83 : i32
    %get3A_1277 = arith.index_cast %get3A_1276 : i32 to index
    %get3A_1278 = arith.constant 16 : index
    %get3A_1279 = tpu.vector_load %arg6[%get3A_1277, %get3A_1278] {strides = array<i32>} : memref<160x32xf32, #tpu.memory_space<vmem>>, vector<1x16xf32>,
    %get3A_1280 = vector.shape_cast %get3A_1279 : vector<1x16xf32> to vector<16xf32>
    %add3A_1281 = arith.addf %add3A_1275, %get3A_1280 : vector<16xf32>
    %get3A_1282 = arith.constant 84 : i32
    %get3A_1283 = arith.index_cast %get3A_1282 : i32 to index
    %get3A_1284 = arith.constant 16 : index
    %get3A_1285 = tpu.vector_load %arg6[%get3A_1283, %get3A_1284] {strides = array<i32>} : memref<160x32xf32, #tpu.memory_space<vmem>>, vector<1x16xf32>,
    %get3A_1286 = vector.shape_cast %get3A_1285 : vector<1x16xf32> to vector<16xf32>
    %add3A_1287 = arith.addf %add3A_1281, %get3A_1286 : vector<16xf32>
    %mul3A_1288 = arith.constant 2.000000e-01 : f32
    %mul3A_1289 = vector.broadcast %mul3A_1288 : f32 to vector<16xf32>
    %mul3A_1290 = arith.mulf %add3A_1287, %mul3A_1289 : vector<16xf32>
    %swap3A_1291 = arith.constant 16 : i32
    %swap3A_1292 = arith.index_cast %swap3A_1291 : i32 to index
    %swap3A_1293 = arith.constant 16 : index
    %swap3A_1294 = tpu.vector_load %arg7[%swap3A_1292, %swap3A_1293] {strides = array<i32>} : memref<32x32xf32, #tpu.memory_space<vmem>>, vector<1x16xf32>,
    %swap3A_1295 = vector.shape_cast %swap3A_1294 : vector<1x16xf32> to vector<16xf32>
    %swap3A_1296 = vector.shape_cast %mul3A_1290 : vector<16xf32> to vector<1x16xf32>
    tpu.vector_store %arg7[%swap3A_1292, %swap3A_1293], %swap3A_1296 {strides = array<i32>} : memref<32x32xf32, #tpu.memory_space<vmem>>, vector<1x16xf32>,
    %get3A_1297 = arith.constant 85 : i32
    %get3A_1298 = arith.index_cast %get3A_1297 : i32 to index
    %get3A_1299 = arith.constant 0 : index
    %get3A_1300 = tpu.vector_load %arg6[%get3A_1298, %get3A_1299] {strides = array<i32>} : memref<160x32xf32, #tpu.memory_space<vmem>>, vector<1x16xf32>,
    %get3A_1301 = vector.shape_cast %get3A_1300 : vector<1x16xf32> to vector<16xf32>
    %get3A_1302 = arith.constant 86 : i32
    %get3A_1303 = arith.index_cast %get3A_1302 : i32 to index
    %get3A_1304 = arith.constant 0 : index
    %get3A_1305 = tpu.vector_load %arg6[%get3A_1303, %get3A_1304] {strides = array<i32>} : memref<160x32xf32, #tpu.memory_space<vmem>>, vector<1x16xf32>,
    %get3A_1306 = vector.shape_cast %get3A_1305 : vector<1x16xf32> to vector<16xf32>
    %add3A_1307 = arith.addf %get3A_1301, %get3A_1306 : vector<16xf32>
    %get3A_1308 = arith.constant 87 : i32
    %get3A_1309 = arith.index_cast %get3A_1308 : i32 to index
    %get3A_1310 = arith.constant 0 : index
    %get3A_1311 = tpu.vector_load %arg6[%get3A_1309, %get3A_1310] {strides = array<i32>} : memref<160x32xf32, #tpu.memory_space<vmem>>, vector<1x16xf32>,
    %get3A_1312 = vector.shape_cast %get3A_1311 : vector<1x16xf32> to vector<16xf32>
    %add3A_1313 = arith.addf %add3A_1307, %get3A_1312 : vector<16xf32>
    %get3A_1314 = arith.constant 88 : i32
    %get3A_1315 = arith.index_cast %get3A_1314 : i32 to index
    %get3A_1316 = arith.constant 0 : index
    %get3A_1317 = tpu.vector_load %arg6[%get3A_1315, %get3A_1316] {strides = array<i32>} : memref<160x32xf32, #tpu.memory_space<vmem>>, vector<1x16xf32>,
    %get3A_1318 = vector.shape_cast %get3A_1317 : vector<1x16xf32> to vector<16xf32>
    %add3A_1319 = arith.addf %add3A_1313, %get3A_1318 : vector<16xf32>
    %get3A_1320 = arith.constant 89 : i32
    %get3A_1321 = arith.index_cast %get3A_1320 : i32 to index
    %get3A_1322 = arith.constant 0 : index
    %get3A_1323 = tpu.vector_load %arg6[%get3A_1321, %get3A_1322] {strides = array<i32>} : memref<160x32xf32, #tpu.memory_space<vmem>>, vector<1x16xf32>,
    %get3A_1324 = vector.shape_cast %get3A_1323 : vector<1x16xf32> to vector<16xf32>
    %add3A_1325 = arith.addf %add3A_1319, %get3A_1324 : vector<16xf32>
    %mul3A_1326 = arith.constant 2.000000e-01 : f32
    %mul3A_1327 = vector.broadcast %mul3A_1326 : f32 to vector<16xf32>
    %mul3A_1328 = arith.mulf %add3A_1325, %mul3A_1327 : vector<16xf32>
    %swap3A_1329 = arith.constant 17 : i32
    %swap3A_1330 = arith.index_cast %swap3A_1329 : i32 to index
    %swap3A_1331 = arith.constant 0 : index
    %swap3A_1332 = tpu.vector_load %arg7[%swap3A_1330, %swap3A_1331] {strides = array<i32>} : memref<32x32xf32, #tpu.memory_space<vmem>>, vector<1x16xf32>,
    %swap3A_1333 = vector.shape_cast %swap3A_1332 : vector<1x16xf32> to vector<16xf32>
    %swap3A_1334 = vector.shape_cast %mul3A_1328 : vector<16xf32> to vector<1x16xf32>
    tpu.vector_store %arg7[%swap3A_1330, %swap3A_1331], %swap3A_1334 {strides = array<i32>} : memref<32x32xf32, #tpu.memory_space<vmem>>, vector<1x16xf32>,
    %get3A_1335 = arith.constant 85 : i32
    %get3A_1336 = arith.index_cast %get3A_1335 : i32 to index
    %get3A_1337 = arith.constant 16 : index
    %get3A_1338 = tpu.vector_load %arg6[%get3A_1336, %get3A_1337] {strides = array<i32>} : memref<160x32xf32, #tpu.memory_space<vmem>>, vector<1x16xf32>,
    %get3A_1339 = vector.shape_cast %get3A_1338 : vector<1x16xf32> to vector<16xf32>
    %get3A_1340 = arith.constant 86 : i32
    %get3A_1341 = arith.index_cast %get3A_1340 : i32 to index
    %get3A_1342 = arith.constant 16 : index
    %get3A_1343 = tpu.vector_load %arg6[%get3A_1341, %get3A_1342] {strides = array<i32>} : memref<160x32xf32, #tpu.memory_space<vmem>>, vector<1x16xf32>,
    %get3A_1344 = vector.shape_cast %get3A_1343 : vector<1x16xf32> to vector<16xf32>
    %add3A_1345 = arith.addf %get3A_1339, %get3A_1344 : vector<16xf32>
    %get3A_1346 = arith.constant 87 : i32
    %get3A_1347 = arith.index_cast %get3A_1346 : i32 to index
    %get3A_1348 = arith.constant 16 : index
    %get3A_1349 = tpu.vector_load %arg6[%get3A_1347, %get3A_1348] {strides = array<i32>} : memref<160x32xf32, #tpu.memory_space<vmem>>, vector<1x16xf32>,
    %get3A_1350 = vector.shape_cast %get3A_1349 : vector<1x16xf32> to vector<16xf32>
    %add3A_1351 = arith.addf %add3A_1345, %get3A_1350 : vector<16xf32>
    %get3A_1352 = arith.constant 88 : i32
    %get3A_1353 = arith.index_cast %get3A_1352 : i32 to index
    %get3A_1354 = arith.constant 16 : index
    %get3A_1355 = tpu.vector_load %arg6[%get3A_1353, %get3A_1354] {strides = array<i32>} : memref<160x32xf32, #tpu.memory_space<vmem>>, vector<1x16xf32>,
    %get3A_1356 = vector.shape_cast %get3A_1355 : vector<1x16xf32> to vector<16xf32>
    %add3A_1357 = arith.addf %add3A_1351, %get3A_1356 : vector<16xf32>
    %get3A_1358 = arith.constant 89 : i32
    %get3A_1359 = arith.index_cast %get3A_1358 : i32 to index
    %get3A_1360 = arith.constant 16 : index
    %get3A_1361 = tpu.vector_load %arg6[%get3A_1359, %get3A_1360] {strides = array<i32>} : memref<160x32xf32, #tpu.memory_space<vmem>>, vector<1x16xf32>,
    %get3A_1362 = vector.shape_cast %get3A_1361 : vector<1x16xf32> to vector<16xf32>
    %add3A_1363 = arith.addf %add3A_1357, %get3A_1362 : vector<16xf32>
    %mul3A_1364 = arith.constant 2.000000e-01 : f32
    %mul3A_1365 = vector.broadcast %mul3A_1364 : f32 to vector<16xf32>
    %mul3A_1366 = arith.mulf %add3A_1363, %mul3A_1365 : vector<16xf32>
    %swap3A_1367 = arith.constant 17 : i32
    %swap3A_1368 = arith.index_cast %swap3A_1367 : i32 to index
    %swap3A_1369 = arith.constant 16 : index
    %swap3A_1370 = tpu.vector_load %arg7[%swap3A_1368, %swap3A_1369] {strides = array<i32>} : memref<32x32xf32, #tpu.memory_space<vmem>>, vector<1x16xf32>,
    %swap3A_1371 = vector.shape_cast %swap3A_1370 : vector<1x16xf32> to vector<16xf32>
    %swap3A_1372 = vector.shape_cast %mul3A_1366 : vector<16xf32> to vector<1x16xf32>
    tpu.vector_store %arg7[%swap3A_1368, %swap3A_1369], %swap3A_1372 {strides = array<i32>} : memref<32x32xf32, #tpu.memory_space<vmem>>, vector<1x16xf32>,
    %get3A_1373 = arith.constant 90 : i32
    %get3A_1374 = arith.index_cast %get3A_1373 : i32 to index
    %get3A_1375 = arith.constant 0 : index
    %get3A_1376 = tpu.vector_load %arg6[%get3A_1374, %get3A_1375] {strides = array<i32>} : memref<160x32xf32, #tpu.memory_space<vmem>>, vector<1x16xf32>,
    %get3A_1377 = vector.shape_cast %get3A_1376 : vector<1x16xf32> to vector<16xf32>
    %get3A_1378 = arith.constant 91 : i32
    %get3A_1379 = arith.index_cast %get3A_1378 : i32 to index
    %get3A_1380 = arith.constant 0 : index
    %get3A_1381 = tpu.vector_load %arg6[%get3A_1379, %get3A_1380] {strides = array<i32>} : memref<160x32xf32, #tpu.memory_space<vmem>>, vector<1x16xf32>,
    %get3A_1382 = vector.shape_cast %get3A_1381 : vector<1x16xf32> to vector<16xf32>
    %add3A_1383 = arith.addf %get3A_1377, %get3A_1382 : vector<16xf32>
    %get3A_1384 = arith.constant 92 : i32
    %get3A_1385 = arith.index_cast %get3A_1384 : i32 to index
    %get3A_1386 = arith.constant 0 : index
    %get3A_1387 = tpu.vector_load %arg6[%get3A_1385, %get3A_1386] {strides = array<i32>} : memref<160x32xf32, #tpu.memory_space<vmem>>, vector<1x16xf32>,
    %get3A_1388 = vector.shape_cast %get3A_1387 : vector<1x16xf32> to vector<16xf32>
    %add3A_1389 = arith.addf %add3A_1383, %get3A_1388 : vector<16xf32>
    %get3A_1390 = arith.constant 93 : i32
    %get3A_1391 = arith.index_cast %get3A_1390 : i32 to index
    %get3A_1392 = arith.constant 0 : index
    %get3A_1393 = tpu.vector_load %arg6[%get3A_1391, %get3A_1392] {strides = array<i32>} : memref<160x32xf32, #tpu.memory_space<vmem>>, vector<1x16xf32>,
    %get3A_1394 = vector.shape_cast %get3A_1393 : vector<1x16xf32> to vector<16xf32>
    %add3A_1395 = arith.addf %add3A_1389, %get3A_1394 : vector<16xf32>
    %get3A_1396 = arith.constant 94 : i32
    %get3A_1397 = arith.index_cast %get3A_1396 : i32 to index
    %get3A_1398 = arith.constant 0 : index
    %get3A_1399 = tpu.vector_load %arg6[%get3A_1397, %get3A_1398] {strides = array<i32>} : memref<160x32xf32, #tpu.memory_space<vmem>>, vector<1x16xf32>,
    %get3A_1400 = vector.shape_cast %get3A_1399 : vector<1x16xf32> to vector<16xf32>
    %add3A_1401 = arith.addf %add3A_1395, %get3A_1400 : vector<16xf32>
    %mul3A_1402 = arith.constant 2.000000e-01 : f32
    %mul3A_1403 = vector.broadcast %mul3A_1402 : f32 to vector<16xf32>
    %mul3A_1404 = arith.mulf %add3A_1401, %mul3A_1403 : vector<16xf32>
    %swap3A_1405 = arith.constant 18 : i32
    %swap3A_1406 = arith.index_cast %swap3A_1405 : i32 to index
    %swap3A_1407 = arith.constant 0 : index
    %swap3A_1408 = tpu.vector_load %arg7[%swap3A_1406, %swap3A_1407] {strides = array<i32>} : memref<32x32xf32, #tpu.memory_space<vmem>>, vector<1x16xf32>,
    %swap3A_1409 = vector.shape_cast %swap3A_1408 : vector<1x16xf32> to vector<16xf32>
    %swap3A_1410 = vector.shape_cast %mul3A_1404 : vector<16xf32> to vector<1x16xf32>
    tpu.vector_store %arg7[%swap3A_1406, %swap3A_1407], %swap3A_1410 {strides = array<i32>} : memref<32x32xf32, #tpu.memory_space<vmem>>, vector<1x16xf32>,
    %get3A_1411 = arith.constant 90 : i32
    %get3A_1412 = arith.index_cast %get3A_1411 : i32 to index
    %get3A_1413 = arith.constant 16 : index
    %get3A_1414 = tpu.vector_load %arg6[%get3A_1412, %get3A_1413] {strides = array<i32>} : memref<160x32xf32, #tpu.memory_space<vmem>>, vector<1x16xf32>,
    %get3A_1415 = vector.shape_cast %get3A_1414 : vector<1x16xf32> to vector<16xf32>
    %get3A_1416 = arith.constant 91 : i32
    %get3A_1417 = arith.index_cast %get3A_1416 : i32 to index
    %get3A_1418 = arith.constant 16 : index
    %get3A_1419 = tpu.vector_load %arg6[%get3A_1417, %get3A_1418] {strides = array<i32>} : memref<160x32xf32, #tpu.memory_space<vmem>>, vector<1x16xf32>,
    %get3A_1420 = vector.shape_cast %get3A_1419 : vector<1x16xf32> to vector<16xf32>
    %add3A_1421 = arith.addf %get3A_1415, %get3A_1420 : vector<16xf32>
    %get3A_1422 = arith.constant 92 : i32
    %get3A_1423 = arith.index_cast %get3A_1422 : i32 to index
    %get3A_1424 = arith.constant 16 : index
    %get3A_1425 = tpu.vector_load %arg6[%get3A_1423, %get3A_1424] {strides = array<i32>} : memref<160x32xf32, #tpu.memory_space<vmem>>, vector<1x16xf32>,
    %get3A_1426 = vector.shape_cast %get3A_1425 : vector<1x16xf32> to vector<16xf32>
    %add3A_1427 = arith.addf %add3A_1421, %get3A_1426 : vector<16xf32>
    %get3A_1428 = arith.constant 93 : i32
    %get3A_1429 = arith.index_cast %get3A_1428 : i32 to index
    %get3A_1430 = arith.constant 16 : index
    %get3A_1431 = tpu.vector_load %arg6[%get3A_1429, %get3A_1430] {strides = array<i32>} : memref<160x32xf32, #tpu.memory_space<vmem>>, vector<1x16xf32>,
    %get3A_1432 = vector.shape_cast %get3A_1431 : vector<1x16xf32> to vector<16xf32>
    %add3A_1433 = arith.addf %add3A_1427, %get3A_1432 : vector<16xf32>
    %get3A_1434 = arith.constant 94 : i32
    %get3A_1435 = arith.index_cast %get3A_1434 : i32 to index
    %get3A_1436 = arith.constant 16 : index
    %get3A_1437 = tpu.vector_load %arg6[%get3A_1435, %get3A_1436] {strides = array<i32>} : memref<160x32xf32, #tpu.memory_space<vmem>>, vector<1x16xf32>,
    %get3A_1438 = vector.shape_cast %get3A_1437 : vector<1x16xf32> to vector<16xf32>
    %add3A_1439 = arith.addf %add3A_1433, %get3A_1438 : vector<16xf32>
    %mul3A_1440 = arith.constant 2.000000e-01 : f32
    %mul3A_1441 = vector.broadcast %mul3A_1440 : f32 to vector<16xf32>
    %mul3A_1442 = arith.mulf %add3A_1439, %mul3A_1441 : vector<16xf32>
    %swap3A_1443 = arith.constant 18 : i32
    %swap3A_1444 = arith.index_cast %swap3A_1443 : i32 to index
    %swap3A_1445 = arith.constant 16 : index
    %swap3A_1446 = tpu.vector_load %arg7[%swap3A_1444, %swap3A_1445] {strides = array<i32>} : memref<32x32xf32, #tpu.memory_space<vmem>>, vector<1x16xf32>,
    %swap3A_1447 = vector.shape_cast %swap3A_1446 : vector<1x16xf32> to vector<16xf32>
    %swap3A_1448 = vector.shape_cast %mul3A_1442 : vector<16xf32> to vector<1x16xf32>
    tpu.vector_store %arg7[%swap3A_1444, %swap3A_1445], %swap3A_1448 {strides = array<i32>} : memref<32x32xf32, #tpu.memory_space<vmem>>, vector<1x16xf32>,
    %get3A_1449 = arith.constant 95 : i32
    %get3A_1450 = arith.index_cast %get3A_1449 : i32 to index
    %get3A_1451 = arith.constant 0 : index
    %get3A_1452 = tpu.vector_load %arg6[%get3A_1450, %get3A_1451] {strides = array<i32>} : memref<160x32xf32, #tpu.memory_space<vmem>>, vector<1x16xf32>,
    %get3A_1453 = vector.shape_cast %get3A_1452 : vector<1x16xf32> to vector<16xf32>
    %get3A_1454 = arith.constant 96 : i32
    %get3A_1455 = arith.index_cast %get3A_1454 : i32 to index
    %get3A_1456 = arith.constant 0 : index
    %get3A_1457 = tpu.vector_load %arg6[%get3A_1455, %get3A_1456] {strides = array<i32>} : memref<160x32xf32, #tpu.memory_space<vmem>>, vector<1x16xf32>,
    %get3A_1458 = vector.shape_cast %get3A_1457 : vector<1x16xf32> to vector<16xf32>
    %add3A_1459 = arith.addf %get3A_1453, %get3A_1458 : vector<16xf32>
    %get3A_1460 = arith.constant 97 : i32
    %get3A_1461 = arith.index_cast %get3A_1460 : i32 to index
    %get3A_1462 = arith.constant 0 : index
    %get3A_1463 = tpu.vector_load %arg6[%get3A_1461, %get3A_1462] {strides = array<i32>} : memref<160x32xf32, #tpu.memory_space<vmem>>, vector<1x16xf32>,
    %get3A_1464 = vector.shape_cast %get3A_1463 : vector<1x16xf32> to vector<16xf32>
    %add3A_1465 = arith.addf %add3A_1459, %get3A_1464 : vector<16xf32>
    %get3A_1466 = arith.constant 98 : i32
    %get3A_1467 = arith.index_cast %get3A_1466 : i32 to index
    %get3A_1468 = arith.constant 0 : index
    %get3A_1469 = tpu.vector_load %arg6[%get3A_1467, %get3A_1468] {strides = array<i32>} : memref<160x32xf32, #tpu.memory_space<vmem>>, vector<1x16xf32>,
    %get3A_1470 = vector.shape_cast %get3A_1469 : vector<1x16xf32> to vector<16xf32>
    %add3A_1471 = arith.addf %add3A_1465, %get3A_1470 : vector<16xf32>
    %get3A_1472 = arith.constant 99 : i32
    %get3A_1473 = arith.index_cast %get3A_1472 : i32 to index
    %get3A_1474 = arith.constant 0 : index
    %get3A_1475 = tpu.vector_load %arg6[%get3A_1473, %get3A_1474] {strides = array<i32>} : memref<160x32xf32, #tpu.memory_space<vmem>>, vector<1x16xf32>,
    %get3A_1476 = vector.shape_cast %get3A_1475 : vector<1x16xf32> to vector<16xf32>
    %add3A_1477 = arith.addf %add3A_1471, %get3A_1476 : vector<16xf32>
    %mul3A_1478 = arith.constant 2.000000e-01 : f32
    %mul3A_1479 = vector.broadcast %mul3A_1478 : f32 to vector<16xf32>
    %mul3A_1480 = arith.mulf %add3A_1477, %mul3A_1479 : vector<16xf32>
    %swap3A_1481 = arith.constant 19 : i32
    %swap3A_1482 = arith.index_cast %swap3A_1481 : i32 to index
    %swap3A_1483 = arith.constant 0 : index
    %swap3A_1484 = tpu.vector_load %arg7[%swap3A_1482, %swap3A_1483] {strides = array<i32>} : memref<32x32xf32, #tpu.memory_space<vmem>>, vector<1x16xf32>,
    %swap3A_1485 = vector.shape_cast %swap3A_1484 : vector<1x16xf32> to vector<16xf32>
    %swap3A_1486 = vector.shape_cast %mul3A_1480 : vector<16xf32> to vector<1x16xf32>
    tpu.vector_store %arg7[%swap3A_1482, %swap3A_1483], %swap3A_1486 {strides = array<i32>} : memref<32x32xf32, #tpu.memory_space<vmem>>, vector<1x16xf32>,
    %get3A_1487 = arith.constant 95 : i32
    %get3A_1488 = arith.index_cast %get3A_1487 : i32 to index
    %get3A_1489 = arith.constant 16 : index
    %get3A_1490 = tpu.vector_load %arg6[%get3A_1488, %get3A_1489] {strides = array<i32>} : memref<160x32xf32, #tpu.memory_space<vmem>>, vector<1x16xf32>,
    %get3A_1491 = vector.shape_cast %get3A_1490 : vector<1x16xf32> to vector<16xf32>
    %get3A_1492 = arith.constant 96 : i32
    %get3A_1493 = arith.index_cast %get3A_1492 : i32 to index
    %get3A_1494 = arith.constant 16 : index
    %get3A_1495 = tpu.vector_load %arg6[%get3A_1493, %get3A_1494] {strides = array<i32>} : memref<160x32xf32, #tpu.memory_space<vmem>>, vector<1x16xf32>,
    %get3A_1496 = vector.shape_cast %get3A_1495 : vector<1x16xf32> to vector<16xf32>
    %add3A_1497 = arith.addf %get3A_1491, %get3A_1496 : vector<16xf32>
    %get3A_1498 = arith.constant 97 : i32
    %get3A_1499 = arith.index_cast %get3A_1498 : i32 to index
    %get3A_1500 = arith.constant 16 : index
    %get3A_1501 = tpu.vector_load %arg6[%get3A_1499, %get3A_1500] {strides = array<i32>} : memref<160x32xf32, #tpu.memory_space<vmem>>, vector<1x16xf32>,
    %get3A_1502 = vector.shape_cast %get3A_1501 : vector<1x16xf32> to vector<16xf32>
    %add3A_1503 = arith.addf %add3A_1497, %get3A_1502 : vector<16xf32>
    %get3A_1504 = arith.constant 98 : i32
    %get3A_1505 = arith.index_cast %get3A_1504 : i32 to index
    %get3A_1506 = arith.constant 16 : index
    %get3A_1507 = tpu.vector_load %arg6[%get3A_1505, %get3A_1506] {strides = array<i32>} : memref<160x32xf32, #tpu.memory_space<vmem>>, vector<1x16xf32>,
    %get3A_1508 = vector.shape_cast %get3A_1507 : vector<1x16xf32> to vector<16xf32>
    %add3A_1509 = arith.addf %add3A_1503, %get3A_1508 : vector<16xf32>
    %get3A_1510 = arith.constant 99 : i32
    %get3A_1511 = arith.index_cast %get3A_1510 : i32 to index
    %get3A_1512 = arith.constant 16 : index
    %get3A_1513 = tpu.vector_load %arg6[%get3A_1511, %get3A_1512] {strides = array<i32>} : memref<160x32xf32, #tpu.memory_space<vmem>>, vector<1x16xf32>,
    %get3A_1514 = vector.shape_cast %get3A_1513 : vector<1x16xf32> to vector<16xf32>
    %add3A_1515 = arith.addf %add3A_1509, %get3A_1514 : vector<16xf32>
    %mul3A_1516 = arith.constant 2.000000e-01 : f32
    %mul3A_1517 = vector.broadcast %mul3A_1516 : f32 to vector<16xf32>
    %mul3A_1518 = arith.mulf %add3A_1515, %mul3A_1517 : vector<16xf32>
    %swap3A_1519 = arith.constant 19 : i32
    %swap3A_1520 = arith.index_cast %swap3A_1519 : i32 to index
    %swap3A_1521 = arith.constant 16 : index
    %swap3A_1522 = tpu.vector_load %arg7[%swap3A_1520, %swap3A_1521] {strides = array<i32>} : memref<32x32xf32, #tpu.memory_space<vmem>>, vector<1x16xf32>,
    %swap3A_1523 = vector.shape_cast %swap3A_1522 : vector<1x16xf32> to vector<16xf32>
    %swap3A_1524 = vector.shape_cast %mul3A_1518 : vector<16xf32> to vector<1x16xf32>
    tpu.vector_store %arg7[%swap3A_1520, %swap3A_1521], %swap3A_1524 {strides = array<i32>} : memref<32x32xf32, #tpu.memory_space<vmem>>, vector<1x16xf32>,
    %get3A_1525 = arith.constant 100 : i32
    %get3A_1526 = arith.index_cast %get3A_1525 : i32 to index
    %get3A_1527 = arith.constant 0 : index
    %get3A_1528 = tpu.vector_load %arg6[%get3A_1526, %get3A_1527] {strides = array<i32>} : memref<160x32xf32, #tpu.memory_space<vmem>>, vector<1x16xf32>,
    %get3A_1529 = vector.shape_cast %get3A_1528 : vector<1x16xf32> to vector<16xf32>
    %get3A_1530 = arith.constant 101 : i32
    %get3A_1531 = arith.index_cast %get3A_1530 : i32 to index
    %get3A_1532 = arith.constant 0 : index
    %get3A_1533 = tpu.vector_load %arg6[%get3A_1531, %get3A_1532] {strides = array<i32>} : memref<160x32xf32, #tpu.memory_space<vmem>>, vector<1x16xf32>,
    %get3A_1534 = vector.shape_cast %get3A_1533 : vector<1x16xf32> to vector<16xf32>
    %add3A_1535 = arith.addf %get3A_1529, %get3A_1534 : vector<16xf32>
    %get3A_1536 = arith.constant 102 : i32
    %get3A_1537 = arith.index_cast %get3A_1536 : i32 to index
    %get3A_1538 = arith.constant 0 : index
    %get3A_1539 = tpu.vector_load %arg6[%get3A_1537, %get3A_1538] {strides = array<i32>} : memref<160x32xf32, #tpu.memory_space<vmem>>, vector<1x16xf32>,
    %get3A_1540 = vector.shape_cast %get3A_1539 : vector<1x16xf32> to vector<16xf32>
    %add3A_1541 = arith.addf %add3A_1535, %get3A_1540 : vector<16xf32>
    %get3A_1542 = arith.constant 103 : i32
    %get3A_1543 = arith.index_cast %get3A_1542 : i32 to index
    %get3A_1544 = arith.constant 0 : index
    %get3A_1545 = tpu.vector_load %arg6[%get3A_1543, %get3A_1544] {strides = array<i32>} : memref<160x32xf32, #tpu.memory_space<vmem>>, vector<1x16xf32>,
    %get3A_1546 = vector.shape_cast %get3A_1545 : vector<1x16xf32> to vector<16xf32>
    %add3A_1547 = arith.addf %add3A_1541, %get3A_1546 : vector<16xf32>
    %get3A_1548 = arith.constant 104 : i32
    %get3A_1549 = arith.index_cast %get3A_1548 : i32 to index
    %get3A_1550 = arith.constant 0 : index
    %get3A_1551 = tpu.vector_load %arg6[%get3A_1549, %get3A_1550] {strides = array<i32>} : memref<160x32xf32, #tpu.memory_space<vmem>>, vector<1x16xf32>,
    %get3A_1552 = vector.shape_cast %get3A_1551 : vector<1x16xf32> to vector<16xf32>
    %add3A_1553 = arith.addf %add3A_1547, %get3A_1552 : vector<16xf32>
    %mul3A_1554 = arith.constant 2.000000e-01 : f32
    %mul3A_1555 = vector.broadcast %mul3A_1554 : f32 to vector<16xf32>
    %mul3A_1556 = arith.mulf %add3A_1553, %mul3A_1555 : vector<16xf32>
    %swap3A_1557 = arith.constant 20 : i32
    %swap3A_1558 = arith.index_cast %swap3A_1557 : i32 to index
    %swap3A_1559 = arith.constant 0 : index
    %swap3A_1560 = tpu.vector_load %arg7[%swap3A_1558, %swap3A_1559] {strides = array<i32>} : memref<32x32xf32, #tpu.memory_space<vmem>>, vector<1x16xf32>,
    %swap3A_1561 = vector.shape_cast %swap3A_1560 : vector<1x16xf32> to vector<16xf32>
    %swap3A_1562 = vector.shape_cast %mul3A_1556 : vector<16xf32> to vector<1x16xf32>
    tpu.vector_store %arg7[%swap3A_1558, %swap3A_1559], %swap3A_1562 {strides = array<i32>} : memref<32x32xf32, #tpu.memory_space<vmem>>, vector<1x16xf32>,
    %get3A_1563 = arith.constant 100 : i32
    %get3A_1564 = arith.index_cast %get3A_1563 : i32 to index
    %get3A_1565 = arith.constant 16 : index
    %get3A_1566 = tpu.vector_load %arg6[%get3A_1564, %get3A_1565] {strides = array<i32>} : memref<160x32xf32, #tpu.memory_space<vmem>>, vector<1x16xf32>,
    %get3A_1567 = vector.shape_cast %get3A_1566 : vector<1x16xf32> to vector<16xf32>
    %get3A_1568 = arith.constant 101 : i32
    %get3A_1569 = arith.index_cast %get3A_1568 : i32 to index
    %get3A_1570 = arith.constant 16 : index
    %get3A_1571 = tpu.vector_load %arg6[%get3A_1569, %get3A_1570] {strides = array<i32>} : memref<160x32xf32, #tpu.memory_space<vmem>>, vector<1x16xf32>,
    %get3A_1572 = vector.shape_cast %get3A_1571 : vector<1x16xf32> to vector<16xf32>
    %add3A_1573 = arith.addf %get3A_1567, %get3A_1572 : vector<16xf32>
    %get3A_1574 = arith.constant 102 : i32
    %get3A_1575 = arith.index_cast %get3A_1574 : i32 to index
    %get3A_1576 = arith.constant 16 : index
    %get3A_1577 = tpu.vector_load %arg6[%get3A_1575, %get3A_1576] {strides = array<i32>} : memref<160x32xf32, #tpu.memory_space<vmem>>, vector<1x16xf32>,
    %get3A_1578 = vector.shape_cast %get3A_1577 : vector<1x16xf32> to vector<16xf32>
    %add3A_1579 = arith.addf %add3A_1573, %get3A_1578 : vector<16xf32>
    %get3A_1580 = arith.constant 103 : i32
    %get3A_1581 = arith.index_cast %get3A_1580 : i32 to index
    %get3A_1582 = arith.constant 16 : index
    %get3A_1583 = tpu.vector_load %arg6[%get3A_1581, %get3A_1582] {strides = array<i32>} : memref<160x32xf32, #tpu.memory_space<vmem>>, vector<1x16xf32>,
    %get3A_1584 = vector.shape_cast %get3A_1583 : vector<1x16xf32> to vector<16xf32>
    %add3A_1585 = arith.addf %add3A_1579, %get3A_1584 : vector<16xf32>
    %get3A_1586 = arith.constant 104 : i32
    %get3A_1587 = arith.index_cast %get3A_1586 : i32 to index
    %get3A_1588 = arith.constant 16 : index
    %get3A_1589 = tpu.vector_load %arg6[%get3A_1587, %get3A_1588] {strides = array<i32>} : memref<160x32xf32, #tpu.memory_space<vmem>>, vector<1x16xf32>,
    %get3A_1590 = vector.shape_cast %get3A_1589 : vector<1x16xf32> to vector<16xf32>
    %add3A_1591 = arith.addf %add3A_1585, %get3A_1590 : vector<16xf32>
    %mul3A_1592 = arith.constant 2.000000e-01 : f32
    %mul3A_1593 = vector.broadcast %mul3A_1592 : f32 to vector<16xf32>
    %mul3A_1594 = arith.mulf %add3A_1591, %mul3A_1593 : vector<16xf32>
    %swap3A_1595 = arith.constant 20 : i32
    %swap3A_1596 = arith.index_cast %swap3A_1595 : i32 to index
    %swap3A_1597 = arith.constant 16 : index
    %swap3A_1598 = tpu.vector_load %arg7[%swap3A_1596, %swap3A_1597] {strides = array<i32>} : memref<32x32xf32, #tpu.memory_space<vmem>>, vector<1x16xf32>,
    %swap3A_1599 = vector.shape_cast %swap3A_1598 : vector<1x16xf32> to vector<16xf32>
    %swap3A_1600 = vector.shape_cast %mul3A_1594 : vector<16xf32> to vector<1x16xf32>
    tpu.vector_store %arg7[%swap3A_1596, %swap3A_1597], %swap3A_1600 {strides = array<i32>} : memref<32x32xf32, #tpu.memory_space<vmem>>, vector<1x16xf32>,
    %get3A_1601 = arith.constant 105 : i32
    %get3A_1602 = arith.index_cast %get3A_1601 : i32 to index
    %get3A_1603 = arith.constant 0 : index
    %get3A_1604 = tpu.vector_load %arg6[%get3A_1602, %get3A_1603] {strides = array<i32>} : memref<160x32xf32, #tpu.memory_space<vmem>>, vector<1x16xf32>,
    %get3A_1605 = vector.shape_cast %get3A_1604 : vector<1x16xf32> to vector<16xf32>
    %get3A_1606 = arith.constant 106 : i32
    %get3A_1607 = arith.index_cast %get3A_1606 : i32 to index
    %get3A_1608 = arith.constant 0 : index
    %get3A_1609 = tpu.vector_load %arg6[%get3A_1607, %get3A_1608] {strides = array<i32>} : memref<160x32xf32, #tpu.memory_space<vmem>>, vector<1x16xf32>,
    %get3A_1610 = vector.shape_cast %get3A_1609 : vector<1x16xf32> to vector<16xf32>
    %add3A_1611 = arith.addf %get3A_1605, %get3A_1610 : vector<16xf32>
    %get3A_1612 = arith.constant 107 : i32
    %get3A_1613 = arith.index_cast %get3A_1612 : i32 to index
    %get3A_1614 = arith.constant 0 : index
    %get3A_1615 = tpu.vector_load %arg6[%get3A_1613, %get3A_1614] {strides = array<i32>} : memref<160x32xf32, #tpu.memory_space<vmem>>, vector<1x16xf32>,
    %get3A_1616 = vector.shape_cast %get3A_1615 : vector<1x16xf32> to vector<16xf32>
    %add3A_1617 = arith.addf %add3A_1611, %get3A_1616 : vector<16xf32>
    %get3A_1618 = arith.constant 108 : i32
    %get3A_1619 = arith.index_cast %get3A_1618 : i32 to index
    %get3A_1620 = arith.constant 0 : index
    %get3A_1621 = tpu.vector_load %arg6[%get3A_1619, %get3A_1620] {strides = array<i32>} : memref<160x32xf32, #tpu.memory_space<vmem>>, vector<1x16xf32>,
    %get3A_1622 = vector.shape_cast %get3A_1621 : vector<1x16xf32> to vector<16xf32>
    %add3A_1623 = arith.addf %add3A_1617, %get3A_1622 : vector<16xf32>
    %get3A_1624 = arith.constant 109 : i32
    %get3A_1625 = arith.index_cast %get3A_1624 : i32 to index
    %get3A_1626 = arith.constant 0 : index
    %get3A_1627 = tpu.vector_load %arg6[%get3A_1625, %get3A_1626] {strides = array<i32>} : memref<160x32xf32, #tpu.memory_space<vmem>>, vector<1x16xf32>,
    %get3A_1628 = vector.shape_cast %get3A_1627 : vector<1x16xf32> to vector<16xf32>
    %add3A_1629 = arith.addf %add3A_1623, %get3A_1628 : vector<16xf32>
    %mul3A_1630 = arith.constant 2.000000e-01 : f32
    %mul3A_1631 = vector.broadcast %mul3A_1630 : f32 to vector<16xf32>
    %mul3A_1632 = arith.mulf %add3A_1629, %mul3A_1631 : vector<16xf32>
    %swap3A_1633 = arith.constant 21 : i32
    %swap3A_1634 = arith.index_cast %swap3A_1633 : i32 to index
    %swap3A_1635 = arith.constant 0 : index
    %swap3A_1636 = tpu.vector_load %arg7[%swap3A_1634, %swap3A_1635] {strides = array<i32>} : memref<32x32xf32, #tpu.memory_space<vmem>>, vector<1x16xf32>,
    %swap3A_1637 = vector.shape_cast %swap3A_1636 : vector<1x16xf32> to vector<16xf32>
    %swap3A_1638 = vector.shape_cast %mul3A_1632 : vector<16xf32> to vector<1x16xf32>
    tpu.vector_store %arg7[%swap3A_1634, %swap3A_1635], %swap3A_1638 {strides = array<i32>} : memref<32x32xf32, #tpu.memory_space<vmem>>, vector<1x16xf32>,
    %get3A_1639 = arith.constant 105 : i32
    %get3A_1640 = arith.index_cast %get3A_1639 : i32 to index
    %get3A_1641 = arith.constant 16 : index
    %get3A_1642 = tpu.vector_load %arg6[%get3A_1640, %get3A_1641] {strides = array<i32>} : memref<160x32xf32, #tpu.memory_space<vmem>>, vector<1x16xf32>,
    %get3A_1643 = vector.shape_cast %get3A_1642 : vector<1x16xf32> to vector<16xf32>
    %get3A_1644 = arith.constant 106 : i32
    %get3A_1645 = arith.index_cast %get3A_1644 : i32 to index
    %get3A_1646 = arith.constant 16 : index
    %get3A_1647 = tpu.vector_load %arg6[%get3A_1645, %get3A_1646] {strides = array<i32>} : memref<160x32xf32, #tpu.memory_space<vmem>>, vector<1x16xf32>,
    %get3A_1648 = vector.shape_cast %get3A_1647 : vector<1x16xf32> to vector<16xf32>
    %add3A_1649 = arith.addf %get3A_1643, %get3A_1648 : vector<16xf32>
    %get3A_1650 = arith.constant 107 : i32
    %get3A_1651 = arith.index_cast %get3A_1650 : i32 to index
    %get3A_1652 = arith.constant 16 : index
    %get3A_1653 = tpu.vector_load %arg6[%get3A_1651, %get3A_1652] {strides = array<i32>} : memref<160x32xf32, #tpu.memory_space<vmem>>, vector<1x16xf32>,
    %get3A_1654 = vector.shape_cast %get3A_1653 : vector<1x16xf32> to vector<16xf32>
    %add3A_1655 = arith.addf %add3A_1649, %get3A_1654 : vector<16xf32>
    %get3A_1656 = arith.constant 108 : i32
    %get3A_1657 = arith.index_cast %get3A_1656 : i32 to index
    %get3A_1658 = arith.constant 16 : index
    %get3A_1659 = tpu.vector_load %arg6[%get3A_1657, %get3A_1658] {strides = array<i32>} : memref<160x32xf32, #tpu.memory_space<vmem>>, vector<1x16xf32>,
    %get3A_1660 = vector.shape_cast %get3A_1659 : vector<1x16xf32> to vector<16xf32>
    %add3A_1661 = arith.addf %add3A_1655, %get3A_1660 : vector<16xf32>
    %get3A_1662 = arith.constant 109 : i32
    %get3A_1663 = arith.index_cast %get3A_1662 : i32 to index
    %get3A_1664 = arith.constant 16 : index
    %get3A_1665 = tpu.vector_load %arg6[%get3A_1663, %get3A_1664] {strides = array<i32>} : memref<160x32xf32, #tpu.memory_space<vmem>>, vector<1x16xf32>,
    %get3A_1666 = vector.shape_cast %get3A_1665 : vector<1x16xf32> to vector<16xf32>
    %add3A_1667 = arith.addf %add3A_1661, %get3A_1666 : vector<16xf32>
    %mul3A_1668 = arith.constant 2.000000e-01 : f32
    %mul3A_1669 = vector.broadcast %mul3A_1668 : f32 to vector<16xf32>
    %mul3A_1670 = arith.mulf %add3A_1667, %mul3A_1669 : vector<16xf32>
    %swap3A_1671 = arith.constant 21 : i32
    %swap3A_1672 = arith.index_cast %swap3A_1671 : i32 to index
    %swap3A_1673 = arith.constant 16 : index
    %swap3A_1674 = tpu.vector_load %arg7[%swap3A_1672, %swap3A_1673] {strides = array<i32>} : memref<32x32xf32, #tpu.memory_space<vmem>>, vector<1x16xf32>,
    %swap3A_1675 = vector.shape_cast %swap3A_1674 : vector<1x16xf32> to vector<16xf32>
    %swap3A_1676 = vector.shape_cast %mul3A_1670 : vector<16xf32> to vector<1x16xf32>
    tpu.vector_store %arg7[%swap3A_1672, %swap3A_1673], %swap3A_1676 {strides = array<i32>} : memref<32x32xf32, #tpu.memory_space<vmem>>, vector<1x16xf32>,
    %get3A_1677 = arith.constant 110 : i32
    %get3A_1678 = arith.index_cast %get3A_1677 : i32 to index
    %get3A_1679 = arith.constant 0 : index
    %get3A_1680 = tpu.vector_load %arg6[%get3A_1678, %get3A_1679] {strides = array<i32>} : memref<160x32xf32, #tpu.memory_space<vmem>>, vector<1x16xf32>,
    %get3A_1681 = vector.shape_cast %get3A_1680 : vector<1x16xf32> to vector<16xf32>
    %get3A_1682 = arith.constant 111 : i32
    %get3A_1683 = arith.index_cast %get3A_1682 : i32 to index
    %get3A_1684 = arith.constant 0 : index
    %get3A_1685 = tpu.vector_load %arg6[%get3A_1683, %get3A_1684] {strides = array<i32>} : memref<160x32xf32, #tpu.memory_space<vmem>>, vector<1x16xf32>,
    %get3A_1686 = vector.shape_cast %get3A_1685 : vector<1x16xf32> to vector<16xf32>
    %add3A_1687 = arith.addf %get3A_1681, %get3A_1686 : vector<16xf32>
    %get3A_1688 = arith.constant 112 : i32
    %get3A_1689 = arith.index_cast %get3A_1688 : i32 to index
    %get3A_1690 = arith.constant 0 : index
    %get3A_1691 = tpu.vector_load %arg6[%get3A_1689, %get3A_1690] {strides = array<i32>} : memref<160x32xf32, #tpu.memory_space<vmem>>, vector<1x16xf32>,
    %get3A_1692 = vector.shape_cast %get3A_1691 : vector<1x16xf32> to vector<16xf32>
    %add3A_1693 = arith.addf %add3A_1687, %get3A_1692 : vector<16xf32>
    %get3A_1694 = arith.constant 113 : i32
    %get3A_1695 = arith.index_cast %get3A_1694 : i32 to index
    %get3A_1696 = arith.constant 0 : index
    %get3A_1697 = tpu.vector_load %arg6[%get3A_1695, %get3A_1696] {strides = array<i32>} : memref<160x32xf32, #tpu.memory_space<vmem>>, vector<1x16xf32>,
    %get3A_1698 = vector.shape_cast %get3A_1697 : vector<1x16xf32> to vector<16xf32>
    %add3A_1699 = arith.addf %add3A_1693, %get3A_1698 : vector<16xf32>
    %get3A_1700 = arith.constant 114 : i32
    %get3A_1701 = arith.index_cast %get3A_1700 : i32 to index
    %get3A_1702 = arith.constant 0 : index
    %get3A_1703 = tpu.vector_load %arg6[%get3A_1701, %get3A_1702] {strides = array<i32>} : memref<160x32xf32, #tpu.memory_space<vmem>>, vector<1x16xf32>,
    %get3A_1704 = vector.shape_cast %get3A_1703 : vector<1x16xf32> to vector<16xf32>
    %add3A_1705 = arith.addf %add3A_1699, %get3A_1704 : vector<16xf32>
    %mul3A_1706 = arith.constant 2.000000e-01 : f32
    %mul3A_1707 = vector.broadcast %mul3A_1706 : f32 to vector<16xf32>
    %mul3A_1708 = arith.mulf %add3A_1705, %mul3A_1707 : vector<16xf32>
    %swap3A_1709 = arith.constant 22 : i32
    %swap3A_1710 = arith.index_cast %swap3A_1709 : i32 to index
    %swap3A_1711 = arith.constant 0 : index
    %swap3A_1712 = tpu.vector_load %arg7[%swap3A_1710, %swap3A_1711] {strides = array<i32>} : memref<32x32xf32, #tpu.memory_space<vmem>>, vector<1x16xf32>,
    %swap3A_1713 = vector.shape_cast %swap3A_1712 : vector<1x16xf32> to vector<16xf32>
    %swap3A_1714 = vector.shape_cast %mul3A_1708 : vector<16xf32> to vector<1x16xf32>
    tpu.vector_store %arg7[%swap3A_1710, %swap3A_1711], %swap3A_1714 {strides = array<i32>} : memref<32x32xf32, #tpu.memory_space<vmem>>, vector<1x16xf32>,
    %get3A_1715 = arith.constant 110 : i32
    %get3A_1716 = arith.index_cast %get3A_1715 : i32 to index
    %get3A_1717 = arith.constant 16 : index
    %get3A_1718 = tpu.vector_load %arg6[%get3A_1716, %get3A_1717] {strides = array<i32>} : memref<160x32xf32, #tpu.memory_space<vmem>>, vector<1x16xf32>,
    %get3A_1719 = vector.shape_cast %get3A_1718 : vector<1x16xf32> to vector<16xf32>
    %get3A_1720 = arith.constant 111 : i32
    %get3A_1721 = arith.index_cast %get3A_1720 : i32 to index
    %get3A_1722 = arith.constant 16 : index
    %get3A_1723 = tpu.vector_load %arg6[%get3A_1721, %get3A_1722] {strides = array<i32>} : memref<160x32xf32, #tpu.memory_space<vmem>>, vector<1x16xf32>,
    %get3A_1724 = vector.shape_cast %get3A_1723 : vector<1x16xf32> to vector<16xf32>
    %add3A_1725 = arith.addf %get3A_1719, %get3A_1724 : vector<16xf32>
    %get3A_1726 = arith.constant 112 : i32
    %get3A_1727 = arith.index_cast %get3A_1726 : i32 to index
    %get3A_1728 = arith.constant 16 : index
    %get3A_1729 = tpu.vector_load %arg6[%get3A_1727, %get3A_1728] {strides = array<i32>} : memref<160x32xf32, #tpu.memory_space<vmem>>, vector<1x16xf32>,
    %get3A_1730 = vector.shape_cast %get3A_1729 : vector<1x16xf32> to vector<16xf32>
    %add3A_1731 = arith.addf %add3A_1725, %get3A_1730 : vector<16xf32>
    %get3A_1732 = arith.constant 113 : i32
    %get3A_1733 = arith.index_cast %get3A_1732 : i32 to index
    %get3A_1734 = arith.constant 16 : index
    %get3A_1735 = tpu.vector_load %arg6[%get3A_1733, %get3A_1734] {strides = array<i32>} : memref<160x32xf32, #tpu.memory_space<vmem>>, vector<1x16xf32>,
    %get3A_1736 = vector.shape_cast %get3A_1735 : vector<1x16xf32> to vector<16xf32>
    %add3A_1737 = arith.addf %add3A_1731, %get3A_1736 : vector<16xf32>
    %get3A_1738 = arith.constant 114 : i32
    %get3A_1739 = arith.index_cast %get3A_1738 : i32 to index
    %get3A_1740 = arith.constant 16 : index
    %get3A_1741 = tpu.vector_load %arg6[%get3A_1739, %get3A_1740] {strides = array<i32>} : memref<160x32xf32, #tpu.memory_space<vmem>>, vector<1x16xf32>,
    %get3A_1742 = vector.shape_cast %get3A_1741 : vector<1x16xf32> to vector<16xf32>
    %add3A_1743 = arith.addf %add3A_1737, %get3A_1742 : vector<16xf32>
    %mul3A_1744 = arith.constant 2.000000e-01 : f32
    %mul3A_1745 = vector.broadcast %mul3A_1744 : f32 to vector<16xf32>
    %mul3A_1746 = arith.mulf %add3A_1743, %mul3A_1745 : vector<16xf32>
    %swap3A_1747 = arith.constant 22 : i32
    %swap3A_1748 = arith.index_cast %swap3A_1747 : i32 to index
    %swap3A_1749 = arith.constant 16 : index
    %swap3A_1750 = tpu.vector_load %arg7[%swap3A_1748, %swap3A_1749] {strides = array<i32>} : memref<32x32xf32, #tpu.memory_space<vmem>>, vector<1x16xf32>,
    %swap3A_1751 = vector.shape_cast %swap3A_1750 : vector<1x16xf32> to vector<16xf32>
    %swap3A_1752 = vector.shape_cast %mul3A_1746 : vector<16xf32> to vector<1x16xf32>
    tpu.vector_store %arg7[%swap3A_1748, %swap3A_1749], %swap3A_1752 {strides = array<i32>} : memref<32x32xf32, #tpu.memory_space<vmem>>, vector<1x16xf32>,
    %get3A_1753 = arith.constant 115 : i32
    %get3A_1754 = arith.index_cast %get3A_1753 : i32 to index
    %get3A_1755 = arith.constant 0 : index
    %get3A_1756 = tpu.vector_load %arg6[%get3A_1754, %get3A_1755] {strides = array<i32>} : memref<160x32xf32, #tpu.memory_space<vmem>>, vector<1x16xf32>,
    %get3A_1757 = vector.shape_cast %get3A_1756 : vector<1x16xf32> to vector<16xf32>
    %get3A_1758 = arith.constant 116 : i32
    %get3A_1759 = arith.index_cast %get3A_1758 : i32 to index
    %get3A_1760 = arith.constant 0 : index
    %get3A_1761 = tpu.vector_load %arg6[%get3A_1759, %get3A_1760] {strides = array<i32>} : memref<160x32xf32, #tpu.memory_space<vmem>>, vector<1x16xf32>,
    %get3A_1762 = vector.shape_cast %get3A_1761 : vector<1x16xf32> to vector<16xf32>
    %add3A_1763 = arith.addf %get3A_1757, %get3A_1762 : vector<16xf32>
    %get3A_1764 = arith.constant 117 : i32
    %get3A_1765 = arith.index_cast %get3A_1764 : i32 to index
    %get3A_1766 = arith.constant 0 : index
    %get3A_1767 = tpu.vector_load %arg6[%get3A_1765, %get3A_1766] {strides = array<i32>} : memref<160x32xf32, #tpu.memory_space<vmem>>, vector<1x16xf32>,
    %get3A_1768 = vector.shape_cast %get3A_1767 : vector<1x16xf32> to vector<16xf32>
    %add3A_1769 = arith.addf %add3A_1763, %get3A_1768 : vector<16xf32>
    %get3A_1770 = arith.constant 118 : i32
    %get3A_1771 = arith.index_cast %get3A_1770 : i32 to index
    %get3A_1772 = arith.constant 0 : index
    %get3A_1773 = tpu.vector_load %arg6[%get3A_1771, %get3A_1772] {strides = array<i32>} : memref<160x32xf32, #tpu.memory_space<vmem>>, vector<1x16xf32>,
    %get3A_1774 = vector.shape_cast %get3A_1773 : vector<1x16xf32> to vector<16xf32>
    %add3A_1775 = arith.addf %add3A_1769, %get3A_1774 : vector<16xf32>
    %get3A_1776 = arith.constant 119 : i32
    %get3A_1777 = arith.index_cast %get3A_1776 : i32 to index
    %get3A_1778 = arith.constant 0 : index
    %get3A_1779 = tpu.vector_load %arg6[%get3A_1777, %get3A_1778] {strides = array<i32>} : memref<160x32xf32, #tpu.memory_space<vmem>>, vector<1x16xf32>,
    %get3A_1780 = vector.shape_cast %get3A_1779 : vector<1x16xf32> to vector<16xf32>
    %add3A_1781 = arith.addf %add3A_1775, %get3A_1780 : vector<16xf32>
    %mul3A_1782 = arith.constant 2.000000e-01 : f32
    %mul3A_1783 = vector.broadcast %mul3A_1782 : f32 to vector<16xf32>
    %mul3A_1784 = arith.mulf %add3A_1781, %mul3A_1783 : vector<16xf32>
    %swap3A_1785 = arith.constant 23 : i32
    %swap3A_1786 = arith.index_cast %swap3A_1785 : i32 to index
    %swap3A_1787 = arith.constant 0 : index
    %swap3A_1788 = tpu.vector_load %arg7[%swap3A_1786, %swap3A_1787] {strides = array<i32>} : memref<32x32xf32, #tpu.memory_space<vmem>>, vector<1x16xf32>,
    %swap3A_1789 = vector.shape_cast %swap3A_1788 : vector<1x16xf32> to vector<16xf32>
    %swap3A_1790 = vector.shape_cast %mul3A_1784 : vector<16xf32> to vector<1x16xf32>
    tpu.vector_store %arg7[%swap3A_1786, %swap3A_1787], %swap3A_1790 {strides = array<i32>} : memref<32x32xf32, #tpu.memory_space<vmem>>, vector<1x16xf32>,
    %get3A_1791 = arith.constant 115 : i32
    %get3A_1792 = arith.index_cast %get3A_1791 : i32 to index
    %get3A_1793 = arith.constant 16 : index
    %get3A_1794 = tpu.vector_load %arg6[%get3A_1792, %get3A_1793] {strides = array<i32>} : memref<160x32xf32, #tpu.memory_space<vmem>>, vector<1x16xf32>,
    %get3A_1795 = vector.shape_cast %get3A_1794 : vector<1x16xf32> to vector<16xf32>
    %get3A_1796 = arith.constant 116 : i32
    %get3A_1797 = arith.index_cast %get3A_1796 : i32 to index
    %get3A_1798 = arith.constant 16 : index
    %get3A_1799 = tpu.vector_load %arg6[%get3A_1797, %get3A_1798] {strides = array<i32>} : memref<160x32xf32, #tpu.memory_space<vmem>>, vector<1x16xf32>,
    %get3A_1800 = vector.shape_cast %get3A_1799 : vector<1x16xf32> to vector<16xf32>
    %add3A_1801 = arith.addf %get3A_1795, %get3A_1800 : vector<16xf32>
    %get3A_1802 = arith.constant 117 : i32
    %get3A_1803 = arith.index_cast %get3A_1802 : i32 to index
    %get3A_1804 = arith.constant 16 : index
    %get3A_1805 = tpu.vector_load %arg6[%get3A_1803, %get3A_1804] {strides = array<i32>} : memref<160x32xf32, #tpu.memory_space<vmem>>, vector<1x16xf32>,
    %get3A_1806 = vector.shape_cast %get3A_1805 : vector<1x16xf32> to vector<16xf32>
    %add3A_1807 = arith.addf %add3A_1801, %get3A_1806 : vector<16xf32>
    %get3A_1808 = arith.constant 118 : i32
    %get3A_1809 = arith.index_cast %get3A_1808 : i32 to index
    %get3A_1810 = arith.constant 16 : index
    %get3A_1811 = tpu.vector_load %arg6[%get3A_1809, %get3A_1810] {strides = array<i32>} : memref<160x32xf32, #tpu.memory_space<vmem>>, vector<1x16xf32>,
    %get3A_1812 = vector.shape_cast %get3A_1811 : vector<1x16xf32> to vector<16xf32>
    %add3A_1813 = arith.addf %add3A_1807, %get3A_1812 : vector<16xf32>
    %get3A_1814 = arith.constant 119 : i32
    %get3A_1815 = arith.index_cast %get3A_1814 : i32 to index
    %get3A_1816 = arith.constant 16 : index
    %get3A_1817 = tpu.vector_load %arg6[%get3A_1815, %get3A_1816] {strides = array<i32>} : memref<160x32xf32, #tpu.memory_space<vmem>>, vector<1x16xf32>,
    %get3A_1818 = vector.shape_cast %get3A_1817 : vector<1x16xf32> to vector<16xf32>
    %add3A_1819 = arith.addf %add3A_1813, %get3A_1818 : vector<16xf32>
    %mul3A_1820 = arith.constant 2.000000e-01 : f32
    %mul3A_1821 = vector.broadcast %mul3A_1820 : f32 to vector<16xf32>
    %mul3A_1822 = arith.mulf %add3A_1819, %mul3A_1821 : vector<16xf32>
    %swap3A_1823 = arith.constant 23 : i32
    %swap3A_1824 = arith.index_cast %swap3A_1823 : i32 to index
    %swap3A_1825 = arith.constant 16 : index
    %swap3A_1826 = tpu.vector_load %arg7[%swap3A_1824, %swap3A_1825] {strides = array<i32>} : memref<32x32xf32, #tpu.memory_space<vmem>>, vector<1x16xf32>,
    %swap3A_1827 = vector.shape_cast %swap3A_1826 : vector<1x16xf32> to vector<16xf32>
    %swap3A_1828 = vector.shape_cast %mul3A_1822 : vector<16xf32> to vector<1x16xf32>
    tpu.vector_store %arg7[%swap3A_1824, %swap3A_1825], %swap3A_1828 {strides = array<i32>} : memref<32x32xf32, #tpu.memory_space<vmem>>, vector<1x16xf32>,
    %get3A_1829 = arith.constant 120 : i32
    %get3A_1830 = arith.index_cast %get3A_1829 : i32 to index
    %get3A_1831 = arith.constant 0 : index
    %get3A_1832 = tpu.vector_load %arg6[%get3A_1830, %get3A_1831] {strides = array<i32>} : memref<160x32xf32, #tpu.memory_space<vmem>>, vector<1x16xf32>,
    %get3A_1833 = vector.shape_cast %get3A_1832 : vector<1x16xf32> to vector<16xf32>
    %get3A_1834 = arith.constant 121 : i32
    %get3A_1835 = arith.index_cast %get3A_1834 : i32 to index
    %get3A_1836 = arith.constant 0 : index
    %get3A_1837 = tpu.vector_load %arg6[%get3A_1835, %get3A_1836] {strides = array<i32>} : memref<160x32xf32, #tpu.memory_space<vmem>>, vector<1x16xf32>,
    %get3A_1838 = vector.shape_cast %get3A_1837 : vector<1x16xf32> to vector<16xf32>
    %add3A_1839 = arith.addf %get3A_1833, %get3A_1838 : vector<16xf32>
    %get3A_1840 = arith.constant 122 : i32
    %get3A_1841 = arith.index_cast %get3A_1840 : i32 to index
    %get3A_1842 = arith.constant 0 : index
    %get3A_1843 = tpu.vector_load %arg6[%get3A_1841, %get3A_1842] {strides = array<i32>} : memref<160x32xf32, #tpu.memory_space<vmem>>, vector<1x16xf32>,
    %get3A_1844 = vector.shape_cast %get3A_1843 : vector<1x16xf32> to vector<16xf32>
    %add3A_1845 = arith.addf %add3A_1839, %get3A_1844 : vector<16xf32>
    %get3A_1846 = arith.constant 123 : i32
    %get3A_1847 = arith.index_cast %get3A_1846 : i32 to index
    %get3A_1848 = arith.constant 0 : index
    %get3A_1849 = tpu.vector_load %arg6[%get3A_1847, %get3A_1848] {strides = array<i32>} : memref<160x32xf32, #tpu.memory_space<vmem>>, vector<1x16xf32>,
    %get3A_1850 = vector.shape_cast %get3A_1849 : vector<1x16xf32> to vector<16xf32>
    %add3A_1851 = arith.addf %add3A_1845, %get3A_1850 : vector<16xf32>
    %get3A_1852 = arith.constant 124 : i32
    %get3A_1853 = arith.index_cast %get3A_1852 : i32 to index
    %get3A_1854 = arith.constant 0 : index
    %get3A_1855 = tpu.vector_load %arg6[%get3A_1853, %get3A_1854] {strides = array<i32>} : memref<160x32xf32, #tpu.memory_space<vmem>>, vector<1x16xf32>,
    %get3A_1856 = vector.shape_cast %get3A_1855 : vector<1x16xf32> to vector<16xf32>
    %add3A_1857 = arith.addf %add3A_1851, %get3A_1856 : vector<16xf32>
    %mul3A_1858 = arith.constant 2.000000e-01 : f32
    %mul3A_1859 = vector.broadcast %mul3A_1858 : f32 to vector<16xf32>
    %mul3A_1860 = arith.mulf %add3A_1857, %mul3A_1859 : vector<16xf32>
    %swap3A_1861 = arith.constant 24 : i32
    %swap3A_1862 = arith.index_cast %swap3A_1861 : i32 to index
    %swap3A_1863 = arith.constant 0 : index
    %swap3A_1864 = tpu.vector_load %arg7[%swap3A_1862, %swap3A_1863] {strides = array<i32>} : memref<32x32xf32, #tpu.memory_space<vmem>>, vector<1x16xf32>,
    %swap3A_1865 = vector.shape_cast %swap3A_1864 : vector<1x16xf32> to vector<16xf32>
    %swap3A_1866 = vector.shape_cast %mul3A_1860 : vector<16xf32> to vector<1x16xf32>
    tpu.vector_store %arg7[%swap3A_1862, %swap3A_1863], %swap3A_1866 {strides = array<i32>} : memref<32x32xf32, #tpu.memory_space<vmem>>, vector<1x16xf32>,
    %get3A_1867 = arith.constant 120 : i32
    %get3A_1868 = arith.index_cast %get3A_1867 : i32 to index
    %get3A_1869 = arith.constant 16 : index
    %get3A_1870 = tpu.vector_load %arg6[%get3A_1868, %get3A_1869] {strides = array<i32>} : memref<160x32xf32, #tpu.memory_space<vmem>>, vector<1x16xf32>,
    %get3A_1871 = vector.shape_cast %get3A_1870 : vector<1x16xf32> to vector<16xf32>
    %get3A_1872 = arith.constant 121 : i32
    %get3A_1873 = arith.index_cast %get3A_1872 : i32 to index
    %get3A_1874 = arith.constant 16 : index
    %get3A_1875 = tpu.vector_load %arg6[%get3A_1873, %get3A_1874] {strides = array<i32>} : memref<160x32xf32, #tpu.memory_space<vmem>>, vector<1x16xf32>,
    %get3A_1876 = vector.shape_cast %get3A_1875 : vector<1x16xf32> to vector<16xf32>
    %add3A_1877 = arith.addf %get3A_1871, %get3A_1876 : vector<16xf32>
    %get3A_1878 = arith.constant 122 : i32
    %get3A_1879 = arith.index_cast %get3A_1878 : i32 to index
    %get3A_1880 = arith.constant 16 : index
    %get3A_1881 = tpu.vector_load %arg6[%get3A_1879, %get3A_1880] {strides = array<i32>} : memref<160x32xf32, #tpu.memory_space<vmem>>, vector<1x16xf32>,
    %get3A_1882 = vector.shape_cast %get3A_1881 : vector<1x16xf32> to vector<16xf32>
    %add3A_1883 = arith.addf %add3A_1877, %get3A_1882 : vector<16xf32>
    %get3A_1884 = arith.constant 123 : i32
    %get3A_1885 = arith.index_cast %get3A_1884 : i32 to index
    %get3A_1886 = arith.constant 16 : index
    %get3A_1887 = tpu.vector_load %arg6[%get3A_1885, %get3A_1886] {strides = array<i32>} : memref<160x32xf32, #tpu.memory_space<vmem>>, vector<1x16xf32>,
    %get3A_1888 = vector.shape_cast %get3A_1887 : vector<1x16xf32> to vector<16xf32>
    %add3A_1889 = arith.addf %add3A_1883, %get3A_1888 : vector<16xf32>
    %get3A_1890 = arith.constant 124 : i32
    %get3A_1891 = arith.index_cast %get3A_1890 : i32 to index
    %get3A_1892 = arith.constant 16 : index
    %get3A_1893 = tpu.vector_load %arg6[%get3A_1891, %get3A_1892] {strides = array<i32>} : memref<160x32xf32, #tpu.memory_space<vmem>>, vector<1x16xf32>,
    %get3A_1894 = vector.shape_cast %get3A_1893 : vector<1x16xf32> to vector<16xf32>
    %add3A_1895 = arith.addf %add3A_1889, %get3A_1894 : vector<16xf32>
    %mul3A_1896 = arith.constant 2.000000e-01 : f32
    %mul3A_1897 = vector.broadcast %mul3A_1896 : f32 to vector<16xf32>
    %mul3A_1898 = arith.mulf %add3A_1895, %mul3A_1897 : vector<16xf32>
    %swap3A_1899 = arith.constant 24 : i32
    %swap3A_1900 = arith.index_cast %swap3A_1899 : i32 to index
    %swap3A_1901 = arith.constant 16 : index
    %swap3A_1902 = tpu.vector_load %arg7[%swap3A_1900, %swap3A_1901] {strides = array<i32>} : memref<32x32xf32, #tpu.memory_space<vmem>>, vector<1x16xf32>,
    %swap3A_1903 = vector.shape_cast %swap3A_1902 : vector<1x16xf32> to vector<16xf32>
    %swap3A_1904 = vector.shape_cast %mul3A_1898 : vector<16xf32> to vector<1x16xf32>
    tpu.vector_store %arg7[%swap3A_1900, %swap3A_1901], %swap3A_1904 {strides = array<i32>} : memref<32x32xf32, #tpu.memory_space<vmem>>, vector<1x16xf32>,
    %get3A_1905 = arith.constant 125 : i32
    %get3A_1906 = arith.index_cast %get3A_1905 : i32 to index
    %get3A_1907 = arith.constant 0 : index
    %get3A_1908 = tpu.vector_load %arg6[%get3A_1906, %get3A_1907] {strides = array<i32>} : memref<160x32xf32, #tpu.memory_space<vmem>>, vector<1x16xf32>,
    %get3A_1909 = vector.shape_cast %get3A_1908 : vector<1x16xf32> to vector<16xf32>
    %get3A_1910 = arith.constant 126 : i32
    %get3A_1911 = arith.index_cast %get3A_1910 : i32 to index
    %get3A_1912 = arith.constant 0 : index
    %get3A_1913 = tpu.vector_load %arg6[%get3A_1911, %get3A_1912] {strides = array<i32>} : memref<160x32xf32, #tpu.memory_space<vmem>>, vector<1x16xf32>,
    %get3A_1914 = vector.shape_cast %get3A_1913 : vector<1x16xf32> to vector<16xf32>
    %add3A_1915 = arith.addf %get3A_1909, %get3A_1914 : vector<16xf32>
    %get3A_1916 = arith.constant 127 : i32
    %get3A_1917 = arith.index_cast %get3A_1916 : i32 to index
    %get3A_1918 = arith.constant 0 : index
    %get3A_1919 = tpu.vector_load %arg6[%get3A_1917, %get3A_1918] {strides = array<i32>} : memref<160x32xf32, #tpu.memory_space<vmem>>, vector<1x16xf32>,
    %get3A_1920 = vector.shape_cast %get3A_1919 : vector<1x16xf32> to vector<16xf32>
    %add3A_1921 = arith.addf %add3A_1915, %get3A_1920 : vector<16xf32>
    %get3A_1922 = arith.constant 128 : i32
    %get3A_1923 = arith.index_cast %get3A_1922 : i32 to index
    %get3A_1924 = arith.constant 0 : index
    %get3A_1925 = tpu.vector_load %arg6[%get3A_1923, %get3A_1924] {strides = array<i32>} : memref<160x32xf32, #tpu.memory_space<vmem>>, vector<1x16xf32>,
    %get3A_1926 = vector.shape_cast %get3A_1925 : vector<1x16xf32> to vector<16xf32>
    %add3A_1927 = arith.addf %add3A_1921, %get3A_1926 : vector<16xf32>
    %get3A_1928 = arith.constant 129 : i32
    %get3A_1929 = arith.index_cast %get3A_1928 : i32 to index
    %get3A_1930 = arith.constant 0 : index
    %get3A_1931 = tpu.vector_load %arg6[%get3A_1929, %get3A_1930] {strides = array<i32>} : memref<160x32xf32, #tpu.memory_space<vmem>>, vector<1x16xf32>,
    %get3A_1932 = vector.shape_cast %get3A_1931 : vector<1x16xf32> to vector<16xf32>
    %add3A_1933 = arith.addf %add3A_1927, %get3A_1932 : vector<16xf32>
    %mul3A_1934 = arith.constant 2.000000e-01 : f32
    %mul3A_1935 = vector.broadcast %mul3A_1934 : f32 to vector<16xf32>
    %mul3A_1936 = arith.mulf %add3A_1933, %mul3A_1935 : vector<16xf32>
    %swap3A_1937 = arith.constant 25 : i32
    %swap3A_1938 = arith.index_cast %swap3A_1937 : i32 to index
    %swap3A_1939 = arith.constant 0 : index
    %swap3A_1940 = tpu.vector_load %arg7[%swap3A_1938, %swap3A_1939] {strides = array<i32>} : memref<32x32xf32, #tpu.memory_space<vmem>>, vector<1x16xf32>,
    %swap3A_1941 = vector.shape_cast %swap3A_1940 : vector<1x16xf32> to vector<16xf32>
    %swap3A_1942 = vector.shape_cast %mul3A_1936 : vector<16xf32> to vector<1x16xf32>
    tpu.vector_store %arg7[%swap3A_1938, %swap3A_1939], %swap3A_1942 {strides = array<i32>} : memref<32x32xf32, #tpu.memory_space<vmem>>, vector<1x16xf32>,
    %get3A_1943 = arith.constant 125 : i32
    %get3A_1944 = arith.index_cast %get3A_1943 : i32 to index
    %get3A_1945 = arith.constant 16 : index
    %get3A_1946 = tpu.vector_load %arg6[%get3A_1944, %get3A_1945] {strides = array<i32>} : memref<160x32xf32, #tpu.memory_space<vmem>>, vector<1x16xf32>,
    %get3A_1947 = vector.shape_cast %get3A_1946 : vector<1x16xf32> to vector<16xf32>
    %get3A_1948 = arith.constant 126 : i32
    %get3A_1949 = arith.index_cast %get3A_1948 : i32 to index
    %get3A_1950 = arith.constant 16 : index
    %get3A_1951 = tpu.vector_load %arg6[%get3A_1949, %get3A_1950] {strides = array<i32>} : memref<160x32xf32, #tpu.memory_space<vmem>>, vector<1x16xf32>,
    %get3A_1952 = vector.shape_cast %get3A_1951 : vector<1x16xf32> to vector<16xf32>
    %add3A_1953 = arith.addf %get3A_1947, %get3A_1952 : vector<16xf32>
    %get3A_1954 = arith.constant 127 : i32
    %get3A_1955 = arith.index_cast %get3A_1954 : i32 to index
    %get3A_1956 = arith.constant 16 : index
    %get3A_1957 = tpu.vector_load %arg6[%get3A_1955, %get3A_1956] {strides = array<i32>} : memref<160x32xf32, #tpu.memory_space<vmem>>, vector<1x16xf32>,
    %get3A_1958 = vector.shape_cast %get3A_1957 : vector<1x16xf32> to vector<16xf32>
    %add3A_1959 = arith.addf %add3A_1953, %get3A_1958 : vector<16xf32>
    %get3A_1960 = arith.constant 128 : i32
    %get3A_1961 = arith.index_cast %get3A_1960 : i32 to index
    %get3A_1962 = arith.constant 16 : index
    %get3A_1963 = tpu.vector_load %arg6[%get3A_1961, %get3A_1962] {strides = array<i32>} : memref<160x32xf32, #tpu.memory_space<vmem>>, vector<1x16xf32>,
    %get3A_1964 = vector.shape_cast %get3A_1963 : vector<1x16xf32> to vector<16xf32>
    %add3A_1965 = arith.addf %add3A_1959, %get3A_1964 : vector<16xf32>
    %get3A_1966 = arith.constant 129 : i32
    %get3A_1967 = arith.index_cast %get3A_1966 : i32 to index
    %get3A_1968 = arith.constant 16 : index
    %get3A_1969 = tpu.vector_load %arg6[%get3A_1967, %get3A_1968] {strides = array<i32>} : memref<160x32xf32, #tpu.memory_space<vmem>>, vector<1x16xf32>,
    %get3A_1970 = vector.shape_cast %get3A_1969 : vector<1x16xf32> to vector<16xf32>
    %add3A_1971 = arith.addf %add3A_1965, %get3A_1970 : vector<16xf32>
    %mul3A_1972 = arith.constant 2.000000e-01 : f32
    %mul3A_1973 = vector.broadcast %mul3A_1972 : f32 to vector<16xf32>
    %mul3A_1974 = arith.mulf %add3A_1971, %mul3A_1973 : vector<16xf32>
    %swap3A_1975 = arith.constant 25 : i32
    %swap3A_1976 = arith.index_cast %swap3A_1975 : i32 to index
    %swap3A_1977 = arith.constant 16 : index
    %swap3A_1978 = tpu.vector_load %arg7[%swap3A_1976, %swap3A_1977] {strides = array<i32>} : memref<32x32xf32, #tpu.memory_space<vmem>>, vector<1x16xf32>,
    %swap3A_1979 = vector.shape_cast %swap3A_1978 : vector<1x16xf32> to vector<16xf32>
    %swap3A_1980 = vector.shape_cast %mul3A_1974 : vector<16xf32> to vector<1x16xf32>
    tpu.vector_store %arg7[%swap3A_1976, %swap3A_1977], %swap3A_1980 {strides = array<i32>} : memref<32x32xf32, #tpu.memory_space<vmem>>, vector<1x16xf32>,
    %get3A_1981 = arith.constant 130 : i32
    %get3A_1982 = arith.index_cast %get3A_1981 : i32 to index
    %get3A_1983 = arith.constant 0 : index
    %get3A_1984 = tpu.vector_load %arg6[%get3A_1982, %get3A_1983] {strides = array<i32>} : memref<160x32xf32, #tpu.memory_space<vmem>>, vector<1x16xf32>,
    %get3A_1985 = vector.shape_cast %get3A_1984 : vector<1x16xf32> to vector<16xf32>
    %get3A_1986 = arith.constant 131 : i32
    %get3A_1987 = arith.index_cast %get3A_1986 : i32 to index
    %get3A_1988 = arith.constant 0 : index
    %get3A_1989 = tpu.vector_load %arg6[%get3A_1987, %get3A_1988] {strides = array<i32>} : memref<160x32xf32, #tpu.memory_space<vmem>>, vector<1x16xf32>,
    %get3A_1990 = vector.shape_cast %get3A_1989 : vector<1x16xf32> to vector<16xf32>
    %add3A_1991 = arith.addf %get3A_1985, %get3A_1990 : vector<16xf32>
    %get3A_1992 = arith.constant 132 : i32
    %get3A_1993 = arith.index_cast %get3A_1992 : i32 to index
    %get3A_1994 = arith.constant 0 : index
    %get3A_1995 = tpu.vector_load %arg6[%get3A_1993, %get3A_1994] {strides = array<i32>} : memref<160x32xf32, #tpu.memory_space<vmem>>, vector<1x16xf32>,
    %get3A_1996 = vector.shape_cast %get3A_1995 : vector<1x16xf32> to vector<16xf32>
    %add3A_1997 = arith.addf %add3A_1991, %get3A_1996 : vector<16xf32>
    %get3A_1998 = arith.constant 133 : i32
    %get3A_1999 = arith.index_cast %get3A_1998 : i32 to index
    %get3A_2000 = arith.constant 0 : index
    %get3A_2001 = tpu.vector_load %arg6[%get3A_1999, %get3A_2000] {strides = array<i32>} : memref<160x32xf32, #tpu.memory_space<vmem>>, vector<1x16xf32>,
    %get3A_2002 = vector.shape_cast %get3A_2001 : vector<1x16xf32> to vector<16xf32>
    %add3A_2003 = arith.addf %add3A_1997, %get3A_2002 : vector<16xf32>
    %get3A_2004 = arith.constant 134 : i32
    %get3A_2005 = arith.index_cast %get3A_2004 : i32 to index
    %get3A_2006 = arith.constant 0 : index
    %get3A_2007 = tpu.vector_load %arg6[%get3A_2005, %get3A_2006] {strides = array<i32>} : memref<160x32xf32, #tpu.memory_space<vmem>>, vector<1x16xf32>,
    %get3A_2008 = vector.shape_cast %get3A_2007 : vector<1x16xf32> to vector<16xf32>
    %add3A_2009 = arith.addf %add3A_2003, %get3A_2008 : vector<16xf32>
    %mul3A_2010 = arith.constant 2.000000e-01 : f32
    %mul3A_2011 = vector.broadcast %mul3A_2010 : f32 to vector<16xf32>
    %mul3A_2012 = arith.mulf %add3A_2009, %mul3A_2011 : vector<16xf32>
    %swap3A_2013 = arith.constant 26 : i32
    %swap3A_2014 = arith.index_cast %swap3A_2013 : i32 to index
    %swap3A_2015 = arith.constant 0 : index
    %swap3A_2016 = tpu.vector_load %arg7[%swap3A_2014, %swap3A_2015] {strides = array<i32>} : memref<32x32xf32, #tpu.memory_space<vmem>>, vector<1x16xf32>,
    %swap3A_2017 = vector.shape_cast %swap3A_2016 : vector<1x16xf32> to vector<16xf32>
    %swap3A_2018 = vector.shape_cast %mul3A_2012 : vector<16xf32> to vector<1x16xf32>
    tpu.vector_store %arg7[%swap3A_2014, %swap3A_2015], %swap3A_2018 {strides = array<i32>} : memref<32x32xf32, #tpu.memory_space<vmem>>, vector<1x16xf32>,
    %get3A_2019 = arith.constant 130 : i32
    %get3A_2020 = arith.index_cast %get3A_2019 : i32 to index
    %get3A_2021 = arith.constant 16 : index
    %get3A_2022 = tpu.vector_load %arg6[%get3A_2020, %get3A_2021] {strides = array<i32>} : memref<160x32xf32, #tpu.memory_space<vmem>>, vector<1x16xf32>,
    %get3A_2023 = vector.shape_cast %get3A_2022 : vector<1x16xf32> to vector<16xf32>
    %get3A_2024 = arith.constant 131 : i32
    %get3A_2025 = arith.index_cast %get3A_2024 : i32 to index
    %get3A_2026 = arith.constant 16 : index
    %get3A_2027 = tpu.vector_load %arg6[%get3A_2025, %get3A_2026] {strides = array<i32>} : memref<160x32xf32, #tpu.memory_space<vmem>>, vector<1x16xf32>,
    %get3A_2028 = vector.shape_cast %get3A_2027 : vector<1x16xf32> to vector<16xf32>
    %add3A_2029 = arith.addf %get3A_2023, %get3A_2028 : vector<16xf32>
    %get3A_2030 = arith.constant 132 : i32
    %get3A_2031 = arith.index_cast %get3A_2030 : i32 to index
    %get3A_2032 = arith.constant 16 : index
    %get3A_2033 = tpu.vector_load %arg6[%get3A_2031, %get3A_2032] {strides = array<i32>} : memref<160x32xf32, #tpu.memory_space<vmem>>, vector<1x16xf32>,
    %get3A_2034 = vector.shape_cast %get3A_2033 : vector<1x16xf32> to vector<16xf32>
    %add3A_2035 = arith.addf %add3A_2029, %get3A_2034 : vector<16xf32>
    %get3A_2036 = arith.constant 133 : i32
    %get3A_2037 = arith.index_cast %get3A_2036 : i32 to index
    %get3A_2038 = arith.constant 16 : index
    %get3A_2039 = tpu.vector_load %arg6[%get3A_2037, %get3A_2038] {strides = array<i32>} : memref<160x32xf32, #tpu.memory_space<vmem>>, vector<1x16xf32>,
    %get3A_2040 = vector.shape_cast %get3A_2039 : vector<1x16xf32> to vector<16xf32>
    %add3A_2041 = arith.addf %add3A_2035, %get3A_2040 : vector<16xf32>
    %get3A_2042 = arith.constant 134 : i32
    %get3A_2043 = arith.index_cast %get3A_2042 : i32 to index
    %get3A_2044 = arith.constant 16 : index
    %get3A_2045 = tpu.vector_load %arg6[%get3A_2043, %get3A_2044] {strides = array<i32>} : memref<160x32xf32, #tpu.memory_space<vmem>>, vector<1x16xf32>,
    %get3A_2046 = vector.shape_cast %get3A_2045 : vector<1x16xf32> to vector<16xf32>
    %add3A_2047 = arith.addf %add3A_2041, %get3A_2046 : vector<16xf32>
    %mul3A_2048 = arith.constant 2.000000e-01 : f32
    %mul3A_2049 = vector.broadcast %mul3A_2048 : f32 to vector<16xf32>
    %mul3A_2050 = arith.mulf %add3A_2047, %mul3A_2049 : vector<16xf32>
    %swap3A_2051 = arith.constant 26 : i32
    %swap3A_2052 = arith.index_cast %swap3A_2051 : i32 to index
    %swap3A_2053 = arith.constant 16 : index
    %swap3A_2054 = tpu.vector_load %arg7[%swap3A_2052, %swap3A_2053] {strides = array<i32>} : memref<32x32xf32, #tpu.memory_space<vmem>>, vector<1x16xf32>,
    %swap3A_2055 = vector.shape_cast %swap3A_2054 : vector<1x16xf32> to vector<16xf32>
    %swap3A_2056 = vector.shape_cast %mul3A_2050 : vector<16xf32> to vector<1x16xf32>
    tpu.vector_store %arg7[%swap3A_2052, %swap3A_2053], %swap3A_2056 {strides = array<i32>} : memref<32x32xf32, #tpu.memory_space<vmem>>, vector<1x16xf32>,
    %get3A_2057 = arith.constant 135 : i32
    %get3A_2058 = arith.index_cast %get3A_2057 : i32 to index
    %get3A_2059 = arith.constant 0 : index
    %get3A_2060 = tpu.vector_load %arg6[%get3A_2058, %get3A_2059] {strides = array<i32>} : memref<160x32xf32, #tpu.memory_space<vmem>>, vector<1x16xf32>,
    %get3A_2061 = vector.shape_cast %get3A_2060 : vector<1x16xf32> to vector<16xf32>
    %get3A_2062 = arith.constant 136 : i32
    %get3A_2063 = arith.index_cast %get3A_2062 : i32 to index
    %get3A_2064 = arith.constant 0 : index
    %get3A_2065 = tpu.vector_load %arg6[%get3A_2063, %get3A_2064] {strides = array<i32>} : memref<160x32xf32, #tpu.memory_space<vmem>>, vector<1x16xf32>,
    %get3A_2066 = vector.shape_cast %get3A_2065 : vector<1x16xf32> to vector<16xf32>
    %add3A_2067 = arith.addf %get3A_2061, %get3A_2066 : vector<16xf32>
    %get3A_2068 = arith.constant 137 : i32
    %get3A_2069 = arith.index_cast %get3A_2068 : i32 to index
    %get3A_2070 = arith.constant 0 : index
    %get3A_2071 = tpu.vector_load %arg6[%get3A_2069, %get3A_2070] {strides = array<i32>} : memref<160x32xf32, #tpu.memory_space<vmem>>, vector<1x16xf32>,
    %get3A_2072 = vector.shape_cast %get3A_2071 : vector<1x16xf32> to vector<16xf32>
    %add3A_2073 = arith.addf %add3A_2067, %get3A_2072 : vector<16xf32>
    %get3A_2074 = arith.constant 138 : i32
    %get3A_2075 = arith.index_cast %get3A_2074 : i32 to index
    %get3A_2076 = arith.constant 0 : index
    %get3A_2077 = tpu.vector_load %arg6[%get3A_2075, %get3A_2076] {strides = array<i32>} : memref<160x32xf32, #tpu.memory_space<vmem>>, vector<1x16xf32>,
    %get3A_2078 = vector.shape_cast %get3A_2077 : vector<1x16xf32> to vector<16xf32>
    %add3A_2079 = arith.addf %add3A_2073, %get3A_2078 : vector<16xf32>
    %get3A_2080 = arith.constant 139 : i32
    %get3A_2081 = arith.index_cast %get3A_2080 : i32 to index
    %get3A_2082 = arith.constant 0 : index
    %get3A_2083 = tpu.vector_load %arg6[%get3A_2081, %get3A_2082] {strides = array<i32>} : memref<160x32xf32, #tpu.memory_space<vmem>>, vector<1x16xf32>,
    %get3A_2084 = vector.shape_cast %get3A_2083 : vector<1x16xf32> to vector<16xf32>
    %add3A_2085 = arith.addf %add3A_2079, %get3A_2084 : vector<16xf32>
    %mul3A_2086 = arith.constant 2.000000e-01 : f32
    %mul3A_2087 = vector.broadcast %mul3A_2086 : f32 to vector<16xf32>
    %mul3A_2088 = arith.mulf %add3A_2085, %mul3A_2087 : vector<16xf32>
    %swap3A_2089 = arith.constant 27 : i32
    %swap3A_2090 = arith.index_cast %swap3A_2089 : i32 to index
    %swap3A_2091 = arith.constant 0 : index
    %swap3A_2092 = tpu.vector_load %arg7[%swap3A_2090, %swap3A_2091] {strides = array<i32>} : memref<32x32xf32, #tpu.memory_space<vmem>>, vector<1x16xf32>,
    %swap3A_2093 = vector.shape_cast %swap3A_2092 : vector<1x16xf32> to vector<16xf32>
    %swap3A_2094 = vector.shape_cast %mul3A_2088 : vector<16xf32> to vector<1x16xf32>
    tpu.vector_store %arg7[%swap3A_2090, %swap3A_2091], %swap3A_2094 {strides = array<i32>} : memref<32x32xf32, #tpu.memory_space<vmem>>, vector<1x16xf32>,
    %get3A_2095 = arith.constant 135 : i32
    %get3A_2096 = arith.index_cast %get3A_2095 : i32 to index
    %get3A_2097 = arith.constant 16 : index
    %get3A_2098 = tpu.vector_load %arg6[%get3A_2096, %get3A_2097] {strides = array<i32>} : memref<160x32xf32, #tpu.memory_space<vmem>>, vector<1x16xf32>,
    %get3A_2099 = vector.shape_cast %get3A_2098 : vector<1x16xf32> to vector<16xf32>
    %get3A_2100 = arith.constant 136 : i32
    %get3A_2101 = arith.index_cast %get3A_2100 : i32 to index
    %get3A_2102 = arith.constant 16 : index
    %get3A_2103 = tpu.vector_load %arg6[%get3A_2101, %get3A_2102] {strides = array<i32>} : memref<160x32xf32, #tpu.memory_space<vmem>>, vector<1x16xf32>,
    %get3A_2104 = vector.shape_cast %get3A_2103 : vector<1x16xf32> to vector<16xf32>
    %add3A_2105 = arith.addf %get3A_2099, %get3A_2104 : vector<16xf32>
    %get3A_2106 = arith.constant 137 : i32
    %get3A_2107 = arith.index_cast %get3A_2106 : i32 to index
    %get3A_2108 = arith.constant 16 : index
    %get3A_2109 = tpu.vector_load %arg6[%get3A_2107, %get3A_2108] {strides = array<i32>} : memref<160x32xf32, #tpu.memory_space<vmem>>, vector<1x16xf32>,
    %get3A_2110 = vector.shape_cast %get3A_2109 : vector<1x16xf32> to vector<16xf32>
    %add3A_2111 = arith.addf %add3A_2105, %get3A_2110 : vector<16xf32>
    %get3A_2112 = arith.constant 138 : i32
    %get3A_2113 = arith.index_cast %get3A_2112 : i32 to index
    %get3A_2114 = arith.constant 16 : index
    %get3A_2115 = tpu.vector_load %arg6[%get3A_2113, %get3A_2114] {strides = array<i32>} : memref<160x32xf32, #tpu.memory_space<vmem>>, vector<1x16xf32>,
    %get3A_2116 = vector.shape_cast %get3A_2115 : vector<1x16xf32> to vector<16xf32>
    %add3A_2117 = arith.addf %add3A_2111, %get3A_2116 : vector<16xf32>
    %get3A_2118 = arith.constant 139 : i32
    %get3A_2119 = arith.index_cast %get3A_2118 : i32 to index
    %get3A_2120 = arith.constant 16 : index
    %get3A_2121 = tpu.vector_load %arg6[%get3A_2119, %get3A_2120] {strides = array<i32>} : memref<160x32xf32, #tpu.memory_space<vmem>>, vector<1x16xf32>,
    %get3A_2122 = vector.shape_cast %get3A_2121 : vector<1x16xf32> to vector<16xf32>
    %add3A_2123 = arith.addf %add3A_2117, %get3A_2122 : vector<16xf32>
    %mul3A_2124 = arith.constant 2.000000e-01 : f32
    %mul3A_2125 = vector.broadcast %mul3A_2124 : f32 to vector<16xf32>
    %mul3A_2126 = arith.mulf %add3A_2123, %mul3A_2125 : vector<16xf32>
    %swap3A_2127 = arith.constant 27 : i32
    %swap3A_2128 = arith.index_cast %swap3A_2127 : i32 to index
    %swap3A_2129 = arith.constant 16 : index
    %swap3A_2130 = tpu.vector_load %arg7[%swap3A_2128, %swap3A_2129] {strides = array<i32>} : memref<32x32xf32, #tpu.memory_space<vmem>>, vector<1x16xf32>,
    %swap3A_2131 = vector.shape_cast %swap3A_2130 : vector<1x16xf32> to vector<16xf32>
    %swap3A_2132 = vector.shape_cast %mul3A_2126 : vector<16xf32> to vector<1x16xf32>
    tpu.vector_store %arg7[%swap3A_2128, %swap3A_2129], %swap3A_2132 {strides = array<i32>} : memref<32x32xf32, #tpu.memory_space<vmem>>, vector<1x16xf32>,
    %get3A_2133 = arith.constant 140 : i32
    %get3A_2134 = arith.index_cast %get3A_2133 : i32 to index
    %get3A_2135 = arith.constant 0 : index
    %get3A_2136 = tpu.vector_load %arg6[%get3A_2134, %get3A_2135] {strides = array<i32>} : memref<160x32xf32, #tpu.memory_space<vmem>>, vector<1x16xf32>,
    %get3A_2137 = vector.shape_cast %get3A_2136 : vector<1x16xf32> to vector<16xf32>
    %get3A_2138 = arith.constant 141 : i32
    %get3A_2139 = arith.index_cast %get3A_2138 : i32 to index
    %get3A_2140 = arith.constant 0 : index
    %get3A_2141 = tpu.vector_load %arg6[%get3A_2139, %get3A_2140] {strides = array<i32>} : memref<160x32xf32, #tpu.memory_space<vmem>>, vector<1x16xf32>,
    %get3A_2142 = vector.shape_cast %get3A_2141 : vector<1x16xf32> to vector<16xf32>
    %add3A_2143 = arith.addf %get3A_2137, %get3A_2142 : vector<16xf32>
    %get3A_2144 = arith.constant 142 : i32
    %get3A_2145 = arith.index_cast %get3A_2144 : i32 to index
    %get3A_2146 = arith.constant 0 : index
    %get3A_2147 = tpu.vector_load %arg6[%get3A_2145, %get3A_2146] {strides = array<i32>} : memref<160x32xf32, #tpu.memory_space<vmem>>, vector<1x16xf32>,
    %get3A_2148 = vector.shape_cast %get3A_2147 : vector<1x16xf32> to vector<16xf32>
    %add3A_2149 = arith.addf %add3A_2143, %get3A_2148 : vector<16xf32>
    %get3A_2150 = arith.constant 143 : i32
    %get3A_2151 = arith.index_cast %get3A_2150 : i32 to index
    %get3A_2152 = arith.constant 0 : index
    %get3A_2153 = tpu.vector_load %arg6[%get3A_2151, %get3A_2152] {strides = array<i32>} : memref<160x32xf32, #tpu.memory_space<vmem>>, vector<1x16xf32>,
    %get3A_2154 = vector.shape_cast %get3A_2153 : vector<1x16xf32> to vector<16xf32>
    %add3A_2155 = arith.addf %add3A_2149, %get3A_2154 : vector<16xf32>
    %get3A_2156 = arith.constant 144 : i32
    %get3A_2157 = arith.index_cast %get3A_2156 : i32 to index
    %get3A_2158 = arith.constant 0 : index
    %get3A_2159 = tpu.vector_load %arg6[%get3A_2157, %get3A_2158] {strides = array<i32>} : memref<160x32xf32, #tpu.memory_space<vmem>>, vector<1x16xf32>,
    %get3A_2160 = vector.shape_cast %get3A_2159 : vector<1x16xf32> to vector<16xf32>
    %add3A_2161 = arith.addf %add3A_2155, %get3A_2160 : vector<16xf32>
    %mul3A_2162 = arith.constant 2.000000e-01 : f32
    %mul3A_2163 = vector.broadcast %mul3A_2162 : f32 to vector<16xf32>
    %mul3A_2164 = arith.mulf %add3A_2161, %mul3A_2163 : vector<16xf32>
    %swap3A_2165 = arith.constant 28 : i32
    %swap3A_2166 = arith.index_cast %swap3A_2165 : i32 to index
    %swap3A_2167 = arith.constant 0 : index
    %swap3A_2168 = tpu.vector_load %arg7[%swap3A_2166, %swap3A_2167] {strides = array<i32>} : memref<32x32xf32, #tpu.memory_space<vmem>>, vector<1x16xf32>,
    %swap3A_2169 = vector.shape_cast %swap3A_2168 : vector<1x16xf32> to vector<16xf32>
    %swap3A_2170 = vector.shape_cast %mul3A_2164 : vector<16xf32> to vector<1x16xf32>
    tpu.vector_store %arg7[%swap3A_2166, %swap3A_2167], %swap3A_2170 {strides = array<i32>} : memref<32x32xf32, #tpu.memory_space<vmem>>, vector<1x16xf32>,
    %get3A_2171 = arith.constant 140 : i32
    %get3A_2172 = arith.index_cast %get3A_2171 : i32 to index
    %get3A_2173 = arith.constant 16 : index
    %get3A_2174 = tpu.vector_load %arg6[%get3A_2172, %get3A_2173] {strides = array<i32>} : memref<160x32xf32, #tpu.memory_space<vmem>>, vector<1x16xf32>,
    %get3A_2175 = vector.shape_cast %get3A_2174 : vector<1x16xf32> to vector<16xf32>
    %get3A_2176 = arith.constant 141 : i32
    %get3A_2177 = arith.index_cast %get3A_2176 : i32 to index
    %get3A_2178 = arith.constant 16 : index
    %get3A_2179 = tpu.vector_load %arg6[%get3A_2177, %get3A_2178] {strides = array<i32>} : memref<160x32xf32, #tpu.memory_space<vmem>>, vector<1x16xf32>,
    %get3A_2180 = vector.shape_cast %get3A_2179 : vector<1x16xf32> to vector<16xf32>
    %add3A_2181 = arith.addf %get3A_2175, %get3A_2180 : vector<16xf32>
    %get3A_2182 = arith.constant 142 : i32
    %get3A_2183 = arith.index_cast %get3A_2182 : i32 to index
    %get3A_2184 = arith.constant 16 : index
    %get3A_2185 = tpu.vector_load %arg6[%get3A_2183, %get3A_2184] {strides = array<i32>} : memref<160x32xf32, #tpu.memory_space<vmem>>, vector<1x16xf32>,
    %get3A_2186 = vector.shape_cast %get3A_2185 : vector<1x16xf32> to vector<16xf32>
    %add3A_2187 = arith.addf %add3A_2181, %get3A_2186 : vector<16xf32>
    %get3A_2188 = arith.constant 143 : i32
    %get3A_2189 = arith.index_cast %get3A_2188 : i32 to index
    %get3A_2190 = arith.constant 16 : index
    %get3A_2191 = tpu.vector_load %arg6[%get3A_2189, %get3A_2190] {strides = array<i32>} : memref<160x32xf32, #tpu.memory_space<vmem>>, vector<1x16xf32>,
    %get3A_2192 = vector.shape_cast %get3A_2191 : vector<1x16xf32> to vector<16xf32>
    %add3A_2193 = arith.addf %add3A_2187, %get3A_2192 : vector<16xf32>
    %get3A_2194 = arith.constant 144 : i32
    %get3A_2195 = arith.index_cast %get3A_2194 : i32 to index
    %get3A_2196 = arith.constant 16 : index
    %get3A_2197 = tpu.vector_load %arg6[%get3A_2195, %get3A_2196] {strides = array<i32>} : memref<160x32xf32, #tpu.memory_space<vmem>>, vector<1x16xf32>,
    %get3A_2198 = vector.shape_cast %get3A_2197 : vector<1x16xf32> to vector<16xf32>
    %add3A_2199 = arith.addf %add3A_2193, %get3A_2198 : vector<16xf32>
    %mul3A_2200 = arith.constant 2.000000e-01 : f32
    %mul3A_2201 = vector.broadcast %mul3A_2200 : f32 to vector<16xf32>
    %mul3A_2202 = arith.mulf %add3A_2199, %mul3A_2201 : vector<16xf32>
    %swap3A_2203 = arith.constant 28 : i32
    %swap3A_2204 = arith.index_cast %swap3A_2203 : i32 to index
    %swap3A_2205 = arith.constant 16 : index
    %swap3A_2206 = tpu.vector_load %arg7[%swap3A_2204, %swap3A_2205] {strides = array<i32>} : memref<32x32xf32, #tpu.memory_space<vmem>>, vector<1x16xf32>,
    %swap3A_2207 = vector.shape_cast %swap3A_2206 : vector<1x16xf32> to vector<16xf32>
    %swap3A_2208 = vector.shape_cast %mul3A_2202 : vector<16xf32> to vector<1x16xf32>
    tpu.vector_store %arg7[%swap3A_2204, %swap3A_2205], %swap3A_2208 {strides = array<i32>} : memref<32x32xf32, #tpu.memory_space<vmem>>, vector<1x16xf32>,
    %get3A_2209 = arith.constant 145 : i32
    %get3A_2210 = arith.index_cast %get3A_2209 : i32 to index
    %get3A_2211 = arith.constant 0 : index
    %get3A_2212 = tpu.vector_load %arg6[%get3A_2210, %get3A_2211] {strides = array<i32>} : memref<160x32xf32, #tpu.memory_space<vmem>>, vector<1x16xf32>,
    %get3A_2213 = vector.shape_cast %get3A_2212 : vector<1x16xf32> to vector<16xf32>
    %get3A_2214 = arith.constant 146 : i32
    %get3A_2215 = arith.index_cast %get3A_2214 : i32 to index
    %get3A_2216 = arith.constant 0 : index
    %get3A_2217 = tpu.vector_load %arg6[%get3A_2215, %get3A_2216] {strides = array<i32>} : memref<160x32xf32, #tpu.memory_space<vmem>>, vector<1x16xf32>,
    %get3A_2218 = vector.shape_cast %get3A_2217 : vector<1x16xf32> to vector<16xf32>
    %add3A_2219 = arith.addf %get3A_2213, %get3A_2218 : vector<16xf32>
    %get3A_2220 = arith.constant 147 : i32
    %get3A_2221 = arith.index_cast %get3A_2220 : i32 to index
    %get3A_2222 = arith.constant 0 : index
    %get3A_2223 = tpu.vector_load %arg6[%get3A_2221, %get3A_2222] {strides = array<i32>} : memref<160x32xf32, #tpu.memory_space<vmem>>, vector<1x16xf32>,
    %get3A_2224 = vector.shape_cast %get3A_2223 : vector<1x16xf32> to vector<16xf32>
    %add3A_2225 = arith.addf %add3A_2219, %get3A_2224 : vector<16xf32>
    %get3A_2226 = arith.constant 148 : i32
    %get3A_2227 = arith.index_cast %get3A_2226 : i32 to index
    %get3A_2228 = arith.constant 0 : index
    %get3A_2229 = tpu.vector_load %arg6[%get3A_2227, %get3A_2228] {strides = array<i32>} : memref<160x32xf32, #tpu.memory_space<vmem>>, vector<1x16xf32>,
    %get3A_2230 = vector.shape_cast %get3A_2229 : vector<1x16xf32> to vector<16xf32>
    %add3A_2231 = arith.addf %add3A_2225, %get3A_2230 : vector<16xf32>
    %get3A_2232 = arith.constant 149 : i32
    %get3A_2233 = arith.index_cast %get3A_2232 : i32 to index
    %get3A_2234 = arith.constant 0 : index
    %get3A_2235 = tpu.vector_load %arg6[%get3A_2233, %get3A_2234] {strides = array<i32>} : memref<160x32xf32, #tpu.memory_space<vmem>>, vector<1x16xf32>,
    %get3A_2236 = vector.shape_cast %get3A_2235 : vector<1x16xf32> to vector<16xf32>
    %add3A_2237 = arith.addf %add3A_2231, %get3A_2236 : vector<16xf32>
    %mul3A_2238 = arith.constant 2.000000e-01 : f32
    %mul3A_2239 = vector.broadcast %mul3A_2238 : f32 to vector<16xf32>
    %mul3A_2240 = arith.mulf %add3A_2237, %mul3A_2239 : vector<16xf32>
    %swap3A_2241 = arith.constant 29 : i32
    %swap3A_2242 = arith.index_cast %swap3A_2241 : i32 to index
    %swap3A_2243 = arith.constant 0 : index
    %swap3A_2244 = tpu.vector_load %arg7[%swap3A_2242, %swap3A_2243] {strides = array<i32>} : memref<32x32xf32, #tpu.memory_space<vmem>>, vector<1x16xf32>,
    %swap3A_2245 = vector.shape_cast %swap3A_2244 : vector<1x16xf32> to vector<16xf32>
    %swap3A_2246 = vector.shape_cast %mul3A_2240 : vector<16xf32> to vector<1x16xf32>
    tpu.vector_store %arg7[%swap3A_2242, %swap3A_2243], %swap3A_2246 {strides = array<i32>} : memref<32x32xf32, #tpu.memory_space<vmem>>, vector<1x16xf32>,
    %get3A_2247 = arith.constant 145 : i32
    %get3A_2248 = arith.index_cast %get3A_2247 : i32 to index
    %get3A_2249 = arith.constant 16 : index
    %get3A_2250 = tpu.vector_load %arg6[%get3A_2248, %get3A_2249] {strides = array<i32>} : memref<160x32xf32, #tpu.memory_space<vmem>>, vector<1x16xf32>,
    %get3A_2251 = vector.shape_cast %get3A_2250 : vector<1x16xf32> to vector<16xf32>
    %get3A_2252 = arith.constant 146 : i32
    %get3A_2253 = arith.index_cast %get3A_2252 : i32 to index
    %get3A_2254 = arith.constant 16 : index
    %get3A_2255 = tpu.vector_load %arg6[%get3A_2253, %get3A_2254] {strides = array<i32>} : memref<160x32xf32, #tpu.memory_space<vmem>>, vector<1x16xf32>,
    %get3A_2256 = vector.shape_cast %get3A_2255 : vector<1x16xf32> to vector<16xf32>
    %add3A_2257 = arith.addf %get3A_2251, %get3A_2256 : vector<16xf32>
    %get3A_2258 = arith.constant 147 : i32
    %get3A_2259 = arith.index_cast %get3A_2258 : i32 to index
    %get3A_2260 = arith.constant 16 : index
    %get3A_2261 = tpu.vector_load %arg6[%get3A_2259, %get3A_2260] {strides = array<i32>} : memref<160x32xf32, #tpu.memory_space<vmem>>, vector<1x16xf32>,
    %get3A_2262 = vector.shape_cast %get3A_2261 : vector<1x16xf32> to vector<16xf32>
    %add3A_2263 = arith.addf %add3A_2257, %get3A_2262 : vector<16xf32>
    %get3A_2264 = arith.constant 148 : i32
    %get3A_2265 = arith.index_cast %get3A_2264 : i32 to index
    %get3A_2266 = arith.constant 16 : index
    %get3A_2267 = tpu.vector_load %arg6[%get3A_2265, %get3A_2266] {strides = array<i32>} : memref<160x32xf32, #tpu.memory_space<vmem>>, vector<1x16xf32>,
    %get3A_2268 = vector.shape_cast %get3A_2267 : vector<1x16xf32> to vector<16xf32>
    %add3A_2269 = arith.addf %add3A_2263, %get3A_2268 : vector<16xf32>
    %get3A_2270 = arith.constant 149 : i32
    %get3A_2271 = arith.index_cast %get3A_2270 : i32 to index
    %get3A_2272 = arith.constant 16 : index
    %get3A_2273 = tpu.vector_load %arg6[%get3A_2271, %get3A_2272] {strides = array<i32>} : memref<160x32xf32, #tpu.memory_space<vmem>>, vector<1x16xf32>,
    %get3A_2274 = vector.shape_cast %get3A_2273 : vector<1x16xf32> to vector<16xf32>
    %add3A_2275 = arith.addf %add3A_2269, %get3A_2274 : vector<16xf32>
    %mul3A_2276 = arith.constant 2.000000e-01 : f32
    %mul3A_2277 = vector.broadcast %mul3A_2276 : f32 to vector<16xf32>
    %mul3A_2278 = arith.mulf %add3A_2275, %mul3A_2277 : vector<16xf32>
    %swap3A_2279 = arith.constant 29 : i32
    %swap3A_2280 = arith.index_cast %swap3A_2279 : i32 to index
    %swap3A_2281 = arith.constant 16 : index
    %swap3A_2282 = tpu.vector_load %arg7[%swap3A_2280, %swap3A_2281] {strides = array<i32>} : memref<32x32xf32, #tpu.memory_space<vmem>>, vector<1x16xf32>,
    %swap3A_2283 = vector.shape_cast %swap3A_2282 : vector<1x16xf32> to vector<16xf32>
    %swap3A_2284 = vector.shape_cast %mul3A_2278 : vector<16xf32> to vector<1x16xf32>
    tpu.vector_store %arg7[%swap3A_2280, %swap3A_2281], %swap3A_2284 {strides = array<i32>} : memref<32x32xf32, #tpu.memory_space<vmem>>, vector<1x16xf32>,
    %get3A_2285 = arith.constant 150 : i32
    %get3A_2286 = arith.index_cast %get3A_2285 : i32 to index
    %get3A_2287 = arith.constant 0 : index
    %get3A_2288 = tpu.vector_load %arg6[%get3A_2286, %get3A_2287] {strides = array<i32>} : memref<160x32xf32, #tpu.memory_space<vmem>>, vector<1x16xf32>,
    %get3A_2289 = vector.shape_cast %get3A_2288 : vector<1x16xf32> to vector<16xf32>
    %get3A_2290 = arith.constant 151 : i32
    %get3A_2291 = arith.index_cast %get3A_2290 : i32 to index
    %get3A_2292 = arith.constant 0 : index
    %get3A_2293 = tpu.vector_load %arg6[%get3A_2291, %get3A_2292] {strides = array<i32>} : memref<160x32xf32, #tpu.memory_space<vmem>>, vector<1x16xf32>,
    %get3A_2294 = vector.shape_cast %get3A_2293 : vector<1x16xf32> to vector<16xf32>
    %add3A_2295 = arith.addf %get3A_2289, %get3A_2294 : vector<16xf32>
    %get3A_2296 = arith.constant 152 : i32
    %get3A_2297 = arith.index_cast %get3A_2296 : i32 to index
    %get3A_2298 = arith.constant 0 : index
    %get3A_2299 = tpu.vector_load %arg6[%get3A_2297, %get3A_2298] {strides = array<i32>} : memref<160x32xf32, #tpu.memory_space<vmem>>, vector<1x16xf32>,
    %get3A_2300 = vector.shape_cast %get3A_2299 : vector<1x16xf32> to vector<16xf32>
    %add3A_2301 = arith.addf %add3A_2295, %get3A_2300 : vector<16xf32>
    %get3A_2302 = arith.constant 153 : i32
    %get3A_2303 = arith.index_cast %get3A_2302 : i32 to index
    %get3A_2304 = arith.constant 0 : index
    %get3A_2305 = tpu.vector_load %arg6[%get3A_2303, %get3A_2304] {strides = array<i32>} : memref<160x32xf32, #tpu.memory_space<vmem>>, vector<1x16xf32>,
    %get3A_2306 = vector.shape_cast %get3A_2305 : vector<1x16xf32> to vector<16xf32>
    %add3A_2307 = arith.addf %add3A_2301, %get3A_2306 : vector<16xf32>
    %get3A_2308 = arith.constant 154 : i32
    %get3A_2309 = arith.index_cast %get3A_2308 : i32 to index
    %get3A_2310 = arith.constant 0 : index
    %get3A_2311 = tpu.vector_load %arg6[%get3A_2309, %get3A_2310] {strides = array<i32>} : memref<160x32xf32, #tpu.memory_space<vmem>>, vector<1x16xf32>,
    %get3A_2312 = vector.shape_cast %get3A_2311 : vector<1x16xf32> to vector<16xf32>
    %add3A_2313 = arith.addf %add3A_2307, %get3A_2312 : vector<16xf32>
    %mul3A_2314 = arith.constant 2.000000e-01 : f32
    %mul3A_2315 = vector.broadcast %mul3A_2314 : f32 to vector<16xf32>
    %mul3A_2316 = arith.mulf %add3A_2313, %mul3A_2315 : vector<16xf32>
    %swap3A_2317 = arith.constant 30 : i32
    %swap3A_2318 = arith.index_cast %swap3A_2317 : i32 to index
    %swap3A_2319 = arith.constant 0 : index
    %swap3A_2320 = tpu.vector_load %arg7[%swap3A_2318, %swap3A_2319] {strides = array<i32>} : memref<32x32xf32, #tpu.memory_space<vmem>>, vector<1x16xf32>,
    %swap3A_2321 = vector.shape_cast %swap3A_2320 : vector<1x16xf32> to vector<16xf32>
    %swap3A_2322 = vector.shape_cast %mul3A_2316 : vector<16xf32> to vector<1x16xf32>
    tpu.vector_store %arg7[%swap3A_2318, %swap3A_2319], %swap3A_2322 {strides = array<i32>} : memref<32x32xf32, #tpu.memory_space<vmem>>, vector<1x16xf32>,
    %get3A_2323 = arith.constant 150 : i32
    %get3A_2324 = arith.index_cast %get3A_2323 : i32 to index
    %get3A_2325 = arith.constant 16 : index
    %get3A_2326 = tpu.vector_load %arg6[%get3A_2324, %get3A_2325] {strides = array<i32>} : memref<160x32xf32, #tpu.memory_space<vmem>>, vector<1x16xf32>,
    %get3A_2327 = vector.shape_cast %get3A_2326 : vector<1x16xf32> to vector<16xf32>
    %get3A_2328 = arith.constant 151 : i32
    %get3A_2329 = arith.index_cast %get3A_2328 : i32 to index
    %get3A_2330 = arith.constant 16 : index
    %get3A_2331 = tpu.vector_load %arg6[%get3A_2329, %get3A_2330] {strides = array<i32>} : memref<160x32xf32, #tpu.memory_space<vmem>>, vector<1x16xf32>,
    %get3A_2332 = vector.shape_cast %get3A_2331 : vector<1x16xf32> to vector<16xf32>
    %add3A_2333 = arith.addf %get3A_2327, %get3A_2332 : vector<16xf32>
    %get3A_2334 = arith.constant 152 : i32
    %get3A_2335 = arith.index_cast %get3A_2334 : i32 to index
    %get3A_2336 = arith.constant 16 : index
    %get3A_2337 = tpu.vector_load %arg6[%get3A_2335, %get3A_2336] {strides = array<i32>} : memref<160x32xf32, #tpu.memory_space<vmem>>, vector<1x16xf32>,
    %get3A_2338 = vector.shape_cast %get3A_2337 : vector<1x16xf32> to vector<16xf32>
    %add3A_2339 = arith.addf %add3A_2333, %get3A_2338 : vector<16xf32>
    %get3A_2340 = arith.constant 153 : i32
    %get3A_2341 = arith.index_cast %get3A_2340 : i32 to index
    %get3A_2342 = arith.constant 16 : index
    %get3A_2343 = tpu.vector_load %arg6[%get3A_2341, %get3A_2342] {strides = array<i32>} : memref<160x32xf32, #tpu.memory_space<vmem>>, vector<1x16xf32>,
    %get3A_2344 = vector.shape_cast %get3A_2343 : vector<1x16xf32> to vector<16xf32>
    %add3A_2345 = arith.addf %add3A_2339, %get3A_2344 : vector<16xf32>
    %get3A_2346 = arith.constant 154 : i32
    %get3A_2347 = arith.index_cast %get3A_2346 : i32 to index
    %get3A_2348 = arith.constant 16 : index
    %get3A_2349 = tpu.vector_load %arg6[%get3A_2347, %get3A_2348] {strides = array<i32>} : memref<160x32xf32, #tpu.memory_space<vmem>>, vector<1x16xf32>,
    %get3A_2350 = vector.shape_cast %get3A_2349 : vector<1x16xf32> to vector<16xf32>
    %add3A_2351 = arith.addf %add3A_2345, %get3A_2350 : vector<16xf32>
    %mul3A_2352 = arith.constant 2.000000e-01 : f32
    %mul3A_2353 = vector.broadcast %mul3A_2352 : f32 to vector<16xf32>
    %mul3A_2354 = arith.mulf %add3A_2351, %mul3A_2353 : vector<16xf32>
    %swap3A_2355 = arith.constant 30 : i32
    %swap3A_2356 = arith.index_cast %swap3A_2355 : i32 to index
    %swap3A_2357 = arith.constant 16 : index
    %swap3A_2358 = tpu.vector_load %arg7[%swap3A_2356, %swap3A_2357] {strides = array<i32>} : memref<32x32xf32, #tpu.memory_space<vmem>>, vector<1x16xf32>,
    %swap3A_2359 = vector.shape_cast %swap3A_2358 : vector<1x16xf32> to vector<16xf32>
    %swap3A_2360 = vector.shape_cast %mul3A_2354 : vector<16xf32> to vector<1x16xf32>
    tpu.vector_store %arg7[%swap3A_2356, %swap3A_2357], %swap3A_2360 {strides = array<i32>} : memref<32x32xf32, #tpu.memory_space<vmem>>, vector<1x16xf32>,
    %get3A_2361 = arith.constant 155 : i32
    %get3A_2362 = arith.index_cast %get3A_2361 : i32 to index
    %get3A_2363 = arith.constant 0 : index
    %get3A_2364 = tpu.vector_load %arg6[%get3A_2362, %get3A_2363] {strides = array<i32>} : memref<160x32xf32, #tpu.memory_space<vmem>>, vector<1x16xf32>,
    %get3A_2365 = vector.shape_cast %get3A_2364 : vector<1x16xf32> to vector<16xf32>
    %get3A_2366 = arith.constant 156 : i32
    %get3A_2367 = arith.index_cast %get3A_2366 : i32 to index
    %get3A_2368 = arith.constant 0 : index
    %get3A_2369 = tpu.vector_load %arg6[%get3A_2367, %get3A_2368] {strides = array<i32>} : memref<160x32xf32, #tpu.memory_space<vmem>>, vector<1x16xf32>,
    %get3A_2370 = vector.shape_cast %get3A_2369 : vector<1x16xf32> to vector<16xf32>
    %add3A_2371 = arith.addf %get3A_2365, %get3A_2370 : vector<16xf32>
    %get3A_2372 = arith.constant 157 : i32
    %get3A_2373 = arith.index_cast %get3A_2372 : i32 to index
    %get3A_2374 = arith.constant 0 : index
    %get3A_2375 = tpu.vector_load %arg6[%get3A_2373, %get3A_2374] {strides = array<i32>} : memref<160x32xf32, #tpu.memory_space<vmem>>, vector<1x16xf32>,
    %get3A_2376 = vector.shape_cast %get3A_2375 : vector<1x16xf32> to vector<16xf32>
    %add3A_2377 = arith.addf %add3A_2371, %get3A_2376 : vector<16xf32>
    %get3A_2378 = arith.constant 158 : i32
    %get3A_2379 = arith.index_cast %get3A_2378 : i32 to index
    %get3A_2380 = arith.constant 0 : index
    %get3A_2381 = tpu.vector_load %arg6[%get3A_2379, %get3A_2380] {strides = array<i32>} : memref<160x32xf32, #tpu.memory_space<vmem>>, vector<1x16xf32>,
    %get3A_2382 = vector.shape_cast %get3A_2381 : vector<1x16xf32> to vector<16xf32>
    %add3A_2383 = arith.addf %add3A_2377, %get3A_2382 : vector<16xf32>
    %get3A_2384 = arith.constant 159 : i32
    %get3A_2385 = arith.index_cast %get3A_2384 : i32 to index
    %get3A_2386 = arith.constant 0 : index
    %get3A_2387 = tpu.vector_load %arg6[%get3A_2385, %get3A_2386] {strides = array<i32>} : memref<160x32xf32, #tpu.memory_space<vmem>>, vector<1x16xf32>,
    %get3A_2388 = vector.shape_cast %get3A_2387 : vector<1x16xf32> to vector<16xf32>
    %add3A_2389 = arith.addf %add3A_2383, %get3A_2388 : vector<16xf32>
    %mul3A_2390 = arith.constant 2.000000e-01 : f32
    %mul3A_2391 = vector.broadcast %mul3A_2390 : f32 to vector<16xf32>
    %mul3A_2392 = arith.mulf %add3A_2389, %mul3A_2391 : vector<16xf32>
    %swap3A_2393 = arith.constant 31 : i32
    %swap3A_2394 = arith.index_cast %swap3A_2393 : i32 to index
    %swap3A_2395 = arith.constant 0 : index
    %swap3A_2396 = tpu.vector_load %arg7[%swap3A_2394, %swap3A_2395] {strides = array<i32>} : memref<32x32xf32, #tpu.memory_space<vmem>>, vector<1x16xf32>,
    %swap3A_2397 = vector.shape_cast %swap3A_2396 : vector<1x16xf32> to vector<16xf32>
    %swap3A_2398 = vector.shape_cast %mul3A_2392 : vector<16xf32> to vector<1x16xf32>
    tpu.vector_store %arg7[%swap3A_2394, %swap3A_2395], %swap3A_2398 {strides = array<i32>} : memref<32x32xf32, #tpu.memory_space<vmem>>, vector<1x16xf32>,
    %get3A_2399 = arith.constant 155 : i32
    %get3A_2400 = arith.index_cast %get3A_2399 : i32 to index
    %get3A_2401 = arith.constant 16 : index
    %get3A_2402 = tpu.vector_load %arg6[%get3A_2400, %get3A_2401] {strides = array<i32>} : memref<160x32xf32, #tpu.memory_space<vmem>>, vector<1x16xf32>,
    %get3A_2403 = vector.shape_cast %get3A_2402 : vector<1x16xf32> to vector<16xf32>
    %get3A_2404 = arith.constant 156 : i32
    %get3A_2405 = arith.index_cast %get3A_2404 : i32 to index
    %get3A_2406 = arith.constant 16 : index
    %get3A_2407 = tpu.vector_load %arg6[%get3A_2405, %get3A_2406] {strides = array<i32>} : memref<160x32xf32, #tpu.memory_space<vmem>>, vector<1x16xf32>,
    %get3A_2408 = vector.shape_cast %get3A_2407 : vector<1x16xf32> to vector<16xf32>
    %add3A_2409 = arith.addf %get3A_2403, %get3A_2408 : vector<16xf32>
    %get3A_2410 = arith.constant 157 : i32
    %get3A_2411 = arith.index_cast %get3A_2410 : i32 to index
    %get3A_2412 = arith.constant 16 : index
    %get3A_2413 = tpu.vector_load %arg6[%get3A_2411, %get3A_2412] {strides = array<i32>} : memref<160x32xf32, #tpu.memory_space<vmem>>, vector<1x16xf32>,
    %get3A_2414 = vector.shape_cast %get3A_2413 : vector<1x16xf32> to vector<16xf32>
    %add3A_2415 = arith.addf %add3A_2409, %get3A_2414 : vector<16xf32>
    %get3A_2416 = arith.constant 158 : i32
    %get3A_2417 = arith.index_cast %get3A_2416 : i32 to index
    %get3A_2418 = arith.constant 16 : index
    %get3A_2419 = tpu.vector_load %arg6[%get3A_2417, %get3A_2418] {strides = array<i32>} : memref<160x32xf32, #tpu.memory_space<vmem>>, vector<1x16xf32>,
    %get3A_2420 = vector.shape_cast %get3A_2419 : vector<1x16xf32> to vector<16xf32>
    %add3A_2421 = arith.addf %add3A_2415, %get3A_2420 : vector<16xf32>
    %get3A_2422 = arith.constant 159 : i32
    %get3A_2423 = arith.index_cast %get3A_2422 : i32 to index
    %get3A_2424 = arith.constant 16 : index
    %get3A_2425 = tpu.vector_load %arg6[%get3A_2423, %get3A_2424] {strides = array<i32>} : memref<160x32xf32, #tpu.memory_space<vmem>>, vector<1x16xf32>,
    %get3A_2426 = vector.shape_cast %get3A_2425 : vector<1x16xf32> to vector<16xf32>
    %add3A_2427 = arith.addf %add3A_2421, %get3A_2426 : vector<16xf32>
    %mul3A_2428 = arith.constant 2.000000e-01 : f32
    %mul3A_2429 = vector.broadcast %mul3A_2428 : f32 to vector<16xf32>
    %mul3A_2430 = arith.mulf %add3A_2427, %mul3A_2429 : vector<16xf32>
    %swap3A_2431 = arith.constant 31 : i32
    %swap3A_2432 = arith.index_cast %swap3A_2431 : i32 to index
    %swap3A_2433 = arith.constant 16 : index
    %swap3A_2434 = tpu.vector_load %arg7[%swap3A_2432, %swap3A_2433] {strides = array<i32>} : memref<32x32xf32, #tpu.memory_space<vmem>>, vector<1x16xf32>,
    %swap3A_2435 = vector.shape_cast %swap3A_2434 : vector<1x16xf32> to vector<16xf32>
    %swap3A_2436 = vector.shape_cast %mul3A_2430 : vector<16xf32> to vector<1x16xf32>
    tpu.vector_store %arg7[%swap3A_2432, %swap3A_2433], %swap3A_2436 {strides = array<i32>} : memref<32x32xf32, #tpu.memory_space<vmem>>, vector<1x16xf32>,
    %mul3A_2437 = arith.constant 32 : i32
    %mul3A_2438 = arith.muli %add3A, %mul3A_2437 : i32
    "tpu.region"() ({
      %run_scoped3A = tpu.sem_alloc : memref<!tpu.dma_semaphore, #tpu.memory_space<semaphore_mem>>
      %dma_start3A_2439 = arith.constant 0 : i32
      %dma_start3A_2440 = tpu.memref_slice %arg4[%mul3A_2438, %dma_start3A_2439] : memref<1024x32xf32, #tpu.memory_space<hbm>> -> memref<32x32xf32, #tpu.memory_space<hbm>>
      %dma_start3A_2441 = arith.constant 0 : i32
      %dma_start3A_2442 = tpu.memref_slice %arg4[%mul3A_2438, %dma_start3A_2441] : memref<1024x32xf32, #tpu.memory_space<hbm>> -> memref<32x32xf32, #tpu.memory_space<hbm>>
      tpu.enqueue_dma source(%arg7 : memref<32x32xf32, #tpu.memory_space<vmem>>) target(%dma_start3A_2442 : memref<32x32xf32, #tpu.memory_space<hbm>>) target_semaphore(%run_scoped3A : memref<!tpu.dma_semaphore, #tpu.memory_space<semaphore_mem>>)
      %dma_wait3A_2443 = arith.constant 0 : i32
      %dma_wait3A_2444 = tpu.memref_slice %arg4[%mul3A_2438, %dma_wait3A_2443] : memref<1024x32xf32, #tpu.memory_space<hbm>> -> memref<32x32xf32, #tpu.memory_space<hbm>>
      %dma_wait3A_2445 = arith.constant 0 : i32
      %dma_wait3A_2446 = tpu.memref_slice %arg4[%mul3A_2438, %dma_wait3A_2445] : memref<1024x32xf32, #tpu.memory_space<hbm>> -> memref<32x32xf32, #tpu.memory_space<hbm>>
      tpu.wait_dma2 semaphore(%run_scoped3A : memref<!tpu.dma_semaphore, #tpu.memory_space<semaphore_mem>>) src(%arg7 : memref<32x32xf32, #tpu.memory_space<vmem>>) dst(%dma_wait3A_2446 : memref<32x32xf32, #tpu.memory_space<hbm>>)
      tpu.yield
    }) : () -> ()
    return
  }
}

module attributes {stable_mosaic.version = 14 : i64} {
  func.func @_topk_body_fast(%arg0: i32, %arg1: memref<1024x32xf32, #tpu.memory_space<vmem>>, %arg2: memref<2048x32xf32, #tpu.memory_space<vmem>>, %arg3: memref<1024x128xi32, #tpu.memory_space<vmem>>, %arg4: memref<1024x128xf32, #tpu.memory_space<vmem>>, %arg5: memref<1024x128xf32, #tpu.memory_space<vmem>>, %arg6: memref<1024x128xi32, #tpu.memory_space<vmem>>, %arg7: memref<1024x128xf32, #tpu.memory_space<vmem>>) attributes {dimension_semantics = [#tpu.dimension_semantics<arbitrary>], iteration_bounds = array<i64: 49>, scalar_prefetch = 0 : i64, scratch_operands = 3 : i64, tpu.core_type = #tpu.core_type<tc>, window_params = [{pipeline_mode = #tpu.pipeline_mode<synchronous>, transform_indices = @transform_0, window_bounds = array<i64: 1024, 32>}, {transform_indices = @transform_1, window_bounds = array<i64: 2048, 32>}, {pipeline_mode = #tpu.pipeline_mode<synchronous>, transform_indices = @transform_2, window_bounds = array<i64: 1024, 128>}, {pipeline_mode = #tpu.pipeline_mode<synchronous>, transform_indices = @transform_3, window_bounds = array<i64: 1024, 128>}]} {
    %eq3A = arith.constant 0 : i32
    %eq3A_0 = arith.cmpi eq, %arg0, %eq3A : i32
    %convert_element_type3A = arith.extui %eq3A_0 : i1 to i32
    %cond3A = arith.constant 0 : i32
    %cond3A_1 = arith.cmpi ne, %convert_element_type3A, %cond3A : i32
    scf.if %cond3A_1 {
      %broadcast_in_dim3A_509 = arith.constant 0xFF800000 : f32
      %broadcast_in_dim3A_510 = vector.broadcast %broadcast_in_dim3A_509 : f32 to vector<1024x128xf32>
      %swap3A_511 = arith.constant 0 : index
      %swap3A_512 = arith.constant 0 : index
      %swap3A_513 = vector.load %arg5[%swap3A_511, %swap3A_512] : memref<1024x128xf32, #tpu.memory_space<vmem>>, vector<1024x128xf32>
      tpu.vector_store %arg5[%swap3A_511, %swap3A_512], %broadcast_in_dim3A_510 {strides = array<i32>} : memref<1024x128xf32, #tpu.memory_space<vmem>>, vector<1024x128xf32>,
      %broadcast_in_dim3A_514 = arith.constant 1073741824 : i32
      %broadcast_in_dim3A_515 = vector.broadcast %broadcast_in_dim3A_514 : i32 to vector<1024x128xi32>
      %swap3A_516 = arith.constant 0 : index
      %swap3A_517 = arith.constant 0 : index
      %swap3A_518 = vector.load %arg6[%swap3A_516, %swap3A_517] : memref<1024x128xi32, #tpu.memory_space<vmem>>, vector<1024x128xi32>
      tpu.vector_store %arg6[%swap3A_516, %swap3A_517], %broadcast_in_dim3A_515 {strides = array<i32>} : memref<1024x128xi32, #tpu.memory_space<vmem>>, vector<1024x128xi32>,
      %broadcast_in_dim3A_519 = arith.constant 0xFF800000 : f32
      %broadcast_in_dim3A_520 = vector.broadcast %broadcast_in_dim3A_519 : f32 to vector<1024x128xf32>
      %swap3A_521 = arith.constant 0 : index
      %swap3A_522 = arith.constant 0 : index
      %swap3A_523 = vector.load %arg7[%swap3A_521, %swap3A_522] : memref<1024x128xf32, #tpu.memory_space<vmem>>, vector<1024x128xf32>
      tpu.vector_store %arg7[%swap3A_521, %swap3A_522], %broadcast_in_dim3A_520 {strides = array<i32>} : memref<1024x128xf32, #tpu.memory_space<vmem>>, vector<1024x128xf32>,
    } else {
    }
    %get3A = arith.constant 0 : index
    %get3A_2 = arith.constant 0 : index
    %get3A_3 = vector.load %arg1[%get3A, %get3A_2] : memref<1024x32xf32, #tpu.memory_space<vmem>>, vector<1024x32xf32>
    %mul3A = arith.mulf %get3A_3, %get3A_3 : vector<1024x32xf32>
    %reduce_sum3A = arith.constant dense<0.000000e+00> : vector<1024xf32>
    %reduce_sum3A_4 = vector.multi_reduction <add>, %mul3A, %reduce_sum3A [1] : vector<1024x32xf32> to vector<1024xf32>
    %broadcast_in_dim3A = vector.shape_cast %reduce_sum3A_4 : vector<1024xf32> to vector<1024x1xf32>
    %sqrt3A = math.sqrt %broadcast_in_dim3A : vector<1024x1xf32>
    %max3A = arith.constant 9.99999996E-13 : f32
    %max3A_5 = vector.broadcast %max3A : f32 to vector<1024x1xf32>
    %max3A_6 = arith.maximumf %sqrt3A, %max3A_5 : vector<1024x1xf32>
    %div3A = vector.broadcast %max3A_6 : vector<1024x1xf32> to vector<1024x32xf32>
    %div3A_7 = arith.divf %get3A_3, %div3A : vector<1024x32xf32>
    %get3A_8 = arith.constant 0 : index
    %get3A_9 = arith.constant 0 : index
    %get3A_10 = vector.load %arg2[%get3A_8, %get3A_9] : memref<2048x32xf32, #tpu.memory_space<vmem>>, vector<2048x32xf32>
    %mul3A_11 = arith.mulf %get3A_10, %get3A_10 : vector<2048x32xf32>
    %reduce_sum3A_12 = arith.constant dense<0.000000e+00> : vector<2048xf32>
    %reduce_sum3A_13 = vector.multi_reduction <add>, %mul3A_11, %reduce_sum3A_12 [1] : vector<2048x32xf32> to vector<2048xf32>
    %broadcast_in_dim3A_14 = vector.shape_cast %reduce_sum3A_13 : vector<2048xf32> to vector<2048x1xf32>
    %sqrt3A_15 = math.sqrt %broadcast_in_dim3A_14 : vector<2048x1xf32>
    %max3A_16 = arith.constant 9.99999996E-13 : f32
    %max3A_17 = vector.broadcast %max3A_16 : f32 to vector<2048x1xf32>
    %max3A_18 = arith.maximumf %sqrt3A_15, %max3A_17 : vector<2048x1xf32>
    %div3A_19 = vector.broadcast %max3A_18 : vector<2048x1xf32> to vector<2048x32xf32>
    %div3A_20 = arith.divf %get3A_10, %div3A_19 : vector<2048x32xf32>
    %dot_general3A = arith.constant dense<0.000000e+00> : vector<1024x2048xf32>
    %dot_general3A_21 = tpu.matmul %div3A_7, %div3A_20, %dot_general3A {dimension_numbers = #tpu.dot_dimension_numbers<[1], [1], [0], [0], [0, 0, 1, 0], [], []>, transpose_lhs_hint = false} : vector<1024x32xf32>, vector<2048x32xf32>, vector<1024x2048xf32> -> vector<1024x2048xf32>
    %iota3A = tpu.iota {dimensions = array<i32: 1>} : vector<1024x128xi32>
    %mul3A_22 = arith.constant 2048 : i32
    %mul3A_23 = arith.muli %arg0, %mul3A_22 : i32
    %add3A = arith.constant 0 : i32
    %add3A_24 = arith.addi %mul3A_23, %add3A : i32
    %add3A_25 = vector.broadcast %add3A_24 : i32 to vector<1024x128xi32>
    %add3A_26 = arith.addi %iota3A, %add3A_25 : vector<1024x128xi32>
    %lt3A = arith.constant 100000 : i32
    %lt3A_27 = vector.broadcast %lt3A : i32 to vector<1024x128xi32>
    %lt3A_28 = arith.cmpi slt, %add3A_26, %lt3A_27 : vector<1024x128xi32>
    %slice3A = vector.extract_strided_slice %dot_general3A_21 {offsets = [0, 0], sizes = [1024, 128], strides = [1, 1]} : vector<1024x2048xf32> to vector<1024x128xf32>
    %jit3A = arith.constant 0xFF800000 : f32
    %broadcast_in_dim3A_29 = vector.broadcast %jit3A : f32 to vector<1024x128xf32>
    %select_n3A = arith.select %lt3A_28, %slice3A, %broadcast_in_dim3A_29 : vector<1024x128xi1>, vector<1024x128xf32>
    %broadcast_in_dim3A_30 = arith.constant 0xFF800000 : f32
    %broadcast_in_dim3A_31 = vector.broadcast %broadcast_in_dim3A_30 : f32 to vector<1024x128xf32>
    %broadcast_in_dim3A_32 = arith.constant 1073741824 : i32
    %broadcast_in_dim3A_33 = vector.broadcast %broadcast_in_dim3A_32 : i32 to vector<1024x128xi32>
    %broadcast_in_dim3A_34 = arith.constant 0xFF800000 : f32
    %broadcast_in_dim3A_35 = vector.broadcast %broadcast_in_dim3A_34 : f32 to vector<1024x128xf32>
    %mul3A_36 = arith.constant 2048 : i32
    %mul3A_37 = arith.muli %arg0, %mul3A_36 : i32
    %add3A_38 = arith.constant 128 : i32
    %add3A_39 = arith.addi %mul3A_37, %add3A_38 : i32
    %add3A_40 = vector.broadcast %add3A_39 : i32 to vector<1024x128xi32>
    %add3A_41 = arith.addi %iota3A, %add3A_40 : vector<1024x128xi32>
    %lt3A_42 = arith.constant 100000 : i32
    %lt3A_43 = vector.broadcast %lt3A_42 : i32 to vector<1024x128xi32>
    %lt3A_44 = arith.cmpi slt, %add3A_41, %lt3A_43 : vector<1024x128xi32>
    %slice3A_45 = vector.extract_strided_slice %dot_general3A_21 {offsets = [0, 128], sizes = [1024, 128], strides = [1, 1]} : vector<1024x2048xf32> to vector<1024x128xf32>
    %jit3A_46 = arith.constant 0xFF800000 : f32
    %broadcast_in_dim3A_47 = vector.broadcast %jit3A_46 : f32 to vector<1024x128xf32>
    %select_n3A_48 = arith.select %lt3A_44, %slice3A_45, %broadcast_in_dim3A_47 : vector<1024x128xi1>, vector<1024x128xf32>
    %gt3A = arith.cmpf ogt, %select_n3A_48, %select_n3A : vector<1024x128xf32>
    %gt3A_49 = arith.cmpf ogt, %select_n3A_48, %broadcast_in_dim3A_31 : vector<1024x128xf32>
    %gt3A_50 = arith.cmpf ogt, %select_n3A_48, %broadcast_in_dim3A_35 : vector<1024x128xf32>
    %select_n3A_51 = arith.select %gt3A_50, %select_n3A_48, %broadcast_in_dim3A_35 : vector<1024x128xi1>, vector<1024x128xf32>
    %select_n3A_52 = arith.select %gt3A_49, %broadcast_in_dim3A_31, %select_n3A_51 : vector<1024x128xi1>, vector<1024x128xf32>
    %select_n3A_53 = arith.select %gt3A_49, %select_n3A_48, %broadcast_in_dim3A_31 : vector<1024x128xi1>, vector<1024x128xf32>
    %select_n3A_54 = arith.select %gt3A, %select_n3A, %select_n3A_53 : vector<1024x128xi1>, vector<1024x128xf32>
    %select_n3A_55 = arith.select %gt3A_49, %add3A_41, %broadcast_in_dim3A_33 : vector<1024x128xi1>, vector<1024x128xi32>
    %select_n3A_56 = arith.select %gt3A, %add3A_26, %select_n3A_55 : vector<1024x128xi1>, vector<1024x128xi32>
    %select_n3A_57 = arith.select %gt3A, %select_n3A_48, %select_n3A : vector<1024x128xi1>, vector<1024x128xf32>
    %select_n3A_58 = arith.select %gt3A, %add3A_41, %add3A_26 : vector<1024x128xi1>, vector<1024x128xi32>
    %mul3A_59 = arith.constant 2048 : i32
    %mul3A_60 = arith.muli %arg0, %mul3A_59 : i32
    %add3A_61 = arith.constant 256 : i32
    %add3A_62 = arith.addi %mul3A_60, %add3A_61 : i32
    %add3A_63 = vector.broadcast %add3A_62 : i32 to vector<1024x128xi32>
    %add3A_64 = arith.addi %iota3A, %add3A_63 : vector<1024x128xi32>
    %lt3A_65 = arith.constant 100000 : i32
    %lt3A_66 = vector.broadcast %lt3A_65 : i32 to vector<1024x128xi32>
    %lt3A_67 = arith.cmpi slt, %add3A_64, %lt3A_66 : vector<1024x128xi32>
    %slice3A_68 = vector.extract_strided_slice %dot_general3A_21 {offsets = [0, 256], sizes = [1024, 128], strides = [1, 1]} : vector<1024x2048xf32> to vector<1024x128xf32>
    %jit3A_69 = arith.constant 0xFF800000 : f32
    %broadcast_in_dim3A_70 = vector.broadcast %jit3A_69 : f32 to vector<1024x128xf32>
    %select_n3A_71 = arith.select %lt3A_67, %slice3A_68, %broadcast_in_dim3A_70 : vector<1024x128xi1>, vector<1024x128xf32>
    %gt3A_72 = arith.cmpf ogt, %select_n3A_71, %select_n3A_57 : vector<1024x128xf32>
    %gt3A_73 = arith.cmpf ogt, %select_n3A_71, %select_n3A_54 : vector<1024x128xf32>
    %gt3A_74 = arith.cmpf ogt, %select_n3A_71, %select_n3A_52 : vector<1024x128xf32>
    %select_n3A_75 = arith.select %gt3A_74, %select_n3A_71, %select_n3A_52 : vector<1024x128xi1>, vector<1024x128xf32>
    %select_n3A_76 = arith.select %gt3A_73, %select_n3A_54, %select_n3A_75 : vector<1024x128xi1>, vector<1024x128xf32>
    %select_n3A_77 = arith.select %gt3A_73, %select_n3A_71, %select_n3A_54 : vector<1024x128xi1>, vector<1024x128xf32>
    %select_n3A_78 = arith.select %gt3A_72, %select_n3A_57, %select_n3A_77 : vector<1024x128xi1>, vector<1024x128xf32>
    %select_n3A_79 = arith.select %gt3A_73, %add3A_64, %select_n3A_56 : vector<1024x128xi1>, vector<1024x128xi32>
    %select_n3A_80 = arith.select %gt3A_72, %select_n3A_58, %select_n3A_79 : vector<1024x128xi1>, vector<1024x128xi32>
    %select_n3A_81 = arith.select %gt3A_72, %select_n3A_71, %select_n3A_57 : vector<1024x128xi1>, vector<1024x128xf32>
    %select_n3A_82 = arith.select %gt3A_72, %add3A_64, %select_n3A_58 : vector<1024x128xi1>, vector<1024x128xi32>
    %mul3A_83 = arith.constant 2048 : i32
    %mul3A_84 = arith.muli %arg0, %mul3A_83 : i32
    %add3A_85 = arith.constant 384 : i32
    %add3A_86 = arith.addi %mul3A_84, %add3A_85 : i32
    %add3A_87 = vector.broadcast %add3A_86 : i32 to vector<1024x128xi32>
    %add3A_88 = arith.addi %iota3A, %add3A_87 : vector<1024x128xi32>
    %lt3A_89 = arith.constant 100000 : i32
    %lt3A_90 = vector.broadcast %lt3A_89 : i32 to vector<1024x128xi32>
    %lt3A_91 = arith.cmpi slt, %add3A_88, %lt3A_90 : vector<1024x128xi32>
    %slice3A_92 = vector.extract_strided_slice %dot_general3A_21 {offsets = [0, 384], sizes = [1024, 128], strides = [1, 1]} : vector<1024x2048xf32> to vector<1024x128xf32>
    %jit3A_93 = arith.constant 0xFF800000 : f32
    %broadcast_in_dim3A_94 = vector.broadcast %jit3A_93 : f32 to vector<1024x128xf32>
    %select_n3A_95 = arith.select %lt3A_91, %slice3A_92, %broadcast_in_dim3A_94 : vector<1024x128xi1>, vector<1024x128xf32>
    %gt3A_96 = arith.cmpf ogt, %select_n3A_95, %select_n3A_81 : vector<1024x128xf32>
    %gt3A_97 = arith.cmpf ogt, %select_n3A_95, %select_n3A_78 : vector<1024x128xf32>
    %gt3A_98 = arith.cmpf ogt, %select_n3A_95, %select_n3A_76 : vector<1024x128xf32>
    %select_n3A_99 = arith.select %gt3A_98, %select_n3A_95, %select_n3A_76 : vector<1024x128xi1>, vector<1024x128xf32>
    %select_n3A_100 = arith.select %gt3A_97, %select_n3A_78, %select_n3A_99 : vector<1024x128xi1>, vector<1024x128xf32>
    %select_n3A_101 = arith.select %gt3A_97, %select_n3A_95, %select_n3A_78 : vector<1024x128xi1>, vector<1024x128xf32>
    %select_n3A_102 = arith.select %gt3A_96, %select_n3A_81, %select_n3A_101 : vector<1024x128xi1>, vector<1024x128xf32>
    %select_n3A_103 = arith.select %gt3A_97, %add3A_88, %select_n3A_80 : vector<1024x128xi1>, vector<1024x128xi32>
    %select_n3A_104 = arith.select %gt3A_96, %select_n3A_82, %select_n3A_103 : vector<1024x128xi1>, vector<1024x128xi32>
    %select_n3A_105 = arith.select %gt3A_96, %select_n3A_95, %select_n3A_81 : vector<1024x128xi1>, vector<1024x128xf32>
    %select_n3A_106 = arith.select %gt3A_96, %add3A_88, %select_n3A_82 : vector<1024x128xi1>, vector<1024x128xi32>
    %mul3A_107 = arith.constant 2048 : i32
    %mul3A_108 = arith.muli %arg0, %mul3A_107 : i32
    %add3A_109 = arith.constant 512 : i32
    %add3A_110 = arith.addi %mul3A_108, %add3A_109 : i32
    %add3A_111 = vector.broadcast %add3A_110 : i32 to vector<1024x128xi32>
    %add3A_112 = arith.addi %iota3A, %add3A_111 : vector<1024x128xi32>
    %lt3A_113 = arith.constant 100000 : i32
    %lt3A_114 = vector.broadcast %lt3A_113 : i32 to vector<1024x128xi32>
    %lt3A_115 = arith.cmpi slt, %add3A_112, %lt3A_114 : vector<1024x128xi32>
    %slice3A_116 = vector.extract_strided_slice %dot_general3A_21 {offsets = [0, 512], sizes = [1024, 128], strides = [1, 1]} : vector<1024x2048xf32> to vector<1024x128xf32>
    %jit3A_117 = arith.constant 0xFF800000 : f32
    %broadcast_in_dim3A_118 = vector.broadcast %jit3A_117 : f32 to vector<1024x128xf32>
    %select_n3A_119 = arith.select %lt3A_115, %slice3A_116, %broadcast_in_dim3A_118 : vector<1024x128xi1>, vector<1024x128xf32>
    %gt3A_120 = arith.cmpf ogt, %select_n3A_119, %select_n3A_105 : vector<1024x128xf32>
    %gt3A_121 = arith.cmpf ogt, %select_n3A_119, %select_n3A_102 : vector<1024x128xf32>
    %gt3A_122 = arith.cmpf ogt, %select_n3A_119, %select_n3A_100 : vector<1024x128xf32>
    %select_n3A_123 = arith.select %gt3A_122, %select_n3A_119, %select_n3A_100 : vector<1024x128xi1>, vector<1024x128xf32>
    %select_n3A_124 = arith.select %gt3A_121, %select_n3A_102, %select_n3A_123 : vector<1024x128xi1>, vector<1024x128xf32>
    %select_n3A_125 = arith.select %gt3A_121, %select_n3A_119, %select_n3A_102 : vector<1024x128xi1>, vector<1024x128xf32>
    %select_n3A_126 = arith.select %gt3A_120, %select_n3A_105, %select_n3A_125 : vector<1024x128xi1>, vector<1024x128xf32>
    %select_n3A_127 = arith.select %gt3A_121, %add3A_112, %select_n3A_104 : vector<1024x128xi1>, vector<1024x128xi32>
    %select_n3A_128 = arith.select %gt3A_120, %select_n3A_106, %select_n3A_127 : vector<1024x128xi1>, vector<1024x128xi32>
    %select_n3A_129 = arith.select %gt3A_120, %select_n3A_119, %select_n3A_105 : vector<1024x128xi1>, vector<1024x128xf32>
    %select_n3A_130 = arith.select %gt3A_120, %add3A_112, %select_n3A_106 : vector<1024x128xi1>, vector<1024x128xi32>
    %mul3A_131 = arith.constant 2048 : i32
    %mul3A_132 = arith.muli %arg0, %mul3A_131 : i32
    %add3A_133 = arith.constant 640 : i32
    %add3A_134 = arith.addi %mul3A_132, %add3A_133 : i32
    %add3A_135 = vector.broadcast %add3A_134 : i32 to vector<1024x128xi32>
    %add3A_136 = arith.addi %iota3A, %add3A_135 : vector<1024x128xi32>
    %lt3A_137 = arith.constant 100000 : i32
    %lt3A_138 = vector.broadcast %lt3A_137 : i32 to vector<1024x128xi32>
    %lt3A_139 = arith.cmpi slt, %add3A_136, %lt3A_138 : vector<1024x128xi32>
    %slice3A_140 = vector.extract_strided_slice %dot_general3A_21 {offsets = [0, 640], sizes = [1024, 128], strides = [1, 1]} : vector<1024x2048xf32> to vector<1024x128xf32>
    %jit3A_141 = arith.constant 0xFF800000 : f32
    %broadcast_in_dim3A_142 = vector.broadcast %jit3A_141 : f32 to vector<1024x128xf32>
    %select_n3A_143 = arith.select %lt3A_139, %slice3A_140, %broadcast_in_dim3A_142 : vector<1024x128xi1>, vector<1024x128xf32>
    %gt3A_144 = arith.cmpf ogt, %select_n3A_143, %select_n3A_129 : vector<1024x128xf32>
    %gt3A_145 = arith.cmpf ogt, %select_n3A_143, %select_n3A_126 : vector<1024x128xf32>
    %gt3A_146 = arith.cmpf ogt, %select_n3A_143, %select_n3A_124 : vector<1024x128xf32>
    %select_n3A_147 = arith.select %gt3A_146, %select_n3A_143, %select_n3A_124 : vector<1024x128xi1>, vector<1024x128xf32>
    %select_n3A_148 = arith.select %gt3A_145, %select_n3A_126, %select_n3A_147 : vector<1024x128xi1>, vector<1024x128xf32>
    %select_n3A_149 = arith.select %gt3A_145, %select_n3A_143, %select_n3A_126 : vector<1024x128xi1>, vector<1024x128xf32>
    %select_n3A_150 = arith.select %gt3A_144, %select_n3A_129, %select_n3A_149 : vector<1024x128xi1>, vector<1024x128xf32>
    %select_n3A_151 = arith.select %gt3A_145, %add3A_136, %select_n3A_128 : vector<1024x128xi1>, vector<1024x128xi32>
    %select_n3A_152 = arith.select %gt3A_144, %select_n3A_130, %select_n3A_151 : vector<1024x128xi1>, vector<1024x128xi32>
    %select_n3A_153 = arith.select %gt3A_144, %select_n3A_143, %select_n3A_129 : vector<1024x128xi1>, vector<1024x128xf32>
    %select_n3A_154 = arith.select %gt3A_144, %add3A_136, %select_n3A_130 : vector<1024x128xi1>, vector<1024x128xi32>
    %mul3A_155 = arith.constant 2048 : i32
    %mul3A_156 = arith.muli %arg0, %mul3A_155 : i32
    %add3A_157 = arith.constant 768 : i32
    %add3A_158 = arith.addi %mul3A_156, %add3A_157 : i32
    %add3A_159 = vector.broadcast %add3A_158 : i32 to vector<1024x128xi32>
    %add3A_160 = arith.addi %iota3A, %add3A_159 : vector<1024x128xi32>
    %lt3A_161 = arith.constant 100000 : i32
    %lt3A_162 = vector.broadcast %lt3A_161 : i32 to vector<1024x128xi32>
    %lt3A_163 = arith.cmpi slt, %add3A_160, %lt3A_162 : vector<1024x128xi32>
    %slice3A_164 = vector.extract_strided_slice %dot_general3A_21 {offsets = [0, 768], sizes = [1024, 128], strides = [1, 1]} : vector<1024x2048xf32> to vector<1024x128xf32>
    %jit3A_165 = arith.constant 0xFF800000 : f32
    %broadcast_in_dim3A_166 = vector.broadcast %jit3A_165 : f32 to vector<1024x128xf32>
    %select_n3A_167 = arith.select %lt3A_163, %slice3A_164, %broadcast_in_dim3A_166 : vector<1024x128xi1>, vector<1024x128xf32>
    %gt3A_168 = arith.cmpf ogt, %select_n3A_167, %select_n3A_153 : vector<1024x128xf32>
    %gt3A_169 = arith.cmpf ogt, %select_n3A_167, %select_n3A_150 : vector<1024x128xf32>
    %gt3A_170 = arith.cmpf ogt, %select_n3A_167, %select_n3A_148 : vector<1024x128xf32>
    %select_n3A_171 = arith.select %gt3A_170, %select_n3A_167, %select_n3A_148 : vector<1024x128xi1>, vector<1024x128xf32>
    %select_n3A_172 = arith.select %gt3A_169, %select_n3A_150, %select_n3A_171 : vector<1024x128xi1>, vector<1024x128xf32>
    %select_n3A_173 = arith.select %gt3A_169, %select_n3A_167, %select_n3A_150 : vector<1024x128xi1>, vector<1024x128xf32>
    %select_n3A_174 = arith.select %gt3A_168, %select_n3A_153, %select_n3A_173 : vector<1024x128xi1>, vector<1024x128xf32>
    %select_n3A_175 = arith.select %gt3A_169, %add3A_160, %select_n3A_152 : vector<1024x128xi1>, vector<1024x128xi32>
    %select_n3A_176 = arith.select %gt3A_168, %select_n3A_154, %select_n3A_175 : vector<1024x128xi1>, vector<1024x128xi32>
    %select_n3A_177 = arith.select %gt3A_168, %select_n3A_167, %select_n3A_153 : vector<1024x128xi1>, vector<1024x128xf32>
    %select_n3A_178 = arith.select %gt3A_168, %add3A_160, %select_n3A_154 : vector<1024x128xi1>, vector<1024x128xi32>
    %mul3A_179 = arith.constant 2048 : i32
    %mul3A_180 = arith.muli %arg0, %mul3A_179 : i32
    %add3A_181 = arith.constant 896 : i32
    %add3A_182 = arith.addi %mul3A_180, %add3A_181 : i32
    %add3A_183 = vector.broadcast %add3A_182 : i32 to vector<1024x128xi32>
    %add3A_184 = arith.addi %iota3A, %add3A_183 : vector<1024x128xi32>
    %lt3A_185 = arith.constant 100000 : i32
    %lt3A_186 = vector.broadcast %lt3A_185 : i32 to vector<1024x128xi32>
    %lt3A_187 = arith.cmpi slt, %add3A_184, %lt3A_186 : vector<1024x128xi32>
    %slice3A_188 = vector.extract_strided_slice %dot_general3A_21 {offsets = [0, 896], sizes = [1024, 128], strides = [1, 1]} : vector<1024x2048xf32> to vector<1024x128xf32>
    %jit3A_189 = arith.constant 0xFF800000 : f32
    %broadcast_in_dim3A_190 = vector.broadcast %jit3A_189 : f32 to vector<1024x128xf32>
    %select_n3A_191 = arith.select %lt3A_187, %slice3A_188, %broadcast_in_dim3A_190 : vector<1024x128xi1>, vector<1024x128xf32>
    %gt3A_192 = arith.cmpf ogt, %select_n3A_191, %select_n3A_177 : vector<1024x128xf32>
    %gt3A_193 = arith.cmpf ogt, %select_n3A_191, %select_n3A_174 : vector<1024x128xf32>
    %gt3A_194 = arith.cmpf ogt, %select_n3A_191, %select_n3A_172 : vector<1024x128xf32>
    %select_n3A_195 = arith.select %gt3A_194, %select_n3A_191, %select_n3A_172 : vector<1024x128xi1>, vector<1024x128xf32>
    %select_n3A_196 = arith.select %gt3A_193, %select_n3A_174, %select_n3A_195 : vector<1024x128xi1>, vector<1024x128xf32>
    %select_n3A_197 = arith.select %gt3A_193, %select_n3A_191, %select_n3A_174 : vector<1024x128xi1>, vector<1024x128xf32>
    %select_n3A_198 = arith.select %gt3A_192, %select_n3A_177, %select_n3A_197 : vector<1024x128xi1>, vector<1024x128xf32>
    %select_n3A_199 = arith.select %gt3A_193, %add3A_184, %select_n3A_176 : vector<1024x128xi1>, vector<1024x128xi32>
    %select_n3A_200 = arith.select %gt3A_192, %select_n3A_178, %select_n3A_199 : vector<1024x128xi1>, vector<1024x128xi32>
    %select_n3A_201 = arith.select %gt3A_192, %select_n3A_191, %select_n3A_177 : vector<1024x128xi1>, vector<1024x128xf32>
    %select_n3A_202 = arith.select %gt3A_192, %add3A_184, %select_n3A_178 : vector<1024x128xi1>, vector<1024x128xi32>
    %mul3A_203 = arith.constant 2048 : i32
    %mul3A_204 = arith.muli %arg0, %mul3A_203 : i32
    %add3A_205 = arith.constant 1024 : i32
    %add3A_206 = arith.addi %mul3A_204, %add3A_205 : i32
    %add3A_207 = vector.broadcast %add3A_206 : i32 to vector<1024x128xi32>
    %add3A_208 = arith.addi %iota3A, %add3A_207 : vector<1024x128xi32>
    %lt3A_209 = arith.constant 100000 : i32
    %lt3A_210 = vector.broadcast %lt3A_209 : i32 to vector<1024x128xi32>
    %lt3A_211 = arith.cmpi slt, %add3A_208, %lt3A_210 : vector<1024x128xi32>
    %slice3A_212 = vector.extract_strided_slice %dot_general3A_21 {offsets = [0, 1024], sizes = [1024, 128], strides = [1, 1]} : vector<1024x2048xf32> to vector<1024x128xf32>
    %jit3A_213 = arith.constant 0xFF800000 : f32
    %broadcast_in_dim3A_214 = vector.broadcast %jit3A_213 : f32 to vector<1024x128xf32>
    %select_n3A_215 = arith.select %lt3A_211, %slice3A_212, %broadcast_in_dim3A_214 : vector<1024x128xi1>, vector<1024x128xf32>
    %gt3A_216 = arith.cmpf ogt, %select_n3A_215, %select_n3A_201 : vector<1024x128xf32>
    %gt3A_217 = arith.cmpf ogt, %select_n3A_215, %select_n3A_198 : vector<1024x128xf32>
    %gt3A_218 = arith.cmpf ogt, %select_n3A_215, %select_n3A_196 : vector<1024x128xf32>
    %select_n3A_219 = arith.select %gt3A_218, %select_n3A_215, %select_n3A_196 : vector<1024x128xi1>, vector<1024x128xf32>
    %select_n3A_220 = arith.select %gt3A_217, %select_n3A_198, %select_n3A_219 : vector<1024x128xi1>, vector<1024x128xf32>
    %select_n3A_221 = arith.select %gt3A_217, %select_n3A_215, %select_n3A_198 : vector<1024x128xi1>, vector<1024x128xf32>
    %select_n3A_222 = arith.select %gt3A_216, %select_n3A_201, %select_n3A_221 : vector<1024x128xi1>, vector<1024x128xf32>
    %select_n3A_223 = arith.select %gt3A_217, %add3A_208, %select_n3A_200 : vector<1024x128xi1>, vector<1024x128xi32>
    %select_n3A_224 = arith.select %gt3A_216, %select_n3A_202, %select_n3A_223 : vector<1024x128xi1>, vector<1024x128xi32>
    %select_n3A_225 = arith.select %gt3A_216, %select_n3A_215, %select_n3A_201 : vector<1024x128xi1>, vector<1024x128xf32>
    %select_n3A_226 = arith.select %gt3A_216, %add3A_208, %select_n3A_202 : vector<1024x128xi1>, vector<1024x128xi32>
    %mul3A_227 = arith.constant 2048 : i32
    %mul3A_228 = arith.muli %arg0, %mul3A_227 : i32
    %add3A_229 = arith.constant 1152 : i32
    %add3A_230 = arith.addi %mul3A_228, %add3A_229 : i32
    %add3A_231 = vector.broadcast %add3A_230 : i32 to vector<1024x128xi32>
    %add3A_232 = arith.addi %iota3A, %add3A_231 : vector<1024x128xi32>
    %lt3A_233 = arith.constant 100000 : i32
    %lt3A_234 = vector.broadcast %lt3A_233 : i32 to vector<1024x128xi32>
    %lt3A_235 = arith.cmpi slt, %add3A_232, %lt3A_234 : vector<1024x128xi32>
    %slice3A_236 = vector.extract_strided_slice %dot_general3A_21 {offsets = [0, 1152], sizes = [1024, 128], strides = [1, 1]} : vector<1024x2048xf32> to vector<1024x128xf32>
    %jit3A_237 = arith.constant 0xFF800000 : f32
    %broadcast_in_dim3A_238 = vector.broadcast %jit3A_237 : f32 to vector<1024x128xf32>
    %select_n3A_239 = arith.select %lt3A_235, %slice3A_236, %broadcast_in_dim3A_238 : vector<1024x128xi1>, vector<1024x128xf32>
    %gt3A_240 = arith.cmpf ogt, %select_n3A_239, %select_n3A_225 : vector<1024x128xf32>
    %gt3A_241 = arith.cmpf ogt, %select_n3A_239, %select_n3A_222 : vector<1024x128xf32>
    %gt3A_242 = arith.cmpf ogt, %select_n3A_239, %select_n3A_220 : vector<1024x128xf32>
    %select_n3A_243 = arith.select %gt3A_242, %select_n3A_239, %select_n3A_220 : vector<1024x128xi1>, vector<1024x128xf32>
    %select_n3A_244 = arith.select %gt3A_241, %select_n3A_222, %select_n3A_243 : vector<1024x128xi1>, vector<1024x128xf32>
    %select_n3A_245 = arith.select %gt3A_241, %select_n3A_239, %select_n3A_222 : vector<1024x128xi1>, vector<1024x128xf32>
    %select_n3A_246 = arith.select %gt3A_240, %select_n3A_225, %select_n3A_245 : vector<1024x128xi1>, vector<1024x128xf32>
    %select_n3A_247 = arith.select %gt3A_241, %add3A_232, %select_n3A_224 : vector<1024x128xi1>, vector<1024x128xi32>
    %select_n3A_248 = arith.select %gt3A_240, %select_n3A_226, %select_n3A_247 : vector<1024x128xi1>, vector<1024x128xi32>
    %select_n3A_249 = arith.select %gt3A_240, %select_n3A_239, %select_n3A_225 : vector<1024x128xi1>, vector<1024x128xf32>
    %select_n3A_250 = arith.select %gt3A_240, %add3A_232, %select_n3A_226 : vector<1024x128xi1>, vector<1024x128xi32>
    %mul3A_251 = arith.constant 2048 : i32
    %mul3A_252 = arith.muli %arg0, %mul3A_251 : i32
    %add3A_253 = arith.constant 1280 : i32
    %add3A_254 = arith.addi %mul3A_252, %add3A_253 : i32
    %add3A_255 = vector.broadcast %add3A_254 : i32 to vector<1024x128xi32>
    %add3A_256 = arith.addi %iota3A, %add3A_255 : vector<1024x128xi32>
    %lt3A_257 = arith.constant 100000 : i32
    %lt3A_258 = vector.broadcast %lt3A_257 : i32 to vector<1024x128xi32>
    %lt3A_259 = arith.cmpi slt, %add3A_256, %lt3A_258 : vector<1024x128xi32>
    %slice3A_260 = vector.extract_strided_slice %dot_general3A_21 {offsets = [0, 1280], sizes = [1024, 128], strides = [1, 1]} : vector<1024x2048xf32> to vector<1024x128xf32>
    %jit3A_261 = arith.constant 0xFF800000 : f32
    %broadcast_in_dim3A_262 = vector.broadcast %jit3A_261 : f32 to vector<1024x128xf32>
    %select_n3A_263 = arith.select %lt3A_259, %slice3A_260, %broadcast_in_dim3A_262 : vector<1024x128xi1>, vector<1024x128xf32>
    %gt3A_264 = arith.cmpf ogt, %select_n3A_263, %select_n3A_249 : vector<1024x128xf32>
    %gt3A_265 = arith.cmpf ogt, %select_n3A_263, %select_n3A_246 : vector<1024x128xf32>
    %gt3A_266 = arith.cmpf ogt, %select_n3A_263, %select_n3A_244 : vector<1024x128xf32>
    %select_n3A_267 = arith.select %gt3A_266, %select_n3A_263, %select_n3A_244 : vector<1024x128xi1>, vector<1024x128xf32>
    %select_n3A_268 = arith.select %gt3A_265, %select_n3A_246, %select_n3A_267 : vector<1024x128xi1>, vector<1024x128xf32>
    %select_n3A_269 = arith.select %gt3A_265, %select_n3A_263, %select_n3A_246 : vector<1024x128xi1>, vector<1024x128xf32>
    %select_n3A_270 = arith.select %gt3A_264, %select_n3A_249, %select_n3A_269 : vector<1024x128xi1>, vector<1024x128xf32>
    %select_n3A_271 = arith.select %gt3A_265, %add3A_256, %select_n3A_248 : vector<1024x128xi1>, vector<1024x128xi32>
    %select_n3A_272 = arith.select %gt3A_264, %select_n3A_250, %select_n3A_271 : vector<1024x128xi1>, vector<1024x128xi32>
    %select_n3A_273 = arith.select %gt3A_264, %select_n3A_263, %select_n3A_249 : vector<1024x128xi1>, vector<1024x128xf32>
    %select_n3A_274 = arith.select %gt3A_264, %add3A_256, %select_n3A_250 : vector<1024x128xi1>, vector<1024x128xi32>
    %mul3A_275 = arith.constant 2048 : i32
    %mul3A_276 = arith.muli %arg0, %mul3A_275 : i32
    %add3A_277 = arith.constant 1408 : i32
    %add3A_278 = arith.addi %mul3A_276, %add3A_277 : i32
    %add3A_279 = vector.broadcast %add3A_278 : i32 to vector<1024x128xi32>
    %add3A_280 = arith.addi %iota3A, %add3A_279 : vector<1024x128xi32>
    %lt3A_281 = arith.constant 100000 : i32
    %lt3A_282 = vector.broadcast %lt3A_281 : i32 to vector<1024x128xi32>
    %lt3A_283 = arith.cmpi slt, %add3A_280, %lt3A_282 : vector<1024x128xi32>
    %slice3A_284 = vector.extract_strided_slice %dot_general3A_21 {offsets = [0, 1408], sizes = [1024, 128], strides = [1, 1]} : vector<1024x2048xf32> to vector<1024x128xf32>
    %jit3A_285 = arith.constant 0xFF800000 : f32
    %broadcast_in_dim3A_286 = vector.broadcast %jit3A_285 : f32 to vector<1024x128xf32>
    %select_n3A_287 = arith.select %lt3A_283, %slice3A_284, %broadcast_in_dim3A_286 : vector<1024x128xi1>, vector<1024x128xf32>
    %gt3A_288 = arith.cmpf ogt, %select_n3A_287, %select_n3A_273 : vector<1024x128xf32>
    %gt3A_289 = arith.cmpf ogt, %select_n3A_287, %select_n3A_270 : vector<1024x128xf32>
    %gt3A_290 = arith.cmpf ogt, %select_n3A_287, %select_n3A_268 : vector<1024x128xf32>
    %select_n3A_291 = arith.select %gt3A_290, %select_n3A_287, %select_n3A_268 : vector<1024x128xi1>, vector<1024x128xf32>
    %select_n3A_292 = arith.select %gt3A_289, %select_n3A_270, %select_n3A_291 : vector<1024x128xi1>, vector<1024x128xf32>
    %select_n3A_293 = arith.select %gt3A_289, %select_n3A_287, %select_n3A_270 : vector<1024x128xi1>, vector<1024x128xf32>
    %select_n3A_294 = arith.select %gt3A_288, %select_n3A_273, %select_n3A_293 : vector<1024x128xi1>, vector<1024x128xf32>
    %select_n3A_295 = arith.select %gt3A_289, %add3A_280, %select_n3A_272 : vector<1024x128xi1>, vector<1024x128xi32>
    %select_n3A_296 = arith.select %gt3A_288, %select_n3A_274, %select_n3A_295 : vector<1024x128xi1>, vector<1024x128xi32>
    %select_n3A_297 = arith.select %gt3A_288, %select_n3A_287, %select_n3A_273 : vector<1024x128xi1>, vector<1024x128xf32>
    %select_n3A_298 = arith.select %gt3A_288, %add3A_280, %select_n3A_274 : vector<1024x128xi1>, vector<1024x128xi32>
    %mul3A_299 = arith.constant 2048 : i32
    %mul3A_300 = arith.muli %arg0, %mul3A_299 : i32
    %add3A_301 = arith.constant 1536 : i32
    %add3A_302 = arith.addi %mul3A_300, %add3A_301 : i32
    %add3A_303 = vector.broadcast %add3A_302 : i32 to vector<1024x128xi32>
    %add3A_304 = arith.addi %iota3A, %add3A_303 : vector<1024x128xi32>
    %lt3A_305 = arith.constant 100000 : i32
    %lt3A_306 = vector.broadcast %lt3A_305 : i32 to vector<1024x128xi32>
    %lt3A_307 = arith.cmpi slt, %add3A_304, %lt3A_306 : vector<1024x128xi32>
    %slice3A_308 = vector.extract_strided_slice %dot_general3A_21 {offsets = [0, 1536], sizes = [1024, 128], strides = [1, 1]} : vector<1024x2048xf32> to vector<1024x128xf32>
    %jit3A_309 = arith.constant 0xFF800000 : f32
    %broadcast_in_dim3A_310 = vector.broadcast %jit3A_309 : f32 to vector<1024x128xf32>
    %select_n3A_311 = arith.select %lt3A_307, %slice3A_308, %broadcast_in_dim3A_310 : vector<1024x128xi1>, vector<1024x128xf32>
    %gt3A_312 = arith.cmpf ogt, %select_n3A_311, %select_n3A_297 : vector<1024x128xf32>
    %gt3A_313 = arith.cmpf ogt, %select_n3A_311, %select_n3A_294 : vector<1024x128xf32>
    %gt3A_314 = arith.cmpf ogt, %select_n3A_311, %select_n3A_292 : vector<1024x128xf32>
    %select_n3A_315 = arith.select %gt3A_314, %select_n3A_311, %select_n3A_292 : vector<1024x128xi1>, vector<1024x128xf32>
    %select_n3A_316 = arith.select %gt3A_313, %select_n3A_294, %select_n3A_315 : vector<1024x128xi1>, vector<1024x128xf32>
    %select_n3A_317 = arith.select %gt3A_313, %select_n3A_311, %select_n3A_294 : vector<1024x128xi1>, vector<1024x128xf32>
    %select_n3A_318 = arith.select %gt3A_312, %select_n3A_297, %select_n3A_317 : vector<1024x128xi1>, vector<1024x128xf32>
    %select_n3A_319 = arith.select %gt3A_313, %add3A_304, %select_n3A_296 : vector<1024x128xi1>, vector<1024x128xi32>
    %select_n3A_320 = arith.select %gt3A_312, %select_n3A_298, %select_n3A_319 : vector<1024x128xi1>, vector<1024x128xi32>
    %select_n3A_321 = arith.select %gt3A_312, %select_n3A_311, %select_n3A_297 : vector<1024x128xi1>, vector<1024x128xf32>
    %select_n3A_322 = arith.select %gt3A_312, %add3A_304, %select_n3A_298 : vector<1024x128xi1>, vector<1024x128xi32>
    %mul3A_323 = arith.constant 2048 : i32
    %mul3A_324 = arith.muli %arg0, %mul3A_323 : i32
    %add3A_325 = arith.constant 1664 : i32
    %add3A_326 = arith.addi %mul3A_324, %add3A_325 : i32
    %add3A_327 = vector.broadcast %add3A_326 : i32 to vector<1024x128xi32>
    %add3A_328 = arith.addi %iota3A, %add3A_327 : vector<1024x128xi32>
    %lt3A_329 = arith.constant 100000 : i32
    %lt3A_330 = vector.broadcast %lt3A_329 : i32 to vector<1024x128xi32>
    %lt3A_331 = arith.cmpi slt, %add3A_328, %lt3A_330 : vector<1024x128xi32>
    %slice3A_332 = vector.extract_strided_slice %dot_general3A_21 {offsets = [0, 1664], sizes = [1024, 128], strides = [1, 1]} : vector<1024x2048xf32> to vector<1024x128xf32>
    %jit3A_333 = arith.constant 0xFF800000 : f32
    %broadcast_in_dim3A_334 = vector.broadcast %jit3A_333 : f32 to vector<1024x128xf32>
    %select_n3A_335 = arith.select %lt3A_331, %slice3A_332, %broadcast_in_dim3A_334 : vector<1024x128xi1>, vector<1024x128xf32>
    %gt3A_336 = arith.cmpf ogt, %select_n3A_335, %select_n3A_321 : vector<1024x128xf32>
    %gt3A_337 = arith.cmpf ogt, %select_n3A_335, %select_n3A_318 : vector<1024x128xf32>
    %gt3A_338 = arith.cmpf ogt, %select_n3A_335, %select_n3A_316 : vector<1024x128xf32>
    %select_n3A_339 = arith.select %gt3A_338, %select_n3A_335, %select_n3A_316 : vector<1024x128xi1>, vector<1024x128xf32>
    %select_n3A_340 = arith.select %gt3A_337, %select_n3A_318, %select_n3A_339 : vector<1024x128xi1>, vector<1024x128xf32>
    %select_n3A_341 = arith.select %gt3A_337, %select_n3A_335, %select_n3A_318 : vector<1024x128xi1>, vector<1024x128xf32>
    %select_n3A_342 = arith.select %gt3A_336, %select_n3A_321, %select_n3A_341 : vector<1024x128xi1>, vector<1024x128xf32>
    %select_n3A_343 = arith.select %gt3A_337, %add3A_328, %select_n3A_320 : vector<1024x128xi1>, vector<1024x128xi32>
    %select_n3A_344 = arith.select %gt3A_336, %select_n3A_322, %select_n3A_343 : vector<1024x128xi1>, vector<1024x128xi32>
    %select_n3A_345 = arith.select %gt3A_336, %select_n3A_335, %select_n3A_321 : vector<1024x128xi1>, vector<1024x128xf32>
    %select_n3A_346 = arith.select %gt3A_336, %add3A_328, %select_n3A_322 : vector<1024x128xi1>, vector<1024x128xi32>
    %mul3A_347 = arith.constant 2048 : i32
    %mul3A_348 = arith.muli %arg0, %mul3A_347 : i32
    %add3A_349 = arith.constant 1792 : i32
    %add3A_350 = arith.addi %mul3A_348, %add3A_349 : i32
    %add3A_351 = vector.broadcast %add3A_350 : i32 to vector<1024x128xi32>
    %add3A_352 = arith.addi %iota3A, %add3A_351 : vector<1024x128xi32>
    %lt3A_353 = arith.constant 100000 : i32
    %lt3A_354 = vector.broadcast %lt3A_353 : i32 to vector<1024x128xi32>
    %lt3A_355 = arith.cmpi slt, %add3A_352, %lt3A_354 : vector<1024x128xi32>
    %slice3A_356 = vector.extract_strided_slice %dot_general3A_21 {offsets = [0, 1792], sizes = [1024, 128], strides = [1, 1]} : vector<1024x2048xf32> to vector<1024x128xf32>
    %jit3A_357 = arith.constant 0xFF800000 : f32
    %broadcast_in_dim3A_358 = vector.broadcast %jit3A_357 : f32 to vector<1024x128xf32>
    %select_n3A_359 = arith.select %lt3A_355, %slice3A_356, %broadcast_in_dim3A_358 : vector<1024x128xi1>, vector<1024x128xf32>
    %gt3A_360 = arith.cmpf ogt, %select_n3A_359, %select_n3A_345 : vector<1024x128xf32>
    %gt3A_361 = arith.cmpf ogt, %select_n3A_359, %select_n3A_342 : vector<1024x128xf32>
    %gt3A_362 = arith.cmpf ogt, %select_n3A_359, %select_n3A_340 : vector<1024x128xf32>
    %select_n3A_363 = arith.select %gt3A_362, %select_n3A_359, %select_n3A_340 : vector<1024x128xi1>, vector<1024x128xf32>
    %select_n3A_364 = arith.select %gt3A_361, %select_n3A_342, %select_n3A_363 : vector<1024x128xi1>, vector<1024x128xf32>
    %select_n3A_365 = arith.select %gt3A_361, %select_n3A_359, %select_n3A_342 : vector<1024x128xi1>, vector<1024x128xf32>
    %select_n3A_366 = arith.select %gt3A_360, %select_n3A_345, %select_n3A_365 : vector<1024x128xi1>, vector<1024x128xf32>
    %select_n3A_367 = arith.select %gt3A_361, %add3A_352, %select_n3A_344 : vector<1024x128xi1>, vector<1024x128xi32>
    %select_n3A_368 = arith.select %gt3A_360, %select_n3A_346, %select_n3A_367 : vector<1024x128xi1>, vector<1024x128xi32>
    %select_n3A_369 = arith.select %gt3A_360, %select_n3A_359, %select_n3A_345 : vector<1024x128xi1>, vector<1024x128xf32>
    %select_n3A_370 = arith.select %gt3A_360, %add3A_352, %select_n3A_346 : vector<1024x128xi1>, vector<1024x128xi32>
    %mul3A_371 = arith.constant 2048 : i32
    %mul3A_372 = arith.muli %arg0, %mul3A_371 : i32
    %add3A_373 = arith.constant 1920 : i32
    %add3A_374 = arith.addi %mul3A_372, %add3A_373 : i32
    %add3A_375 = vector.broadcast %add3A_374 : i32 to vector<1024x128xi32>
    %add3A_376 = arith.addi %iota3A, %add3A_375 : vector<1024x128xi32>
    %lt3A_377 = arith.constant 100000 : i32
    %lt3A_378 = vector.broadcast %lt3A_377 : i32 to vector<1024x128xi32>
    %lt3A_379 = arith.cmpi slt, %add3A_376, %lt3A_378 : vector<1024x128xi32>
    %slice3A_380 = vector.extract_strided_slice %dot_general3A_21 {offsets = [0, 1920], sizes = [1024, 128], strides = [1, 1]} : vector<1024x2048xf32> to vector<1024x128xf32>
    %jit3A_381 = arith.constant 0xFF800000 : f32
    %broadcast_in_dim3A_382 = vector.broadcast %jit3A_381 : f32 to vector<1024x128xf32>
    %select_n3A_383 = arith.select %lt3A_379, %slice3A_380, %broadcast_in_dim3A_382 : vector<1024x128xi1>, vector<1024x128xf32>
    %gt3A_384 = arith.cmpf ogt, %select_n3A_383, %select_n3A_369 : vector<1024x128xf32>
    %gt3A_385 = arith.cmpf ogt, %select_n3A_383, %select_n3A_366 : vector<1024x128xf32>
    %gt3A_386 = arith.cmpf ogt, %select_n3A_383, %select_n3A_364 : vector<1024x128xf32>
    %select_n3A_387 = arith.select %gt3A_386, %select_n3A_383, %select_n3A_364 : vector<1024x128xi1>, vector<1024x128xf32>
    %select_n3A_388 = arith.select %gt3A_385, %select_n3A_366, %select_n3A_387 : vector<1024x128xi1>, vector<1024x128xf32>
    %select_n3A_389 = arith.select %gt3A_385, %select_n3A_383, %select_n3A_366 : vector<1024x128xi1>, vector<1024x128xf32>
    %select_n3A_390 = arith.select %gt3A_384, %select_n3A_369, %select_n3A_389 : vector<1024x128xi1>, vector<1024x128xf32>
    %select_n3A_391 = arith.select %gt3A_385, %add3A_376, %select_n3A_368 : vector<1024x128xi1>, vector<1024x128xi32>
    %select_n3A_392 = arith.select %gt3A_384, %select_n3A_370, %select_n3A_391 : vector<1024x128xi1>, vector<1024x128xi32>
    %select_n3A_393 = arith.select %gt3A_384, %select_n3A_383, %select_n3A_369 : vector<1024x128xi1>, vector<1024x128xf32>
    %select_n3A_394 = arith.select %gt3A_384, %add3A_376, %select_n3A_370 : vector<1024x128xi1>, vector<1024x128xi32>
    %get3A_395 = arith.constant 0 : index
    %get3A_396 = arith.constant 0 : index
    %get3A_397 = vector.load %arg7[%get3A_395, %get3A_396] : memref<1024x128xf32, #tpu.memory_space<vmem>>, vector<1024x128xf32>
    %reduce_max3A = arith.constant dense<0xFF800000> : vector<1024xf32>
    %reduce_max3A_398 = vector.multi_reduction <maximumf>, %select_n3A_388, %reduce_max3A [1] : vector<1024x128xf32> to vector<1024xf32>
    %broadcast_in_dim3A_399 = vector.shape_cast %reduce_max3A_398 : vector<1024xf32> to vector<1024x1xf32>
    %max3A_400 = vector.broadcast %broadcast_in_dim3A_399 : vector<1024x1xf32> to vector<1024x128xf32>
    %max3A_401 = arith.maximumf %get3A_397, %max3A_400 : vector<1024x128xf32>
    %swap3A = arith.constant 0 : index
    %swap3A_402 = arith.constant 0 : index
    %swap3A_403 = vector.load %arg7[%swap3A, %swap3A_402] : memref<1024x128xf32, #tpu.memory_space<vmem>>, vector<1024x128xf32>
    tpu.vector_store %arg7[%swap3A, %swap3A_402], %max3A_401 {strides = array<i32>} : memref<1024x128xf32, #tpu.memory_space<vmem>>, vector<1024x128xf32>,
    %get3A_404 = arith.constant 0 : index
    %get3A_405 = arith.constant 0 : index
    %get3A_406 = vector.load %arg5[%get3A_404, %get3A_405] : memref<1024x128xf32, #tpu.memory_space<vmem>>, vector<1024x128xf32>
    %concatenate3A = tpu.concatenate %select_n3A_393, %select_n3A_390, %get3A_406 in 1 : vector<1024x128xf32>, vector<1024x128xf32>, vector<1024x128xf32> -> vector<1024x384xf32>
    %get3A_407 = arith.constant 0 : index
    %get3A_408 = arith.constant 0 : index
    %get3A_409 = vector.load %arg6[%get3A_407, %get3A_408] : memref<1024x128xi32, #tpu.memory_space<vmem>>, vector<1024x128xi32>
    %concatenate3A_410 = tpu.concatenate %select_n3A_394, %select_n3A_392, %get3A_409 in 1 : vector<1024x128xi32>, vector<1024x128xi32>, vector<1024x128xi32> -> vector<1024x384xi32>
    %reduce_max3A_411 = arith.constant dense<0xFF800000> : vector<1024xf32>
    %reduce_max3A_412 = vector.multi_reduction <maximumf>, %concatenate3A, %reduce_max3A_411 [1] : vector<1024x384xf32> to vector<1024xf32>
    %broadcast_in_dim3A_413 = vector.shape_cast %reduce_max3A_412 : vector<1024xf32> to vector<1024x1xf32>
    %eq3A_414 = vector.broadcast %broadcast_in_dim3A_413 : vector<1024x1xf32> to vector<1024x384xf32>
    %eq3A_415 = arith.cmpf oeq, %concatenate3A, %eq3A_414 : vector<1024x384xf32>
    %jit3A_416 = arith.constant 1073741824 : i32
    %broadcast_in_dim3A_417 = vector.broadcast %jit3A_416 : i32 to vector<1024x384xi32>
    %select_n3A_418 = arith.select %eq3A_415, %concatenate3A_410, %broadcast_in_dim3A_417 : vector<1024x384xi1>, vector<1024x384xi32>
    %reduce_min3A = arith.constant dense<2147483647> : vector<1024xi32>
    %reduce_min3A_419 = vector.multi_reduction <minsi>, %select_n3A_418, %reduce_min3A [1] : vector<1024x384xi32> to vector<1024xi32>
    %broadcast_in_dim3A_420 = vector.shape_cast %reduce_min3A_419 : vector<1024xi32> to vector<1024x1xi32>
    %eq3A_421 = vector.broadcast %broadcast_in_dim3A_420 : vector<1024x1xi32> to vector<1024x384xi32>
    %eq3A_422 = arith.cmpi eq, %concatenate3A_410, %eq3A_421 : vector<1024x384xi32>
    %jit3A_423 = arith.constant 0xFF800000 : f32
    %broadcast_in_dim3A_424 = vector.broadcast %jit3A_423 : f32 to vector<1024x384xf32>
    %select_n3A_425 = arith.select %eq3A_422, %broadcast_in_dim3A_424, %concatenate3A : vector<1024x384xi1>, vector<1024x384xf32>
    %reduce_max3A_426 = arith.constant dense<0xFF800000> : vector<1024xf32>
    %reduce_max3A_427 = vector.multi_reduction <maximumf>, %select_n3A_425, %reduce_max3A_426 [1] : vector<1024x384xf32> to vector<1024xf32>
    %broadcast_in_dim3A_428 = vector.shape_cast %reduce_max3A_427 : vector<1024xf32> to vector<1024x1xf32>
    %eq3A_429 = vector.broadcast %broadcast_in_dim3A_428 : vector<1024x1xf32> to vector<1024x384xf32>
    %eq3A_430 = arith.cmpf oeq, %select_n3A_425, %eq3A_429 : vector<1024x384xf32>
    %jit3A_431 = arith.constant 1073741824 : i32
    %broadcast_in_dim3A_432 = vector.broadcast %jit3A_431 : i32 to vector<1024x384xi32>
    %select_n3A_433 = arith.select %eq3A_430, %concatenate3A_410, %broadcast_in_dim3A_432 : vector<1024x384xi1>, vector<1024x384xi32>
    %reduce_min3A_434 = arith.constant dense<2147483647> : vector<1024xi32>
    %reduce_min3A_435 = vector.multi_reduction <minsi>, %select_n3A_433, %reduce_min3A_434 [1] : vector<1024x384xi32> to vector<1024xi32>
    %broadcast_in_dim3A_436 = vector.shape_cast %reduce_min3A_435 : vector<1024xi32> to vector<1024x1xi32>
    %eq3A_437 = vector.broadcast %broadcast_in_dim3A_436 : vector<1024x1xi32> to vector<1024x384xi32>
    %eq3A_438 = arith.cmpi eq, %concatenate3A_410, %eq3A_437 : vector<1024x384xi32>
    %jit3A_439 = arith.constant 0xFF800000 : f32
    %broadcast_in_dim3A_440 = vector.broadcast %jit3A_439 : f32 to vector<1024x384xf32>
    %select_n3A_441 = arith.select %eq3A_438, %broadcast_in_dim3A_440, %select_n3A_425 : vector<1024x384xi1>, vector<1024x384xf32>
    %reduce_max3A_442 = arith.constant dense<0xFF800000> : vector<1024xf32>
    %reduce_max3A_443 = vector.multi_reduction <maximumf>, %select_n3A_441, %reduce_max3A_442 [1] : vector<1024x384xf32> to vector<1024xf32>
    %broadcast_in_dim3A_444 = vector.shape_cast %reduce_max3A_443 : vector<1024xf32> to vector<1024x1xf32>
    %eq3A_445 = vector.broadcast %broadcast_in_dim3A_444 : vector<1024x1xf32> to vector<1024x384xf32>
    %eq3A_446 = arith.cmpf oeq, %select_n3A_441, %eq3A_445 : vector<1024x384xf32>
    %jit3A_447 = arith.constant 1073741824 : i32
    %broadcast_in_dim3A_448 = vector.broadcast %jit3A_447 : i32 to vector<1024x384xi32>
    %select_n3A_449 = arith.select %eq3A_446, %concatenate3A_410, %broadcast_in_dim3A_448 : vector<1024x384xi1>, vector<1024x384xi32>
    %reduce_min3A_450 = arith.constant dense<2147483647> : vector<1024xi32>
    %reduce_min3A_451 = vector.multi_reduction <minsi>, %select_n3A_449, %reduce_min3A_450 [1] : vector<1024x384xi32> to vector<1024xi32>
    %broadcast_in_dim3A_452 = vector.shape_cast %reduce_min3A_451 : vector<1024xi32> to vector<1024x1xi32>
    %eq3A_453 = vector.broadcast %broadcast_in_dim3A_452 : vector<1024x1xi32> to vector<1024x384xi32>
    %eq3A_454 = arith.cmpi eq, %concatenate3A_410, %eq3A_453 : vector<1024x384xi32>
    %jit3A_455 = arith.constant 0xFF800000 : f32
    %broadcast_in_dim3A_456 = vector.broadcast %jit3A_455 : f32 to vector<1024x384xf32>
    %select_n3A_457 = arith.select %eq3A_454, %broadcast_in_dim3A_456, %select_n3A_441 : vector<1024x384xi1>, vector<1024x384xf32>
    %reduce_max3A_458 = arith.constant dense<0xFF800000> : vector<1024xf32>
    %reduce_max3A_459 = vector.multi_reduction <maximumf>, %select_n3A_457, %reduce_max3A_458 [1] : vector<1024x384xf32> to vector<1024xf32>
    %broadcast_in_dim3A_460 = vector.shape_cast %reduce_max3A_459 : vector<1024xf32> to vector<1024x1xf32>
    %eq3A_461 = vector.broadcast %broadcast_in_dim3A_460 : vector<1024x1xf32> to vector<1024x384xf32>
    %eq3A_462 = arith.cmpf oeq, %select_n3A_457, %eq3A_461 : vector<1024x384xf32>
    %jit3A_463 = arith.constant 1073741824 : i32
    %broadcast_in_dim3A_464 = vector.broadcast %jit3A_463 : i32 to vector<1024x384xi32>
    %select_n3A_465 = arith.select %eq3A_462, %concatenate3A_410, %broadcast_in_dim3A_464 : vector<1024x384xi1>, vector<1024x384xi32>
    %reduce_min3A_466 = arith.constant dense<2147483647> : vector<1024xi32>
    %reduce_min3A_467 = vector.multi_reduction <minsi>, %select_n3A_465, %reduce_min3A_466 [1] : vector<1024x384xi32> to vector<1024xi32>
    %broadcast_in_dim3A_468 = vector.shape_cast %reduce_min3A_467 : vector<1024xi32> to vector<1024x1xi32>
    %eq3A_469 = vector.broadcast %broadcast_in_dim3A_468 : vector<1024x1xi32> to vector<1024x384xi32>
    %eq3A_470 = arith.cmpi eq, %concatenate3A_410, %eq3A_469 : vector<1024x384xi32>
    %jit3A_471 = arith.constant 0xFF800000 : f32
    %broadcast_in_dim3A_472 = vector.broadcast %jit3A_471 : f32 to vector<1024x384xf32>
    %select_n3A_473 = arith.select %eq3A_470, %broadcast_in_dim3A_472, %select_n3A_457 : vector<1024x384xi1>, vector<1024x384xf32>
    %reduce_max3A_474 = arith.constant dense<0xFF800000> : vector<1024xf32>
    %reduce_max3A_475 = vector.multi_reduction <maximumf>, %select_n3A_473, %reduce_max3A_474 [1] : vector<1024x384xf32> to vector<1024xf32>
    %broadcast_in_dim3A_476 = vector.shape_cast %reduce_max3A_475 : vector<1024xf32> to vector<1024x1xf32>
    %eq3A_477 = vector.broadcast %broadcast_in_dim3A_476 : vector<1024x1xf32> to vector<1024x384xf32>
    %eq3A_478 = arith.cmpf oeq, %select_n3A_473, %eq3A_477 : vector<1024x384xf32>
    %jit3A_479 = arith.constant 1073741824 : i32
    %broadcast_in_dim3A_480 = vector.broadcast %jit3A_479 : i32 to vector<1024x384xi32>
    %select_n3A_481 = arith.select %eq3A_478, %concatenate3A_410, %broadcast_in_dim3A_480 : vector<1024x384xi1>, vector<1024x384xi32>
    %reduce_min3A_482 = arith.constant dense<2147483647> : vector<1024xi32>
    %reduce_min3A_483 = vector.multi_reduction <minsi>, %select_n3A_481, %reduce_min3A_482 [1] : vector<1024x384xi32> to vector<1024xi32>
    %broadcast_in_dim3A_484 = vector.shape_cast %reduce_min3A_483 : vector<1024xi32> to vector<1024x1xi32>
    %broadcast_in_dim3A_485 = arith.constant 0xFF800000 : f32
    %broadcast_in_dim3A_486 = vector.broadcast %broadcast_in_dim3A_485 : f32 to vector<1024x123xf32>
    %concatenate3A_487 = tpu.concatenate %broadcast_in_dim3A_413, %broadcast_in_dim3A_428, %broadcast_in_dim3A_444, %broadcast_in_dim3A_460, %broadcast_in_dim3A_476, %broadcast_in_dim3A_486 in 1 : vector<1024x1xf32>, vector<1024x1xf32>, vector<1024x1xf32>, vector<1024x1xf32>, vector<1024x1xf32>, vector<1024x123xf32> -> vector<1024x128xf32>
    %broadcast_in_dim3A_488 = arith.constant 1073741824 : i32
    %broadcast_in_dim3A_489 = vector.broadcast %broadcast_in_dim3A_488 : i32 to vector<1024x123xi32>
    %concatenate3A_490 = tpu.concatenate %broadcast_in_dim3A_420, %broadcast_in_dim3A_436, %broadcast_in_dim3A_452, %broadcast_in_dim3A_468, %broadcast_in_dim3A_484, %broadcast_in_dim3A_489 in 1 : vector<1024x1xi32>, vector<1024x1xi32>, vector<1024x1xi32>, vector<1024x1xi32>, vector<1024x1xi32>, vector<1024x123xi32> -> vector<1024x128xi32>
    %swap3A_491 = arith.constant 0 : index
    %swap3A_492 = arith.constant 0 : index
    %swap3A_493 = vector.load %arg5[%swap3A_491, %swap3A_492] : memref<1024x128xf32, #tpu.memory_space<vmem>>, vector<1024x128xf32>
    tpu.vector_store %arg5[%swap3A_491, %swap3A_492], %concatenate3A_487 {strides = array<i32>} : memref<1024x128xf32, #tpu.memory_space<vmem>>, vector<1024x128xf32>,
    %swap3A_494 = arith.constant 0 : index
    %swap3A_495 = arith.constant 0 : index
    %swap3A_496 = vector.load %arg6[%swap3A_494, %swap3A_495] : memref<1024x128xi32, #tpu.memory_space<vmem>>, vector<1024x128xi32>
    tpu.vector_store %arg6[%swap3A_494, %swap3A_495], %concatenate3A_490 {strides = array<i32>} : memref<1024x128xi32, #tpu.memory_space<vmem>>, vector<1024x128xi32>,
    %swap3A_497 = arith.constant 0 : index
    %swap3A_498 = arith.constant 0 : index
    %swap3A_499 = vector.load %arg3[%swap3A_497, %swap3A_498] : memref<1024x128xi32, #tpu.memory_space<vmem>>, vector<1024x128xi32>
    tpu.vector_store %arg3[%swap3A_497, %swap3A_498], %concatenate3A_490 {strides = array<i32>} : memref<1024x128xi32, #tpu.memory_space<vmem>>, vector<1024x128xi32>,
    %get3A_500 = arith.constant 0 : index
    %get3A_501 = arith.constant 0 : index
    %get3A_502 = vector.load %arg7[%get3A_500, %get3A_501] : memref<1024x128xf32, #tpu.memory_space<vmem>>, vector<1024x1xf32>
    %broadcast_in_dim3A_503 = arith.constant 0.000000e+00 : f32
    %broadcast_in_dim3A_504 = vector.broadcast %broadcast_in_dim3A_503 : f32 to vector<1024x126xf32>
    %concatenate3A_505 = tpu.concatenate %broadcast_in_dim3A_476, %get3A_502, %broadcast_in_dim3A_504 in 1 : vector<1024x1xf32>, vector<1024x1xf32>, vector<1024x126xf32> -> vector<1024x128xf32>
    %swap3A_506 = arith.constant 0 : index
    %swap3A_507 = arith.constant 0 : index
    %swap3A_508 = vector.load %arg4[%swap3A_506, %swap3A_507] : memref<1024x128xf32, #tpu.memory_space<vmem>>, vector<1024x128xf32>
    tpu.vector_store %arg4[%swap3A_506, %swap3A_507], %concatenate3A_505 {strides = array<i32>} : memref<1024x128xf32, #tpu.memory_space<vmem>>, vector<1024x128xf32>,
    return
  }
  func.func @transform_0(%arg0: i32) -> (i32, i32) {
    %c0_i32 = arith.constant 0 : i32
    %c0_i32_0 = arith.constant 0 : i32
    %c0_i32_1 = arith.constant 0 : i32
    return %c0_i32, %c0_i32_0 : i32, i32
  }
  func.func @transform_1(%arg0: i32) -> (i32, i32) {
    %c0_i32 = arith.constant 0 : i32
    %c0_i32_0 = arith.constant 0 : i32
    return %arg0, %c0_i32 : i32, i32
  }
  func.func @transform_2(%arg0: i32) -> (i32, i32) {
    %c0_i32 = arith.constant 0 : i32
    %c0_i32_0 = arith.constant 0 : i32
    %c0_i32_1 = arith.constant 0 : i32
    return %c0_i32, %c0_i32_0 : i32, i32
  }
  func.func @transform_3(%arg0: i32) -> (i32, i32) {
    %c0_i32 = arith.constant 0 : i32
    %c0_i32_0 = arith.constant 0 : i32
    %c0_i32_1 = arith.constant 0 : i32
    return %c0_i32, %c0_i32_0 : i32, i32
  }
}

module attributes {stable_mosaic.version = 14 : i64} {
  func.func @_topk_body(%arg0: i32, %arg1: memref<1024x32xf32, #tpu.memory_space<vmem>>, %arg2: memref<2048x32xf32, #tpu.memory_space<vmem>>, %arg3: memref<1024x128xi32, #tpu.memory_space<vmem>>, %arg4: memref<1024x128xf32, #tpu.memory_space<vmem>>, %arg5: memref<1024x128xi32, #tpu.memory_space<vmem>>) attributes {dimension_semantics = [#tpu.dimension_semantics<arbitrary>], iteration_bounds = array<i64: 49>, scalar_prefetch = 0 : i64, scratch_operands = 2 : i64, tpu.core_type = #tpu.core_type<tc>, window_params = [{pipeline_mode = #tpu.pipeline_mode<synchronous>, transform_indices = @transform_0, window_bounds = array<i64: 1024, 32>}, {transform_indices = @transform_1, window_bounds = array<i64: 2048, 32>}, {pipeline_mode = #tpu.pipeline_mode<synchronous>, transform_indices = @transform_2, window_bounds = array<i64: 1024, 128>}]} {
    %eq3A = arith.constant 0 : i32
    %eq3A_0 = arith.cmpi eq, %arg0, %eq3A : i32
    %convert_element_type3A = arith.extui %eq3A_0 : i1 to i32
    %cond3A = arith.constant 0 : i32
    %cond3A_1 = arith.cmpi ne, %convert_element_type3A, %cond3A : i32
    scf.if %cond3A_1 {
      %broadcast_in_dim3A_204 = arith.constant 0xFF800000 : f32
      %broadcast_in_dim3A_205 = vector.broadcast %broadcast_in_dim3A_204 : f32 to vector<1024x128xf32>
      %swap3A_206 = arith.constant 0 : index
      %swap3A_207 = arith.constant 0 : index
      %swap3A_208 = vector.load %arg4[%swap3A_206, %swap3A_207] : memref<1024x128xf32, #tpu.memory_space<vmem>>, vector<1024x128xf32>
      tpu.vector_store %arg4[%swap3A_206, %swap3A_207], %broadcast_in_dim3A_205 {strides = array<i32>} : memref<1024x128xf32, #tpu.memory_space<vmem>>, vector<1024x128xf32>,
      %broadcast_in_dim3A_209 = arith.constant 1073741824 : i32
      %broadcast_in_dim3A_210 = vector.broadcast %broadcast_in_dim3A_209 : i32 to vector<1024x128xi32>
      %swap3A_211 = arith.constant 0 : index
      %swap3A_212 = arith.constant 0 : index
      %swap3A_213 = vector.load %arg5[%swap3A_211, %swap3A_212] : memref<1024x128xi32, #tpu.memory_space<vmem>>, vector<1024x128xi32>
      tpu.vector_store %arg5[%swap3A_211, %swap3A_212], %broadcast_in_dim3A_210 {strides = array<i32>} : memref<1024x128xi32, #tpu.memory_space<vmem>>, vector<1024x128xi32>,
    } else {
    }
    %get3A = arith.constant 0 : index
    %get3A_2 = arith.constant 0 : index
    %get3A_3 = vector.load %arg1[%get3A, %get3A_2] : memref<1024x32xf32, #tpu.memory_space<vmem>>, vector<1024x32xf32>
    %mul3A = arith.mulf %get3A_3, %get3A_3 : vector<1024x32xf32>
    %reduce_sum3A = arith.constant dense<0.000000e+00> : vector<1024xf32>
    %reduce_sum3A_4 = vector.multi_reduction <add>, %mul3A, %reduce_sum3A [1] : vector<1024x32xf32> to vector<1024xf32>
    %broadcast_in_dim3A = vector.shape_cast %reduce_sum3A_4 : vector<1024xf32> to vector<1024x1xf32>
    %sqrt3A = math.sqrt %broadcast_in_dim3A : vector<1024x1xf32>
    %max3A = arith.constant 9.99999996E-13 : f32
    %max3A_5 = vector.broadcast %max3A : f32 to vector<1024x1xf32>
    %max3A_6 = arith.maximumf %sqrt3A, %max3A_5 : vector<1024x1xf32>
    %div3A = vector.broadcast %max3A_6 : vector<1024x1xf32> to vector<1024x32xf32>
    %div3A_7 = arith.divf %get3A_3, %div3A : vector<1024x32xf32>
    %get3A_8 = arith.constant 0 : index
    %get3A_9 = arith.constant 0 : index
    %get3A_10 = vector.load %arg2[%get3A_8, %get3A_9] : memref<2048x32xf32, #tpu.memory_space<vmem>>, vector<2048x32xf32>
    %mul3A_11 = arith.mulf %get3A_10, %get3A_10 : vector<2048x32xf32>
    %reduce_sum3A_12 = arith.constant dense<0.000000e+00> : vector<2048xf32>
    %reduce_sum3A_13 = vector.multi_reduction <add>, %mul3A_11, %reduce_sum3A_12 [1] : vector<2048x32xf32> to vector<2048xf32>
    %broadcast_in_dim3A_14 = vector.shape_cast %reduce_sum3A_13 : vector<2048xf32> to vector<2048x1xf32>
    %sqrt3A_15 = math.sqrt %broadcast_in_dim3A_14 : vector<2048x1xf32>
    %max3A_16 = arith.constant 9.99999996E-13 : f32
    %max3A_17 = vector.broadcast %max3A_16 : f32 to vector<2048x1xf32>
    %max3A_18 = arith.maximumf %sqrt3A_15, %max3A_17 : vector<2048x1xf32>
    %div3A_19 = vector.broadcast %max3A_18 : vector<2048x1xf32> to vector<2048x32xf32>
    %div3A_20 = arith.divf %get3A_10, %div3A_19 : vector<2048x32xf32>
    %dot_general3A = arith.constant dense<0.000000e+00> : vector<1024x2048xf32>
    %dot_general3A_21 = tpu.matmul %div3A_7, %div3A_20, %dot_general3A {dimension_numbers = #tpu.dot_dimension_numbers<[1], [1], [0], [0], [0, 0, 1, 0], [], []>, transpose_lhs_hint = false} : vector<1024x32xf32>, vector<2048x32xf32>, vector<1024x2048xf32> -> vector<1024x2048xf32>
    %iota3A = tpu.iota {dimensions = array<i32: 1>} : vector<1024x2048xi32>
    %mul3A_22 = arith.constant 2048 : i32
    %mul3A_23 = arith.muli %arg0, %mul3A_22 : i32
    %add3A = vector.broadcast %mul3A_23 : i32 to vector<1024x2048xi32>
    %add3A_24 = arith.addi %iota3A, %add3A : vector<1024x2048xi32>
    %lt3A = arith.constant 100000 : i32
    %lt3A_25 = vector.broadcast %lt3A : i32 to vector<1024x2048xi32>
    %lt3A_26 = arith.cmpi slt, %add3A_24, %lt3A_25 : vector<1024x2048xi32>
    %jit3A = arith.constant 0xFF800000 : f32
    %broadcast_in_dim3A_27 = vector.broadcast %jit3A : f32 to vector<1024x2048xf32>
    %select_n3A = arith.select %lt3A_26, %dot_general3A_21, %broadcast_in_dim3A_27 : vector<1024x2048xi1>, vector<1024x2048xf32>
    %get3A_28 = arith.constant 0 : index
    %get3A_29 = arith.constant 0 : index
    %get3A_30 = vector.load %arg4[%get3A_28, %get3A_29] : memref<1024x128xf32, #tpu.memory_space<vmem>>, vector<1024x128xf32>
    %get3A_31 = arith.constant 0 : index
    %get3A_32 = arith.constant 0 : index
    %get3A_33 = vector.load %arg5[%get3A_31, %get3A_32] : memref<1024x128xi32, #tpu.memory_space<vmem>>, vector<1024x128xi32>
    %reduce_max3A = arith.constant dense<0xFF800000> : vector<1024xf32>
    %reduce_max3A_34 = vector.multi_reduction <maximumf>, %select_n3A, %reduce_max3A [1] : vector<1024x2048xf32> to vector<1024xf32>
    %broadcast_in_dim3A_35 = vector.shape_cast %reduce_max3A_34 : vector<1024xf32> to vector<1024x1xf32>
    %reduce_max3A_36 = arith.constant dense<0xFF800000> : vector<1024xf32>
    %reduce_max3A_37 = vector.multi_reduction <maximumf>, %get3A_30, %reduce_max3A_36 [1] : vector<1024x128xf32> to vector<1024xf32>
    %broadcast_in_dim3A_38 = vector.shape_cast %reduce_max3A_37 : vector<1024xf32> to vector<1024x1xf32>
    %max3A_39 = arith.maximumf %broadcast_in_dim3A_35, %broadcast_in_dim3A_38 : vector<1024x1xf32>
    %eq3A_40 = vector.broadcast %max3A_39 : vector<1024x1xf32> to vector<1024x2048xf32>
    %eq3A_41 = arith.cmpf oeq, %select_n3A, %eq3A_40 : vector<1024x2048xf32>
    %jit3A_42 = arith.constant 1073741824 : i32
    %broadcast_in_dim3A_43 = vector.broadcast %jit3A_42 : i32 to vector<1024x2048xi32>
    %select_n3A_44 = arith.select %eq3A_41, %add3A_24, %broadcast_in_dim3A_43 : vector<1024x2048xi1>, vector<1024x2048xi32>
    %reduce_min3A = arith.constant dense<2147483647> : vector<1024xi32>
    %reduce_min3A_45 = vector.multi_reduction <minsi>, %select_n3A_44, %reduce_min3A [1] : vector<1024x2048xi32> to vector<1024xi32>
    %broadcast_in_dim3A_46 = vector.shape_cast %reduce_min3A_45 : vector<1024xi32> to vector<1024x1xi32>
    %eq3A_47 = vector.broadcast %max3A_39 : vector<1024x1xf32> to vector<1024x128xf32>
    %eq3A_48 = arith.cmpf oeq, %get3A_30, %eq3A_47 : vector<1024x128xf32>
    %jit3A_49 = arith.constant 1073741824 : i32
    %broadcast_in_dim3A_50 = vector.broadcast %jit3A_49 : i32 to vector<1024x128xi32>
    %select_n3A_51 = arith.select %eq3A_48, %get3A_33, %broadcast_in_dim3A_50 : vector<1024x128xi1>, vector<1024x128xi32>
    %reduce_min3A_52 = arith.constant dense<2147483647> : vector<1024xi32>
    %reduce_min3A_53 = vector.multi_reduction <minsi>, %select_n3A_51, %reduce_min3A_52 [1] : vector<1024x128xi32> to vector<1024xi32>
    %broadcast_in_dim3A_54 = vector.shape_cast %reduce_min3A_53 : vector<1024xi32> to vector<1024x1xi32>
    %min3A = arith.minsi %broadcast_in_dim3A_46, %broadcast_in_dim3A_54 : vector<1024x1xi32>
    %eq3A_55 = vector.broadcast %min3A : vector<1024x1xi32> to vector<1024x2048xi32>
    %eq3A_56 = arith.cmpi eq, %add3A_24, %eq3A_55 : vector<1024x2048xi32>
    %jit3A_57 = arith.constant 0xFF800000 : f32
    %broadcast_in_dim3A_58 = vector.broadcast %jit3A_57 : f32 to vector<1024x2048xf32>
    %select_n3A_59 = arith.select %eq3A_56, %broadcast_in_dim3A_58, %select_n3A : vector<1024x2048xi1>, vector<1024x2048xf32>
    %eq3A_60 = vector.broadcast %min3A : vector<1024x1xi32> to vector<1024x128xi32>
    %eq3A_61 = arith.cmpi eq, %get3A_33, %eq3A_60 : vector<1024x128xi32>
    %jit3A_62 = arith.constant 0xFF800000 : f32
    %broadcast_in_dim3A_63 = vector.broadcast %jit3A_62 : f32 to vector<1024x128xf32>
    %select_n3A_64 = arith.select %eq3A_61, %broadcast_in_dim3A_63, %get3A_30 : vector<1024x128xi1>, vector<1024x128xf32>
    %reduce_max3A_65 = arith.constant dense<0xFF800000> : vector<1024xf32>
    %reduce_max3A_66 = vector.multi_reduction <maximumf>, %select_n3A_59, %reduce_max3A_65 [1] : vector<1024x2048xf32> to vector<1024xf32>
    %broadcast_in_dim3A_67 = vector.shape_cast %reduce_max3A_66 : vector<1024xf32> to vector<1024x1xf32>
    %reduce_max3A_68 = arith.constant dense<0xFF800000> : vector<1024xf32>
    %reduce_max3A_69 = vector.multi_reduction <maximumf>, %select_n3A_64, %reduce_max3A_68 [1] : vector<1024x128xf32> to vector<1024xf32>
    %broadcast_in_dim3A_70 = vector.shape_cast %reduce_max3A_69 : vector<1024xf32> to vector<1024x1xf32>
    %max3A_71 = arith.maximumf %broadcast_in_dim3A_67, %broadcast_in_dim3A_70 : vector<1024x1xf32>
    %eq3A_72 = vector.broadcast %max3A_71 : vector<1024x1xf32> to vector<1024x2048xf32>
    %eq3A_73 = arith.cmpf oeq, %select_n3A_59, %eq3A_72 : vector<1024x2048xf32>
    %jit3A_74 = arith.constant 1073741824 : i32
    %broadcast_in_dim3A_75 = vector.broadcast %jit3A_74 : i32 to vector<1024x2048xi32>
    %select_n3A_76 = arith.select %eq3A_73, %add3A_24, %broadcast_in_dim3A_75 : vector<1024x2048xi1>, vector<1024x2048xi32>
    %reduce_min3A_77 = arith.constant dense<2147483647> : vector<1024xi32>
    %reduce_min3A_78 = vector.multi_reduction <minsi>, %select_n3A_76, %reduce_min3A_77 [1] : vector<1024x2048xi32> to vector<1024xi32>
    %broadcast_in_dim3A_79 = vector.shape_cast %reduce_min3A_78 : vector<1024xi32> to vector<1024x1xi32>
    %eq3A_80 = vector.broadcast %max3A_71 : vector<1024x1xf32> to vector<1024x128xf32>
    %eq3A_81 = arith.cmpf oeq, %select_n3A_64, %eq3A_80 : vector<1024x128xf32>
    %jit3A_82 = arith.constant 1073741824 : i32
    %broadcast_in_dim3A_83 = vector.broadcast %jit3A_82 : i32 to vector<1024x128xi32>
    %select_n3A_84 = arith.select %eq3A_81, %get3A_33, %broadcast_in_dim3A_83 : vector<1024x128xi1>, vector<1024x128xi32>
    %reduce_min3A_85 = arith.constant dense<2147483647> : vector<1024xi32>
    %reduce_min3A_86 = vector.multi_reduction <minsi>, %select_n3A_84, %reduce_min3A_85 [1] : vector<1024x128xi32> to vector<1024xi32>
    %broadcast_in_dim3A_87 = vector.shape_cast %reduce_min3A_86 : vector<1024xi32> to vector<1024x1xi32>
    %min3A_88 = arith.minsi %broadcast_in_dim3A_79, %broadcast_in_dim3A_87 : vector<1024x1xi32>
    %eq3A_89 = vector.broadcast %min3A_88 : vector<1024x1xi32> to vector<1024x2048xi32>
    %eq3A_90 = arith.cmpi eq, %add3A_24, %eq3A_89 : vector<1024x2048xi32>
    %jit3A_91 = arith.constant 0xFF800000 : f32
    %broadcast_in_dim3A_92 = vector.broadcast %jit3A_91 : f32 to vector<1024x2048xf32>
    %select_n3A_93 = arith.select %eq3A_90, %broadcast_in_dim3A_92, %select_n3A_59 : vector<1024x2048xi1>, vector<1024x2048xf32>
    %eq3A_94 = vector.broadcast %min3A_88 : vector<1024x1xi32> to vector<1024x128xi32>
    %eq3A_95 = arith.cmpi eq, %get3A_33, %eq3A_94 : vector<1024x128xi32>
    %jit3A_96 = arith.constant 0xFF800000 : f32
    %broadcast_in_dim3A_97 = vector.broadcast %jit3A_96 : f32 to vector<1024x128xf32>
    %select_n3A_98 = arith.select %eq3A_95, %broadcast_in_dim3A_97, %select_n3A_64 : vector<1024x128xi1>, vector<1024x128xf32>
    %reduce_max3A_99 = arith.constant dense<0xFF800000> : vector<1024xf32>
    %reduce_max3A_100 = vector.multi_reduction <maximumf>, %select_n3A_93, %reduce_max3A_99 [1] : vector<1024x2048xf32> to vector<1024xf32>
    %broadcast_in_dim3A_101 = vector.shape_cast %reduce_max3A_100 : vector<1024xf32> to vector<1024x1xf32>
    %reduce_max3A_102 = arith.constant dense<0xFF800000> : vector<1024xf32>
    %reduce_max3A_103 = vector.multi_reduction <maximumf>, %select_n3A_98, %reduce_max3A_102 [1] : vector<1024x128xf32> to vector<1024xf32>
    %broadcast_in_dim3A_104 = vector.shape_cast %reduce_max3A_103 : vector<1024xf32> to vector<1024x1xf32>
    %max3A_105 = arith.maximumf %broadcast_in_dim3A_101, %broadcast_in_dim3A_104 : vector<1024x1xf32>
    %eq3A_106 = vector.broadcast %max3A_105 : vector<1024x1xf32> to vector<1024x2048xf32>
    %eq3A_107 = arith.cmpf oeq, %select_n3A_93, %eq3A_106 : vector<1024x2048xf32>
    %jit3A_108 = arith.constant 1073741824 : i32
    %broadcast_in_dim3A_109 = vector.broadcast %jit3A_108 : i32 to vector<1024x2048xi32>
    %select_n3A_110 = arith.select %eq3A_107, %add3A_24, %broadcast_in_dim3A_109 : vector<1024x2048xi1>, vector<1024x2048xi32>
    %reduce_min3A_111 = arith.constant dense<2147483647> : vector<1024xi32>
    %reduce_min3A_112 = vector.multi_reduction <minsi>, %select_n3A_110, %reduce_min3A_111 [1] : vector<1024x2048xi32> to vector<1024xi32>
    %broadcast_in_dim3A_113 = vector.shape_cast %reduce_min3A_112 : vector<1024xi32> to vector<1024x1xi32>
    %eq3A_114 = vector.broadcast %max3A_105 : vector<1024x1xf32> to vector<1024x128xf32>
    %eq3A_115 = arith.cmpf oeq, %select_n3A_98, %eq3A_114 : vector<1024x128xf32>
    %jit3A_116 = arith.constant 1073741824 : i32
    %broadcast_in_dim3A_117 = vector.broadcast %jit3A_116 : i32 to vector<1024x128xi32>
    %select_n3A_118 = arith.select %eq3A_115, %get3A_33, %broadcast_in_dim3A_117 : vector<1024x128xi1>, vector<1024x128xi32>
    %reduce_min3A_119 = arith.constant dense<2147483647> : vector<1024xi32>
    %reduce_min3A_120 = vector.multi_reduction <minsi>, %select_n3A_118, %reduce_min3A_119 [1] : vector<1024x128xi32> to vector<1024xi32>
    %broadcast_in_dim3A_121 = vector.shape_cast %reduce_min3A_120 : vector<1024xi32> to vector<1024x1xi32>
    %min3A_122 = arith.minsi %broadcast_in_dim3A_113, %broadcast_in_dim3A_121 : vector<1024x1xi32>
    %eq3A_123 = vector.broadcast %min3A_122 : vector<1024x1xi32> to vector<1024x2048xi32>
    %eq3A_124 = arith.cmpi eq, %add3A_24, %eq3A_123 : vector<1024x2048xi32>
    %jit3A_125 = arith.constant 0xFF800000 : f32
    %broadcast_in_dim3A_126 = vector.broadcast %jit3A_125 : f32 to vector<1024x2048xf32>
    %select_n3A_127 = arith.select %eq3A_124, %broadcast_in_dim3A_126, %select_n3A_93 : vector<1024x2048xi1>, vector<1024x2048xf32>
    %eq3A_128 = vector.broadcast %min3A_122 : vector<1024x1xi32> to vector<1024x128xi32>
    %eq3A_129 = arith.cmpi eq, %get3A_33, %eq3A_128 : vector<1024x128xi32>
    %jit3A_130 = arith.constant 0xFF800000 : f32
    %broadcast_in_dim3A_131 = vector.broadcast %jit3A_130 : f32 to vector<1024x128xf32>
    %select_n3A_132 = arith.select %eq3A_129, %broadcast_in_dim3A_131, %select_n3A_98 : vector<1024x128xi1>, vector<1024x128xf32>
    %reduce_max3A_133 = arith.constant dense<0xFF800000> : vector<1024xf32>
    %reduce_max3A_134 = vector.multi_reduction <maximumf>, %select_n3A_127, %reduce_max3A_133 [1] : vector<1024x2048xf32> to vector<1024xf32>
    %broadcast_in_dim3A_135 = vector.shape_cast %reduce_max3A_134 : vector<1024xf32> to vector<1024x1xf32>
    %reduce_max3A_136 = arith.constant dense<0xFF800000> : vector<1024xf32>
    %reduce_max3A_137 = vector.multi_reduction <maximumf>, %select_n3A_132, %reduce_max3A_136 [1] : vector<1024x128xf32> to vector<1024xf32>
    %broadcast_in_dim3A_138 = vector.shape_cast %reduce_max3A_137 : vector<1024xf32> to vector<1024x1xf32>
    %max3A_139 = arith.maximumf %broadcast_in_dim3A_135, %broadcast_in_dim3A_138 : vector<1024x1xf32>
    %eq3A_140 = vector.broadcast %max3A_139 : vector<1024x1xf32> to vector<1024x2048xf32>
    %eq3A_141 = arith.cmpf oeq, %select_n3A_127, %eq3A_140 : vector<1024x2048xf32>
    %jit3A_142 = arith.constant 1073741824 : i32
    %broadcast_in_dim3A_143 = vector.broadcast %jit3A_142 : i32 to vector<1024x2048xi32>
    %select_n3A_144 = arith.select %eq3A_141, %add3A_24, %broadcast_in_dim3A_143 : vector<1024x2048xi1>, vector<1024x2048xi32>
    %reduce_min3A_145 = arith.constant dense<2147483647> : vector<1024xi32>
    %reduce_min3A_146 = vector.multi_reduction <minsi>, %select_n3A_144, %reduce_min3A_145 [1] : vector<1024x2048xi32> to vector<1024xi32>
    %broadcast_in_dim3A_147 = vector.shape_cast %reduce_min3A_146 : vector<1024xi32> to vector<1024x1xi32>
    %eq3A_148 = vector.broadcast %max3A_139 : vector<1024x1xf32> to vector<1024x128xf32>
    %eq3A_149 = arith.cmpf oeq, %select_n3A_132, %eq3A_148 : vector<1024x128xf32>
    %jit3A_150 = arith.constant 1073741824 : i32
    %broadcast_in_dim3A_151 = vector.broadcast %jit3A_150 : i32 to vector<1024x128xi32>
    %select_n3A_152 = arith.select %eq3A_149, %get3A_33, %broadcast_in_dim3A_151 : vector<1024x128xi1>, vector<1024x128xi32>
    %reduce_min3A_153 = arith.constant dense<2147483647> : vector<1024xi32>
    %reduce_min3A_154 = vector.multi_reduction <minsi>, %select_n3A_152, %reduce_min3A_153 [1] : vector<1024x128xi32> to vector<1024xi32>
    %broadcast_in_dim3A_155 = vector.shape_cast %reduce_min3A_154 : vector<1024xi32> to vector<1024x1xi32>
    %min3A_156 = arith.minsi %broadcast_in_dim3A_147, %broadcast_in_dim3A_155 : vector<1024x1xi32>
    %eq3A_157 = vector.broadcast %min3A_156 : vector<1024x1xi32> to vector<1024x2048xi32>
    %eq3A_158 = arith.cmpi eq, %add3A_24, %eq3A_157 : vector<1024x2048xi32>
    %jit3A_159 = arith.constant 0xFF800000 : f32
    %broadcast_in_dim3A_160 = vector.broadcast %jit3A_159 : f32 to vector<1024x2048xf32>
    %select_n3A_161 = arith.select %eq3A_158, %broadcast_in_dim3A_160, %select_n3A_127 : vector<1024x2048xi1>, vector<1024x2048xf32>
    %eq3A_162 = vector.broadcast %min3A_156 : vector<1024x1xi32> to vector<1024x128xi32>
    %eq3A_163 = arith.cmpi eq, %get3A_33, %eq3A_162 : vector<1024x128xi32>
    %jit3A_164 = arith.constant 0xFF800000 : f32
    %broadcast_in_dim3A_165 = vector.broadcast %jit3A_164 : f32 to vector<1024x128xf32>
    %select_n3A_166 = arith.select %eq3A_163, %broadcast_in_dim3A_165, %select_n3A_132 : vector<1024x128xi1>, vector<1024x128xf32>
    %reduce_max3A_167 = arith.constant dense<0xFF800000> : vector<1024xf32>
    %reduce_max3A_168 = vector.multi_reduction <maximumf>, %select_n3A_161, %reduce_max3A_167 [1] : vector<1024x2048xf32> to vector<1024xf32>
    %broadcast_in_dim3A_169 = vector.shape_cast %reduce_max3A_168 : vector<1024xf32> to vector<1024x1xf32>
    %reduce_max3A_170 = arith.constant dense<0xFF800000> : vector<1024xf32>
    %reduce_max3A_171 = vector.multi_reduction <maximumf>, %select_n3A_166, %reduce_max3A_170 [1] : vector<1024x128xf32> to vector<1024xf32>
    %broadcast_in_dim3A_172 = vector.shape_cast %reduce_max3A_171 : vector<1024xf32> to vector<1024x1xf32>
    %max3A_173 = arith.maximumf %broadcast_in_dim3A_169, %broadcast_in_dim3A_172 : vector<1024x1xf32>
    %eq3A_174 = vector.broadcast %max3A_173 : vector<1024x1xf32> to vector<1024x2048xf32>
    %eq3A_175 = arith.cmpf oeq, %select_n3A_161, %eq3A_174 : vector<1024x2048xf32>
    %jit3A_176 = arith.constant 1073741824 : i32
    %broadcast_in_dim3A_177 = vector.broadcast %jit3A_176 : i32 to vector<1024x2048xi32>
    %select_n3A_178 = arith.select %eq3A_175, %add3A_24, %broadcast_in_dim3A_177 : vector<1024x2048xi1>, vector<1024x2048xi32>
    %reduce_min3A_179 = arith.constant dense<2147483647> : vector<1024xi32>
    %reduce_min3A_180 = vector.multi_reduction <minsi>, %select_n3A_178, %reduce_min3A_179 [1] : vector<1024x2048xi32> to vector<1024xi32>
    %broadcast_in_dim3A_181 = vector.shape_cast %reduce_min3A_180 : vector<1024xi32> to vector<1024x1xi32>
    %eq3A_182 = vector.broadcast %max3A_173 : vector<1024x1xf32> to vector<1024x128xf32>
    %eq3A_183 = arith.cmpf oeq, %select_n3A_166, %eq3A_182 : vector<1024x128xf32>
    %jit3A_184 = arith.constant 1073741824 : i32
    %broadcast_in_dim3A_185 = vector.broadcast %jit3A_184 : i32 to vector<1024x128xi32>
    %select_n3A_186 = arith.select %eq3A_183, %get3A_33, %broadcast_in_dim3A_185 : vector<1024x128xi1>, vector<1024x128xi32>
    %reduce_min3A_187 = arith.constant dense<2147483647> : vector<1024xi32>
    %reduce_min3A_188 = vector.multi_reduction <minsi>, %select_n3A_186, %reduce_min3A_187 [1] : vector<1024x128xi32> to vector<1024xi32>
    %broadcast_in_dim3A_189 = vector.shape_cast %reduce_min3A_188 : vector<1024xi32> to vector<1024x1xi32>
    %min3A_190 = arith.minsi %broadcast_in_dim3A_181, %broadcast_in_dim3A_189 : vector<1024x1xi32>
    %broadcast_in_dim3A_191 = arith.constant 0xFF800000 : f32
    %broadcast_in_dim3A_192 = vector.broadcast %broadcast_in_dim3A_191 : f32 to vector<1024x123xf32>
    %concatenate3A = tpu.concatenate %max3A_39, %max3A_71, %max3A_105, %max3A_139, %max3A_173, %broadcast_in_dim3A_192 in 1 : vector<1024x1xf32>, vector<1024x1xf32>, vector<1024x1xf32>, vector<1024x1xf32>, vector<1024x1xf32>, vector<1024x123xf32> -> vector<1024x128xf32>
    %broadcast_in_dim3A_193 = arith.constant 1073741824 : i32
    %broadcast_in_dim3A_194 = vector.broadcast %broadcast_in_dim3A_193 : i32 to vector<1024x123xi32>
    %concatenate3A_195 = tpu.concatenate %min3A, %min3A_88, %min3A_122, %min3A_156, %min3A_190, %broadcast_in_dim3A_194 in 1 : vector<1024x1xi32>, vector<1024x1xi32>, vector<1024x1xi32>, vector<1024x1xi32>, vector<1024x1xi32>, vector<1024x123xi32> -> vector<1024x128xi32>
    %swap3A = arith.constant 0 : index
    %swap3A_196 = arith.constant 0 : index
    %swap3A_197 = vector.load %arg4[%swap3A, %swap3A_196] : memref<1024x128xf32, #tpu.memory_space<vmem>>, vector<1024x128xf32>
    tpu.vector_store %arg4[%swap3A, %swap3A_196], %concatenate3A {strides = array<i32>} : memref<1024x128xf32, #tpu.memory_space<vmem>>, vector<1024x128xf32>,
    %swap3A_198 = arith.constant 0 : index
    %swap3A_199 = arith.constant 0 : index
    %swap3A_200 = vector.load %arg5[%swap3A_198, %swap3A_199] : memref<1024x128xi32, #tpu.memory_space<vmem>>, vector<1024x128xi32>
    tpu.vector_store %arg5[%swap3A_198, %swap3A_199], %concatenate3A_195 {strides = array<i32>} : memref<1024x128xi32, #tpu.memory_space<vmem>>, vector<1024x128xi32>,
    %swap3A_201 = arith.constant 0 : index
    %swap3A_202 = arith.constant 0 : index
    %swap3A_203 = vector.load %arg3[%swap3A_201, %swap3A_202] : memref<1024x128xi32, #tpu.memory_space<vmem>>, vector<1024x128xi32>
    tpu.vector_store %arg3[%swap3A_201, %swap3A_202], %concatenate3A_195 {strides = array<i32>} : memref<1024x128xi32, #tpu.memory_space<vmem>>, vector<1024x128xi32>,
    return
  }
  func.func @transform_0(%arg0: i32) -> (i32, i32) {
    %c0_i32 = arith.constant 0 : i32
    %c0_i32_0 = arith.constant 0 : i32
    %c0_i32_1 = arith.constant 0 : i32
    return %c0_i32, %c0_i32_0 : i32, i32
  }
  func.func @transform_1(%arg0: i32) -> (i32, i32) {
    %c0_i32 = arith.constant 0 : i32
    %c0_i32_0 = arith.constant 0 : i32
    return %arg0, %c0_i32 : i32, i32
  }
  func.func @transform_2(%arg0: i32) -> (i32, i32) {
    %c0_i32 = arith.constant 0 : i32
    %c0_i32_0 = arith.constant 0 : i32
    %c0_i32_1 = arith.constant 0 : i32
    return %c0_i32, %c0_i32_0 : i32, i32
  }
}

</mosaic_0001>

<sc_bundles>
// kernel: kernel.4.cloned.1.call-start
scs
__scs_entry_jumppad:
0x0: {  	(pc) =	sbr.rel $0x88, $3  }
0x1: {  	(tag) =	ssettag $0x0;
	lr =	simm.s32 $0x1  }
0x2: {  	[smem:$0x3F9E] =	sst lr;
	_ =	strace $0xD0000000  }
0x3: {  	_ = 	snop  }
0x4: {  	_ = 	snop  }
0x5: {  	_ = 	snop  }
0x6: {  	_ = 	snop  }
0x7: {  	_ = 	snop  }
__scs_overlays_trampoline_lowered:
0x8: {  	[smem:$0x3FAD] =	sst s0  }
0x9: {  	[smem:$0x3FAE] =	sst s1  }
0xa: {  	[smem:$0x3FAF] =	sst s2  }
0xb: {  	[smem:$0x3FB0] =	sst s3  }
0xc: {  	[smem:$0x3FB1] =	sst s4  }
0xd: {  	[smem:$0x3FB2] =	sst s5  }
0xe: {  	[smem:$0x3FB3] =	sst s6  }
0xf: {  	[smem:$0x3FB4] =	sst s7  }
0x10: {  	[smem:$0x3FB5] =	sst s8  }
0x11: {  	[smem:$0x3FB6] =	sst s9;
	s0 =	simm.s32 @!p0 $0x0  }
0x12: {  	s1 =	sld [smem:$0x3F9C];
	s0 =	simm.s32 @p0 $0x1  }
0x13: {  	[smem:$0x3FB7] =	sst s0;
	s0 =	simm.s32 @!p1 $0x0  }
0x14: {  	s2 =	sld [smem:$0x3F9B];
	s0 =	simm.s32 @p1 $0x1  }
0x15: {  	[smem:$0x3FB8] =	sst s0;
	s0 =	simm.s32 @!p2 $0x0  }
0x16: {  	s3 =	sld [smem:$0x3FDB];
	s0 =	simm.s32 @p2 $0x1  }
0x17: {  	s4 =	simm.s32 $0x1BF5;
	[smem:$0x3FBA] =	sst s0  }
0x18: {  	s0 =	sld [smem:$0x3F9D];
	_ =	swait.ge [sflag:s4], $0x0  }
0x19: {  	s7 =	sld [smem:$0x3F9E]  }
0x1a: {  	s8 =	sadd.s32 $0xFFFFE003, lr  }
0x1b: {  	s9 =	sadd.s32 $0xFFFFFEF7, lr;
	s5 =	simm.s32 $0xFFFFFFFF;
	p2 =	slt.u32 s8, $0xFFFFF086  }
0x1c: {  	p1 =	slt.u32 s9, $0xF7A;
	s5 =	simm.s32 @!p2 $0x0  }
0x1d: {  	s5 =	simm.s32 @p1 $0x1;
	p0 =	seq.s32 s7, s2  }
0x1e: {  	s7 =	smul.u32 @!p0 $0xF7A, s2;
	p2 =	seq.s32 @!p0 s5, $0x0  }
0x1f: {  	s9 =	smul.u32 $0xF7A, s1;
	s8 =	simm.s32 @!p0 $0x1BF5;
	p2 =	por !p2, p0  }
0x20: {  	[sflag:s8] =	ssyncset.s32 @!p0 $0xFFFFF086;
	s6 =	sadd.s32 @!p0 s3, s7;
	s7 =	simm.s32 @!p0 $0x108  }
0x21: {  	s3 =	sadd.s32 s3, s9;
	s6 =	sadd.s32 @!p0 $0x88, s6;
	s7 =	simm.s32 @p2 $0x1082  }
0x22: {  	[simem:s7], [sflag:s8] =	dma.local @!p0 [hbm:s6], $0xF7A  }
0x23: {  	s9 =	sor.u32 $0xD0000000, s2;
	s6 =	simm.s32 $0x108;
	_ =	swait.ge @!p0 [sflag:s8], $0x0  }
0x24: {  	s3 =	sadd.s32 $0x88, s3;
	s6 =	simm.s32 @!p1 $0x1082;
	[sflag:s4] =	ssyncset.s32 $0xFFFFF086  }
0x25: {  	[simem:s6], [sflag:s4] =	dma.local [hbm:s3], $0xF7A  }
0x26: {  	[smem:$0x3F9E] =	sst s1;
	(tag) =	ssettag s2;
	_ =	strace s9  }
0x27: {  	s1 =	sld [smem:$0x3FAE]  }
0x28: {  	s2 =	sld [smem:$0x3FAF]  }
0x29: {  	s4 =	sld [smem:$0x3FB1]  }
0x2a: {  	p0 =	seq.s32 s5, $0x0;
	s5 =	sld [smem:$0x3FB2]  }
0x2b: {  	s6 =	sld [smem:$0x3FB3]  }
0x2c: {  	s7 =	sld [smem:$0x3FB4]  }
0x2d: {  	s3 =	simm.s32 $0x108;
	s8 =	sld [smem:$0x3FB5]  }
0x2e: {  	s3 =	simm.s32 @!p0 $0x1082;
	s9 =	sld [smem:$0x3FB6]  }
0x2f: {  	lr =	sadd.s32 s0, s3;
	s0 =	sld [smem:$0x3FAD]  }
0x30: {  	s3 =	sld [smem:$0x3FB0]  }
0x31: {  	[smem:$0x3FB9] =	sst s10  }
0x32: {  	s10 =	sld [smem:$0x3FB7];
	_ =	sdelay $0x3  }
0x33: {  	p0 =	seq.s32 s10, $0x1;
	s10 =	sld [smem:$0x3FB9];
	_ =	sdelay $0x3  }
0x34: {  	[smem:$0x3FB9] =	sst s10  }
0x35: {  	s10 =	sld [smem:$0x3FB8];
	_ =	sdelay $0x3  }
0x36: {  	p1 =	seq.s32 s10, $0x1;
	s10 =	sld [smem:$0x3FB9];
	_ =	sdelay $0x3  }
0x37: {  	[smem:$0x3FB9] =	sst s10  }
0x38: {  	s10 =	sld [smem:$0x3FBA]  }
0x39: {  	_ = 	snop;
	(pc) =	sbr.ind lr, $3  }
0x3a: {  	_ = 	snop  }
0x3b: {  	_ = 	snop  }
0x3c: {  	p2 =	seq.s32 s10, $0x1;
	s10 =	sld [smem:$0x3FB9]  }
0x3d: {  	_ =	shalt  }
0x3e: {  	_ =	shalt  }
0x3f: {  	_ =	shalt  }
0x40: {  	_ =	shalt  }
0x41: {  	_ =	shalt  }
0x42: {  	_ =	shalt  }
0x43: {  	_ =	shalt  }
0x44: {  	_ =	shalt  }
0x45: {  	_ =	shalt  }
0x46: {  	_ =	shalt  }
0x47: {  	_ =	shalt  }
0x48: {  	_ =	shalt  }
0x49: {  	_ =	shalt  }
0x4a: {  	_ =	shalt  }
0x4b: {  	_ =	shalt  }
0x4c: {  	_ =	shalt  }
0x4d: {  	_ =	shalt  }
0x4e: {  	_ =	shalt  }
0x4f: {  	_ =	shalt  }
0x50: {  	_ =	shalt  }
0x51: {  	_ =	shalt  }
0x52: {  	_ =	shalt  }
0x53: {  	_ =	shalt  }
0x54: {  	_ =	shalt  }
0x55: {  	_ =	shalt  }
0x56: {  	_ =	shalt  }
0x57: {  	_ =	shalt  }
0x58: {  	_ =	shalt  }
0x59: {  	_ =	shalt  }
0x5a: {  	_ =	shalt  }
0x5b: {  	_ =	shalt  }
0x5c: {  	_ =	shalt  }
0x5d: {  	_ =	shalt  }
0x5e: {  	_ =	shalt  }
0x5f: {  	_ =	shalt  }
0x60: {  	_ =	shalt  }
0x61: {  	_ =	shalt  }
0x62: {  	_ =	shalt  }
0x63: {  	_ =	shalt  }
0x64: {  	_ =	shalt  }
0x65: {  	_ =	shalt  }
0x66: {  	_ =	shalt  }
0x67: {  	_ =	shalt  }
0x68: {  	_ =	shalt  }
0x69: {  	_ =	shalt  }
0x6a: {  	_ =	shalt  }
0x6b: {  	_ =	shalt  }
0x6c: {  	_ =	shalt  }
0x6d: {  	_ =	shalt  }
0x6e: {  	_ =	shalt  }
0x6f: {  	_ =	shalt  }
0x70: {  	_ =	shalt  }
0x71: {  	_ =	shalt  }
0x72: {  	_ =	shalt  }
0x73: {  	_ =	shalt  }
0x74: {  	_ =	shalt  }
0x75: {  	_ =	shalt  }
0x76: {  	_ =	shalt  }
0x77: {  	_ =	shalt  }
0x78: {  	_ =	shalt  }
0x79: {  	_ =	shalt  }
0x7a: {  	_ =	shalt  }
0x7b: {  	_ =	shalt  }
0x7c: {  	_ =	shalt  }
0x7d: {  	_ =	shalt  }
0x7e: {  	_ =	shalt  }
0x7f: {  	_ =	shalt  }
0x80: {  	_ =	shalt  }
0x81: {  	_ =	shalt  }
0x82: {  	_ =	shalt  }
0x83: {  	_ =	shalt  }
0x84: {  	_ =	shalt  }
0x85: {  	_ =	shalt  }
0x86: {  	_ =	shalt  }
0x87: {  	_ =	shalt  }
.Lfunc_end0:
.L_simem_size_0:
called_computation_lowered:
.L_overlay_start_0:
0x88: {  	s2 =	sld [smem:$0x3FD9]  }
0x89: {  	s3 =	sld [smem:$0x3FFE];
	_ =	sdelay $0x1  }
0x8a: {  	s1 =	srdreg.scid  }
0x8b: {  	s0 =	sand.u32 $0x1, s1  }
0x8c: {  	s17 =	sshll.u32 s0, $0xA;
	s2 =	sadd.s32 s3, s2  }
0x8d: {  	s2 =	sadd.s32 s2, s17  }
0x8e: {  	[smem:$0x3FC5] =	sst s2  }
0x8f: {  	_ = 	snop  }
0x90: {  	s2 =	sld [smem:$0x3FD0];
	(tm) =	ssettm $0x1  }
0x91: {  	s18 =	sld [smem:$0x3FFB];
	_ =	sdelay $0x3  }
0x92: {  	_ =	strace s18  }
0x93: {  	s3 =	sld [smem:$0x3FFC];
	_ =	sdelay $0x3  }
0x94: {  	_ =	strace s3  }
0x95: {  	s3 =	sld [smem:$0x3FFD];
	_ =	sdelay $0x3  }
0x96: {  	_ =	strace s3  }
0x97: {  	_ =	strace $0x8FFFFFFF  }
0x98: {  	s19 =	sld [smem:$0x3FDB];
	_ =	sdelay $0x1  }
0x99: {  	s4 =	simm.s32 $_scs_section_size  }
0x9a: {  	s5 =	simm.s32 $_size__tile_overlayer_lowered;
	s6 =	simm.s32 $_tile_overlayer_lowered  }
0x9b: {  	s22 =	simm.s32 $0x1BFF;
	s21 =	sshll.u32 s6, $0x1;
	s3 =	sadd.s32 s4, s19  }
0x9c: {  	s7 =	simm.s32 $0x0;
	s20 =	sshll.u32 s5, $0x1;
	s5 =	sadd.s32 s21, s3  }
0x9d: {  	[timem:s7], [sflag:s22] =	dma.local [hbm:s5], s20  }
0x9e: {  	_ =	swait.ge [sflag:s22], s20  }
0x9f: {  	s4 =	ssub.s32 $0x0, s20;
	[sflag:s22] =	ssyncset.done $0x0  }
0xa0: {  	[sflag:s22] =	ssyncadd.s32 s4;
	_ =	sdelay $0x1  }
0xa1: {  	s23 =	simm.s32 $0x1B8B  }
0xa2: {  	_ =	swait.ge [sflag:s23], $0x1  }
0xa3: {  	[sflag:s23] =	ssyncset.done $0x0  }
0xa4: {  	s25 =	simm.s32 $0x1B8E;
	s24 =	sld [smem:$0x3FFE];
	[sflag:s23] =	ssyncadd.s32 $0xFFFFFFFF  }
0xa5: {  	s26 =	simm.s32 $execute0_lowered;
	[smem:$0x3FD2] =	sst s25  }
0xa6: {  	s5 =	sshll.u32 s26, $0x1;
	_ =	strace $0x80000046;
	[dreg:$0x1] =	wrdreg $0xFFFFFFFF  }
0xa7: {  	s28 =	simm.s32 $_size_execute0_lowered;
	s3 =	sadd.s32 s3, s5;
	[dreg:$0x0] =	wrdreg $0x0  }
0xa8: {  	s5 =	sshll.u32 s28, $0x1;
	[dreg:$0x2] =	wrdreg s3  }
0xa9: {  	[dreg:$0x3] =	wrdreg s5  }
0xaa: {  	[dreg:$0x4] =	wrdreg $0xC0  }
0xab: {  	_ =	task [dreg:s7], $0x5FFFF  }
0xac: {  	[dreg:$0x1] =	wrdreg $0xFFFFFFFF  }
0xad: {  	[dreg:$0x0] =	wrdreg $0x60  }
0xae: {  	[dreg:$0x2] =	wrdreg s24  }
0xaf: {  	[dreg:$0x3] =	wrdreg s2  }
0xb0: {  	[dreg:$0x4] =	wrdreg $0x9  }
0xb1: {  	_ =	task.clear_ibuf [dreg:s7], $0x5FFFF;
	_ =	strace $0x90000046  }
0xb2: {  	s29 =	simm.s32 $0x9;
	_ =	strace $0x80000048  }
0xb3: {  	_ =	swait.ge [sflag:s29], $0x1  }
0xb4: {  	[sflag:s29] =	ssyncadd.s32 $0xFFFFFFFF  }
0xb5: {  	_ =	strace $0x90000048  }
0xb6: {  	_ =	sfence  }
0xb7: {  	s30 =	sld [smem:$0x0];
	_ =	sdelay $0x2  }
0xb8: {  	s31 =	sshll.u32 s1, $0xD;
	s1 =	sshrl.u32 s1, $0x2  }
0xb9: {  	s3 =	sand.u32 $0x4000, s31;
	s1 =	sadd.s32 s1, s30  }
0xba: {  	s0 =	sor.u32 s3, s0;
	s1 =	sshll.u32 s1, $0x11  }
0xbb: {  	s0 =	sor.u32 s1, s0  }
0xbc: {  	s0 =	sadd.s32 $0x8F2B, s0  }
0xbd: {  	[sflag:s0] =	ssyncadd.remote.s32 $0x1  }
0xbe: {  	_ =	sfence.sel $0xFFFF  }
0xbf: {  	[dreg:$0x0] =	wrdreg $0xFFFFFFFF;
	(pc) =	sbr.abs _section_cstart, $3  }
0xc0: {  	[dreg:$0x1] =	wrdreg $0xFFFFFFFF  }
0xc1: {  	_ =	task.clear_ibuf [dreg:s7], $0x2FFFF;
	_ =	strace $0x9FFFFFFF  }
0xc2: {  	(tm) =	ssettm $0x7FFFFFFF  }
0xc3: {  	_ =	shalt  }
tec
execute0_lowered:
.L_overlay_start_1:
0x0: {  	(tag) =	ssettag $0x1  }
0x1: {  	s4 =	rddreg [dreg:$0x0];
	s1 =	srdreg.scid  }
0x2: {  	s0 =	stileid.u32;
	s5 =	rddreg [dreg:$0x1]  }
0x3: {  	s2 =	simm.s32 $0x0;
	s9 =	simm.s32 $0x1;
	s10 =	simm.s32 $0x14A0  }
0x4: {  	s3 =	sand.u32 $0x1, s1;
	s6 =	sshll.u32 s0, $0x1;
	[smem:$0x7FF] =	sst s2  }
0x5: {  	s1 =	rddreg [dreg:$0x2];
	s6 =	sor.u32 s3, s6;
	_ =	strace $0x80000047  }
0x6: {  	s8 =	ssub.s32 $0x2, s3;
	s7 =	smul.u32 $0x14, s6;
	s6 =	sshll.u32 s6, $0x7  }
0x7: {  	s3 =	sadd.s32 $0x189600, s4;
	s31 =	sshrl.u32 s8, $0x1;
	s5 =	sadd.s32 s5, s6  }
0x8: {  	s4 =	sadd.s32 s7, s4;
	s7 =	ssub.s32 s8, s31;
	s8 =	simm.s32 $0xA0  }
0x9: {  	s4 =	sadd.s32 $0x2800, s4;
	s6 =	smax.u32 s7, $0x1;
	s7 =	simm.s32 $0x2  }
.LBB2_1:
0xa: {  	[tilespmem:s2], [sflag:$0x2] =	stream.linear.gather [hbm4b:s4+s2], $0xA0, $0x38;
	[tilespmem:$0x18A0] =	vst v63  }
0xb: {  	_ =	swait.ge [sflag:s7], $0xA0  }
0xc: {  	[sflag:s7] =	ssyncset.done $0x0  }
0xd: {  	[sflag:s7] =	ssyncadd.s32 $0xFFFFFF60  }
0xe: {  	[tilespmem:s8], [sflag:$0x1] =	stream.indirect.gather [hbm4b:s3+s8], $0x20, s2, s8, $0xb8;
	[tilespmem:$0x18A0] =	vst v63  }
0xf: {  	_ =	swait.ge [sflag:s9], $0x1400  }
0x10: {  	[sflag:s9] =	ssyncset.done $0x0  }
0x11: {  	[sflag:s9] =	ssyncadd.s32 $0xFFFFEC00  }
0x12: {  	v63 =	vld [tilespmem:$0x4C0];
	_ =	sdelay $0x4  }
0x13: {  	[tilespmem:$0x1F570] =	vst v63;
	v63 =	vld [tilespmem:$0x5C0];
	_ =	sdelay $0x4  }
0x14: {  	[tilespmem:$0x1F5F0] =	vst v63;
	v63 =	vld [tilespmem:$0x620];
	_ =	sdelay $0x4  }
0x15: {  	[tilespmem:$0x1F690] =	vst v63;
	v63 =	vld [tilespmem:$0x5F0];
	_ =	sdelay $0x4  }
0x16: {  	[tilespmem:$0x1F640] =	vst v63;
	v63 =	vld [tilespmem:$0x680];
	_ =	sdelay $0x4  }
0x17: {  	[tilespmem:$0x1F660] =	vst v63;
	v63 =	vld [tilespmem:$0x6A0];
	_ =	sdelay $0x4  }
0x18: {  	[tilespmem:$0x1F6A0] =	vst v63;
	v63 =	vld [tilespmem:$0x6C0];
	_ =	sdelay $0x4  }
0x19: {  	[tilespmem:$0x1F6D0] =	vst v63;
	v63 =	vld [tilespmem:$0x690];
	_ =	sdelay $0x4  }
0x1a: {  	[tilespmem:$0x1F680] =	vst v63;
	v63 =	vld [tilespmem:$0x6B0];
	_ =	sdelay $0x4  }
0x1b: {  	[tilespmem:$0x1F6C0] =	vst v63;
	v63 =	vld [tilespmem:$0x6D0];
	_ =	sdelay $0x4  }
0x1c: {  	[tilespmem:$0x1F700] =	vst v63;
	v63 =	vld [tilespmem:$0x6E0];
	_ =	sdelay $0x4  }
0x1d: {  	[tilespmem:$0x1F6E0] =	vst v63;
	v63 =	vld [tilespmem:$0x700];
	_ =	sdelay $0x4  }
0x1e: {  	[tilespmem:$0x1F6F0] =	vst v63;
	v63 =	vld [tilespmem:$0x720];
	_ =	sdelay $0x4  }
0x1f: {  	[tilespmem:$0x1F730] =	vst v63;
	v63 =	vld [tilespmem:$0x740];
	_ =	sdelay $0x4  }
0x20: {  	[tilespmem:$0x1F790] =	vst v63;
	v63 =	vld [tilespmem:$0x760];
	_ =	sdelay $0x4  }
0x21: {  	[tilespmem:$0x1F7D0] =	vst v63;
	v63 =	vld [tilespmem:$0x6F0];
	_ =	sdelay $0x4  }
0x22: {  	[tilespmem:$0x1F710] =	vst v63;
	v63 =	vld [tilespmem:$0x710];
	_ =	sdelay $0x4  }
0x23: {  	[tilespmem:$0x1F720] =	vst v63;
	v63 =	vld [tilespmem:$0x730];
	_ =	sdelay $0x4  }
0x24: {  	[tilespmem:$0x1F760] =	vst v63;
	v63 =	vld [tilespmem:$0x750];
	_ =	sdelay $0x4  }
0x25: {  	[tilespmem:$0x1F7B0] =	vst v63;
	v63 =	vld [tilespmem:$0x770];
	_ =	sdelay $0x4  }
0x26: {  	[tilespmem:$0x1F7F0] =	vst v63;
	v63 =	vld [tilespmem:$0x780];
	_ =	sdelay $0x4  }
0x27: {  	[tilespmem:$0x1F740] =	vst v63;
	v63 =	vld [tilespmem:$0x7A0];
	_ =	sdelay $0x4  }
0x28: {  	[tilespmem:$0x1F750] =	vst v63;
	v63 =	vld [tilespmem:$0x7C0];
	_ =	sdelay $0x4  }
0x29: {  	[tilespmem:$0x1F7A0] =	vst v63;
	v63 =	vld [tilespmem:$0x7E0];
	_ =	sdelay $0x4  }
0x2a: {  	[tilespmem:$0x1F7E0] =	vst v63;
	v63 =	vld [tilespmem:$0x800];
	_ =	sdelay $0x4  }
0x2b: {  	[tilespmem:$0x1F810] =	vst v63;
	v63 =	vld [tilespmem:$0x790];
	_ =	sdelay $0x4  }
0x2c: {  	[tilespmem:$0x1F770] =	vst v63;
	v63 =	vld [tilespmem:$0x7B0];
	_ =	sdelay $0x4  }
0x2d: {  	[tilespmem:$0x1F780] =	vst v63;
	v63 =	vld [tilespmem:$0x7D0];
	_ =	sdelay $0x4  }
0x2e: {  	[tilespmem:$0x1F7C0] =	vst v63;
	v63 =	vld [tilespmem:$0x7F0];
	_ =	sdelay $0x4  }
0x2f: {  	[tilespmem:$0x1F800] =	vst v63;
	v63 =	vld [tilespmem:$0x810];
	_ =	sdelay $0x4  }
0x30: {  	[tilespmem:$0x1F840] =	vst v63;
	v63 =	vld [tilespmem:$0x820];
	_ =	sdelay $0x4  }
0x31: {  	[tilespmem:$0x1F820] =	vst v63;
	v63 =	vld [tilespmem:$0x840];
	_ =	sdelay $0x4  }
0x32: {  	[tilespmem:$0x1F830] =	vst v63;
	v63 =	vld [tilespmem:$0x860];
	_ =	sdelay $0x4  }
0x33: {  	[tilespmem:$0x1F870] =	vst v63;
	v63 =	vld [tilespmem:$0x880];
	_ =	sdelay $0x4  }
0x34: {  	[tilespmem:$0x1F8D0] =	vst v63;
	v63 =	vld [tilespmem:$0x8A0];
	_ =	sdelay $0x4  }
0x35: {  	[tilespmem:$0x1F910] =	vst v63;
	v63 =	vld [tilespmem:$0x830];
	_ =	sdelay $0x4  }
0x36: {  	[tilespmem:$0x1F850] =	vst v63;
	v63 =	vld [tilespmem:$0x850];
	_ =	sdelay $0x4  }
0x37: {  	[tilespmem:$0x1F860] =	vst v63;
	v63 =	vld [tilespmem:$0x870];
	_ =	sdelay $0x4  }
0x38: {  	[tilespmem:$0x1F8A0] =	vst v63;
	v63 =	vld [tilespmem:$0x890];
	_ =	sdelay $0x4  }
0x39: {  	[tilespmem:$0x1F8F0] =	vst v63;
	v63 =	vld [tilespmem:$0x8B0];
	_ =	sdelay $0x4  }
0x3a: {  	[tilespmem:$0x1F930] =	vst v63;
	v63 =	vld [tilespmem:$0x8C0];
	_ =	sdelay $0x4  }
0x3b: {  	[tilespmem:$0x1F880] =	vst v63;
	v63 =	vld [tilespmem:$0x8E0];
	_ =	sdelay $0x4  }
0x3c: {  	[tilespmem:$0x1F890] =	vst v63;
	v63 =	vld [tilespmem:$0x900];
	_ =	sdelay $0x4  }
0x3d: {  	[tilespmem:$0x1F8E0] =	vst v63;
	v63 =	vld [tilespmem:$0x920];
	_ =	sdelay $0x4  }
0x3e: {  	[tilespmem:$0x1F920] =	vst v63;
	v63 =	vld [tilespmem:$0x940];
	_ =	sdelay $0x3  }
0x3f: {  	v16 =	vld [tilespmem:$0xA0]  }
0x40: {  	[tilespmem:$0x1F950] =	vst v63;
	v63 =	vld [tilespmem:$0x8D0]  }
0x41: {  	v12 =	vld [tilespmem:$0xC0]  }
0x42: {  	v20 =	vld [tilespmem:$0xE0]  }
0x43: {  	v39 =	vld [tilespmem:$0x100]  }
0x44: {  	v0 =	vld [tilespmem:$0x120]  }
0x45: {  	[tilespmem:$0x1F8B0] =	vst v63;
	v63 =	vld [tilespmem:$0x8F0]  }
0x46: {  	v6 =	vld [tilespmem:$0xB0]  }
0x47: {  	v4 =	vld [tilespmem:$0xD0]  }
0x48: {  	v13 =	vld [tilespmem:$0xF0]  }
0x49: {  	v8 =	vld [tilespmem:$0x110]  }
0x4a: {  	[tilespmem:$0x1F8C0] =	vst v63;
	v63 =	vld [tilespmem:$0x910]  }
0x4b: {  	v54 =	vld [tilespmem:$0x130]  }
0x4c: {  	v3 =	vld [tilespmem:$0x140]  }
0x4d: {  	v2 =	vld [tilespmem:$0x160]  }
0x4e: {  	v10 =	vld [tilespmem:$0x180]  }
0x4f: {  	[tilespmem:$0x1F900] =	vst v63;
	v63 =	vld [tilespmem:$0x930]  }
0x50: {  	v28 =	vld [tilespmem:$0x1A0]  }
0x51: {  	v41 =	vld [tilespmem:$0x1C0]  }
0x52: {  	v1 =	vld [tilespmem:$0x150]  }
0x53: {  	v7 =	vld [tilespmem:$0x190]  }
0x54: {  	[tilespmem:$0x1F940] =	vst v63;
	v63 =	vld [tilespmem:$0x950]  }
0x55: {  	v21 =	vld [tilespmem:$0x1B0]  }
0x56: {  	v35 =	vld [tilespmem:$0x1D0]  }
0x57: {  	v24 =	vld [tilespmem:$0x1E0]  }
0x58: {  	v22 =	vld [tilespmem:$0x200]  }
0x59: {  	[tilespmem:$0x1F980] =	vst v63;
	v63 =	vld [tilespmem:$0x960]  }
0x5a: {  	v36 =	vld [tilespmem:$0x220]  }
0x5b: {  	v60 =	vld [tilespmem:$0x240]  }
0x5c: {  	v5 =	vld [tilespmem:$0x260]  }
0x5d: {  	v18 =	vld [tilespmem:$0x1F0]  }
0x5e: {  	[tilespmem:$0x1F960] =	vst v63;
	v63 =	vld [tilespmem:$0x980]  }
0x5f: {  	v14 =	vld [tilespmem:$0x210]  }
0x60: {  	v29 =	vld [tilespmem:$0x230]  }
0x61: {  	v52 =	vld [tilespmem:$0x250]  }
0x62: {  	v50 =	vld [tilespmem:$0x270]  }
0x63: {  	[tilespmem:$0x1F970] =	vst v63;
	v63 =	vld [tilespmem:$0x9A0]  }
0x64: {  	v11 =	vld [tilespmem:$0x280]  }
0x65: {  	v9 =	vld [tilespmem:$0x2A0]  }
0x66: {  	v25 =	vld [tilespmem:$0x2C0]  }
0x67: {  	v45 =	vld [tilespmem:$0x2E0]  }
0x68: {  	[tilespmem:$0x1F9B0] =	vst v63;
	v63 =	vld [tilespmem:$0x9C0]  }
0x69: {  	v51 =	vld [tilespmem:$0x300]  }
0x6a: {  	v32 =	vld [tilespmem:$0x290]  }
0x6b: {  	v19 =	vld [tilespmem:$0x2D0]  }
0x6c: {  	v37 =	vld [tilespmem:$0x2F0]  }
0x6d: {  	[tilespmem:$0x1FA10] =	vst v63;
	v63 =	vld [tilespmem:$0x9E0]  }
0x6e: {  	v55 =	vld [tilespmem:$0x310]  }
0x6f: {  	v42 =	vld [tilespmem:$0x320]  }
0x70: {  	v38 =	vld [tilespmem:$0x340]  }
0x71: {  	v56 =	vld [tilespmem:$0x360]  }
0x72: {  	[tilespmem:$0x1FA50] =	vst v63;
	v63 =	vld [tilespmem:$0x970]  }
0x73: {  	v15 =	vld [tilespmem:$0x380]  }
0x74: {  	v53 =	vld [tilespmem:$0x3A0]  }
0x75: {  	v33 =	vld [tilespmem:$0x330]  }
0x76: {  	v30 =	vld [tilespmem:$0x350]  }
0x77: {  	[tilespmem:$0x1F990] =	vst v63;
	v63 =	vld [tilespmem:$0x990]  }
0x78: {  	v46 =	vld [tilespmem:$0x370]  }
0x79: {  	v57 =	vld [tilespmem:$0x390]  }
0x7a: {  	v58 =	vld [tilespmem:$0x3B0]  }
0x7b: {  	v26 =	vld [tilespmem:$0x3C0]  }
0x7c: {  	[tilespmem:$0x1F9A0] =	vst v63;
	v63 =	vld [tilespmem:$0x9B0]  }
0x7d: {  	v23 =	vld [tilespmem:$0x3E0]  }
0x7e: {  	v43 =	vld [tilespmem:$0x400]  }
0x7f: {  	v59 =	vld [tilespmem:$0x420]  }
0x80: {  	v61 =	vld [tilespmem:$0x440]  }
0x81: {  	[tilespmem:$0x1F9E0] =	vst v63;
	v63 =	vld [tilespmem:$0x9D0]  }
0x82: {  	v17 =	vld [tilespmem:$0x3D0]  }
0x83: {  	v34 =	vld [tilespmem:$0x410]  }
0x84: {  	v27 =	vld [tilespmem:$0x450]  }
0x85: {  	v62 =	vld [tilespmem:$0x4A0]  }
0x86: {  	[tilespmem:$0x1FA30] =	vst v63;
	v63 =	vld [tilespmem:$0x9F0]  }
0x87: {  	v31 =	vld [tilespmem:$0x4E0]  }
0x88: {  	v49 =	vld [tilespmem:$0x470]  }
0x89: {  	v47 =	vld [tilespmem:$0x490]  }
0x8a: {  	v40 =	vld [tilespmem:$0x4B0]  }
0x8b: {  	[tilespmem:$0x1FA70] =	vst v63;
	v63 =	vld [tilespmem:$0xA00]  }
0x8c: {  	v44 =	vld [tilespmem:$0x4D0]  }
0x8d: {  	v48 =	vld [tilespmem:$0x4F0];
	[tilespmem:$0x1F4A0] =	vst v0  }
0x8e: {  	v0 =	vld [tilespmem:$0x170];
	[tilespmem:$0x1F4B0] =	vst v5  }
0x8f: {  	[tilespmem:$0x1F4C0] =	vst v50;
	v5 =	vld [tilespmem:$0x2B0]  }
0x90: {  	[tilespmem:$0x1F9C0] =	vst v63;
	v63 =	vld [tilespmem:$0xA20]  }
0x91: {  	[tilespmem:$0x1F4E0] =	vst v15;
	v15 =	vld [tilespmem:$0x3F0]  }
0x92: {  	[tilespmem:$0x1F4F0] =	vst v57;
	v57 =	vld [tilespmem:$0x430]  }
0x93: {  	[tilespmem:$0x1F530] =	vst v61;
	v61 =	vld [tilespmem:$0x460]  }
0x94: {  	[tilespmem:$0x1F520] =	vst v58;
	v58 =	vld [tilespmem:$0x480]  }
0x95: {  	[tilespmem:$0x1F9D0] =	vst v63;
	v63 =	vld [tilespmem:$0xA40]  }
0x96: {  	[tilespmem:$0x1F580] =	vst v44;
	v44 =	vld [tilespmem:$0x500]  }
0x97: {  	[tilespmem:$0x1F560] =	vst v40;
	v40 =	vld [tilespmem:$0x520]  }
0x98: {  	[tilespmem:$0x1F500] =	vst v53;
	v53 =	vld [tilespmem:$0x590]  }
0x99: {  	[tilespmem:$0x1F510] =	vst v59;
	v59 =	vld [tilespmem:$0x5A0]  }
0x9a: {  	[tilespmem:$0x1FA20] =	vst v63;
	v63 =	vld [tilespmem:$0xA60]  }
0x9b: {  	[tilespmem:$0x1F550] =	vst v62;
	v62 =	vld [tilespmem:$0x540]  }
0x9c: {  	[tilespmem:$0x1F4D0] =	vst v51;
	v50 =	vld [tilespmem:$0x560]  }
0x9d: {  	[tilespmem:$0x1F600] =	vst v53;
	v53 =	vld [tilespmem:$0x5E0]  }
0x9e: {  	[tilespmem:$0x1F5E0] =	vst v59;
	v59 =	vld [tilespmem:$0x600]  }
0x9f: {  	[tilespmem:$0x1FA60] =	vst v63;
	v63 =	vld [tilespmem:$0xA80]  }
0xa0: {  	[tilespmem:$0x1F540] =	vst v27;
	v51 =	vld [tilespmem:$0x580]  }
0xa1: {  	[tilespmem:$0x1F590] =	vst v31;
	v31 =	vld [tilespmem:$0x510]  }
0xa2: {  	[tilespmem:$0x1F630] =	vst v53;
	v53 =	vld [tilespmem:$0x5B0]  }
0xa3: {  	[tilespmem:$0x1F650] =	vst v59;
	v59 =	vld [tilespmem:$0x5D0]  }
0xa4: {  	[tilespmem:$0x1FA90] =	vst v63;
	v63 =	vld [tilespmem:$0xA10]  }
0xa5: {  	[tilespmem:$0x1F5B0] =	vst v48;
	v27 =	vld [tilespmem:$0x530]  }
0xa6: {  	v48 =	vld [tilespmem:$0x570];
	[tilespmem:$0x1F5A0] =	vst v50  }
0xa7: {  	[tilespmem:$0x1F610] =	vst v53;
	v53 =	vld [tilespmem:$0x610]  }
0xa8: {  	[tilespmem:$0x1F620] =	vst v59;
	v59 =	vld [tilespmem:$0x630]  }
0xa9: {  	[tilespmem:$0x1F9F0] =	vst v63;
	v63 =	vld [tilespmem:$0xA30]  }
0xaa: {  	[tilespmem:$0x1F5D0] =	vst v51;
	v50 =	vld [tilespmem:$0x550]  }
0xab: {  	[tilespmem:$0x1F5C0] =	vst v48;
	v51 =	vld [tilespmem:$0x650]  }
0xac: {  	v48 =	vld [tilespmem:$0x670];
	[tilespmem:$0x1F670] =	vst v53  }
0xad: {  	[tilespmem:$0x1F6B0] =	vst v59;
	v59 =	vld [tilespmem:$0x640]  }
0xae: {  	v53 =	vld [tilespmem:$0x660];
	[tilespmem:$0x1FA00] =	vst v63  }
0xaf: {  	v63 =	vld [tilespmem:$0xA50];
	_ =	sdelay $0x4  }
0xb0: {  	[tilespmem:$0x1FA40] =	vst v63;
	v63 =	vld [tilespmem:$0xA70];
	_ =	sdelay $0x4  }
0xb1: {  	[tilespmem:$0x1FA80] =	vst v63;
	v63 =	vld [tilespmem:$0xA90];
	_ =	sdelay $0x4  }
0xb2: {  	[tilespmem:$0x1FAC0] =	vst v63;
	v63 =	vld [tilespmem:$0xAA0];
	_ =	sdelay $0x4  }
0xb3: {  	[tilespmem:$0x1FAA0] =	vst v63;
	v63 =	vld [tilespmem:$0xAC0];
	_ =	sdelay $0x4  }
0xb4: {  	[tilespmem:$0x1FAB0] =	vst v63;
	v63 =	vld [tilespmem:$0xAE0];
	_ =	sdelay $0x4  }
0xb5: {  	[tilespmem:$0x1FAF0] =	vst v63;
	v63 =	vld [tilespmem:$0xB00];
	_ =	sdelay $0x4  }
0xb6: {  	[tilespmem:$0x1FB50] =	vst v63;
	v63 =	vld [tilespmem:$0xB20];
	_ =	sdelay $0x4  }
0xb7: {  	[tilespmem:$0x1FB90] =	vst v63;
	v63 =	vld [tilespmem:$0xAB0];
	_ =	sdelay $0x4  }
0xb8: {  	[tilespmem:$0x1FAD0] =	vst v63;
	v63 =	vld [tilespmem:$0xAD0];
	_ =	sdelay $0x4  }
0xb9: {  	[tilespmem:$0x1FAE0] =	vst v63;
	v63 =	vld [tilespmem:$0xAF0];
	_ =	sdelay $0x4  }
0xba: {  	[tilespmem:$0x1FB20] =	vst v63;
	v63 =	vld [tilespmem:$0xB10];
	_ =	sdelay $0x4  }
0xbb: {  	[tilespmem:$0x1FB70] =	vst v63;
	v63 =	vld [tilespmem:$0xB30];
	_ =	sdelay $0x4  }
0xbc: {  	[tilespmem:$0x1FBB0] =	vst v63;
	v63 =	vld [tilespmem:$0xB40];
	_ =	sdelay $0x4  }
0xbd: {  	[tilespmem:$0x1FB00] =	vst v63;
	v63 =	vld [tilespmem:$0xB60];
	_ =	sdelay $0x4  }
0xbe: {  	[tilespmem:$0x1FB10] =	vst v63;
	v63 =	vld [tilespmem:$0xB80];
	_ =	sdelay $0x4  }
0xbf: {  	[tilespmem:$0x1FB60] =	vst v63;
	v63 =	vld [tilespmem:$0xBA0];
	_ =	sdelay $0x4  }
0xc0: {  	[tilespmem:$0x1FBA0] =	vst v63;
	v63 =	vld [tilespmem:$0xBC0];
	_ =	sdelay $0x4  }
0xc1: {  	[tilespmem:$0x1FBD0] =	vst v63;
	v63 =	vld [tilespmem:$0xB50];
	_ =	sdelay $0x4  }
0xc2: {  	[tilespmem:$0x1FB30] =	vst v63;
	v63 =	vld [tilespmem:$0xB70];
	_ =	sdelay $0x4  }
0xc3: {  	[tilespmem:$0x1FB40] =	vst v63;
	v63 =	vld [tilespmem:$0xB90];
	_ =	sdelay $0x4  }
0xc4: {  	[tilespmem:$0x1FB80] =	vst v63;
	v63 =	vld [tilespmem:$0xBB0];
	_ =	sdelay $0x4  }
0xc5: {  	[tilespmem:$0x1FBC0] =	vst v63;
	v63 =	vld [tilespmem:$0xBD0];
	_ =	sdelay $0x4  }
0xc6: {  	[tilespmem:$0x1FC00] =	vst v63;
	v63 =	vld [tilespmem:$0xBE0];
	_ =	sdelay $0x4  }
0xc7: {  	[tilespmem:$0x1FBE0] =	vst v63;
	v63 =	vld [tilespmem:$0xC00];
	_ =	sdelay $0x4  }
0xc8: {  	[tilespmem:$0x1FBF0] =	vst v63;
	v63 =	vld [tilespmem:$0xC20];
	_ =	sdelay $0x4  }
0xc9: {  	[tilespmem:$0x1FC30] =	vst v63;
	v63 =	vld [tilespmem:$0xC40];
	_ =	sdelay $0x4  }
0xca: {  	[tilespmem:$0x1FC90] =	vst v63;
	v63 =	vld [tilespmem:$0xC60];
	_ =	sdelay $0x4  }
0xcb: {  	[tilespmem:$0x1FCC0] =	vst v63;
	v63 =	vld [tilespmem:$0xBF0];
	_ =	sdelay $0x4  }
0xcc: {  	[tilespmem:$0x1FC10] =	vst v63;
	v63 =	vld [tilespmem:$0xC10];
	_ =	sdelay $0x4  }
0xcd: {  	[tilespmem:$0x1FC20] =	vst v63;
	v63 =	vld [tilespmem:$0xC30];
	_ =	sdelay $0x4  }
0xce: {  	[tilespmem:$0x1FC60] =	vst v63;
	v63 =	vld [tilespmem:$0xC50];
	_ =	sdelay $0x4  }
0xcf: {  	[tilespmem:$0x1FCB0] =	vst v63;
	v63 =	vld [tilespmem:$0xC70];
	_ =	sdelay $0x4  }
0xd0: {  	[tilespmem:$0x1FCE0] =	vst v63;
	v63 =	vld [tilespmem:$0xC80];
	_ =	sdelay $0x4  }
0xd1: {  	[tilespmem:$0x1FC40] =	vst v63;
	v63 =	vld [tilespmem:$0xCA0];
	_ =	sdelay $0x1  }
0xd2: {  	v12 =	vadd.f32 v12, v16;
	_ =	sdelay $0x1  }
0xd3: {  	v20 =	vadd.f32 v20, v12;
	v16 =	vld [tilespmem:$0xCB0]  }
0xd4: {  	v2 =	vadd.f32 v2, v3;
	v0 =	vadd.f32 v0, v1;
	[tilespmem:$0x1FC50] =	vst v63;
	v63 =	vld [tilespmem:$0xCC0]  }
0xd5: {  	v12 =	vadd.f32 v39, v20;
	v39 =	vld [tilespmem:$0xD20]  }
0xd6: {  	v2 =	vadd.f32 v10, v2;
	v20 =	vadd.f32 v7, v0;
	v7 =	vld [tilespmem:$0xD40]  }
0xd7: {  	v10 =	vld [tilespmem:$0xD60]  }
0xd8: {  	v4 =	vadd.f32 v4, v6;
	v6 =	vadd.f32 v28, v2;
	v28 =	vld [tilespmem:$0xD50]  }
0xd9: {  	[tilespmem:$0x1FCA0] =	vst v63;
	v63 =	vld [tilespmem:$0xCE0]  }
0xda: {  	v41 =	vadd.f32 v41, v6;
	v6 =	vld [tilespmem:$0x1F4D0]  }
0xdb: {  	v15 =	vadd.f32 v15, v17;
	v17 =	vld [tilespmem:$0xE40]  }
0xdc: {  	[tilespmem:$0x1FD60] =	vst v10;
	v10 =	vld [tilespmem:$0xDE0]  }
0xdd: {  	[tilespmem:$0x1FD50] =	vst v28;
	v28 =	vld [tilespmem:$0xE30]  }
0xde: {  	[tilespmem:$0x1FCD0] =	vst v63;
	v63 =	vld [tilespmem:$0xD00]  }
0xdf: {  	[tilespmem:$0x1FD20] =	vst v7;
	v7 =	vadd.f32 v38, v42;
	v38 =	vld [tilespmem:$0x1F550]  }
0xe0: {  	v42 =	vadd.f32 v40, v44;
	v44 =	vld [tilespmem:$0xE80]  }
0xe1: {  	[tilespmem:$0x1FE20] =	vst v17;
	v17 =	vld [tilespmem:$0x1F5E0]  }
0xe2: {  	v40 =	vld [tilespmem:$0x1F6A0]  }
0xe3: {  	[tilespmem:$0x1FD00] =	vst v63;
	v63 =	vld [tilespmem:$0xC90]  }
0xe4: {  	[tilespmem:$0x1FD80] =	vst v10;
	v10 =	vld [tilespmem:$0x1F5A0]  }
0xe5: {  	[tilespmem:$0x1FE40] =	vst v44;
	v44 =	vld [tilespmem:$0x1F6B0]  }
0xe6: {  	[tilespmem:$0x1FE10] =	vst v28;
	v28 =	vadd.f32 v48, v51;
	v48 =	vld [tilespmem:$0x1F6D0]  }
0xe7: {  	v51 =	vld [tilespmem:$0x1F6E0]  }
0xe8: {  	[tilespmem:$0x1FC70] =	vst v63;
	v63 =	vadd.f32 v13, v4;
	v4 =	vld [tilespmem:$0xCF0]  }
0xe9: {  	v13 =	vld [tilespmem:$0xD10]  }
0xea: {  	v3 =	vadd.f32 v8, v63;
	v63 =	vld [tilespmem:$0x1F4A0]  }
0xeb: {  	v8 =	vadd.f32 v21, v20;
	v20 =	vadd.f32 v14, v18;
	v14 =	vld [tilespmem:$0xE20]  }
0xec: {  	v18 =	vld [tilespmem:$0x1F4E0]  }
0xed: {  	v21 =	vadd.f32 v9, v11;
	v11 =	vadd.f32 v30, v33;
	v33 =	vld [tilespmem:$0x1F540]  }
0xee: {  	v30 =	vadd.f32 v58, v61;
	v58 =	vld [tilespmem:$0xEC0]  }
0xef: {  	v61 =	vld [tilespmem:$0x1F580]  }
0xf0: {  	v2 =	vadd.f32 v29, v20;
	v29 =	vld [tilespmem:$0xD70]  }
0xf1: {  	v20 =	vld [tilespmem:$0x1F4F0]  }
0xf2: {  	[tilespmem:$0x1FD10] =	vst v39;
	v39 =	vadd.f32 v54, v3;
	v3 =	vadd.f32 v25, v21;
	v21 =	vld [tilespmem:$0xDF0]  }
0xf3: {  	v25 =	vld [tilespmem:$0x1F520]  }
0xf4: {  	[tilespmem:$0x1FD30] =	vst v13;
	v13 =	vld [tilespmem:$0xD80]  }
0xf5: {  	v2 =	vadd.f32 v52, v2;
	v52 =	vld [tilespmem:$0x1F4C0]  }
0xf6: {  	v0 =	vadd.f32 v63, v12;
	v12 =	vadd.f32 v22, v24;
	v22 =	vld [tilespmem:$0xD30]  }
0xf7: {  	v35 =	vadd.f32 v35, v8;
	v24 =	vadd.f32 v5, v32;
	v32 =	vld [tilespmem:$0xD90]  }
0xf8: {  	v45 =	vadd.f32 v45, v3;
	v63 =	vld [tilespmem:$0xDC0]  }
0xf9: {  	v35 =	vmul.f32 $2.000000030e-01, v35;
	[tilespmem:$0x1FE00] =	vst v14;
	v14 =	vld [tilespmem:$0xE90]  }
0xfa: {  	v45 =	vadd.f32 v6, v45;
	v6 =	vld [tilespmem:$0x1F710]  }
0xfb: {  	[tilespmem:$0x14D0] =	vst v35;
	v35 =	vld [tilespmem:$0x1FC10]  }
0xfc: {  	v1 =	vadd.f32 v36, v12;
	v36 =	vld [tilespmem:$0x1F4B0]  }
0xfd: {  	v12 =	vld [tilespmem:$0xE00]  }
0xfe: {  	[tilespmem:$0x1FCF0] =	vst v4;
	v4 =	vadd.f32 v19, v24;
	v19 =	vld [tilespmem:$0xDD0]  }
0xff: {  	v24 =	vld [tilespmem:$0xE10]  }
0x100: {  	[tilespmem:$0x1FD90] =	vst v29;
	v29 =	vld [tilespmem:$0x1F530]  }
0x101: {  	[tilespmem:$0x1FDB0] =	vst v21;
	v21 =	vld [tilespmem:$0x1F610]  }
0x102: {  	[tilespmem:$0x1FDC0] =	vst v13;
	v13 =	vadd.f32 v23, v26;
	v23 =	vld [tilespmem:$0x1F510]  }
0x103: {  	v1 =	vadd.f32 v60, v1;
	v60 =	vadd.f32 v37, v4;
	v37 =	vld [tilespmem:$0xE60]  }
0x104: {  	v52 =	vadd.f32 v52, v2;
	v2 =	vadd.f32 v46, v11;
	v46 =	vld [tilespmem:$0x1F560]  }
0x105: {  	v4 =	vadd.f32 v34, v15;
	v34 =	vadd.f32 v47, v49;
	v49 =	vld [tilespmem:$0xEA0]  }
0x106: {  	v11 =	vld [tilespmem:$0xE70]  }
0x107: {  	v15 =	vld [tilespmem:$0x1F5D0]  }
0x108: {  	v47 =	vadd.f32 v27, v31;
	v27 =	vld [tilespmem:$0x1F640]  }
0x109: {  	v31 =	vld [tilespmem:$0x1F660]  }
0x10a: {  	[tilespmem:$0x1FD40] =	vst v22;
	v22 =	vld [tilespmem:$0x1F500]  }
0x10b: {  	[tilespmem:$0x1FDE0] =	vst v32;
	v32 =	vld [tilespmem:$0xE50]  }
0x10c: {  	[tilespmem:$0x1FD70] =	vst v63;
	v63 =	vld [tilespmem:$0x1F590]  }
0x10d: {  	v3 =	vadd.f32 v43, v13;
	v13 =	vld [tilespmem:$0x1F5C0]  }
0x10e: {  	[tilespmem:$0x1FE70] =	vst v14;
	v14 =	vld [tilespmem:$0x1F760]  }
0x10f: {  	v26 =	vadd.f32 v57, v4;
	v57 =	vld [tilespmem:$0x1F570]  }
0x110: {  	v2 =	vadd.f32 v20, v2;
	v20 =	vld [tilespmem:$0x1F600]  }
0x111: {  	v4 =	vadd.f32 v50, v47;
	v47 =	vld [tilespmem:$0xF80]  }
0x112: {  	[tilespmem:$0x1FDD0] =	vst v12;
	v12 =	vld [tilespmem:$0x1F5B0]  }
0x113: {  	[tilespmem:$0x1FDA0] =	vst v19;
	v19 =	vld [tilespmem:$0xEB0]  }
0x114: {  	[tilespmem:$0x1FDF0] =	vst v24;
	v24 =	vld [tilespmem:$0x1F630]  }
0x115: {  	v54 =	vadd.f32 v36, v1;
	v1 =	vadd.f32 v56, v7;
	v7 =	vld [tilespmem:$0x1F720]  }
0x116: {  	v43 =	vadd.f32 v33, v26;
	v26 =	vld [tilespmem:$0xEF0]  }
0x117: {  	v33 =	vld [tilespmem:$0x1F670]  }
0x118: {  	v56 =	vadd.f32 v25, v2;
	v25 =	vadd.f32 v53, v59;
	v59 =	vld [tilespmem:$0x1F6F0]  }
0x119: {  	v1 =	vadd.f32 v18, v1;
	v18 =	vld [tilespmem:$0x1F5F0]  }
0x11a: {  	v2 =	vadd.f32 v46, v34;
	v34 =	vld [tilespmem:$0x1F680]  }
0x11b: {  	[tilespmem:$0x1FE30] =	vst v37;
	v37 =	vld [tilespmem:$0xF40]  }
0x11c: {  	v46 =	vld [tilespmem:$0x1F6C0]  }
0x11d: {  	[tilespmem:$0x1FE60] =	vst v11;
	v11 =	vld [tilespmem:$0x1F740]  }
0x11e: {  	v36 =	vadd.f32 v55, v60;
	[tilespmem:$0x1FE50] =	vst v32;
	v32 =	vld [tilespmem:$0xF20];
	v60 =	vadd.f32 v22, v1  }
0x11f: {  	v1 =	vadd.f32 v23, v3;
	v3 =	vadd.f32 v62, v42;
	v62 =	vld [tilespmem:$0xEE0]  }
0x120: {  	v22 =	vld [tilespmem:$0x1F620]  }
0x121: {  	v23 =	vld [tilespmem:$0xED0]  }
0x122: {  	v42 =	vld [tilespmem:$0xF60]  }
0x123: {  	[tilespmem:$0x1FF40] =	vst v47;
	v47 =	vld [tilespmem:$0x1F870]  }
0x124: {  	[tilespmem:$0x1FEB0] =	vst v19;
	v19 =	vld [tilespmem:$0x1F790]  }
0x125: {  	v55 =	vadd.f32 v29, v1;
	v29 =	vld [tilespmem:$0xF00]  }
0x126: {  	v1 =	vadd.f32 v38, v30;
	v30 =	vld [tilespmem:$0x1F650]  }
0x127: {  	v38 =	vld [tilespmem:$0x1F690]  }
0x128: {  	v2 =	vadd.f32 v61, v2;
	[tilespmem:$0x1FF20] =	vst v26;
	v26 =	vld [tilespmem:$0x1F7E0]  }
0x129: {  	[tilespmem:$0x1FED0] =	vst v37;
	v37 =	vld [tilespmem:$0x1F830]  }
0x12a: {  	v1 =	vadd.f32 v57, v1;
	v57 =	vadd.f32 v12, v2;
	v12 =	vld [tilespmem:$0x1F750]  }
0x12b: {  	v2 =	vadd.f32 v13, v4;
	v13 =	vld [tilespmem:$0xF50]  }
0x12c: {  	[tilespmem:$0x1FEA0] =	vst v32;
	v32 =	vld [tilespmem:$0x1F810]  }
0x12d: {  	v4 =	vadd.f32 v34, v28;
	v34 =	vld [tilespmem:$0x1F820]  }
0x12e: {  	[tilespmem:$0x1FF00] =	vst v62;
	v62 =	vld [tilespmem:$0x1F700]  }
0x12f: {  	[tilespmem:$0x1FEE0] =	vst v23;
	v23 =	vld [tilespmem:$0x1F7C0]  }
0x130: {  	[tilespmem:$0x1FF10] =	vst v42;
	v42 =	vld [tilespmem:$0x1F850]  }
0x131: {  	[tilespmem:$0x1FEC0] =	vst v58;
	v58 =	vadd.f32 v63, v1;
	v1 =	vadd.f32 v10, v3;
	v10 =	vld [tilespmem:$0x1F730]  }
0x132: {  	[tilespmem:$0x1FE80] =	vst v49;
	v49 =	vadd.f32 v20, v2;
	v20 =	vld [tilespmem:$0x1F7A0]  }
0x133: {  	v2 =	vadd.f32 v22, v21;
	v21 =	vld [tilespmem:$0xF90]  }
0x134: {  	v22 =	vld [tilespmem:$0x1F7B0]  }
0x135: {  	v3 =	vadd.f32 v31, v25;
	v25 =	vld [tilespmem:$0x1F7D0]  }
0x136: {  	[tilespmem:$0x1FE90] =	vst v29;
	v29 =	vld [tilespmem:$0x1F7F0]  }
0x137: {  	v50 =	vadd.f32 v15, v1;
	v15 =	vld [tilespmem:$0x1F770]  }
0x138: {  	v1 =	vadd.f32 v18, v17;
	v17 =	vld [tilespmem:$0x1F780]  }
0x139: {  	v18 =	vld [tilespmem:$0xF70]  }
0x13a: {  	v2 =	vadd.f32 v27, v2;
	[tilespmem:$0x1FEF0] =	vst v13;
	v13 =	vld [tilespmem:$0x1F8C0]  }
0x13b: {  	v1 =	vadd.f32 v24, v1;
	v24 =	vld [tilespmem:$0xFA0]  }
0x13c: {  	v2 =	vadd.f32 v33, v2;
	[tilespmem:$0x1FF70] =	vst v21;
	v21 =	vld [tilespmem:$0x1F910]  }
0x13d: {  	v1 =	vadd.f32 v30, v1;
	v30 =	vld [tilespmem:$0x1F800]  }
0x13e: {  	v61 =	vadd.f32 v44, v2;
	v44 =	vld [tilespmem:$0x1F860]  }
0x13f: {  	v2 =	vadd.f32 v46, v4;
	v4 =	vadd.f32 v17, v15;
	v15 =	vld [tilespmem:$0x1F8E0]  }
0x140: {  	v17 =	vld [tilespmem:$0xFF0]  }
0x141: {  	[tilespmem:$0x1FF30] =	vst v18;
	v18 =	vld [tilespmem:$0x1F8F0]  }
0x142: {  	v63 =	vadd.f32 v38, v1;
	v38 =	vld [tilespmem:$0x1000]  }
0x143: {  	v1 =	vadd.f32 v40, v3;
	v40 =	vld [tilespmem:$0x1F840]  }
0x144: {  	v3 =	vadd.f32 v12, v11;
	v11 =	vld [tilespmem:$0x1F8A0]  }
0x145: {  	v12 =	vld [tilespmem:$0x1F8B0]  }
0x146: {  	v4 =	vadd.f32 v23, v4;
	v23 =	vld [tilespmem:$0x1F920]  }
0x147: {  	[tilespmem:$0x1FF50] =	vst v24;
	v24 =	vld [tilespmem:$0x1030]  }
0x148: {  	v53 =	vadd.f32 v48, v1;
	v1 =	vadd.f32 v59, v51;
	v51 =	vld [tilespmem:$0x1F880]  }
0x149: {  	v59 =	vld [tilespmem:$0x1F890]  }
0x14a: {  	v3 =	vadd.f32 v20, v3;
	v20 =	vld [tilespmem:$0x1010]  }
0x14b: {  	v48 =	vadd.f32 v62, v2;
	v2 =	vadd.f32 v7, v6;
	v6 =	vld [tilespmem:$0x1FAC0]  }
0x14c: {  	v7 =	vld [tilespmem:$0x1FAD0]  }
0x14d: {  	v2 =	vadd.f32 v14, v2;
	v14 =	vld [tilespmem:$0x1F8D0]  }
0x14e: {  	v1 =	vadd.f32 v10, v1;
	[tilespmem:$0x1FF90] =	vst v17;
	v17 =	vld [tilespmem:$0x1FA30]  }
0x14f: {  	[tilespmem:$0x1FFA0] =	vst v38;
	v38 =	vld [tilespmem:$0x1F990]  }
0x150: {  	v1 =	vadd.f32 v19, v1;
	v19 =	vld [tilespmem:$0x1F900]  }
0x151: {  	v2 =	vadd.f32 v22, v2;
	[tilespmem:$0x1FFB0] =	vst v20;
	v20 =	vld [tilespmem:$0x1FA50]  }
0x152: {  	v10 =	vadd.f32 v25, v1;
	v1 =	vadd.f32 v26, v3;
	v26 =	vld [tilespmem:$0x1F930]  }
0x153: {  	v22 =	vadd.f32 v29, v2;
	v29 =	vld [tilespmem:$0x1F940]  }
0x154: {  	v2 =	vadd.f32 v30, v4;
	v30 =	vld [tilespmem:$0x1F950]  }
0x155: {  	v3 =	vadd.f32 v59, v51;
	v51 =	vld [tilespmem:$0x1F9D0]  }
0x156: {  	v59 =	vld [tilespmem:$0x1F9E0]  }
0x157: {  	v4 =	vadd.f32 v13, v12;
	v12 =	vld [tilespmem:$0x1FA00]  }
0x158: {  	v13 =	vld [tilespmem:$0x10C0]  }
0x159: {  	v25 =	vadd.f32 v32, v1;
	v32 =	vld [tilespmem:$0x1F960]  }
0x15a: {  	v1 =	vadd.f32 v37, v34;
	v34 =	vld [tilespmem:$0x1F970]  }
0x15b: {  	v37 =	vld [tilespmem:$0x1F980]  }
0x15c: {  	v62 =	vadd.f32 v40, v2;
	v40 =	vld [tilespmem:$0x1F9A0]  }
0x15d: {  	v2 =	vadd.f32 v44, v42;
	v44 =	vld [tilespmem:$0x1F9B0]  }
0x15e: {  	v3 =	vadd.f32 v15, v3;
	v15 =	vld [tilespmem:$0x1FA20]  }
0x15f: {  	v1 =	vadd.f32 v47, v1;
	v47 =	vld [tilespmem:$0x1F9C0]  }
0x160: {  	v2 =	vadd.f32 v11, v2;
	v11 =	vld [tilespmem:$0x1F9F0]  }
0x161: {  	[tilespmem:$0x1FFE0] =	vst v13;
	v13 =	vld [tilespmem:$0x1FB00]  }
0x162: {  	v1 =	vadd.f32 v14, v1;
	v2 =	vadd.f32 v18, v2;
	v14 =	vld [tilespmem:$0x1FA10]  }
0x163: {  	v4 =	vadd.f32 v19, v4;
	v18 =	vld [tilespmem:$0x1FA40]  }
0x164: {  	v19 =	vadd.f32 v21, v1;
	v21 =	vadd.f32 v26, v2;
	v26 =	vld [tilespmem:$0x1FA60]  }
0x165: {  	v1 =	vadd.f32 v23, v3;
	v2 =	vadd.f32 v29, v4;
	v29 =	vld [tilespmem:$0x1FA70]  }
0x166: {  	v4 =	vadd.f32 v12, v11;
	v11 =	vld [tilespmem:$0x1FAE0]  }
0x167: {  	v23 =	vadd.f32 v30, v1;
	v1 =	vadd.f32 v34, v32;
	v32 =	vld [tilespmem:$0x1FA80]  }
0x168: {  	[tilespmem:$0x1FFD0] =	vst v24;
	v24 =	vadd.f32 v37, v2;
	v2 =	vadd.f32 v40, v38;
	v34 =	vld [tilespmem:$0x1FA90]  }
0x169: {  	v3 =	vadd.f32 v51, v47;
	v40 =	vld [tilespmem:$0x1FAA0];
	v1 =	vadd.f32 v44, v1  }
0x16a: {  	v2 =	vadd.f32 v59, v2;
	v44 =	vld [tilespmem:$0x1FAB0]  }
0x16b: {  	v12 =	vld [tilespmem:$0x1FAF0];
	v3 =	vadd.f32 v15, v3;
	v1 =	vadd.f32 v14, v1  }
0x16c: {  	v4 =	vadd.f32 v18, v4;
	v2 =	vadd.f32 v17, v2;
	v14 =	vld [tilespmem:$0x1FB10]  }
0x16d: {  	v15 =	vadd.f32 v20, v1;
	v1 =	vadd.f32 v26, v3;
	v26 =	vld [tilespmem:$0x1FB20]  }
0x16e: {  	v17 =	vadd.f32 v29, v2;
	v2 =	vadd.f32 v32, v4;
	v29 =	vld [tilespmem:$0x1FB30]  }
0x16f: {  	v18 =	vadd.f32 v34, v1;
	v1 =	vadd.f32 v44, v40;
	v34 =	vld [tilespmem:$0x1FB40]  }
0x170: {  	v20 =	vadd.f32 v6, v2;
	v2 =	vadd.f32 v11, v7;
	v11 =	vld [tilespmem:$0x1FB50]  }
0x171: {  	v3 =	vadd.f32 v14, v13;
	v13 =	vld [tilespmem:$0x1FB70]  }
0x172: {  	v1 =	vadd.f32 v12, v1;
	v12 =	vld [tilespmem:$0x1FB60]  }
0x173: {  	v6 =	vld [tilespmem:$0x1FB90]  }
0x174: {  	v7 =	vld [tilespmem:$0x1FBA0];
	v2 =	vadd.f32 v26, v2;
	v26 =	vmul.f32 $2.000000030e-01, v39  }
0x175: {  	v14 =	vld [tilespmem:$0x1FB80]  }
0x176: {  	[tilespmem:$0x14B0] =	vst v26;
	v26 =	vld [tilespmem:$0x1FBC0]  }
0x177: {  	v0 =	vmul.f32 $2.000000030e-01, v0;
	v2 =	vadd.f32 v13, v2;
	v13 =	vld [tilespmem:$0x1FBB0];
	v3 =	vadd.f32 v12, v3  }
0x178: {  	v4 =	vadd.f32 v34, v29;
	v12 =	vld [tilespmem:$0x1FC00]  }
0x179: {  	[tilespmem:$0x14A0] =	vst v0;
	v1 =	vadd.f32 v11, v1;
	v0 =	vadd.f32 v7, v3;
	v7 =	vmul.f32 $2.000000030e-01, v54;
	v54 =	vld [tilespmem:$0x1FC20]  }
0x17a: {  	v11 =	vmul.f32 $2.000000030e-01, v41;
	v41 =	vld [tilespmem:$0x1FBD0];
	v4 =	vadd.f32 v14, v4  }
0x17b: {  	v14 =	vadd.f32 v6, v1;
	v6 =	vld [tilespmem:$0x1FBF0]  }
0x17c: {  	v13 =	vadd.f32 v13, v2;
	v2 =	vadd.f32 v26, v4;
	v4 =	vld [tilespmem:$0x1FBE0];
	_ =	sdelay $0x1  }
0x17d: {  	v12 =	vadd.f32 v12, v2;
	v2 =	vadd.f32 v54, v35;
	v54 =	vld [tilespmem:$0x1FC60]  }
0x17e: {  	[tilespmem:$0x1FC80] =	vst v16  }
0x17f: {  	v52 =	vmul.f32 $2.000000030e-01, v52;
	[tilespmem:$0x14E0] =	vst v7;
	v7 =	vld [tilespmem:$0x1FC50]  }
0x180: {  	[tilespmem:$0x14C0] =	vst v11;
	v11 =	vadd.f32 v41, v0;
	v0 =	vadd.f32 v6, v4;
	v6 =	vld [tilespmem:$0x1FC40]  }
0x181: {  	[tilespmem:$0x14F0] =	vst v52;
	v52 =	vld [tilespmem:$0x1FC70]  }
0x182: {  	v36 =	vmul.f32 $2.000000030e-01, v36;
	v2 =	vadd.f32 v54, v2;
	v54 =	vld [tilespmem:$0x1FC80]  }
0x183: {  	v16 =	vld [tilespmem:$0xCD0]  }
0x184: {  	[tilespmem:$0x1510] =	vst v36;
	v36 =	vld [tilespmem:$0x1FCB0]  }
0x185: {  	v1 =	vadd.f32 v7, v6;
	v7 =	vld [tilespmem:$0x1FCA0]  }
0x186: {  	v5 =	vld [tilespmem:$0x1FC30]  }
0x187: {  	v52 =	vadd.f32 v54, v52  }
0x188: {  	v43 =	vmul.f32 $2.000000030e-01, v43;
	v6 =	vld [tilespmem:$0x1FC90]  }
0x189: {  	v4 =	vld [tilespmem:$0x1FCF0];
	v2 =	vadd.f32 v36, v2;
	v36 =	vadd.f32 v16, v52;
	v52 =	vmul.f32 $2.000000030e-01, v56  }
0x18a: {  	[tilespmem:$0x1550] =	vst v43;
	v55 =	vmul.f32 $2.000000030e-01, v55;
	v1 =	vadd.f32 v7, v1;
	v7 =	vld [tilespmem:$0x1FCC0]  }
0x18b: {  	v3 =	vadd.f32 v5, v0;
	v0 =	vmul.f32 $2.000000030e-01, v45;
	[tilespmem:$0x1530] =	vst v52;
	v52 =	vld [tilespmem:$0x1FCE0]  }
0x18c: {  	v43 =	vld [tilespmem:$0x1FD30];
	[tilespmem:$0x1540] =	vst v55  }
0x18d: {  	v55 =	vld [tilespmem:$0x1FD10];
	[tilespmem:$0x1500] =	vst v0;
	v0 =	vadd.f32 v6, v3  }
0x18e: {  	v16 =	vld [tilespmem:$0x1FCD0]  }
0x18f: {  	v5 =	vld [tilespmem:$0x1FD00];
	v6 =	vadd.f32 v7, v0  }
0x190: {  	v7 =	vadd.f32 v52, v2;
	v52 =	vadd.f32 v4, v36;
	v4 =	vld [tilespmem:$0x1FD20];
	_ =	sdelay $0x2  }
0x191: {  	v0 =	vadd.f32 v16, v1  }
0x192: {  	v52 =	vadd.f32 v43, v52;
	v43 =	vld [tilespmem:$0x1FD50]  }
0x193: {  	v5 =	vadd.f32 v5, v0;
	v0 =	vadd.f32 v4, v55;
	v4 =	vld [tilespmem:$0x1FD40];
	_ =	sdelay $0x4  }
0x194: {  	v1 =	vadd.f32 v43, v4;
	v4 =	vld [tilespmem:$0x1FD60];
	_ =	sdelay $0x1  }
0x195: {  	v58 =	vmul.f32 $2.000000030e-01, v58;
	_ =	sdelay $0x1  }
0x196: {  	[tilespmem:$0x1560] =	vst v58;
	v58 =	vld [tilespmem:$0x1FD80]  }
0x197: {  	v2 =	vadd.f32 v4, v0;
	v0 =	vld [tilespmem:$0x1FD70]  }
0x198: {  	v9 =	vld [tilespmem:$0xDB0]  }
0x199: {  	v57 =	vmul.f32 $2.000000030e-01, v57;
	v4 =	vld [tilespmem:$0x1FDC0]  }
0x19a: {  	v8 =	vld [tilespmem:$0xDA0]  }
0x19b: {  	[tilespmem:$0x1570] =	vst v57;
	v57 =	vld [tilespmem:$0x1FD90]  }
0x19c: {  	v28 =	vld [tilespmem:$0xFC0];
	v58 =	vadd.f32 v58, v0;
	v0 =	vmul.f32 $2.000000030e-01, v50  }
0x19d: {  	v31 =	vld [tilespmem:$0xFE0]  }
0x19e: {  	v3 =	vmul.f32 $2.000000030e-01, v60;
	[tilespmem:$0x1580] =	vst v0;
	v0 =	vadd.f32 v4, v2;
	v4 =	vld [tilespmem:$0x1FDD0]  }
0x19f: {  	v27 =	vld [tilespmem:$0xF30]  }
0x1a0: {  	[tilespmem:$0x1520] =	vst v3;
	v3 =	vadd.f32 v57, v1;
	v1 =	vld [tilespmem:$0x1FDA0]  }
0x1a1: {  	v57 =	vld [tilespmem:$0x1FDB0]  }
0x1a2: {  	v46 =	vld [tilespmem:$0x1020]  }
0x1a3: {  	v2 =	vadd.f32 v4, v58;
	v4 =	vld [tilespmem:$0x1FDE0]  }
0x1a4: {  	[tilespmem:$0x1FF60] =	vst v28;
	v28 =	vld [tilespmem:$0xFB0]  }
0x1a5: {  	v33 =	vld [tilespmem:$0xF10]  }
0x1a6: {  	[tilespmem:$0x1FF80] =	vst v31;
	v31 =	vld [tilespmem:$0xFD0];
	v57 =	vadd.f32 v57, v1;
	v1 =	vmul.f32 $2.000000030e-01, v49  }
0x1a7: {  	[tilespmem:$0x1FFC0] =	vst v46;
	v46 =	vld [tilespmem:$0x1060];
	v53 =	vmul.f32 $2.000000030e-01, v53  }
0x1a8: {  	v61 =	vmul.f32 $2.000000030e-01, v61;
	[tilespmem:$0x1590] =	vst v1;
	v1 =	vadd.f32 v4, v3;
	v3 =	vld [tilespmem:$0x1FDF0]  }
0x1a9: {  	v48 =	vmul.f32 $2.000000030e-01, v48;
	[tilespmem:$0x15C0] =	vst v53;
	v53 =	vld [tilespmem:$0x1FE20]  }
0x1aa: {  	[tilespmem:$0x15B0] =	vst v61;
	v58 =	vmul.f32 $2.000000030e-01, v63;
	v61 =	vadd.f32 v9, v1;
	v9 =	vld [tilespmem:$0x1FE10]  }
0x1ab: {  	[tilespmem:$0x15D0] =	vst v48;
	v48 =	vld [tilespmem:$0x1FE50]  }
0x1ac: {  	[tilespmem:$0x15A0] =	vst v58;
	v58 =	vadd.f32 v8, v0;
	v8 =	vld [tilespmem:$0x1FE00]  }
0x1ad: {  	v42 =	vld [tilespmem:$0x1040];
	v3 =	vadd.f32 v3, v57  }
0x1ae: {  	v10 =	vmul.f32 $2.000000030e-01, v10;
	v0 =	vld [tilespmem:$0x1FE30]  }
0x1af: {  	v25 =	vmul.f32 $2.000000030e-01, v25;
	v3 =	vadd.f32 v9, v3;
	v9 =	vld [tilespmem:$0x1FE40]  }
0x1b0: {  	[tilespmem:$0x15E0] =	vst v10;
	v10 =	vld [tilespmem:$0x1FE80]  }
0x1b1: {  	[tilespmem:$0x1600] =	vst v25;
	v25 =	vld [tilespmem:$0x1270];
	v2 =	vadd.f32 v8, v2  }
0x1b2: {  	v51 =	vld [tilespmem:$0x1050]  }
0x1b3: {  	v53 =	vadd.f32 v53, v2;
	v2 =	vld [tilespmem:$0x1FE70]  }
0x1b4: {  	v1 =	vadd.f32 v9, v0;
	v0 =	vld [tilespmem:$0x1FE60]  }
0x1b5: {  	v47 =	vld [tilespmem:$0x1090]  }
0x1b6: {  	v30 =	vld [tilespmem:$0x1080]  }
0x1b7: {  	v38 =	vld [tilespmem:$0x10A0]  }
0x1b8: {  	v37 =	vld [tilespmem:$0x10B0];
	v19 =	vmul.f32 $2.000000030e-01, v19  }
0x1b9: {  	v59 =	vld [tilespmem:$0x1070];
	v48 =	vadd.f32 v48, v3;
	v3 =	vadd.f32 v2, v0;
	v0 =	vmul.f32 $2.000000030e-01, v22  }
0x1ba: {  	v21 =	vmul.f32 $2.000000030e-01, v21;
	[tilespmem:$0x1620] =	vst v19;
	v19 =	vmul.f32 $2.000000030e-01, v23;
	v23 =	vld [tilespmem:$0x12B0]  }
0x1bb: {  	[tilespmem:$0x15F0] =	vst v0;
	v0 =	vld [tilespmem:$0x1FEB0]  }
0x1bc: {  	[tilespmem:$0x1630] =	vst v21;
	v21 =	vmul.f32 $2.000000030e-01, v24;
	v24 =	vld [tilespmem:$0x12C0]  }
0x1bd: {  	[tilespmem:$0x1640] =	vst v19;
	v19 =	vld [tilespmem:$0x1FF50]  }
0x1be: {  	[tilespmem:$0x1650] =	vst v21;
	v21 =	vld [tilespmem:$0x1FF70]  }
0x1bf: {  	v32 =	vld [tilespmem:$0x10D0]  }
0x1c0: {  	v0 =	vadd.f32 v0, v3;
	v3 =	vadd.f32 v27, v33;
	v27 =	vmul.f32 $2.000000030e-01, v62;
	v62 =	vld [tilespmem:$0x1FEC0]  }
0x1c1: {  	v51 =	vadd.f32 v59, v51;
	v59 =	vld [tilespmem:$0x1FFA0]  }
0x1c2: {  	v1 =	vadd.f32 v10, v1;
	v10 =	vld [tilespmem:$0x1FEA0]  }
0x1c3: {  	v2 =	vld [tilespmem:$0x1FE90]  }
0x1c4: {  	v40 =	vld [tilespmem:$0x10E0]  }
0x1c5: {  	v1 =	vadd.f32 v62, v1;
	v62 =	vld [tilespmem:$0x1FED0]  }
0x1c6: {  	v44 =	vld [tilespmem:$0x1100]  }
0x1c7: {  	v47 =	vadd.f32 v47, v51;
	v51 =	vld [tilespmem:$0x1FFC0];
	v18 =	vmul.f32 $2.000000030e-01, v18  }
0x1c8: {  	v39 =	vld [tilespmem:$0x1160];
	v10 =	vadd.f32 v10, v2  }
0x1c9: {  	[tilespmem:$0x1680] =	vst v18;
	v18 =	vld [tilespmem:$0x1310]  }
0x1ca: {  	v20 =	vmul.f32 $2.000000030e-01, v20;
	v10 =	vadd.f32 v62, v10;
	v62 =	vld [tilespmem:$0x1FEE0]  }
0x1cb: {  	v34 =	vld [tilespmem:$0x1120]  }
0x1cc: {  	[tilespmem:$0x1690] =	vst v20;
	v20 =	vld [tilespmem:$0x1330]  }
0x1cd: {  	v29 =	vld [tilespmem:$0x1140]  }
0x1ce: {  	v44 =	vadd.f32 v44, v40;
	[tilespmem:$0x1FFF0] =	vst v39;
	v39 =	vld [tilespmem:$0x10F0]  }
0x1cf: {  	v0 =	vadd.f32 v62, v0;
	v62 =	vld [tilespmem:$0x1FEF0]  }
0x1d0: {  	v37 =	vadd.f32 v37, v47;
	v47 =	vadd.f32 v34, v44;
	v44 =	vld [tilespmem:$0x1FFF0]  }
0x1d1: {  	v26 =	vld [tilespmem:$0x1110]  }
0x1d2: {  	v41 =	vld [tilespmem:$0x1130]  }
0x1d3: {  	v40 =	vadd.f32 v29, v47;
	v29 =	vld [tilespmem:$0x13C0]  }
0x1d4: {  	v3 =	vadd.f32 v62, v3;
	v62 =	vld [tilespmem:$0x1FF00]  }
0x1d5: {  	v47 =	vld [tilespmem:$0x1370];
	v12 =	vmul.f32 $2.000000030e-01, v12  }
0x1d6: {  	v35 =	vld [tilespmem:$0x1150]  }
0x1d7: {  	[tilespmem:$0x16D0] =	vst v12;
	v12 =	vadd.f32 v32, v37;
	v32 =	vld [tilespmem:$0x1380]  }
0x1d8: {  	v37 =	vld [tilespmem:$0x13A0]  }
0x1d9: {  	v1 =	vadd.f32 v62, v1;
	v62 =	vld [tilespmem:$0x1FF10]  }
0x1da: {  	v45 =	vld [tilespmem:$0x1170]  }
0x1db: {  	v54 =	vld [tilespmem:$0x1180]  }
0x1dc: {  	v60 =	vld [tilespmem:$0x11A0]  }
0x1dd: {  	v56 =	vld [tilespmem:$0x11C0]  }
0x1de: {  	v10 =	vadd.f32 v62, v10;
	v62 =	vld [tilespmem:$0x1FF20]  }
0x1df: {  	v16 =	vld [tilespmem:$0x11E0]  }
0x1e0: {  	v36 =	vld [tilespmem:$0x1200]  }
0x1e1: {  	v55 =	vld [tilespmem:$0x1190]  }
0x1e2: {  	v43 =	vld [tilespmem:$0x11B0]  }
0x1e3: {  	v0 =	vadd.f32 v62, v0;
	v62 =	vld [tilespmem:$0x1FF30]  }
0x1e4: {  	v49 =	vld [tilespmem:$0x11F0]  }
0x1e5: {  	v50 =	vld [tilespmem:$0x11D0]  }
0x1e6: {  	v63 =	vld [tilespmem:$0x1210]  }
0x1e7: {  	v4 =	vld [tilespmem:$0x1240]  }
0x1e8: {  	v3 =	vadd.f32 v62, v3;
	v62 =	vld [tilespmem:$0x1FF40]  }
0x1e9: {  	v8 =	vld [tilespmem:$0x1260]  }
0x1ea: {  	v57 =	vld [tilespmem:$0x1220]  }
0x1eb: {  	v9 =	vld [tilespmem:$0x1280]  }
0x1ec: {  	v22 =	vld [tilespmem:$0x12A0]  }
0x1ed: {  	v10 =	vadd.f32 v62, v10;
	v62 =	vld [tilespmem:$0x1FF60]  }
0x1ee: {  	v2 =	vld [tilespmem:$0x1230]  }
0x1ef: {  	v3 =	vadd.f32 v21, v3;
	v21 =	vadd.f32 v31, v28;
	v31 =	vld [tilespmem:$0x1FF80]  }
0x1f0: {  	v33 =	vld [tilespmem:$0x1250]  }
0x1f1: {  	[tilespmem:$0x1610] =	vst v27;
	v27 =	vld [tilespmem:$0x1290]  }
0x1f2: {  	v15 =	vmul.f32 $2.000000030e-01, v15;
	v28 =	vld [tilespmem:$0x1300];
	v19 =	vadd.f32 v62, v19  }
0x1f3: {  	v62 =	vld [tilespmem:$0x12E0]  }
0x1f4: {  	v17 =	vmul.f32 $2.000000030e-01, v17;
	[tilespmem:$0x1660] =	vst v15;
	v15 =	vadd.f32 v31, v19;
	v19 =	vadd.f32 v46, v42;
	v31 =	vld [tilespmem:$0x1320]  }
0x1f5: {  	v14 =	vmul.f32 $2.000000030e-01, v14;
	v5 =	vmul.f32 $2.000000030e-01, v5;
	v46 =	vld [tilespmem:$0x1FF90]  }
0x1f6: {  	[tilespmem:$0x1670] =	vst v17;
	v13 =	vmul.f32 $2.000000030e-01, v13;
	v42 =	vld [tilespmem:$0x1340];
	v15 =	vadd.f32 v59, v15;
	v30 =	vadd.f32 v30, v19  }
0x1f7: {  	v11 =	vmul.f32 $2.000000030e-01, v11;
	[tilespmem:$0x1700] =	vst v5;
	v5 =	vadd.f32 v44, v40;
	v4 =	vadd.f32 v4, v57;
	v19 =	vld [tilespmem:$0x12D0]  }
0x1f8: {  	[tilespmem:$0x16A0] =	vst v14;
	v6 =	vmul.f32 $2.000000030e-01, v6;
	v14 =	vadd.f32 v51, v15;
	v59 =	vadd.f32 v38, v30;
	v30 =	vld [tilespmem:$0x1FFD0]  }
0x1f9: {  	[tilespmem:$0x16B0] =	vst v13;
	v7 =	vmul.f32 $2.000000030e-01, v7;
	v38 =	vld [tilespmem:$0x1FFE0];
	v51 =	vadd.f32 v60, v54;
	v60 =	vadd.f32 v43, v55  }
0x1fa: {  	[tilespmem:$0x16C0] =	vst v11;
	v5 =	vmul.f32 $2.000000030e-01, v5;
	v2 =	vadd.f32 v33, v2;
	v17 =	vadd.f32 v46, v21;
	v46 =	vld [tilespmem:$0x1FFB0]  }
0x1fb: {  	[tilespmem:$0x16E0] =	vst v6;
	v1 =	vmul.f32 $2.000000030e-01, v1;
	v55 =	vld [tilespmem:$0x13D0];
	v15 =	vadd.f32 v56, v51;
	v34 =	vadd.f32 v50, v60  }
0x1fc: {  	[tilespmem:$0x16F0] =	vst v7;
	v0 =	vmul.f32 $2.000000030e-01, v0;
	v21 =	vld [tilespmem:$0x12F0];
	v56 =	vadd.f32 v8, v4;
	v60 =	vadd.f32 v25, v2  }
0x1fd: {  	[tilespmem:$0x1760] =	vst v1;
	v57 =	vmul.f32 $2.000000030e-01, v10;
	v51 =	vld [tilespmem:$0x1390];
	v15 =	vadd.f32 v16, v15;
	v34 =	vadd.f32 v49, v34  }
0x1fe: {  	[tilespmem:$0x1770] =	vst v0;
	v43 =	vmul.f32 $2.000000030e-01, v61;
	v1 =	vadd.f32 v9, v56;
	v0 =	vadd.f32 v27, v60;
	v27 =	vld [tilespmem:$0x1410]  }
0x1ff: {  	[tilespmem:$0x17E0] =	vst v5;
	v61 =	vmul.f32 $2.000000030e-01, v3;
	v49 =	vld [tilespmem:$0x1470];
	v11 =	vadd.f32 v38, v59;
	v17 =	vadd.f32 v46, v17  }
0x200: {  	[tilespmem:$0x1780] =	vst v57;
	v59 =	vmul.f32 $2.000000030e-01, v52;
	v46 =	vadd.f32 v26, v39;
	v26 =	vld [tilespmem:$0x1360];
	v52 =	vadd.f32 v36, v15  }
0x201: {  	[tilespmem:$0x1730] =	vst v43;
	v50 =	vmul.f32 $2.000000030e-01, v48;
	v1 =	vadd.f32 v22, v1;
	v39 =	vld [tilespmem:$0x1440];
	v13 =	vadd.f32 v30, v17  }
0x202: {  	[tilespmem:$0x1790] =	vst v61;
	v30 =	vld [tilespmem:$0x1350];
	v54 =	vadd.f32 v41, v46;
	v41 =	vmul.f32 $2.000000030e-01, v58;
	v58 =	vadd.f32 v62, v24  }
0x203: {  	[tilespmem:$0x1750] =	vst v50;
	v0 =	vadd.f32 v23, v0;
	v36 =	vmul.f32 $2.000000030e-01, v12;
	v46 =	vmul.f32 $2.000000030e-01, v53;
	v53 =	vld [tilespmem:$0x13B0]  }
0x204: {  	[tilespmem:$0x1710] =	vst v59;
	v62 =	vadd.f32 v21, v19;
	v24 =	vld [tilespmem:$0x1420];
	v8 =	vadd.f32 v28, v58  }
0x205: {  	[tilespmem:$0x17D0] =	vst v36;
	v7 =	vadd.f32 v35, v54;
	v54 =	vadd.f32 v63, v34;
	v63 =	vld [tilespmem:$0x1400]  }
0x206: {  	v21 =	vmul.f32 $2.000000030e-01, v14;
	[tilespmem:$0x1720] =	vst v41;
	v3 =	vadd.f32 v18, v62;
	v34 =	vld [tilespmem:$0x1430];
	v8 =	vadd.f32 v31, v8  }
0x207: {  	v6 =	vmul.f32 $2.000000030e-01, v52;
	v35 =	vld [tilespmem:$0x13E0];
	[tilespmem:$0x1740] =	vst v46;
	v41 =	vadd.f32 v32, v26;
	v7 =	vadd.f32 v45, v7  }
0x208: {  	v1 =	vmul.f32 $2.000000030e-01, v1;
	[tilespmem:$0x17A0] =	vst v21;
	v3 =	vadd.f32 v20, v3;
	v40 =	vadd.f32 v42, v8;
	v42 =	vld [tilespmem:$0x1450]  }
0x209: {  	v0 =	vmul.f32 $2.000000030e-01, v0;
	v46 =	vld [tilespmem:$0x1460];
	[tilespmem:$0x1800] =	vst v6;
	v45 =	vadd.f32 v51, v47;
	v47 =	vadd.f32 v37, v41  }
0x20a: {  	v59 =	vld [tilespmem:$0x13F0];
	v25 =	vmul.f32 $2.000000030e-01, v13;
	[tilespmem:$0x1820] =	vst v1;
	v43 =	vadd.f32 v30, v3;
	v48 =	vadd.f32 v24, v63  }
0x20b: {  	v52 =	vld [tilespmem:$0x1480];
	v28 =	vmul.f32 $2.000000030e-01, v11;
	[tilespmem:$0x1830] =	vst v0;
	v50 =	vadd.f32 v53, v45;
	v11 =	vadd.f32 v34, v27  }
0x20c: {  	[tilespmem:$0x17B0] =	vst v25;
	v51 =	vmul.f32 $2.000000030e-01, v54;
	v54 =	vld [tilespmem:$0x1490];
	v5 =	vadd.f32 v29, v47;
	v53 =	vadd.f32 v39, v48  }
0x20d: {  	[tilespmem:$0x17C0] =	vst v28;
	v44 =	vmul.f32 $2.000000030e-01, v7;
	v3 =	vadd.f32 v55, v50;
	v55 =	vadd.f32 v42, v11  }
0x20e: {  	[tilespmem:$0x1810] =	vst v51;
	v4 =	vmul.f32 $2.000000030e-01, v40;
	v56 =	vadd.f32 v35, v5;
	v57 =	vadd.f32 v46, v53  }
0x20f: {  	[tilespmem:$0x17F0] =	vst v44;
	v2 =	vmul.f32 $2.000000030e-01, v43;
	v58 =	vadd.f32 v59, v3;
	v59 =	vadd.f32 v49, v55  }
0x210: {  	[tilespmem:$0x1840] =	vst v4;
	v1 =	vmul.f32 $2.000000030e-01, v56;
	v60 =	vadd.f32 v52, v57  }
0x211: {  	[tilespmem:$0x1850] =	vst v2;
	v0 =	vmul.f32 $2.000000030e-01, v58;
	v61 =	vadd.f32 v54, v59  }
0x212: {  	[tilespmem:$0x1860] =	vst v1;
	v62 =	vmul.f32 $2.000000030e-01, v60  }
0x213: {  	[tilespmem:$0x1870] =	vst v0;
	v63 =	vmul.f32 $2.000000030e-01, v61  }
0x214: {  	p0 =	sne.s32 s6, $0x1;
	[tilespmem:$0x1880] =	vst v62  }
.Ltmp0:
0x215: {  	[tilespmem:$0x1890] =	vst v63;
	(pc) =	sbr.rel @p0 .LBB2_1-.Ltmp0, $4  }
0x216: {  	[hbm4b:s5+s2] =	stream.linear.scatter [tilespmem:s10], [sflag:$0x2], $0x400, $0x38;
	[tilespmem:$0x18A0] =	vst v63  }
0x217: {  	_ =	swait.ge [sflag:s7], $0x400  }
0x218: {  	[sflag:s7] =	ssyncset.done $0x0  }
0x219: {  	s6 =	sadd.s32 $0xFFFFFFFF, s6;
	[sflag:s7] =	ssyncadd.s32 $0xFFFFFC00  }
0x21a: {  	_ =	sfence.sel $0x180000  }
0x21b: {  	[bflag:$0x0] =	sbarrier.arrive $0xFFFF  }
0x21c: {  	p0 =	sne.s32 s0, $0x0;
	_ =	strace $0x90000047  }
0x21d: {  	s0 =	sadd.s32 @!p0 $0x100000, s1;
	[bflag:$0x2] =	sbarrier.arrive $0xFFFF  }
0x21e: {  	[sflag:s0] =	ssyncadd.tile.s32 @!p0 $0x1;
	_ =	shalt  }
.Lfunc_end2:
_tile_overlayer_lowered:
.L_overlay_start_2:
0x21f: {  	(tag) =	ssettag $0x2  }
0x220: {  	s0 =	rddreg [dreg:$0x0];
	s2 =	stileid.u32  }
0x221: {  	s1 =	rddreg [dreg:$0x1];
	p0 =	sne.s32 s2, $0x0  }
0x222: {  	s3 =	rddreg [dreg:$0x2];
	[bflag:$0x3] =	sbarrier.arrive $0xFFFF;
	s2 =	simm.s32 @!p0 $0x1C02  }
0x223: {  	[timem:s3], [sflag:s2] =	dma.local @!p0 [hbm:s0], s1  }
0x224: {  	s0 =	simm.s32 @!p0 $0x2  }
0x225: {  	_ =	swait.ge @!p0 [sflag:s0], s1  }
0x226: {  	s1 =	ssub.s32 @!p0 $0x0, s1;
	[sflag:s0] =	ssyncset.done @!p0 $0x0  }
0x227: {  	[sflag:s0] =	ssyncadd.s32 @!p0 s1  }
0x228: {  	[bflag:$0x3] =	sbarrier.arrive $0xFFFF  }
0x229: {  	_ =	shalt  }

</sc_bundles>
